<compile_context>
chip_gen: v7x
topology: tpu7x:2x2x1
jax: 0.10.2.dev20260603
libtpu: 0.0.44.dev20260713+nightly
codegen_flags: <defaults>
</compile_context>

<pallas_src>
import functools

import jax
import jax.numpy as jnp
from jax import lax
from jax.experimental import pallas as pl
from jax.experimental.pallas import tpu as pltpu
from jax.experimental.pallas import tpu_sc as plsc

N = 10000
NP = 10240
E = 320000
D = 128
DC = 48
NC = 2
NS = 16
NW = NC * NS
EPW = E // NW
CSZ = 50
NCH = EPW // CSZ
RPT = NP // NS

_mesh = plsc.VectorSubcoreMesh(
    core_axis_name="c", subcore_axis_name="s", num_cores=NC, num_subcores=NS
)
_sc_params = pltpu.CompilerParams(use_tc_tiling_on_sc=False)


def _zero_rows(ref, nrows, ncols):
    z = jnp.zeros((16,), jnp.float32)

    def body(i, _):
        for k in range(ncols // 16):
            ref[i, 16 * k:16 * (k + 1)] = z
        return 0

    lax.fori_loop(0, nrows, body, 0)


@functools.partial(
    pl.kernel,
    out_type=(
        jax.ShapeDtypeStruct((NC * NP, 16), jnp.float32),
        jax.ShapeDtypeStruct((NC * NP, 16), jnp.float32),
    ),
    mesh=_mesh,
    compiler_params=_sc_params,
    scratch_types=[
        pltpu.VMEM_SHARED((NP, 16), jnp.float32),
        pltpu.VMEM_SHARED((NP, 16), jnp.float32),
        pltpu.VMEM((NCH, CSZ), jnp.int32),
        pltpu.VMEM((NCH, CSZ), jnp.int32),
        pltpu.VMEM((CSZ, 16), jnp.float32),
        pltpu.VMEM((RPT, 16), jnp.float32),
        pltpu.SemaphoreType.DMA,
    ],
)
def _deg_kernel(e_hbm, od_hbm, id_hbm, od_sp, id_sp, sidx, didx,
                ones_v, zb, sem):
    c = lax.axis_index("c")
    s = lax.axis_index("s")
    wid = c * NS + s

    ones = jnp.full((16,), 1.0, jnp.float32)

    def fill_ones(i, _):
        ones_v[i, :] = ones
        return 0

    lax.fori_loop(0, CSZ, fill_ones, 0)
    _zero_rows(zb, RPT, 16)
    pltpu.sync_copy(zb, od_sp.at[pl.ds(s * RPT, RPT)])
    pltpu.sync_copy(zb, id_sp.at[pl.ds(s * RPT, RPT)])
    pltpu.sync_copy(e_hbm.at[0, wid], sidx)
    pltpu.sync_copy(e_hbm.at[1, wid], didx)
    plsc.subcore_barrier()

    GRP = 5

    def body(g, _):
        for k in range(GRP):
            i = g * GRP + k
            pltpu.async_copy(ones_v, od_sp.at[sidx.at[i]], sem, add=True)
            pltpu.async_copy(ones_v, id_sp.at[didx.at[i]], sem, add=True)

        @pl.when(g > 0)
        def _():
            for k in range(2 * GRP):
                pltpu.make_async_copy(ones_v, od_sp.at[sidx.at[0]],
                                      sem).wait()
        return 0

    lax.fori_loop(0, NCH // GRP, body, 0)
    for k in range(2 * GRP):
        pltpu.make_async_copy(ones_v, od_sp.at[sidx.at[0]], sem).wait()
    plsc.subcore_barrier()

    base = c * NP + s * RPT
    pltpu.sync_copy(od_sp.at[pl.ds(s * RPT, RPT)], od_hbm.at[pl.ds(base, RPT)])
    pltpu.sync_copy(id_sp.at[pl.ds(s * RPT, RPT)], id_hbm.at[pl.ds(base, RPT)])


def _make_agg(width, nbuf, csz):
    nch = EPW // csz
    assert nch * csz == EPW and nch % nbuf == 0
    nblk = nch // nbuf
    zrows = 40 if csz < 80 else 80
    assert RPT % zrows == 0

    @functools.partial(
        pl.kernel,
        out_type=jax.ShapeDtypeStruct((NC * NP, width), jnp.float32),
        mesh=_mesh,
        compiler_params=_sc_params,
        scratch_types=[
            pltpu.VMEM_SHARED((NP, width), jnp.float32),
            pltpu.VMEM((nch, csz), jnp.int32),
            pltpu.VMEM((nch, csz), jnp.int32),
            [pltpu.VMEM((csz, width), jnp.float32) for _ in range(nbuf)],
            pltpu.SemaphoreType.DMA,
        ],
    )
    def agg(h_hbm, e_hbm, out_hbm, acc_sp, sidx, didx, rows, sem):
        c = lax.axis_index("c")
        s = lax.axis_index("s")
        wid = c * NS + s

        _zero_rows(rows[0], zrows, width)
        for k in range(RPT // zrows):
            pltpu.sync_copy(rows[0].at[pl.ds(0, zrows)],
                            acc_sp.at[pl.ds(s * RPT + k * zrows, zrows)])
        pltpu.sync_copy(e_hbm.at[0, wid], sidx)
        pltpu.sync_copy(e_hbm.at[1, wid], didx)
        plsc.subcore_barrier()

        for b in range(nbuf):
            pltpu.async_copy(h_hbm.at[sidx.at[b]], rows[b], sem)

        def body(j, _):
            for b in range(nbuf):
                i = j * nbuf + b
                pltpu.make_async_copy(h_hbm.at[sidx.at[i]], rows[b],
                                      sem).wait()
                pltpu.sync_copy(rows[b], acc_sp.at[didx.at[i]], add=True)

                @pl.when(j < nblk - 1)
                def _():
                    pltpu.async_copy(h_hbm.at[sidx.at[i + nbuf]], rows[b],
                                     sem)
            return 0

        lax.fori_loop(0, nblk, body, 0)
        plsc.subcore_barrier()

        base = c * NP + s * RPT
        pltpu.sync_copy(acc_sp.at[pl.ds(s * RPT, RPT)],
                        out_hbm.at[pl.ds(base, RPT)])

    return agg


_agg128 = _make_agg(D, 4, CSZ)
_agg48 = _make_agg(DC, 8, CSZ)



_R = 1000


def _scale(deg_ref):
    d = deg_ref[0, :, 0:1] + deg_ref[1, :, 0:1]
    return 1.0 / jnp.sqrt(jnp.maximum(d, 1.0))


def _mm1_body(od_ref, x_ref, w_ref, o_ref):
    o_ref[...] = jnp.dot(x_ref[...] * _scale(od_ref), w_ref[...],
                         preferred_element_type=jnp.float32)


def _mm2_body(p_ref, id_ref, od_ref, b1_ref, w2_ref, o_ref):
    agg = p_ref[0] + p_ref[1]
    x1 = jnp.maximum(agg * _scale(id_ref) + b1_ref[...], 0.0)
    o_ref[...] = jnp.dot(x1 * _scale(od_ref), w2_ref[...],
                         preferred_element_type=jnp.float32)


def _fin_body(q_ref, id_ref, b2_ref, o_ref):
    o_ref[...] = ((q_ref[0, :, :40] + q_ref[1, :, :40]) * _scale(id_ref)
                  + b2_ref[...])


def _deg_spec():
    return pl.BlockSpec((NC, _R, 16), lambda i: (0, i, 0))


def _mm1(od, x, w1):
    return pl.pallas_call(
        _mm1_body,
        grid=(N // _R,),
        in_specs=[
            _deg_spec(),
            pl.BlockSpec((_R, D), lambda i: (i, 0)),
            pl.BlockSpec((D, D), lambda i: (0, 0)),
        ],
        out_specs=pl.BlockSpec((_R, D), lambda i: (i, 0)),
        out_shape=jax.ShapeDtypeStruct((N, D), jnp.float32),
    )(od, x, w1)


def _mm2(p, id_, od, b1, w2p):
    return pl.pallas_call(
        _mm2_body,
        grid=(N // _R,),
        in_specs=[
            pl.BlockSpec((NC, _R, D), lambda i: (0, i, 0)),
            _deg_spec(),
            _deg_spec(),
            pl.BlockSpec((1, D), lambda i: (0, 0)),
            pl.BlockSpec((D, DC), lambda i: (0, 0)),
        ],
        out_specs=pl.BlockSpec((_R, DC), lambda i: (i, 0)),
        out_shape=jax.ShapeDtypeStruct((N, DC), jnp.float32),
    )(p, id_, od, b1, w2p)


def _fin(q, id_, b2):
    return pl.pallas_call(
        _fin_body,
        grid=(N // _R,),
        in_specs=[
            pl.BlockSpec((NC, _R, DC), lambda i: (0, i, 0)),
            _deg_spec(),
            pl.BlockSpec((1, 40), lambda i: (0, 0)),
        ],
        out_specs=pl.BlockSpec((_R, 40), lambda i: (i, 0)),
        out_shape=jax.ShapeDtypeStruct((N, 40), jnp.float32),
    )(q, id_, b2)


@jax.jit
def kernel(features, edge_index, W1, b1, W2, b2):
    er = edge_index.reshape(2, NW, NCH, CSZ)

    od_p, id_p = _deg_kernel(er)
    od = od_p.reshape(NC, NP, 16)
    id_ = id_p.reshape(NC, NP, 16)

    h1 = _mm1(od, features, W1)
    p1 = _agg128(h1, er).reshape(NC, NP, D)

    w2p = jnp.pad(W2, ((0, 0), (0, DC - W2.shape[1])))
    b1r = b1.reshape(1, D)

    h2 = _mm2(p1, id_, od, b1r, w2p)
    p2 = _agg48(h2, er).reshape(NC, NP, DC)

    return _fin(p2, id_, b2.reshape(1, 40))

# --- scband reference (transcript-rebuilt; emitter-appended) ---
"""Pipeline reference for scband-gcn-pure-27393301414242 (READ-ONLY COPY).

The authoritative reference and input builder live on the scoring server;
editing this copy changes nothing except your own understanding.
"""

import jax, jax.numpy as jnp
import numpy as np

N = 10000
E = 320000
D_IN = 128
D_HID = 128
N_CLASSES = 40


def setup_inputs(seed: int = 0) -> dict:
    key = jax.random.key(seed)
    ks = jax.random.split(key, 6)
    features = jax.random.normal(ks[0], (N, D_IN), dtype=jnp.float32)
    edge_index = jax.random.randint(ks[1], (2, E), 0, N, dtype=jnp.int32)
    W1 = jax.random.normal(ks[2], (D_IN, D_HID), dtype=jnp.float32) * (1.0 / np.sqrt(D_IN))
    b1 = jnp.zeros((D_HID,), dtype=jnp.float32)
    W2 = jax.random.normal(ks[3], (D_HID, N_CLASSES), dtype=jnp.float32) * (1.0 / np.sqrt(D_HID))
    b2 = jnp.zeros((N_CLASSES,), dtype=jnp.float32)
    return {"features": features, "edge_index": edge_index, "W1": W1, "b1": b1, "W2": W2, "b2": b2}


def _gcn_layer(x, src, dst, W, b):
    # DGL GraphConv with norm='both':
    # h = D_out^{-1/2} x ; aggregate sum over edges; rst = D_in^{-1/2} agg ; then W, b
    out_deg = jnp.zeros((N,), jnp.float32).at[src].add(1.0)
    out_deg = jnp.clip(out_deg, 1.0, None)
    h = x * (out_deg ** -0.5)[:, None]
    h = h @ W
    agg = jax.ops.segment_sum(h[src], dst, num_segments=N)
    in_deg = jnp.zeros((N,), jnp.float32).at[dst].add(1.0)
    in_deg = jnp.clip(in_deg, 1.0, None)
    return agg * (in_deg ** -0.5)[:, None] + b


def reference(features, edge_index, W1, b1, W2, b2):
    src = edge_index[0]
    dst = edge_index[1]
    x = _gcn_layer(features, src, dst, W1, b1)
    x = jax.nn.relu(x)
    # drop_rate = 0.0 -> dropout is identity
    x = _gcn_layer(x, src, dst, W2, b2)
    return x

if __name__ == "__main__":
    import jax
    _d = setup_inputs()
    print(jax.jit(kernel)(*tuple(_d.values())))

</pallas_src>

<mosaic_0001>
#map = affine_map<(d0, d1) -> (0, 0, 0, 0)>
#map1 = affine_map<(d0, d1) -> (0, 0)>
module attributes {stable_mosaic.version = 14 : i64} {
  func.func @_deg_kernel(%arg0: i32, %arg1: i32, %arg2: memref<2x32x200x50xi32, #tpu.memory_space<hbm>>, %arg3: memref<20480x16xf32, #tpu.memory_space<hbm>>, %arg4: memref<20480x16xf32, #tpu.memory_space<hbm>>, %arg5: memref<10240x16xf32, #tpu.memory_space<vmem_shared>>, %arg6: memref<10240x16xf32, #tpu.memory_space<vmem_shared>>, %arg7: memref<200x50xi32, #tpu.memory_space<vmem>>, %arg8: memref<200x50xi32, #tpu.memory_space<vmem>>, %arg9: memref<50x16xf32, #tpu.memory_space<vmem>>, %arg10: memref<640x16xf32, #tpu.memory_space<vmem>>, %arg11: memref<!tpu.dma_semaphore, #tpu.memory_space<semaphore_mem>>) attributes {dimension_semantics = [#tpu.dimension_semantics<core_parallel>, #tpu.dimension_semantics<subcore_parallel>], iteration_bounds = array<i64: 2, 16>, scalar_prefetch = 0 : i64, scratch_operands = 7 : i64, tpu.core_type = #tpu.core_type<sc_vector_subcore>, window_params = [{transform_indices = #map}, {transform_indices = #map1}, {transform_indices = #map1}]} {
    %mul3A = arith.constant 16 : i32
    %mul3A_0 = arith.muli %arg0, %mul3A : i32
    %add3A = arith.addi %mul3A_0, %arg1 : i32
    %broadcast_in_dim3A = arith.constant 1.000000e+00 : f32
    %broadcast_in_dim3A_1 = vector.broadcast %broadcast_in_dim3A : f32 to vector<16xf32>
    %scan3A = arith.constant 0 : i32
    %scan3A_2 = arith.constant 0 : i32
    %scan3A_3 = arith.constant 50 : i32
    %scan3A_4 = arith.addi %scan3A_2, %scan3A_3 : i32
    %scan3A_5 = arith.constant 1 : i32
    %scan3A_6 = scf.for %scan3A_108 = %scan3A_2 to %scan3A_4 step %scan3A_5 iter_args(%scan3A_109 = %scan3A) -> (i32)  : i32 {
      %swap3A = arith.index_cast %scan3A_108 : i32 to index
      %swap3A_110 = arith.constant 0 : index
      %swap3A_111 = tpu.vector_load %arg9[%swap3A, %swap3A_110] {strides = array<i32>} : memref<50x16xf32, #tpu.memory_space<vmem>>, vector<1x16xf32>,
      %swap3A_112 = vector.shape_cast %swap3A_111 : vector<1x16xf32> to vector<16xf32>
      %swap3A_113 = vector.shape_cast %broadcast_in_dim3A_1 : vector<16xf32> to vector<1x16xf32>
      tpu.vector_store %arg9[%swap3A, %swap3A_110], %swap3A_113 {strides = array<i32>} : memref<50x16xf32, #tpu.memory_space<vmem>>, vector<1x16xf32>,
      %scan3A_114 = arith.constant 0 : i32
      scf.yield %scan3A_114 : i32
    }
    %scan3A_7 = arith.constant 50 : i32
    %broadcast_in_dim3A_8 = arith.constant 0.000000e+00 : f32
    %broadcast_in_dim3A_9 = vector.broadcast %broadcast_in_dim3A_8 : f32 to vector<16xf32>
    %scan3A_10 = arith.constant 0 : i32
    %scan3A_11 = arith.constant 0 : i32
    %scan3A_12 = arith.constant 640 : i32
    %scan3A_13 = arith.addi %scan3A_11, %scan3A_12 : i32
    %scan3A_14 = arith.constant 1 : i32
    %scan3A_15 = scf.for %scan3A_108 = %scan3A_11 to %scan3A_13 step %scan3A_14 iter_args(%scan3A_109 = %scan3A_10) -> (i32)  : i32 {
      %swap3A = arith.index_cast %scan3A_108 : i32 to index
      %swap3A_110 = arith.constant 0 : index
      %swap3A_111 = tpu.vector_load %arg10[%swap3A, %swap3A_110] {strides = array<i32>} : memref<640x16xf32, #tpu.memory_space<vmem>>, vector<1x16xf32>,
      %swap3A_112 = vector.shape_cast %swap3A_111 : vector<1x16xf32> to vector<16xf32>
      %swap3A_113 = vector.shape_cast %broadcast_in_dim3A_9 : vector<16xf32> to vector<1x16xf32>
      tpu.vector_store %arg10[%swap3A, %swap3A_110], %swap3A_113 {strides = array<i32>} : memref<640x16xf32, #tpu.memory_space<vmem>>, vector<1x16xf32>,
      %scan3A_114 = arith.constant 0 : i32
      scf.yield %scan3A_114 : i32
    }
    %scan3A_16 = arith.constant 640 : i32
    %mul3A_17 = arith.constant 640 : i32
    %mul3A_18 = arith.muli %arg1, %mul3A_17 : i32
    "tpu.region"() ({
      %run_scoped3A_108 = tpu.sem_alloc : memref<!tpu.dma_semaphore, #tpu.memory_space<semaphore_mem>>
      %dma_start3A = arith.constant 0 : i32
      %dma_start3A_109 = tpu.memref_slice %arg5[%mul3A_18, %dma_start3A] : memref<10240x16xf32, #tpu.memory_space<vmem_shared>> -> memref<640x16xf32, #tpu.memory_space<vmem_shared>>
      %dma_start3A_110 = arith.constant 0 : i32
      %dma_start3A_111 = tpu.memref_slice %arg5[%mul3A_18, %dma_start3A_110] : memref<10240x16xf32, #tpu.memory_space<vmem_shared>> -> memref<640x16xf32, #tpu.memory_space<vmem_shared>>
      tpu.enqueue_dma source(%arg10 : memref<640x16xf32, #tpu.memory_space<vmem>>) target(%dma_start3A_111 : memref<640x16xf32, #tpu.memory_space<vmem_shared>>) target_semaphore(%run_scoped3A_108 : memref<!tpu.dma_semaphore, #tpu.memory_space<semaphore_mem>>)
      %dma_wait3A_112 = arith.constant 0 : i32
      %dma_wait3A_113 = tpu.memref_slice %arg5[%mul3A_18, %dma_wait3A_112] : memref<10240x16xf32, #tpu.memory_space<vmem_shared>> -> memref<640x16xf32, #tpu.memory_space<vmem_shared>>
      %dma_wait3A_114 = arith.constant 0 : i32
      %dma_wait3A_115 = tpu.memref_slice %arg5[%mul3A_18, %dma_wait3A_114] : memref<10240x16xf32, #tpu.memory_space<vmem_shared>> -> memref<640x16xf32, #tpu.memory_space<vmem_shared>>
      tpu.wait_dma2 semaphore(%run_scoped3A_108 : memref<!tpu.dma_semaphore, #tpu.memory_space<semaphore_mem>>) src(%arg10 : memref<640x16xf32, #tpu.memory_space<vmem>>) dst(%dma_wait3A_115 : memref<640x16xf32, #tpu.memory_space<vmem_shared>>)
      tpu.yield
    }) : () -> ()
    %mul3A_19 = arith.constant 640 : i32
    %mul3A_20 = arith.muli %arg1, %mul3A_19 : i32
    "tpu.region"() ({
      %run_scoped3A_108 = tpu.sem_alloc : memref<!tpu.dma_semaphore, #tpu.memory_space<semaphore_mem>>
      %dma_start3A = arith.constant 0 : i32
      %dma_start3A_109 = tpu.memref_slice %arg6[%mul3A_20, %dma_start3A] : memref<10240x16xf32, #tpu.memory_space<vmem_shared>> -> memref<640x16xf32, #tpu.memory_space<vmem_shared>>
      %dma_start3A_110 = arith.constant 0 : i32
      %dma_start3A_111 = tpu.memref_slice %arg6[%mul3A_20, %dma_start3A_110] : memref<10240x16xf32, #tpu.memory_space<vmem_shared>> -> memref<640x16xf32, #tpu.memory_space<vmem_shared>>
      tpu.enqueue_dma source(%arg10 : memref<640x16xf32, #tpu.memory_space<vmem>>) target(%dma_start3A_111 : memref<640x16xf32, #tpu.memory_space<vmem_shared>>) target_semaphore(%run_scoped3A_108 : memref<!tpu.dma_semaphore, #tpu.memory_space<semaphore_mem>>)
      %dma_wait3A_112 = arith.constant 0 : i32
      %dma_wait3A_113 = tpu.memref_slice %arg6[%mul3A_20, %dma_wait3A_112] : memref<10240x16xf32, #tpu.memory_space<vmem_shared>> -> memref<640x16xf32, #tpu.memory_space<vmem_shared>>
      %dma_wait3A_114 = arith.constant 0 : i32
      %dma_wait3A_115 = tpu.memref_slice %arg6[%mul3A_20, %dma_wait3A_114] : memref<10240x16xf32, #tpu.memory_space<vmem_shared>> -> memref<640x16xf32, #tpu.memory_space<vmem_shared>>
      tpu.wait_dma2 semaphore(%run_scoped3A_108 : memref<!tpu.dma_semaphore, #tpu.memory_space<semaphore_mem>>) src(%arg10 : memref<640x16xf32, #tpu.memory_space<vmem>>) dst(%dma_wait3A_115 : memref<640x16xf32, #tpu.memory_space<vmem_shared>>)
      tpu.yield
    }) : () -> ()
    %run_scoped3A = arith.constant 0 : i32
    "tpu.region"() ({
      %run_scoped3A_108 = tpu.sem_alloc : memref<!tpu.dma_semaphore, #tpu.memory_space<semaphore_mem>>
      %dma_start3A = arith.constant 0 : i32
      %dma_start3A_109 = arith.constant 0 : i32
      %dma_start3A_110 = tpu.memref_slice %arg2[%run_scoped3A, %add3A, %dma_start3A, %dma_start3A_109] : memref<2x32x200x50xi32, #tpu.memory_space<hbm>> -> memref<1x1x200x50xi32, #tpu.memory_space<hbm>>
      %dma_start3A_111 = tpu.memref_squeeze %dma_start3A_110 : memref<1x1x200x50xi32, #tpu.memory_space<hbm>> -> memref<200x50xi32, #tpu.memory_space<hbm>>
      %dma_start3A_112 = arith.constant 0 : i32
      %dma_start3A_113 = arith.constant 0 : i32
      %dma_start3A_114 = tpu.memref_slice %arg2[%run_scoped3A, %add3A, %dma_start3A_112, %dma_start3A_113] : memref<2x32x200x50xi32, #tpu.memory_space<hbm>> -> memref<1x1x200x50xi32, #tpu.memory_space<hbm>>
      %dma_start3A_115 = tpu.memref_squeeze %dma_start3A_114 : memref<1x1x200x50xi32, #tpu.memory_space<hbm>> -> memref<200x50xi32, #tpu.memory_space<hbm>>
      tpu.enqueue_dma source(%dma_start3A_115 : memref<200x50xi32, #tpu.memory_space<hbm>>) target(%arg7 : memref<200x50xi32, #tpu.memory_space<vmem>>) target_semaphore(%run_scoped3A_108 : memref<!tpu.dma_semaphore, #tpu.memory_space<semaphore_mem>>)
      %dma_wait3A_116 = arith.constant 0 : i32
      %dma_wait3A_117 = arith.constant 0 : i32
      %dma_wait3A_118 = tpu.memref_slice %arg2[%run_scoped3A, %add3A, %dma_wait3A_116, %dma_wait3A_117] : memref<2x32x200x50xi32, #tpu.memory_space<hbm>> -> memref<1x1x200x50xi32, #tpu.memory_space<hbm>>
      %dma_wait3A_119 = tpu.memref_squeeze %dma_wait3A_118 : memref<1x1x200x50xi32, #tpu.memory_space<hbm>> -> memref<200x50xi32, #tpu.memory_space<hbm>>
      %dma_wait3A_120 = arith.constant 0 : i32
      %dma_wait3A_121 = arith.constant 0 : i32
      %dma_wait3A_122 = tpu.memref_slice %arg2[%run_scoped3A, %add3A, %dma_wait3A_120, %dma_wait3A_121] : memref<2x32x200x50xi32, #tpu.memory_space<hbm>> -> memref<1x1x200x50xi32, #tpu.memory_space<hbm>>
      %dma_wait3A_123 = tpu.memref_squeeze %dma_wait3A_122 : memref<1x1x200x50xi32, #tpu.memory_space<hbm>> -> memref<200x50xi32, #tpu.memory_space<hbm>>
      tpu.wait_dma2 semaphore(%run_scoped3A_108 : memref<!tpu.dma_semaphore, #tpu.memory_space<semaphore_mem>>) src(%dma_wait3A_123 : memref<200x50xi32, #tpu.memory_space<hbm>>) dst(%arg7 : memref<200x50xi32, #tpu.memory_space<vmem>>)
      tpu.yield
    }) : () -> ()
    %run_scoped3A_21 = arith.constant 1 : i32
    "tpu.region"() ({
      %run_scoped3A_108 = tpu.sem_alloc : memref<!tpu.dma_semaphore, #tpu.memory_space<semaphore_mem>>
      %dma_start3A = arith.constant 0 : i32
      %dma_start3A_109 = arith.constant 0 : i32
      %dma_start3A_110 = tpu.memref_slice %arg2[%run_scoped3A_21, %add3A, %dma_start3A, %dma_start3A_109] : memref<2x32x200x50xi32, #tpu.memory_space<hbm>> -> memref<1x1x200x50xi32, #tpu.memory_space<hbm>>
      %dma_start3A_111 = tpu.memref_squeeze %dma_start3A_110 : memref<1x1x200x50xi32, #tpu.memory_space<hbm>> -> memref<200x50xi32, #tpu.memory_space<hbm>>
      %dma_start3A_112 = arith.constant 0 : i32
      %dma_start3A_113 = arith.constant 0 : i32
      %dma_start3A_114 = tpu.memref_slice %arg2[%run_scoped3A_21, %add3A, %dma_start3A_112, %dma_start3A_113] : memref<2x32x200x50xi32, #tpu.memory_space<hbm>> -> memref<1x1x200x50xi32, #tpu.memory_space<hbm>>
      %dma_start3A_115 = tpu.memref_squeeze %dma_start3A_114 : memref<1x1x200x50xi32, #tpu.memory_space<hbm>> -> memref<200x50xi32, #tpu.memory_space<hbm>>
      tpu.enqueue_dma source(%dma_start3A_115 : memref<200x50xi32, #tpu.memory_space<hbm>>) target(%arg8 : memref<200x50xi32, #tpu.memory_space<vmem>>) target_semaphore(%run_scoped3A_108 : memref<!tpu.dma_semaphore, #tpu.memory_space<semaphore_mem>>)
      %dma_wait3A_116 = arith.constant 0 : i32
      %dma_wait3A_117 = arith.constant 0 : i32
      %dma_wait3A_118 = tpu.memref_slice %arg2[%run_scoped3A_21, %add3A, %dma_wait3A_116, %dma_wait3A_117] : memref<2x32x200x50xi32, #tpu.memory_space<hbm>> -> memref<1x1x200x50xi32, #tpu.memory_space<hbm>>
      %dma_wait3A_119 = tpu.memref_squeeze %dma_wait3A_118 : memref<1x1x200x50xi32, #tpu.memory_space<hbm>> -> memref<200x50xi32, #tpu.memory_space<hbm>>
      %dma_wait3A_120 = arith.constant 0 : i32
      %dma_wait3A_121 = arith.constant 0 : i32
      %dma_wait3A_122 = tpu.memref_slice %arg2[%run_scoped3A_21, %add3A, %dma_wait3A_120, %dma_wait3A_121] : memref<2x32x200x50xi32, #tpu.memory_space<hbm>> -> memref<1x1x200x50xi32, #tpu.memory_space<hbm>>
      %dma_wait3A_123 = tpu.memref_squeeze %dma_wait3A_122 : memref<1x1x200x50xi32, #tpu.memory_space<hbm>> -> memref<200x50xi32, #tpu.memory_space<hbm>>
      tpu.wait_dma2 semaphore(%run_scoped3A_108 : memref<!tpu.dma_semaphore, #tpu.memory_space<semaphore_mem>>) src(%dma_wait3A_123 : memref<200x50xi32, #tpu.memory_space<hbm>>) dst(%arg8 : memref<200x50xi32, #tpu.memory_space<vmem>>)
      tpu.yield
    }) : () -> ()
    %barrier3A = arith.constant 0 : index
    tpu.barrier barrier_id(%barrier3A)
    %scan3A_22 = arith.constant 0 : i32
    %scan3A_23 = arith.constant 0 : i32
    %scan3A_24 = arith.constant 40 : i32
    %scan3A_25 = arith.addi %scan3A_23, %scan3A_24 : i32
    %scan3A_26 = arith.constant 1 : i32
    %scan3A_27 = scf.for %scan3A_108 = %scan3A_23 to %scan3A_25 step %scan3A_26 iter_args(%scan3A_109 = %scan3A_22) -> (i32)  : i32 {
      %mul3A_110 = arith.constant 5 : i32
      %mul3A_111 = arith.muli %scan3A_108, %mul3A_110 : i32
      %add3A_112 = arith.constant 0 : i32
      %add3A_113 = arith.addi %mul3A_111, %add3A_112 : i32
      %dma_start3A = arith.constant 0 : i32
      %dma_start3A_114 = tpu.memref_slice %arg7[%add3A_113, %dma_start3A] : memref<200x50xi32, #tpu.memory_space<vmem>> -> memref<1x50xi32, #tpu.memory_space<vmem>>
      %dma_start3A_115 = tpu.memref_squeeze %dma_start3A_114 : memref<1x50xi32, #tpu.memory_space<vmem>> -> memref<50xi32, #tpu.memory_space<vmem>>
      %dma_start3A_116 = arith.constant 0 : i32
      %dma_start3A_117 = arith.constant 0 : i32
      %dma_start3A_118 = tpu.memref_slice %arg5[%dma_start3A_116, %dma_start3A_117] : memref<10240x16xf32, #tpu.memory_space<vmem_shared>> -> memref<10240x16xf32, #tpu.memory_space<vmem_shared>>
      tpu.enqueue_indirect_dma source(%arg9 : memref<50x16xf32, #tpu.memory_space<vmem>>) target(%dma_start3A_118 : memref<10240x16xf32, #tpu.memory_space<vmem_shared>>) offsets(%dma_start3A_115 : memref<50xi32, #tpu.memory_space<vmem>>) semaphore(%arg11 : memref<!tpu.dma_semaphore, #tpu.memory_space<semaphore_mem>>) {add = true}
      %dma_start3A_119 = arith.constant 0 : i32
      %dma_start3A_120 = tpu.memref_slice %arg8[%add3A_113, %dma_start3A_119] : memref<200x50xi32, #tpu.memory_space<vmem>> -> memref<1x50xi32, #tpu.memory_space<vmem>>
      %dma_start3A_121 = tpu.memref_squeeze %dma_start3A_120 : memref<1x50xi32, #tpu.memory_space<vmem>> -> memref<50xi32, #tpu.memory_space<vmem>>
      %dma_start3A_122 = arith.constant 0 : i32
      %dma_start3A_123 = arith.constant 0 : i32
      %dma_start3A_124 = tpu.memref_slice %arg6[%dma_start3A_122, %dma_start3A_123] : memref<10240x16xf32, #tpu.memory_space<vmem_shared>> -> memref<10240x16xf32, #tpu.memory_space<vmem_shared>>
      tpu.enqueue_indirect_dma source(%arg9 : memref<50x16xf32, #tpu.memory_space<vmem>>) target(%dma_start3A_124 : memref<10240x16xf32, #tpu.memory_space<vmem_shared>>) offsets(%dma_start3A_121 : memref<50xi32, #tpu.memory_space<vmem>>) semaphore(%arg11 : memref<!tpu.dma_semaphore, #tpu.memory_space<semaphore_mem>>) {add = true}
      %mul3A_125 = arith.constant 5 : i32
      %mul3A_126 = arith.muli %scan3A_108, %mul3A_125 : i32
      %add3A_127 = arith.constant 1 : i32
      %add3A_128 = arith.addi %mul3A_126, %add3A_127 : i32
      %dma_start3A_129 = arith.constant 0 : i32
      %dma_start3A_130 = tpu.memref_slice %arg7[%add3A_128, %dma_start3A_129] : memref<200x50xi32, #tpu.memory_space<vmem>> -> memref<1x50xi32, #tpu.memory_space<vmem>>
      %dma_start3A_131 = tpu.memref_squeeze %dma_start3A_130 : memref<1x50xi32, #tpu.memory_space<vmem>> -> memref<50xi32, #tpu.memory_space<vmem>>
      %dma_start3A_132 = arith.constant 0 : i32
      %dma_start3A_133 = arith.constant 0 : i32
      %dma_start3A_134 = tpu.memref_slice %arg5[%dma_start3A_132, %dma_start3A_133] : memref<10240x16xf32, #tpu.memory_space<vmem_shared>> -> memref<10240x16xf32, #tpu.memory_space<vmem_shared>>
      tpu.enqueue_indirect_dma source(%arg9 : memref<50x16xf32, #tpu.memory_space<vmem>>) target(%dma_start3A_134 : memref<10240x16xf32, #tpu.memory_space<vmem_shared>>) offsets(%dma_start3A_131 : memref<50xi32, #tpu.memory_space<vmem>>) semaphore(%arg11 : memref<!tpu.dma_semaphore, #tpu.memory_space<semaphore_mem>>) {add = true}
      %dma_start3A_135 = arith.constant 0 : i32
      %dma_start3A_136 = tpu.memref_slice %arg8[%add3A_128, %dma_start3A_135] : memref<200x50xi32, #tpu.memory_space<vmem>> -> memref<1x50xi32, #tpu.memory_space<vmem>>
      %dma_start3A_137 = tpu.memref_squeeze %dma_start3A_136 : memref<1x50xi32, #tpu.memory_space<vmem>> -> memref<50xi32, #tpu.memory_space<vmem>>
      %dma_start3A_138 = arith.constant 0 : i32
      %dma_start3A_139 = arith.constant 0 : i32
      %dma_start3A_140 = tpu.memref_slice %arg6[%dma_start3A_138, %dma_start3A_139] : memref<10240x16xf32, #tpu.memory_space<vmem_shared>> -> memref<10240x16xf32, #tpu.memory_space<vmem_shared>>
      tpu.enqueue_indirect_dma source(%arg9 : memref<50x16xf32, #tpu.memory_space<vmem>>) target(%dma_start3A_140 : memref<10240x16xf32, #tpu.memory_space<vmem_shared>>) offsets(%dma_start3A_137 : memref<50xi32, #tpu.memory_space<vmem>>) semaphore(%arg11 : memref<!tpu.dma_semaphore, #tpu.memory_space<semaphore_mem>>) {add = true}
      %mul3A_141 = arith.constant 5 : i32
      %mul3A_142 = arith.muli %scan3A_108, %mul3A_141 : i32
      %add3A_143 = arith.constant 2 : i32
      %add3A_144 = arith.addi %mul3A_142, %add3A_143 : i32
      %dma_start3A_145 = arith.constant 0 : i32
      %dma_start3A_146 = tpu.memref_slice %arg7[%add3A_144, %dma_start3A_145] : memref<200x50xi32, #tpu.memory_space<vmem>> -> memref<1x50xi32, #tpu.memory_space<vmem>>
      %dma_start3A_147 = tpu.memref_squeeze %dma_start3A_146 : memref<1x50xi32, #tpu.memory_space<vmem>> -> memref<50xi32, #tpu.memory_space<vmem>>
      %dma_start3A_148 = arith.constant 0 : i32
      %dma_start3A_149 = arith.constant 0 : i32
      %dma_start3A_150 = tpu.memref_slice %arg5[%dma_start3A_148, %dma_start3A_149] : memref<10240x16xf32, #tpu.memory_space<vmem_shared>> -> memref<10240x16xf32, #tpu.memory_space<vmem_shared>>
      tpu.enqueue_indirect_dma source(%arg9 : memref<50x16xf32, #tpu.memory_space<vmem>>) target(%dma_start3A_150 : memref<10240x16xf32, #tpu.memory_space<vmem_shared>>) offsets(%dma_start3A_147 : memref<50xi32, #tpu.memory_space<vmem>>) semaphore(%arg11 : memref<!tpu.dma_semaphore, #tpu.memory_space<semaphore_mem>>) {add = true}
      %dma_start3A_151 = arith.constant 0 : i32
      %dma_start3A_152 = tpu.memref_slice %arg8[%add3A_144, %dma_start3A_151] : memref<200x50xi32, #tpu.memory_space<vmem>> -> memref<1x50xi32, #tpu.memory_space<vmem>>
      %dma_start3A_153 = tpu.memref_squeeze %dma_start3A_152 : memref<1x50xi32, #tpu.memory_space<vmem>> -> memref<50xi32, #tpu.memory_space<vmem>>
      %dma_start3A_154 = arith.constant 0 : i32
      %dma_start3A_155 = arith.constant 0 : i32
      %dma_start3A_156 = tpu.memref_slice %arg6[%dma_start3A_154, %dma_start3A_155] : memref<10240x16xf32, #tpu.memory_space<vmem_shared>> -> memref<10240x16xf32, #tpu.memory_space<vmem_shared>>
      tpu.enqueue_indirect_dma source(%arg9 : memref<50x16xf32, #tpu.memory_space<vmem>>) target(%dma_start3A_156 : memref<10240x16xf32, #tpu.memory_space<vmem_shared>>) offsets(%dma_start3A_153 : memref<50xi32, #tpu.memory_space<vmem>>) semaphore(%arg11 : memref<!tpu.dma_semaphore, #tpu.memory_space<semaphore_mem>>) {add = true}
      %mul3A_157 = arith.constant 5 : i32
      %mul3A_158 = arith.muli %scan3A_108, %mul3A_157 : i32
      %add3A_159 = arith.constant 3 : i32
      %add3A_160 = arith.addi %mul3A_158, %add3A_159 : i32
      %dma_start3A_161 = arith.constant 0 : i32
      %dma_start3A_162 = tpu.memref_slice %arg7[%add3A_160, %dma_start3A_161] : memref<200x50xi32, #tpu.memory_space<vmem>> -> memref<1x50xi32, #tpu.memory_space<vmem>>
      %dma_start3A_163 = tpu.memref_squeeze %dma_start3A_162 : memref<1x50xi32, #tpu.memory_space<vmem>> -> memref<50xi32, #tpu.memory_space<vmem>>
      %dma_start3A_164 = arith.constant 0 : i32
      %dma_start3A_165 = arith.constant 0 : i32
      %dma_start3A_166 = tpu.memref_slice %arg5[%dma_start3A_164, %dma_start3A_165] : memref<10240x16xf32, #tpu.memory_space<vmem_shared>> -> memref<10240x16xf32, #tpu.memory_space<vmem_shared>>
      tpu.enqueue_indirect_dma source(%arg9 : memref<50x16xf32, #tpu.memory_space<vmem>>) target(%dma_start3A_166 : memref<10240x16xf32, #tpu.memory_space<vmem_shared>>) offsets(%dma_start3A_163 : memref<50xi32, #tpu.memory_space<vmem>>) semaphore(%arg11 : memref<!tpu.dma_semaphore, #tpu.memory_space<semaphore_mem>>) {add = true}
      %dma_start3A_167 = arith.constant 0 : i32
      %dma_start3A_168 = tpu.memref_slice %arg8[%add3A_160, %dma_start3A_167] : memref<200x50xi32, #tpu.memory_space<vmem>> -> memref<1x50xi32, #tpu.memory_space<vmem>>
      %dma_start3A_169 = tpu.memref_squeeze %dma_start3A_168 : memref<1x50xi32, #tpu.memory_space<vmem>> -> memref<50xi32, #tpu.memory_space<vmem>>
      %dma_start3A_170 = arith.constant 0 : i32
      %dma_start3A_171 = arith.constant 0 : i32
      %dma_start3A_172 = tpu.memref_slice %arg6[%dma_start3A_170, %dma_start3A_171] : memref<10240x16xf32, #tpu.memory_space<vmem_shared>> -> memref<10240x16xf32, #tpu.memory_space<vmem_shared>>
      tpu.enqueue_indirect_dma source(%arg9 : memref<50x16xf32, #tpu.memory_space<vmem>>) target(%dma_start3A_172 : memref<10240x16xf32, #tpu.memory_space<vmem_shared>>) offsets(%dma_start3A_169 : memref<50xi32, #tpu.memory_space<vmem>>) semaphore(%arg11 : memref<!tpu.dma_semaphore, #tpu.memory_space<semaphore_mem>>) {add = true}
      %mul3A_173 = arith.constant 5 : i32
      %mul3A_174 = arith.muli %scan3A_108, %mul3A_173 : i32
      %add3A_175 = arith.constant 4 : i32
      %add3A_176 = arith.addi %mul3A_174, %add3A_175 : i32
      %dma_start3A_177 = arith.constant 0 : i32
      %dma_start3A_178 = tpu.memref_slice %arg7[%add3A_176, %dma_start3A_177] : memref<200x50xi32, #tpu.memory_space<vmem>> -> memref<1x50xi32, #tpu.memory_space<vmem>>
      %dma_start3A_179 = tpu.memref_squeeze %dma_start3A_178 : memref<1x50xi32, #tpu.memory_space<vmem>> -> memref<50xi32, #tpu.memory_space<vmem>>
      %dma_start3A_180 = arith.constant 0 : i32
      %dma_start3A_181 = arith.constant 0 : i32
      %dma_start3A_182 = tpu.memref_slice %arg5[%dma_start3A_180, %dma_start3A_181] : memref<10240x16xf32, #tpu.memory_space<vmem_shared>> -> memref<10240x16xf32, #tpu.memory_space<vmem_shared>>
      tpu.enqueue_indirect_dma source(%arg9 : memref<50x16xf32, #tpu.memory_space<vmem>>) target(%dma_start3A_182 : memref<10240x16xf32, #tpu.memory_space<vmem_shared>>) offsets(%dma_start3A_179 : memref<50xi32, #tpu.memory_space<vmem>>) semaphore(%arg11 : memref<!tpu.dma_semaphore, #tpu.memory_space<semaphore_mem>>) {add = true}
      %dma_start3A_183 = arith.constant 0 : i32
      %dma_start3A_184 = tpu.memref_slice %arg8[%add3A_176, %dma_start3A_183] : memref<200x50xi32, #tpu.memory_space<vmem>> -> memref<1x50xi32, #tpu.memory_space<vmem>>
      %dma_start3A_185 = tpu.memref_squeeze %dma_start3A_184 : memref<1x50xi32, #tpu.memory_space<vmem>> -> memref<50xi32, #tpu.memory_space<vmem>>
      %dma_start3A_186 = arith.constant 0 : i32
      %dma_start3A_187 = arith.constant 0 : i32
      %dma_start3A_188 = tpu.memref_slice %arg6[%dma_start3A_186, %dma_start3A_187] : memref<10240x16xf32, #tpu.memory_space<vmem_shared>> -> memref<10240x16xf32, #tpu.memory_space<vmem_shared>>
      tpu.enqueue_indirect_dma source(%arg9 : memref<50x16xf32, #tpu.memory_space<vmem>>) target(%dma_start3A_188 : memref<10240x16xf32, #tpu.memory_space<vmem_shared>>) offsets(%dma_start3A_185 : memref<50xi32, #tpu.memory_space<vmem>>) semaphore(%arg11 : memref<!tpu.dma_semaphore, #tpu.memory_space<semaphore_mem>>) {add = true}
      %gt3A = arith.constant 0 : i32
      %gt3A_189 = arith.cmpi sgt, %scan3A_108, %gt3A : i32
      %convert_element_type3A = arith.extui %gt3A_189 : i1 to i32
      %cond3A = arith.constant 0 : i32
      %cond3A_190 = arith.cmpi ne, %convert_element_type3A, %cond3A : i32
      scf.if %cond3A_190 {
        %dma_wait3A_192 = arith.constant 0 : i32
        %dma_wait3A_193 = arith.constant 0 : i32
        %dma_wait3A_194 = tpu.memref_slice %arg7[%dma_wait3A_192, %dma_wait3A_193] : memref<200x50xi32, #tpu.memory_space<vmem>> -> memref<1x50xi32, #tpu.memory_space<vmem>>
        %dma_wait3A_195 = tpu.memref_squeeze %dma_wait3A_194 : memref<1x50xi32, #tpu.memory_space<vmem>> -> memref<50xi32, #tpu.memory_space<vmem>>
        %dma_wait3A_196 = arith.constant 0 : i32
        %dma_wait3A_197 = arith.constant 0 : i32
        %dma_wait3A_198 = tpu.memref_slice %arg5[%dma_wait3A_196, %dma_wait3A_197] : memref<10240x16xf32, #tpu.memory_space<vmem_shared>> -> memref<10240x16xf32, #tpu.memory_space<vmem_shared>>
        tpu.wait_indirect_dma semaphore(%arg11 : memref<!tpu.dma_semaphore, #tpu.memory_space<semaphore_mem>>) src(%arg9 : memref<50x16xf32, #tpu.memory_space<vmem>>) dst(%dma_wait3A_198 : memref<10240x16xf32, #tpu.memory_space<vmem_shared>>)
        %dma_wait3A_199 = arith.constant 0 : i32
        %dma_wait3A_200 = arith.constant 0 : i32
        %dma_wait3A_201 = tpu.memref_slice %arg7[%dma_wait3A_199, %dma_wait3A_200] : memref<200x50xi32, #tpu.memory_space<vmem>> -> memref<1x50xi32, #tpu.memory_space<vmem>>
        %dma_wait3A_202 = tpu.memref_squeeze %dma_wait3A_201 : memref<1x50xi32, #tpu.memory_space<vmem>> -> memref<50xi32, #tpu.memory_space<vmem>>
        %dma_wait3A_203 = arith.constant 0 : i32
        %dma_wait3A_204 = arith.constant 0 : i32
        %dma_wait3A_205 = tpu.memref_slice %arg5[%dma_wait3A_203, %dma_wait3A_204] : memref<10240x16xf32, #tpu.memory_space<vmem_shared>> -> memref<10240x16xf32, #tpu.memory_space<vmem_shared>>
        tpu.wait_indirect_dma semaphore(%arg11 : memref<!tpu.dma_semaphore, #tpu.memory_space<semaphore_mem>>) src(%arg9 : memref<50x16xf32, #tpu.memory_space<vmem>>) dst(%dma_wait3A_205 : memref<10240x16xf32, #tpu.memory_space<vmem_shared>>)
        %dma_wait3A_206 = arith.constant 0 : i32
        %dma_wait3A_207 = arith.constant 0 : i32
        %dma_wait3A_208 = tpu.memref_slice %arg7[%dma_wait3A_206, %dma_wait3A_207] : memref<200x50xi32, #tpu.memory_space<vmem>> -> memref<1x50xi32, #tpu.memory_space<vmem>>
        %dma_wait3A_209 = tpu.memref_squeeze %dma_wait3A_208 : memref<1x50xi32, #tpu.memory_space<vmem>> -> memref<50xi32, #tpu.memory_space<vmem>>
        %dma_wait3A_210 = arith.constant 0 : i32
        %dma_wait3A_211 = arith.constant 0 : i32
        %dma_wait3A_212 = tpu.memref_slice %arg5[%dma_wait3A_210, %dma_wait3A_211] : memref<10240x16xf32, #tpu.memory_space<vmem_shared>> -> memref<10240x16xf32, #tpu.memory_space<vmem_shared>>
        tpu.wait_indirect_dma semaphore(%arg11 : memref<!tpu.dma_semaphore, #tpu.memory_space<semaphore_mem>>) src(%arg9 : memref<50x16xf32, #tpu.memory_space<vmem>>) dst(%dma_wait3A_212 : memref<10240x16xf32, #tpu.memory_space<vmem_shared>>)
        %dma_wait3A_213 = arith.constant 0 : i32
        %dma_wait3A_214 = arith.constant 0 : i32
        %dma_wait3A_215 = tpu.memref_slice %arg7[%dma_wait3A_213, %dma_wait3A_214] : memref<200x50xi32, #tpu.memory_space<vmem>> -> memref<1x50xi32, #tpu.memory_space<vmem>>
        %dma_wait3A_216 = tpu.memref_squeeze %dma_wait3A_215 : memref<1x50xi32, #tpu.memory_space<vmem>> -> memref<50xi32, #tpu.memory_space<vmem>>
        %dma_wait3A_217 = arith.constant 0 : i32
        %dma_wait3A_218 = arith.constant 0 : i32
        %dma_wait3A_219 = tpu.memref_slice %arg5[%dma_wait3A_217, %dma_wait3A_218] : memref<10240x16xf32, #tpu.memory_space<vmem_shared>> -> memref<10240x16xf32, #tpu.memory_space<vmem_shared>>
        tpu.wait_indirect_dma semaphore(%arg11 : memref<!tpu.dma_semaphore, #tpu.memory_space<semaphore_mem>>) src(%arg9 : memref<50x16xf32, #tpu.memory_space<vmem>>) dst(%dma_wait3A_219 : memref<10240x16xf32, #tpu.memory_space<vmem_shared>>)
        %dma_wait3A_220 = arith.constant 0 : i32
        %dma_wait3A_221 = arith.constant 0 : i32
        %dma_wait3A_222 = tpu.memref_slice %arg7[%dma_wait3A_220, %dma_wait3A_221] : memref<200x50xi32, #tpu.memory_space<vmem>> -> memref<1x50xi32, #tpu.memory_space<vmem>>
        %dma_wait3A_223 = tpu.memref_squeeze %dma_wait3A_222 : memref<1x50xi32, #tpu.memory_space<vmem>> -> memref<50xi32, #tpu.memory_space<vmem>>
        %dma_wait3A_224 = arith.constant 0 : i32
        %dma_wait3A_225 = arith.constant 0 : i32
        %dma_wait3A_226 = tpu.memref_slice %arg5[%dma_wait3A_224, %dma_wait3A_225] : memref<10240x16xf32, #tpu.memory_space<vmem_shared>> -> memref<10240x16xf32, #tpu.memory_space<vmem_shared>>
        tpu.wait_indirect_dma semaphore(%arg11 : memref<!tpu.dma_semaphore, #tpu.memory_space<semaphore_mem>>) src(%arg9 : memref<50x16xf32, #tpu.memory_space<vmem>>) dst(%dma_wait3A_226 : memref<10240x16xf32, #tpu.memory_space<vmem_shared>>)
        %dma_wait3A_227 = arith.constant 0 : i32
        %dma_wait3A_228 = arith.constant 0 : i32
        %dma_wait3A_229 = tpu.memref_slice %arg7[%dma_wait3A_227, %dma_wait3A_228] : memref<200x50xi32, #tpu.memory_space<vmem>> -> memref<1x50xi32, #tpu.memory_space<vmem>>
        %dma_wait3A_230 = tpu.memref_squeeze %dma_wait3A_229 : memref<1x50xi32, #tpu.memory_space<vmem>> -> memref<50xi32, #tpu.memory_space<vmem>>
        %dma_wait3A_231 = arith.constant 0 : i32
        %dma_wait3A_232 = arith.constant 0 : i32
        %dma_wait3A_233 = tpu.memref_slice %arg5[%dma_wait3A_231, %dma_wait3A_232] : memref<10240x16xf32, #tpu.memory_space<vmem_shared>> -> memref<10240x16xf32, #tpu.memory_space<vmem_shared>>
        tpu.wait_indirect_dma semaphore(%arg11 : memref<!tpu.dma_semaphore, #tpu.memory_space<semaphore_mem>>) src(%arg9 : memref<50x16xf32, #tpu.memory_space<vmem>>) dst(%dma_wait3A_233 : memref<10240x16xf32, #tpu.memory_space<vmem_shared>>)
        %dma_wait3A_234 = arith.constant 0 : i32
        %dma_wait3A_235 = arith.constant 0 : i32
        %dma_wait3A_236 = tpu.memref_slice %arg7[%dma_wait3A_234, %dma_wait3A_235] : memref<200x50xi32, #tpu.memory_space<vmem>> -> memref<1x50xi32, #tpu.memory_space<vmem>>
        %dma_wait3A_237 = tpu.memref_squeeze %dma_wait3A_236 : memref<1x50xi32, #tpu.memory_space<vmem>> -> memref<50xi32, #tpu.memory_space<vmem>>
        %dma_wait3A_238 = arith.constant 0 : i32
        %dma_wait3A_239 = arith.constant 0 : i32
        %dma_wait3A_240 = tpu.memref_slice %arg5[%dma_wait3A_238, %dma_wait3A_239] : memref<10240x16xf32, #tpu.memory_space<vmem_shared>> -> memref<10240x16xf32, #tpu.memory_space<vmem_shared>>
        tpu.wait_indirect_dma semaphore(%arg11 : memref<!tpu.dma_semaphore, #tpu.memory_space<semaphore_mem>>) src(%arg9 : memref<50x16xf32, #tpu.memory_space<vmem>>) dst(%dma_wait3A_240 : memref<10240x16xf32, #tpu.memory_space<vmem_shared>>)
        %dma_wait3A_241 = arith.constant 0 : i32
        %dma_wait3A_242 = arith.constant 0 : i32
        %dma_wait3A_243 = tpu.memref_slice %arg7[%dma_wait3A_241, %dma_wait3A_242] : memref<200x50xi32, #tpu.memory_space<vmem>> -> memref<1x50xi32, #tpu.memory_space<vmem>>
        %dma_wait3A_244 = tpu.memref_squeeze %dma_wait3A_243 : memref<1x50xi32, #tpu.memory_space<vmem>> -> memref<50xi32, #tpu.memory_space<vmem>>
        %dma_wait3A_245 = arith.constant 0 : i32
        %dma_wait3A_246 = arith.constant 0 : i32
        %dma_wait3A_247 = tpu.memref_slice %arg5[%dma_wait3A_245, %dma_wait3A_246] : memref<10240x16xf32, #tpu.memory_space<vmem_shared>> -> memref<10240x16xf32, #tpu.memory_space<vmem_shared>>
        tpu.wait_indirect_dma semaphore(%arg11 : memref<!tpu.dma_semaphore, #tpu.memory_space<semaphore_mem>>) src(%arg9 : memref<50x16xf32, #tpu.memory_space<vmem>>) dst(%dma_wait3A_247 : memref<10240x16xf32, #tpu.memory_space<vmem_shared>>)
        %dma_wait3A_248 = arith.constant 0 : i32
        %dma_wait3A_249 = arith.constant 0 : i32
        %dma_wait3A_250 = tpu.memref_slice %arg7[%dma_wait3A_248, %dma_wait3A_249] : memref<200x50xi32, #tpu.memory_space<vmem>> -> memref<1x50xi32, #tpu.memory_space<vmem>>
        %dma_wait3A_251 = tpu.memref_squeeze %dma_wait3A_250 : memref<1x50xi32, #tpu.memory_space<vmem>> -> memref<50xi32, #tpu.memory_space<vmem>>
        %dma_wait3A_252 = arith.constant 0 : i32
        %dma_wait3A_253 = arith.constant 0 : i32
        %dma_wait3A_254 = tpu.memref_slice %arg5[%dma_wait3A_252, %dma_wait3A_253] : memref<10240x16xf32, #tpu.memory_space<vmem_shared>> -> memref<10240x16xf32, #tpu.memory_space<vmem_shared>>
        tpu.wait_indirect_dma semaphore(%arg11 : memref<!tpu.dma_semaphore, #tpu.memory_space<semaphore_mem>>) src(%arg9 : memref<50x16xf32, #tpu.memory_space<vmem>>) dst(%dma_wait3A_254 : memref<10240x16xf32, #tpu.memory_space<vmem_shared>>)
        %dma_wait3A_255 = arith.constant 0 : i32
        %dma_wait3A_256 = arith.constant 0 : i32
        %dma_wait3A_257 = tpu.memref_slice %arg7[%dma_wait3A_255, %dma_wait3A_256] : memref<200x50xi32, #tpu.memory_space<vmem>> -> memref<1x50xi32, #tpu.memory_space<vmem>>
        %dma_wait3A_258 = tpu.memref_squeeze %dma_wait3A_257 : memref<1x50xi32, #tpu.memory_space<vmem>> -> memref<50xi32, #tpu.memory_space<vmem>>
        %dma_wait3A_259 = arith.constant 0 : i32
        %dma_wait3A_260 = arith.constant 0 : i32
        %dma_wait3A_261 = tpu.memref_slice %arg5[%dma_wait3A_259, %dma_wait3A_260] : memref<10240x16xf32, #tpu.memory_space<vmem_shared>> -> memref<10240x16xf32, #tpu.memory_space<vmem_shared>>
        tpu.wait_indirect_dma semaphore(%arg11 : memref<!tpu.dma_semaphore, #tpu.memory_space<semaphore_mem>>) src(%arg9 : memref<50x16xf32, #tpu.memory_space<vmem>>) dst(%dma_wait3A_261 : memref<10240x16xf32, #tpu.memory_space<vmem_shared>>)
      } else {
      }
      %scan3A_191 = arith.constant 0 : i32
      scf.yield %scan3A_191 : i32
    }
    %scan3A_28 = arith.constant 40 : i32
    %dma_wait3A = arith.constant 0 : i32
    %dma_wait3A_29 = arith.constant 0 : i32
    %dma_wait3A_30 = tpu.memref_slice %arg7[%dma_wait3A, %dma_wait3A_29] : memref<200x50xi32, #tpu.memory_space<vmem>> -> memref<1x50xi32, #tpu.memory_space<vmem>>
    %dma_wait3A_31 = tpu.memref_squeeze %dma_wait3A_30 : memref<1x50xi32, #tpu.memory_space<vmem>> -> memref<50xi32, #tpu.memory_space<vmem>>
    %dma_wait3A_32 = arith.constant 0 : i32
    %dma_wait3A_33 = arith.constant 0 : i32
    %dma_wait3A_34 = tpu.memref_slice %arg5[%dma_wait3A_32, %dma_wait3A_33] : memref<10240x16xf32, #tpu.memory_space<vmem_shared>> -> memref<10240x16xf32, #tpu.memory_space<vmem_shared>>
    tpu.wait_indirect_dma semaphore(%arg11 : memref<!tpu.dma_semaphore, #tpu.memory_space<semaphore_mem>>) src(%arg9 : memref<50x16xf32, #tpu.memory_space<vmem>>) dst(%dma_wait3A_34 : memref<10240x16xf32, #tpu.memory_space<vmem_shared>>)
    %dma_wait3A_35 = arith.constant 0 : i32
    %dma_wait3A_36 = arith.constant 0 : i32
    %dma_wait3A_37 = tpu.memref_slice %arg7[%dma_wait3A_35, %dma_wait3A_36] : memref<200x50xi32, #tpu.memory_space<vmem>> -> memref<1x50xi32, #tpu.memory_space<vmem>>
    %dma_wait3A_38 = tpu.memref_squeeze %dma_wait3A_37 : memref<1x50xi32, #tpu.memory_space<vmem>> -> memref<50xi32, #tpu.memory_space<vmem>>
    %dma_wait3A_39 = arith.constant 0 : i32
    %dma_wait3A_40 = arith.constant 0 : i32
    %dma_wait3A_41 = tpu.memref_slice %arg5[%dma_wait3A_39, %dma_wait3A_40] : memref<10240x16xf32, #tpu.memory_space<vmem_shared>> -> memref<10240x16xf32, #tpu.memory_space<vmem_shared>>
    tpu.wait_indirect_dma semaphore(%arg11 : memref<!tpu.dma_semaphore, #tpu.memory_space<semaphore_mem>>) src(%arg9 : memref<50x16xf32, #tpu.memory_space<vmem>>) dst(%dma_wait3A_41 : memref<10240x16xf32, #tpu.memory_space<vmem_shared>>)
    %dma_wait3A_42 = arith.constant 0 : i32
    %dma_wait3A_43 = arith.constant 0 : i32
    %dma_wait3A_44 = tpu.memref_slice %arg7[%dma_wait3A_42, %dma_wait3A_43] : memref<200x50xi32, #tpu.memory_space<vmem>> -> memref<1x50xi32, #tpu.memory_space<vmem>>
    %dma_wait3A_45 = tpu.memref_squeeze %dma_wait3A_44 : memref<1x50xi32, #tpu.memory_space<vmem>> -> memref<50xi32, #tpu.memory_space<vmem>>
    %dma_wait3A_46 = arith.constant 0 : i32
    %dma_wait3A_47 = arith.constant 0 : i32
    %dma_wait3A_48 = tpu.memref_slice %arg5[%dma_wait3A_46, %dma_wait3A_47] : memref<10240x16xf32, #tpu.memory_space<vmem_shared>> -> memref<10240x16xf32, #tpu.memory_space<vmem_shared>>
    tpu.wait_indirect_dma semaphore(%arg11 : memref<!tpu.dma_semaphore, #tpu.memory_space<semaphore_mem>>) src(%arg9 : memref<50x16xf32, #tpu.memory_space<vmem>>) dst(%dma_wait3A_48 : memref<10240x16xf32, #tpu.memory_space<vmem_shared>>)
    %dma_wait3A_49 = arith.constant 0 : i32
    %dma_wait3A_50 = arith.constant 0 : i32
    %dma_wait3A_51 = tpu.memref_slice %arg7[%dma_wait3A_49, %dma_wait3A_50] : memref<200x50xi32, #tpu.memory_space<vmem>> -> memref<1x50xi32, #tpu.memory_space<vmem>>
    %dma_wait3A_52 = tpu.memref_squeeze %dma_wait3A_51 : memref<1x50xi32, #tpu.memory_space<vmem>> -> memref<50xi32, #tpu.memory_space<vmem>>
    %dma_wait3A_53 = arith.constant 0 : i32
    %dma_wait3A_54 = arith.constant 0 : i32
    %dma_wait3A_55 = tpu.memref_slice %arg5[%dma_wait3A_53, %dma_wait3A_54] : memref<10240x16xf32, #tpu.memory_space<vmem_shared>> -> memref<10240x16xf32, #tpu.memory_space<vmem_shared>>
    tpu.wait_indirect_dma semaphore(%arg11 : memref<!tpu.dma_semaphore, #tpu.memory_space<semaphore_mem>>) src(%arg9 : memref<50x16xf32, #tpu.memory_space<vmem>>) dst(%dma_wait3A_55 : memref<10240x16xf32, #tpu.memory_space<vmem_shared>>)
    %dma_wait3A_56 = arith.constant 0 : i32
    %dma_wait3A_57 = arith.constant 0 : i32
    %dma_wait3A_58 = tpu.memref_slice %arg7[%dma_wait3A_56, %dma_wait3A_57] : memref<200x50xi32, #tpu.memory_space<vmem>> -> memref<1x50xi32, #tpu.memory_space<vmem>>
    %dma_wait3A_59 = tpu.memref_squeeze %dma_wait3A_58 : memref<1x50xi32, #tpu.memory_space<vmem>> -> memref<50xi32, #tpu.memory_space<vmem>>
    %dma_wait3A_60 = arith.constant 0 : i32
    %dma_wait3A_61 = arith.constant 0 : i32
    %dma_wait3A_62 = tpu.memref_slice %arg5[%dma_wait3A_60, %dma_wait3A_61] : memref<10240x16xf32, #tpu.memory_space<vmem_shared>> -> memref<10240x16xf32, #tpu.memory_space<vmem_shared>>
    tpu.wait_indirect_dma semaphore(%arg11 : memref<!tpu.dma_semaphore, #tpu.memory_space<semaphore_mem>>) src(%arg9 : memref<50x16xf32, #tpu.memory_space<vmem>>) dst(%dma_wait3A_62 : memref<10240x16xf32, #tpu.memory_space<vmem_shared>>)
    %dma_wait3A_63 = arith.constant 0 : i32
    %dma_wait3A_64 = arith.constant 0 : i32
    %dma_wait3A_65 = tpu.memref_slice %arg7[%dma_wait3A_63, %dma_wait3A_64] : memref<200x50xi32, #tpu.memory_space<vmem>> -> memref<1x50xi32, #tpu.memory_space<vmem>>
    %dma_wait3A_66 = tpu.memref_squeeze %dma_wait3A_65 : memref<1x50xi32, #tpu.memory_space<vmem>> -> memref<50xi32, #tpu.memory_space<vmem>>
    %dma_wait3A_67 = arith.constant 0 : i32
    %dma_wait3A_68 = arith.constant 0 : i32
    %dma_wait3A_69 = tpu.memref_slice %arg5[%dma_wait3A_67, %dma_wait3A_68] : memref<10240x16xf32, #tpu.memory_space<vmem_shared>> -> memref<10240x16xf32, #tpu.memory_space<vmem_shared>>
    tpu.wait_indirect_dma semaphore(%arg11 : memref<!tpu.dma_semaphore, #tpu.memory_space<semaphore_mem>>) src(%arg9 : memref<50x16xf32, #tpu.memory_space<vmem>>) dst(%dma_wait3A_69 : memref<10240x16xf32, #tpu.memory_space<vmem_shared>>)
    %dma_wait3A_70 = arith.constant 0 : i32
    %dma_wait3A_71 = arith.constant 0 : i32
    %dma_wait3A_72 = tpu.memref_slice %arg7[%dma_wait3A_70, %dma_wait3A_71] : memref<200x50xi32, #tpu.memory_space<vmem>> -> memref<1x50xi32, #tpu.memory_space<vmem>>
    %dma_wait3A_73 = tpu.memref_squeeze %dma_wait3A_72 : memref<1x50xi32, #tpu.memory_space<vmem>> -> memref<50xi32, #tpu.memory_space<vmem>>
    %dma_wait3A_74 = arith.constant 0 : i32
    %dma_wait3A_75 = arith.constant 0 : i32
    %dma_wait3A_76 = tpu.memref_slice %arg5[%dma_wait3A_74, %dma_wait3A_75] : memref<10240x16xf32, #tpu.memory_space<vmem_shared>> -> memref<10240x16xf32, #tpu.memory_space<vmem_shared>>
    tpu.wait_indirect_dma semaphore(%arg11 : memref<!tpu.dma_semaphore, #tpu.memory_space<semaphore_mem>>) src(%arg9 : memref<50x16xf32, #tpu.memory_space<vmem>>) dst(%dma_wait3A_76 : memref<10240x16xf32, #tpu.memory_space<vmem_shared>>)
    %dma_wait3A_77 = arith.constant 0 : i32
    %dma_wait3A_78 = arith.constant 0 : i32
    %dma_wait3A_79 = tpu.memref_slice %arg7[%dma_wait3A_77, %dma_wait3A_78] : memref<200x50xi32, #tpu.memory_space<vmem>> -> memref<1x50xi32, #tpu.memory_space<vmem>>
    %dma_wait3A_80 = tpu.memref_squeeze %dma_wait3A_79 : memref<1x50xi32, #tpu.memory_space<vmem>> -> memref<50xi32, #tpu.memory_space<vmem>>
    %dma_wait3A_81 = arith.constant 0 : i32
    %dma_wait3A_82 = arith.constant 0 : i32
    %dma_wait3A_83 = tpu.memref_slice %arg5[%dma_wait3A_81, %dma_wait3A_82] : memref<10240x16xf32, #tpu.memory_space<vmem_shared>> -> memref<10240x16xf32, #tpu.memory_space<vmem_shared>>
    tpu.wait_indirect_dma semaphore(%arg11 : memref<!tpu.dma_semaphore, #tpu.memory_space<semaphore_mem>>) src(%arg9 : memref<50x16xf32, #tpu.memory_space<vmem>>) dst(%dma_wait3A_83 : memref<10240x16xf32, #tpu.memory_space<vmem_shared>>)
    %dma_wait3A_84 = arith.constant 0 : i32
    %dma_wait3A_85 = arith.constant 0 : i32
    %dma_wait3A_86 = tpu.memref_slice %arg7[%dma_wait3A_84, %dma_wait3A_85] : memref<200x50xi32, #tpu.memory_space<vmem>> -> memref<1x50xi32, #tpu.memory_space<vmem>>
    %dma_wait3A_87 = tpu.memref_squeeze %dma_wait3A_86 : memref<1x50xi32, #tpu.memory_space<vmem>> -> memref<50xi32, #tpu.memory_space<vmem>>
    %dma_wait3A_88 = arith.constant 0 : i32
    %dma_wait3A_89 = arith.constant 0 : i32
    %dma_wait3A_90 = tpu.memref_slice %arg5[%dma_wait3A_88, %dma_wait3A_89] : memref<10240x16xf32, #tpu.memory_space<vmem_shared>> -> memref<10240x16xf32, #tpu.memory_space<vmem_shared>>
    tpu.wait_indirect_dma semaphore(%arg11 : memref<!tpu.dma_semaphore, #tpu.memory_space<semaphore_mem>>) src(%arg9 : memref<50x16xf32, #tpu.memory_space<vmem>>) dst(%dma_wait3A_90 : memref<10240x16xf32, #tpu.memory_space<vmem_shared>>)
    %dma_wait3A_91 = arith.constant 0 : i32
    %dma_wait3A_92 = arith.constant 0 : i32
    %dma_wait3A_93 = tpu.memref_slice %arg7[%dma_wait3A_91, %dma_wait3A_92] : memref<200x50xi32, #tpu.memory_space<vmem>> -> memref<1x50xi32, #tpu.memory_space<vmem>>
    %dma_wait3A_94 = tpu.memref_squeeze %dma_wait3A_93 : memref<1x50xi32, #tpu.memory_space<vmem>> -> memref<50xi32, #tpu.memory_space<vmem>>
    %dma_wait3A_95 = arith.constant 0 : i32
    %dma_wait3A_96 = arith.constant 0 : i32
    %dma_wait3A_97 = tpu.memref_slice %arg5[%dma_wait3A_95, %dma_wait3A_96] : memref<10240x16xf32, #tpu.memory_space<vmem_shared>> -> memref<10240x16xf32, #tpu.memory_space<vmem_shared>>
    tpu.wait_indirect_dma semaphore(%arg11 : memref<!tpu.dma_semaphore, #tpu.memory_space<semaphore_mem>>) src(%arg9 : memref<50x16xf32, #tpu.memory_space<vmem>>) dst(%dma_wait3A_97 : memref<10240x16xf32, #tpu.memory_space<vmem_shared>>)
    %barrier3A_98 = arith.constant 0 : index
    tpu.barrier barrier_id(%barrier3A_98)
    %mul3A_99 = arith.constant 10240 : i32
    %mul3A_100 = arith.muli %arg0, %mul3A_99 : i32
    %mul3A_101 = arith.constant 640 : i32
    %mul3A_102 = arith.muli %arg1, %mul3A_101 : i32
    %add3A_103 = arith.addi %mul3A_100, %mul3A_102 : i32
    %mul3A_104 = arith.constant 640 : i32
    %mul3A_105 = arith.muli %arg1, %mul3A_104 : i32
    "tpu.region"() ({
      %run_scoped3A_108 = tpu.sem_alloc : memref<!tpu.dma_semaphore, #tpu.memory_space<semaphore_mem>>
      %dma_start3A = arith.constant 0 : i32
      %dma_start3A_109 = tpu.memref_slice %arg3[%add3A_103, %dma_start3A] : memref<20480x16xf32, #tpu.memory_space<hbm>> -> memref<640x16xf32, #tpu.memory_space<hbm>>
      %dma_start3A_110 = arith.constant 0 : i32
      %dma_start3A_111 = tpu.memref_slice %arg5[%mul3A_105, %dma_start3A_110] : memref<10240x16xf32, #tpu.memory_space<vmem_shared>> -> memref<640x16xf32, #tpu.memory_space<vmem_shared>>
      tpu.enqueue_dma source(%dma_start3A_111 : memref<640x16xf32, #tpu.memory_space<vmem_shared>>) target(%dma_start3A_109 : memref<640x16xf32, #tpu.memory_space<hbm>>) target_semaphore(%run_scoped3A_108 : memref<!tpu.dma_semaphore, #tpu.memory_space<semaphore_mem>>)
      %dma_wait3A_112 = arith.constant 0 : i32
      %dma_wait3A_113 = tpu.memref_slice %arg3[%add3A_103, %dma_wait3A_112] : memref<20480x16xf32, #tpu.memory_space<hbm>> -> memref<640x16xf32, #tpu.memory_space<hbm>>
      %dma_wait3A_114 = arith.constant 0 : i32
      %dma_wait3A_115 = tpu.memref_slice %arg5[%mul3A_105, %dma_wait3A_114] : memref<10240x16xf32, #tpu.memory_space<vmem_shared>> -> memref<640x16xf32, #tpu.memory_space<vmem_shared>>
      tpu.wait_dma2 semaphore(%run_scoped3A_108 : memref<!tpu.dma_semaphore, #tpu.memory_space<semaphore_mem>>) src(%dma_wait3A_115 : memref<640x16xf32, #tpu.memory_space<vmem_shared>>) dst(%dma_wait3A_113 : memref<640x16xf32, #tpu.memory_space<hbm>>)
      tpu.yield
    }) : () -> ()
    %mul3A_106 = arith.constant 640 : i32
    %mul3A_107 = arith.muli %arg1, %mul3A_106 : i32
    "tpu.region"() ({
      %run_scoped3A_108 = tpu.sem_alloc : memref<!tpu.dma_semaphore, #tpu.memory_space<semaphore_mem>>
      %dma_start3A = arith.constant 0 : i32
      %dma_start3A_109 = tpu.memref_slice %arg4[%add3A_103, %dma_start3A] : memref<20480x16xf32, #tpu.memory_space<hbm>> -> memref<640x16xf32, #tpu.memory_space<hbm>>
      %dma_start3A_110 = arith.constant 0 : i32
      %dma_start3A_111 = tpu.memref_slice %arg6[%mul3A_107, %dma_start3A_110] : memref<10240x16xf32, #tpu.memory_space<vmem_shared>> -> memref<640x16xf32, #tpu.memory_space<vmem_shared>>
      tpu.enqueue_dma source(%dma_start3A_111 : memref<640x16xf32, #tpu.memory_space<vmem_shared>>) target(%dma_start3A_109 : memref<640x16xf32, #tpu.memory_space<hbm>>) target_semaphore(%run_scoped3A_108 : memref<!tpu.dma_semaphore, #tpu.memory_space<semaphore_mem>>)
      %dma_wait3A_112 = arith.constant 0 : i32
      %dma_wait3A_113 = tpu.memref_slice %arg4[%add3A_103, %dma_wait3A_112] : memref<20480x16xf32, #tpu.memory_space<hbm>> -> memref<640x16xf32, #tpu.memory_space<hbm>>
      %dma_wait3A_114 = arith.constant 0 : i32
      %dma_wait3A_115 = tpu.memref_slice %arg6[%mul3A_107, %dma_wait3A_114] : memref<10240x16xf32, #tpu.memory_space<vmem_shared>> -> memref<640x16xf32, #tpu.memory_space<vmem_shared>>
      tpu.wait_dma2 semaphore(%run_scoped3A_108 : memref<!tpu.dma_semaphore, #tpu.memory_space<semaphore_mem>>) src(%dma_wait3A_115 : memref<640x16xf32, #tpu.memory_space<vmem_shared>>) dst(%dma_wait3A_113 : memref<640x16xf32, #tpu.memory_space<hbm>>)
      tpu.yield
    }) : () -> ()
    return
  }
}

#map = affine_map<(d0, d1) -> (0, 0)>
#map1 = affine_map<(d0, d1) -> (0, 0, 0, 0)>
module attributes {stable_mosaic.version = 14 : i64} {
  func.func @agg(%arg0: i32, %arg1: i32, %arg2: memref<10000x128xf32, #tpu.memory_space<hbm>>, %arg3: memref<2x32x200x50xi32, #tpu.memory_space<hbm>>, %arg4: memref<20480x128xf32, #tpu.memory_space<hbm>>, %arg5: memref<10240x128xf32, #tpu.memory_space<vmem_shared>>, %arg6: memref<200x50xi32, #tpu.memory_space<vmem>>, %arg7: memref<200x50xi32, #tpu.memory_space<vmem>>, %arg8: memref<50x128xf32, #tpu.memory_space<vmem>>, %arg9: memref<50x128xf32, #tpu.memory_space<vmem>>, %arg10: memref<50x128xf32, #tpu.memory_space<vmem>>, %arg11: memref<50x128xf32, #tpu.memory_space<vmem>>, %arg12: memref<!tpu.dma_semaphore, #tpu.memory_space<semaphore_mem>>) attributes {dimension_semantics = [#tpu.dimension_semantics<core_parallel>, #tpu.dimension_semantics<subcore_parallel>], iteration_bounds = array<i64: 2, 16>, scalar_prefetch = 0 : i64, scratch_operands = 8 : i64, tpu.core_type = #tpu.core_type<sc_vector_subcore>, window_params = [{transform_indices = #map}, {transform_indices = #map1}, {transform_indices = #map}]} {
    %mul3A = arith.constant 16 : i32
    %mul3A_0 = arith.muli %arg0, %mul3A : i32
    %add3A = arith.addi %mul3A_0, %arg1 : i32
    %broadcast_in_dim3A = arith.constant 0.000000e+00 : f32
    %broadcast_in_dim3A_1 = vector.broadcast %broadcast_in_dim3A : f32 to vector<16xf32>
    %scan3A = arith.constant 0 : i32
    %scan3A_2 = arith.constant 0 : i32
    %scan3A_3 = arith.constant 40 : i32
    %scan3A_4 = arith.addi %scan3A_2, %scan3A_3 : i32
    %scan3A_5 = arith.constant 1 : i32
    %scan3A_6 = scf.for %scan3A_115 = %scan3A_2 to %scan3A_4 step %scan3A_5 iter_args(%scan3A_116 = %scan3A) -> (i32)  : i32 {
      %swap3A = arith.index_cast %scan3A_115 : i32 to index
      %swap3A_117 = arith.constant 0 : index
      %swap3A_118 = tpu.vector_load %arg8[%swap3A, %swap3A_117] {strides = array<i32>} : memref<50x128xf32, #tpu.memory_space<vmem>>, vector<1x16xf32>,
      %swap3A_119 = vector.shape_cast %swap3A_118 : vector<1x16xf32> to vector<16xf32>
      %swap3A_120 = vector.shape_cast %broadcast_in_dim3A_1 : vector<16xf32> to vector<1x16xf32>
      tpu.vector_store %arg8[%swap3A, %swap3A_117], %swap3A_120 {strides = array<i32>} : memref<50x128xf32, #tpu.memory_space<vmem>>, vector<1x16xf32>,
      %swap3A_121 = arith.index_cast %scan3A_115 : i32 to index
      %swap3A_122 = arith.constant 16 : index
      %swap3A_123 = tpu.vector_load %arg8[%swap3A_121, %swap3A_122] {strides = array<i32>} : memref<50x128xf32, #tpu.memory_space<vmem>>, vector<1x16xf32>,
      %swap3A_124 = vector.shape_cast %swap3A_123 : vector<1x16xf32> to vector<16xf32>
      %swap3A_125 = vector.shape_cast %broadcast_in_dim3A_1 : vector<16xf32> to vector<1x16xf32>
      tpu.vector_store %arg8[%swap3A_121, %swap3A_122], %swap3A_125 {strides = array<i32>} : memref<50x128xf32, #tpu.memory_space<vmem>>, vector<1x16xf32>,
      %swap3A_126 = arith.index_cast %scan3A_115 : i32 to index
      %swap3A_127 = arith.constant 32 : index
      %swap3A_128 = tpu.vector_load %arg8[%swap3A_126, %swap3A_127] {strides = array<i32>} : memref<50x128xf32, #tpu.memory_space<vmem>>, vector<1x16xf32>,
      %swap3A_129 = vector.shape_cast %swap3A_128 : vector<1x16xf32> to vector<16xf32>
      %swap3A_130 = vector.shape_cast %broadcast_in_dim3A_1 : vector<16xf32> to vector<1x16xf32>
      tpu.vector_store %arg8[%swap3A_126, %swap3A_127], %swap3A_130 {strides = array<i32>} : memref<50x128xf32, #tpu.memory_space<vmem>>, vector<1x16xf32>,
      %swap3A_131 = arith.index_cast %scan3A_115 : i32 to index
      %swap3A_132 = arith.constant 48 : index
      %swap3A_133 = tpu.vector_load %arg8[%swap3A_131, %swap3A_132] {strides = array<i32>} : memref<50x128xf32, #tpu.memory_space<vmem>>, vector<1x16xf32>,
      %swap3A_134 = vector.shape_cast %swap3A_133 : vector<1x16xf32> to vector<16xf32>
      %swap3A_135 = vector.shape_cast %broadcast_in_dim3A_1 : vector<16xf32> to vector<1x16xf32>
      tpu.vector_store %arg8[%swap3A_131, %swap3A_132], %swap3A_135 {strides = array<i32>} : memref<50x128xf32, #tpu.memory_space<vmem>>, vector<1x16xf32>,
      %swap3A_136 = arith.index_cast %scan3A_115 : i32 to index
      %swap3A_137 = arith.constant 64 : index
      %swap3A_138 = tpu.vector_load %arg8[%swap3A_136, %swap3A_137] {strides = array<i32>} : memref<50x128xf32, #tpu.memory_space<vmem>>, vector<1x16xf32>,
      %swap3A_139 = vector.shape_cast %swap3A_138 : vector<1x16xf32> to vector<16xf32>
      %swap3A_140 = vector.shape_cast %broadcast_in_dim3A_1 : vector<16xf32> to vector<1x16xf32>
      tpu.vector_store %arg8[%swap3A_136, %swap3A_137], %swap3A_140 {strides = array<i32>} : memref<50x128xf32, #tpu.memory_space<vmem>>, vector<1x16xf32>,
      %swap3A_141 = arith.index_cast %scan3A_115 : i32 to index
      %swap3A_142 = arith.constant 80 : index
      %swap3A_143 = tpu.vector_load %arg8[%swap3A_141, %swap3A_142] {strides = array<i32>} : memref<50x128xf32, #tpu.memory_space<vmem>>, vector<1x16xf32>,
      %swap3A_144 = vector.shape_cast %swap3A_143 : vector<1x16xf32> to vector<16xf32>
      %swap3A_145 = vector.shape_cast %broadcast_in_dim3A_1 : vector<16xf32> to vector<1x16xf32>
      tpu.vector_store %arg8[%swap3A_141, %swap3A_142], %swap3A_145 {strides = array<i32>} : memref<50x128xf32, #tpu.memory_space<vmem>>, vector<1x16xf32>,
      %swap3A_146 = arith.index_cast %scan3A_115 : i32 to index
      %swap3A_147 = arith.constant 96 : index
      %swap3A_148 = tpu.vector_load %arg8[%swap3A_146, %swap3A_147] {strides = array<i32>} : memref<50x128xf32, #tpu.memory_space<vmem>>, vector<1x16xf32>,
      %swap3A_149 = vector.shape_cast %swap3A_148 : vector<1x16xf32> to vector<16xf32>
      %swap3A_150 = vector.shape_cast %broadcast_in_dim3A_1 : vector<16xf32> to vector<1x16xf32>
      tpu.vector_store %arg8[%swap3A_146, %swap3A_147], %swap3A_150 {strides = array<i32>} : memref<50x128xf32, #tpu.memory_space<vmem>>, vector<1x16xf32>,
      %swap3A_151 = arith.index_cast %scan3A_115 : i32 to index
      %swap3A_152 = arith.constant 112 : index
      %swap3A_153 = tpu.vector_load %arg8[%swap3A_151, %swap3A_152] {strides = array<i32>} : memref<50x128xf32, #tpu.memory_space<vmem>>, vector<1x16xf32>,
      %swap3A_154 = vector.shape_cast %swap3A_153 : vector<1x16xf32> to vector<16xf32>
      %swap3A_155 = vector.shape_cast %broadcast_in_dim3A_1 : vector<16xf32> to vector<1x16xf32>
      tpu.vector_store %arg8[%swap3A_151, %swap3A_152], %swap3A_155 {strides = array<i32>} : memref<50x128xf32, #tpu.memory_space<vmem>>, vector<1x16xf32>,
      %scan3A_156 = arith.constant 0 : i32
      scf.yield %scan3A_156 : i32
    }
    %scan3A_7 = arith.constant 40 : i32
    %mul3A_8 = arith.constant 640 : i32
    %mul3A_9 = arith.muli %arg1, %mul3A_8 : i32
    %add3A_10 = arith.constant 0 : i32
    %add3A_11 = arith.addi %mul3A_9, %add3A_10 : i32
    "tpu.region"() ({
      %run_scoped3A_115 = tpu.sem_alloc : memref<!tpu.dma_semaphore, #tpu.memory_space<semaphore_mem>>
      %dma_start3A_116 = arith.constant 0 : i32
      %dma_start3A_117 = arith.constant 0 : i32
      %dma_start3A_118 = tpu.memref_slice %arg8[%dma_start3A_116, %dma_start3A_117] : memref<50x128xf32, #tpu.memory_space<vmem>> -> memref<40x128xf32, #tpu.memory_space<vmem>>
      %dma_start3A_119 = arith.constant 0 : i32
      %dma_start3A_120 = tpu.memref_slice %arg5[%add3A_11, %dma_start3A_119] : memref<10240x128xf32, #tpu.memory_space<vmem_shared>> -> memref<40x128xf32, #tpu.memory_space<vmem_shared>>
      %dma_start3A_121 = arith.constant 0 : i32
      %dma_start3A_122 = tpu.memref_slice %arg5[%add3A_11, %dma_start3A_121] : memref<10240x128xf32, #tpu.memory_space<vmem_shared>> -> memref<40x128xf32, #tpu.memory_space<vmem_shared>>
      %dma_start3A_123 = arith.constant 0 : i32
      %dma_start3A_124 = arith.constant 0 : i32
      %dma_start3A_125 = tpu.memref_slice %arg8[%dma_start3A_123, %dma_start3A_124] : memref<50x128xf32, #tpu.memory_space<vmem>> -> memref<40x128xf32, #tpu.memory_space<vmem>>
      tpu.enqueue_dma source(%dma_start3A_125 : memref<40x128xf32, #tpu.memory_space<vmem>>) target(%dma_start3A_122 : memref<40x128xf32, #tpu.memory_space<vmem_shared>>) target_semaphore(%run_scoped3A_115 : memref<!tpu.dma_semaphore, #tpu.memory_space<semaphore_mem>>)
      %dma_wait3A = arith.constant 0 : i32
      %dma_wait3A_126 = arith.constant 0 : i32
      %dma_wait3A_127 = tpu.memref_slice %arg8[%dma_wait3A, %dma_wait3A_126] : memref<50x128xf32, #tpu.memory_space<vmem>> -> memref<40x128xf32, #tpu.memory_space<vmem>>
      %dma_wait3A_128 = arith.constant 0 : i32
      %dma_wait3A_129 = tpu.memref_slice %arg5[%add3A_11, %dma_wait3A_128] : memref<10240x128xf32, #tpu.memory_space<vmem_shared>> -> memref<40x128xf32, #tpu.memory_space<vmem_shared>>
      %dma_wait3A_130 = arith.constant 0 : i32
      %dma_wait3A_131 = tpu.memref_slice %arg5[%add3A_11, %dma_wait3A_130] : memref<10240x128xf32, #tpu.memory_space<vmem_shared>> -> memref<40x128xf32, #tpu.memory_space<vmem_shared>>
      %dma_wait3A_132 = arith.constant 0 : i32
      %dma_wait3A_133 = arith.constant 0 : i32
      %dma_wait3A_134 = tpu.memref_slice %arg8[%dma_wait3A_132, %dma_wait3A_133] : memref<50x128xf32, #tpu.memory_space<vmem>> -> memref<40x128xf32, #tpu.memory_space<vmem>>
      tpu.wait_dma2 semaphore(%run_scoped3A_115 : memref<!tpu.dma_semaphore, #tpu.memory_space<semaphore_mem>>) src(%dma_wait3A_134 : memref<40x128xf32, #tpu.memory_space<vmem>>) dst(%dma_wait3A_131 : memref<40x128xf32, #tpu.memory_space<vmem_shared>>)
      tpu.yield
    }) : () -> ()
    %mul3A_12 = arith.constant 640 : i32
    %mul3A_13 = arith.muli %arg1, %mul3A_12 : i32
    %add3A_14 = arith.constant 40 : i32
    %add3A_15 = arith.addi %mul3A_13, %add3A_14 : i32
    "tpu.region"() ({
      %run_scoped3A_115 = tpu.sem_alloc : memref<!tpu.dma_semaphore, #tpu.memory_space<semaphore_mem>>
      %dma_start3A_116 = arith.constant 0 : i32
      %dma_start3A_117 = arith.constant 0 : i32
      %dma_start3A_118 = tpu.memref_slice %arg8[%dma_start3A_116, %dma_start3A_117] : memref<50x128xf32, #tpu.memory_space<vmem>> -> memref<40x128xf32, #tpu.memory_space<vmem>>
      %dma_start3A_119 = arith.constant 0 : i32
      %dma_start3A_120 = tpu.memref_slice %arg5[%add3A_15, %dma_start3A_119] : memref<10240x128xf32, #tpu.memory_space<vmem_shared>> -> memref<40x128xf32, #tpu.memory_space<vmem_shared>>
      %dma_start3A_121 = arith.constant 0 : i32
      %dma_start3A_122 = tpu.memref_slice %arg5[%add3A_15, %dma_start3A_121] : memref<10240x128xf32, #tpu.memory_space<vmem_shared>> -> memref<40x128xf32, #tpu.memory_space<vmem_shared>>
      %dma_start3A_123 = arith.constant 0 : i32
      %dma_start3A_124 = arith.constant 0 : i32
      %dma_start3A_125 = tpu.memref_slice %arg8[%dma_start3A_123, %dma_start3A_124] : memref<50x128xf32, #tpu.memory_space<vmem>> -> memref<40x128xf32, #tpu.memory_space<vmem>>
      tpu.enqueue_dma source(%dma_start3A_125 : memref<40x128xf32, #tpu.memory_space<vmem>>) target(%dma_start3A_122 : memref<40x128xf32, #tpu.memory_space<vmem_shared>>) target_semaphore(%run_scoped3A_115 : memref<!tpu.dma_semaphore, #tpu.memory_space<semaphore_mem>>)
      %dma_wait3A = arith.constant 0 : i32
      %dma_wait3A_126 = arith.constant 0 : i32
      %dma_wait3A_127 = tpu.memref_slice %arg8[%dma_wait3A, %dma_wait3A_126] : memref<50x128xf32, #tpu.memory_space<vmem>> -> memref<40x128xf32, #tpu.memory_space<vmem>>
      %dma_wait3A_128 = arith.constant 0 : i32
      %dma_wait3A_129 = tpu.memref_slice %arg5[%add3A_15, %dma_wait3A_128] : memref<10240x128xf32, #tpu.memory_space<vmem_shared>> -> memref<40x128xf32, #tpu.memory_space<vmem_shared>>
      %dma_wait3A_130 = arith.constant 0 : i32
      %dma_wait3A_131 = tpu.memref_slice %arg5[%add3A_15, %dma_wait3A_130] : memref<10240x128xf32, #tpu.memory_space<vmem_shared>> -> memref<40x128xf32, #tpu.memory_space<vmem_shared>>
      %dma_wait3A_132 = arith.constant 0 : i32
      %dma_wait3A_133 = arith.constant 0 : i32
      %dma_wait3A_134 = tpu.memref_slice %arg8[%dma_wait3A_132, %dma_wait3A_133] : memref<50x128xf32, #tpu.memory_space<vmem>> -> memref<40x128xf32, #tpu.memory_space<vmem>>
      tpu.wait_dma2 semaphore(%run_scoped3A_115 : memref<!tpu.dma_semaphore, #tpu.memory_space<semaphore_mem>>) src(%dma_wait3A_134 : memref<40x128xf32, #tpu.memory_space<vmem>>) dst(%dma_wait3A_131 : memref<40x128xf32, #tpu.memory_space<vmem_shared>>)
      tpu.yield
    }) : () -> ()
    %mul3A_16 = arith.constant 640 : i32
    %mul3A_17 = arith.muli %arg1, %mul3A_16 : i32
    %add3A_18 = arith.constant 80 : i32
    %add3A_19 = arith.addi %mul3A_17, %add3A_18 : i32
    "tpu.region"() ({
      %run_scoped3A_115 = tpu.sem_alloc : memref<!tpu.dma_semaphore, #tpu.memory_space<semaphore_mem>>
      %dma_start3A_116 = arith.constant 0 : i32
      %dma_start3A_117 = arith.constant 0 : i32
      %dma_start3A_118 = tpu.memref_slice %arg8[%dma_start3A_116, %dma_start3A_117] : memref<50x128xf32, #tpu.memory_space<vmem>> -> memref<40x128xf32, #tpu.memory_space<vmem>>
      %dma_start3A_119 = arith.constant 0 : i32
      %dma_start3A_120 = tpu.memref_slice %arg5[%add3A_19, %dma_start3A_119] : memref<10240x128xf32, #tpu.memory_space<vmem_shared>> -> memref<40x128xf32, #tpu.memory_space<vmem_shared>>
      %dma_start3A_121 = arith.constant 0 : i32
      %dma_start3A_122 = tpu.memref_slice %arg5[%add3A_19, %dma_start3A_121] : memref<10240x128xf32, #tpu.memory_space<vmem_shared>> -> memref<40x128xf32, #tpu.memory_space<vmem_shared>>
      %dma_start3A_123 = arith.constant 0 : i32
      %dma_start3A_124 = arith.constant 0 : i32
      %dma_start3A_125 = tpu.memref_slice %arg8[%dma_start3A_123, %dma_start3A_124] : memref<50x128xf32, #tpu.memory_space<vmem>> -> memref<40x128xf32, #tpu.memory_space<vmem>>
      tpu.enqueue_dma source(%dma_start3A_125 : memref<40x128xf32, #tpu.memory_space<vmem>>) target(%dma_start3A_122 : memref<40x128xf32, #tpu.memory_space<vmem_shared>>) target_semaphore(%run_scoped3A_115 : memref<!tpu.dma_semaphore, #tpu.memory_space<semaphore_mem>>)
      %dma_wait3A = arith.constant 0 : i32
      %dma_wait3A_126 = arith.constant 0 : i32
      %dma_wait3A_127 = tpu.memref_slice %arg8[%dma_wait3A, %dma_wait3A_126] : memref<50x128xf32, #tpu.memory_space<vmem>> -> memref<40x128xf32, #tpu.memory_space<vmem>>
      %dma_wait3A_128 = arith.constant 0 : i32
      %dma_wait3A_129 = tpu.memref_slice %arg5[%add3A_19, %dma_wait3A_128] : memref<10240x128xf32, #tpu.memory_space<vmem_shared>> -> memref<40x128xf32, #tpu.memory_space<vmem_shared>>
      %dma_wait3A_130 = arith.constant 0 : i32
      %dma_wait3A_131 = tpu.memref_slice %arg5[%add3A_19, %dma_wait3A_130] : memref<10240x128xf32, #tpu.memory_space<vmem_shared>> -> memref<40x128xf32, #tpu.memory_space<vmem_shared>>
      %dma_wait3A_132 = arith.constant 0 : i32
      %dma_wait3A_133 = arith.constant 0 : i32
      %dma_wait3A_134 = tpu.memref_slice %arg8[%dma_wait3A_132, %dma_wait3A_133] : memref<50x128xf32, #tpu.memory_space<vmem>> -> memref<40x128xf32, #tpu.memory_space<vmem>>
      tpu.wait_dma2 semaphore(%run_scoped3A_115 : memref<!tpu.dma_semaphore, #tpu.memory_space<semaphore_mem>>) src(%dma_wait3A_134 : memref<40x128xf32, #tpu.memory_space<vmem>>) dst(%dma_wait3A_131 : memref<40x128xf32, #tpu.memory_space<vmem_shared>>)
      tpu.yield
    }) : () -> ()
    %mul3A_20 = arith.constant 640 : i32
    %mul3A_21 = arith.muli %arg1, %mul3A_20 : i32
    %add3A_22 = arith.constant 120 : i32
    %add3A_23 = arith.addi %mul3A_21, %add3A_22 : i32
    "tpu.region"() ({
      %run_scoped3A_115 = tpu.sem_alloc : memref<!tpu.dma_semaphore, #tpu.memory_space<semaphore_mem>>
      %dma_start3A_116 = arith.constant 0 : i32
      %dma_start3A_117 = arith.constant 0 : i32
      %dma_start3A_118 = tpu.memref_slice %arg8[%dma_start3A_116, %dma_start3A_117] : memref<50x128xf32, #tpu.memory_space<vmem>> -> memref<40x128xf32, #tpu.memory_space<vmem>>
      %dma_start3A_119 = arith.constant 0 : i32
      %dma_start3A_120 = tpu.memref_slice %arg5[%add3A_23, %dma_start3A_119] : memref<10240x128xf32, #tpu.memory_space<vmem_shared>> -> memref<40x128xf32, #tpu.memory_space<vmem_shared>>
      %dma_start3A_121 = arith.constant 0 : i32
      %dma_start3A_122 = tpu.memref_slice %arg5[%add3A_23, %dma_start3A_121] : memref<10240x128xf32, #tpu.memory_space<vmem_shared>> -> memref<40x128xf32, #tpu.memory_space<vmem_shared>>
      %dma_start3A_123 = arith.constant 0 : i32
      %dma_start3A_124 = arith.constant 0 : i32
      %dma_start3A_125 = tpu.memref_slice %arg8[%dma_start3A_123, %dma_start3A_124] : memref<50x128xf32, #tpu.memory_space<vmem>> -> memref<40x128xf32, #tpu.memory_space<vmem>>
      tpu.enqueue_dma source(%dma_start3A_125 : memref<40x128xf32, #tpu.memory_space<vmem>>) target(%dma_start3A_122 : memref<40x128xf32, #tpu.memory_space<vmem_shared>>) target_semaphore(%run_scoped3A_115 : memref<!tpu.dma_semaphore, #tpu.memory_space<semaphore_mem>>)
      %dma_wait3A = arith.constant 0 : i32
      %dma_wait3A_126 = arith.constant 0 : i32
      %dma_wait3A_127 = tpu.memref_slice %arg8[%dma_wait3A, %dma_wait3A_126] : memref<50x128xf32, #tpu.memory_space<vmem>> -> memref<40x128xf32, #tpu.memory_space<vmem>>
      %dma_wait3A_128 = arith.constant 0 : i32
      %dma_wait3A_129 = tpu.memref_slice %arg5[%add3A_23, %dma_wait3A_128] : memref<10240x128xf32, #tpu.memory_space<vmem_shared>> -> memref<40x128xf32, #tpu.memory_space<vmem_shared>>
      %dma_wait3A_130 = arith.constant 0 : i32
      %dma_wait3A_131 = tpu.memref_slice %arg5[%add3A_23, %dma_wait3A_130] : memref<10240x128xf32, #tpu.memory_space<vmem_shared>> -> memref<40x128xf32, #tpu.memory_space<vmem_shared>>
      %dma_wait3A_132 = arith.constant 0 : i32
      %dma_wait3A_133 = arith.constant 0 : i32
      %dma_wait3A_134 = tpu.memref_slice %arg8[%dma_wait3A_132, %dma_wait3A_133] : memref<50x128xf32, #tpu.memory_space<vmem>> -> memref<40x128xf32, #tpu.memory_space<vmem>>
      tpu.wait_dma2 semaphore(%run_scoped3A_115 : memref<!tpu.dma_semaphore, #tpu.memory_space<semaphore_mem>>) src(%dma_wait3A_134 : memref<40x128xf32, #tpu.memory_space<vmem>>) dst(%dma_wait3A_131 : memref<40x128xf32, #tpu.memory_space<vmem_shared>>)
      tpu.yield
    }) : () -> ()
    %mul3A_24 = arith.constant 640 : i32
    %mul3A_25 = arith.muli %arg1, %mul3A_24 : i32
    %add3A_26 = arith.constant 160 : i32
    %add3A_27 = arith.addi %mul3A_25, %add3A_26 : i32
    "tpu.region"() ({
      %run_scoped3A_115 = tpu.sem_alloc : memref<!tpu.dma_semaphore, #tpu.memory_space<semaphore_mem>>
      %dma_start3A_116 = arith.constant 0 : i32
      %dma_start3A_117 = arith.constant 0 : i32
      %dma_start3A_118 = tpu.memref_slice %arg8[%dma_start3A_116, %dma_start3A_117] : memref<50x128xf32, #tpu.memory_space<vmem>> -> memref<40x128xf32, #tpu.memory_space<vmem>>
      %dma_start3A_119 = arith.constant 0 : i32
      %dma_start3A_120 = tpu.memref_slice %arg5[%add3A_27, %dma_start3A_119] : memref<10240x128xf32, #tpu.memory_space<vmem_shared>> -> memref<40x128xf32, #tpu.memory_space<vmem_shared>>
      %dma_start3A_121 = arith.constant 0 : i32
      %dma_start3A_122 = tpu.memref_slice %arg5[%add3A_27, %dma_start3A_121] : memref<10240x128xf32, #tpu.memory_space<vmem_shared>> -> memref<40x128xf32, #tpu.memory_space<vmem_shared>>
      %dma_start3A_123 = arith.constant 0 : i32
      %dma_start3A_124 = arith.constant 0 : i32
      %dma_start3A_125 = tpu.memref_slice %arg8[%dma_start3A_123, %dma_start3A_124] : memref<50x128xf32, #tpu.memory_space<vmem>> -> memref<40x128xf32, #tpu.memory_space<vmem>>
      tpu.enqueue_dma source(%dma_start3A_125 : memref<40x128xf32, #tpu.memory_space<vmem>>) target(%dma_start3A_122 : memref<40x128xf32, #tpu.memory_space<vmem_shared>>) target_semaphore(%run_scoped3A_115 : memref<!tpu.dma_semaphore, #tpu.memory_space<semaphore_mem>>)
      %dma_wait3A = arith.constant 0 : i32
      %dma_wait3A_126 = arith.constant 0 : i32
      %dma_wait3A_127 = tpu.memref_slice %arg8[%dma_wait3A, %dma_wait3A_126] : memref<50x128xf32, #tpu.memory_space<vmem>> -> memref<40x128xf32, #tpu.memory_space<vmem>>
      %dma_wait3A_128 = arith.constant 0 : i32
      %dma_wait3A_129 = tpu.memref_slice %arg5[%add3A_27, %dma_wait3A_128] : memref<10240x128xf32, #tpu.memory_space<vmem_shared>> -> memref<40x128xf32, #tpu.memory_space<vmem_shared>>
      %dma_wait3A_130 = arith.constant 0 : i32
      %dma_wait3A_131 = tpu.memref_slice %arg5[%add3A_27, %dma_wait3A_130] : memref<10240x128xf32, #tpu.memory_space<vmem_shared>> -> memref<40x128xf32, #tpu.memory_space<vmem_shared>>
      %dma_wait3A_132 = arith.constant 0 : i32
      %dma_wait3A_133 = arith.constant 0 : i32
      %dma_wait3A_134 = tpu.memref_slice %arg8[%dma_wait3A_132, %dma_wait3A_133] : memref<50x128xf32, #tpu.memory_space<vmem>> -> memref<40x128xf32, #tpu.memory_space<vmem>>
      tpu.wait_dma2 semaphore(%run_scoped3A_115 : memref<!tpu.dma_semaphore, #tpu.memory_space<semaphore_mem>>) src(%dma_wait3A_134 : memref<40x128xf32, #tpu.memory_space<vmem>>) dst(%dma_wait3A_131 : memref<40x128xf32, #tpu.memory_space<vmem_shared>>)
      tpu.yield
    }) : () -> ()
    %mul3A_28 = arith.constant 640 : i32
    %mul3A_29 = arith.muli %arg1, %mul3A_28 : i32
    %add3A_30 = arith.constant 200 : i32
    %add3A_31 = arith.addi %mul3A_29, %add3A_30 : i32
    "tpu.region"() ({
      %run_scoped3A_115 = tpu.sem_alloc : memref<!tpu.dma_semaphore, #tpu.memory_space<semaphore_mem>>
      %dma_start3A_116 = arith.constant 0 : i32
      %dma_start3A_117 = arith.constant 0 : i32
      %dma_start3A_118 = tpu.memref_slice %arg8[%dma_start3A_116, %dma_start3A_117] : memref<50x128xf32, #tpu.memory_space<vmem>> -> memref<40x128xf32, #tpu.memory_space<vmem>>
      %dma_start3A_119 = arith.constant 0 : i32
      %dma_start3A_120 = tpu.memref_slice %arg5[%add3A_31, %dma_start3A_119] : memref<10240x128xf32, #tpu.memory_space<vmem_shared>> -> memref<40x128xf32, #tpu.memory_space<vmem_shared>>
      %dma_start3A_121 = arith.constant 0 : i32
      %dma_start3A_122 = tpu.memref_slice %arg5[%add3A_31, %dma_start3A_121] : memref<10240x128xf32, #tpu.memory_space<vmem_shared>> -> memref<40x128xf32, #tpu.memory_space<vmem_shared>>
      %dma_start3A_123 = arith.constant 0 : i32
      %dma_start3A_124 = arith.constant 0 : i32
      %dma_start3A_125 = tpu.memref_slice %arg8[%dma_start3A_123, %dma_start3A_124] : memref<50x128xf32, #tpu.memory_space<vmem>> -> memref<40x128xf32, #tpu.memory_space<vmem>>
      tpu.enqueue_dma source(%dma_start3A_125 : memref<40x128xf32, #tpu.memory_space<vmem>>) target(%dma_start3A_122 : memref<40x128xf32, #tpu.memory_space<vmem_shared>>) target_semaphore(%run_scoped3A_115 : memref<!tpu.dma_semaphore, #tpu.memory_space<semaphore_mem>>)
      %dma_wait3A = arith.constant 0 : i32
      %dma_wait3A_126 = arith.constant 0 : i32
      %dma_wait3A_127 = tpu.memref_slice %arg8[%dma_wait3A, %dma_wait3A_126] : memref<50x128xf32, #tpu.memory_space<vmem>> -> memref<40x128xf32, #tpu.memory_space<vmem>>
      %dma_wait3A_128 = arith.constant 0 : i32
      %dma_wait3A_129 = tpu.memref_slice %arg5[%add3A_31, %dma_wait3A_128] : memref<10240x128xf32, #tpu.memory_space<vmem_shared>> -> memref<40x128xf32, #tpu.memory_space<vmem_shared>>
      %dma_wait3A_130 = arith.constant 0 : i32
      %dma_wait3A_131 = tpu.memref_slice %arg5[%add3A_31, %dma_wait3A_130] : memref<10240x128xf32, #tpu.memory_space<vmem_shared>> -> memref<40x128xf32, #tpu.memory_space<vmem_shared>>
      %dma_wait3A_132 = arith.constant 0 : i32
      %dma_wait3A_133 = arith.constant 0 : i32
      %dma_wait3A_134 = tpu.memref_slice %arg8[%dma_wait3A_132, %dma_wait3A_133] : memref<50x128xf32, #tpu.memory_space<vmem>> -> memref<40x128xf32, #tpu.memory_space<vmem>>
      tpu.wait_dma2 semaphore(%run_scoped3A_115 : memref<!tpu.dma_semaphore, #tpu.memory_space<semaphore_mem>>) src(%dma_wait3A_134 : memref<40x128xf32, #tpu.memory_space<vmem>>) dst(%dma_wait3A_131 : memref<40x128xf32, #tpu.memory_space<vmem_shared>>)
      tpu.yield
    }) : () -> ()
    %mul3A_32 = arith.constant 640 : i32
    %mul3A_33 = arith.muli %arg1, %mul3A_32 : i32
    %add3A_34 = arith.constant 240 : i32
    %add3A_35 = arith.addi %mul3A_33, %add3A_34 : i32
    "tpu.region"() ({
      %run_scoped3A_115 = tpu.sem_alloc : memref<!tpu.dma_semaphore, #tpu.memory_space<semaphore_mem>>
      %dma_start3A_116 = arith.constant 0 : i32
      %dma_start3A_117 = arith.constant 0 : i32
      %dma_start3A_118 = tpu.memref_slice %arg8[%dma_start3A_116, %dma_start3A_117] : memref<50x128xf32, #tpu.memory_space<vmem>> -> memref<40x128xf32, #tpu.memory_space<vmem>>
      %dma_start3A_119 = arith.constant 0 : i32
      %dma_start3A_120 = tpu.memref_slice %arg5[%add3A_35, %dma_start3A_119] : memref<10240x128xf32, #tpu.memory_space<vmem_shared>> -> memref<40x128xf32, #tpu.memory_space<vmem_shared>>
      %dma_start3A_121 = arith.constant 0 : i32
      %dma_start3A_122 = tpu.memref_slice %arg5[%add3A_35, %dma_start3A_121] : memref<10240x128xf32, #tpu.memory_space<vmem_shared>> -> memref<40x128xf32, #tpu.memory_space<vmem_shared>>
      %dma_start3A_123 = arith.constant 0 : i32
      %dma_start3A_124 = arith.constant 0 : i32
      %dma_start3A_125 = tpu.memref_slice %arg8[%dma_start3A_123, %dma_start3A_124] : memref<50x128xf32, #tpu.memory_space<vmem>> -> memref<40x128xf32, #tpu.memory_space<vmem>>
      tpu.enqueue_dma source(%dma_start3A_125 : memref<40x128xf32, #tpu.memory_space<vmem>>) target(%dma_start3A_122 : memref<40x128xf32, #tpu.memory_space<vmem_shared>>) target_semaphore(%run_scoped3A_115 : memref<!tpu.dma_semaphore, #tpu.memory_space<semaphore_mem>>)
      %dma_wait3A = arith.constant 0 : i32
      %dma_wait3A_126 = arith.constant 0 : i32
      %dma_wait3A_127 = tpu.memref_slice %arg8[%dma_wait3A, %dma_wait3A_126] : memref<50x128xf32, #tpu.memory_space<vmem>> -> memref<40x128xf32, #tpu.memory_space<vmem>>
      %dma_wait3A_128 = arith.constant 0 : i32
      %dma_wait3A_129 = tpu.memref_slice %arg5[%add3A_35, %dma_wait3A_128] : memref<10240x128xf32, #tpu.memory_space<vmem_shared>> -> memref<40x128xf32, #tpu.memory_space<vmem_shared>>
      %dma_wait3A_130 = arith.constant 0 : i32
      %dma_wait3A_131 = tpu.memref_slice %arg5[%add3A_35, %dma_wait3A_130] : memref<10240x128xf32, #tpu.memory_space<vmem_shared>> -> memref<40x128xf32, #tpu.memory_space<vmem_shared>>
      %dma_wait3A_132 = arith.constant 0 : i32
      %dma_wait3A_133 = arith.constant 0 : i32
      %dma_wait3A_134 = tpu.memref_slice %arg8[%dma_wait3A_132, %dma_wait3A_133] : memref<50x128xf32, #tpu.memory_space<vmem>> -> memref<40x128xf32, #tpu.memory_space<vmem>>
      tpu.wait_dma2 semaphore(%run_scoped3A_115 : memref<!tpu.dma_semaphore, #tpu.memory_space<semaphore_mem>>) src(%dma_wait3A_134 : memref<40x128xf32, #tpu.memory_space<vmem>>) dst(%dma_wait3A_131 : memref<40x128xf32, #tpu.memory_space<vmem_shared>>)
      tpu.yield
    }) : () -> ()
    %mul3A_36 = arith.constant 640 : i32
    %mul3A_37 = arith.muli %arg1, %mul3A_36 : i32
    %add3A_38 = arith.constant 280 : i32
    %add3A_39 = arith.addi %mul3A_37, %add3A_38 : i32
    "tpu.region"() ({
      %run_scoped3A_115 = tpu.sem_alloc : memref<!tpu.dma_semaphore, #tpu.memory_space<semaphore_mem>>
      %dma_start3A_116 = arith.constant 0 : i32
      %dma_start3A_117 = arith.constant 0 : i32
      %dma_start3A_118 = tpu.memref_slice %arg8[%dma_start3A_116, %dma_start3A_117] : memref<50x128xf32, #tpu.memory_space<vmem>> -> memref<40x128xf32, #tpu.memory_space<vmem>>
      %dma_start3A_119 = arith.constant 0 : i32
      %dma_start3A_120 = tpu.memref_slice %arg5[%add3A_39, %dma_start3A_119] : memref<10240x128xf32, #tpu.memory_space<vmem_shared>> -> memref<40x128xf32, #tpu.memory_space<vmem_shared>>
      %dma_start3A_121 = arith.constant 0 : i32
      %dma_start3A_122 = tpu.memref_slice %arg5[%add3A_39, %dma_start3A_121] : memref<10240x128xf32, #tpu.memory_space<vmem_shared>> -> memref<40x128xf32, #tpu.memory_space<vmem_shared>>
      %dma_start3A_123 = arith.constant 0 : i32
      %dma_start3A_124 = arith.constant 0 : i32
      %dma_start3A_125 = tpu.memref_slice %arg8[%dma_start3A_123, %dma_start3A_124] : memref<50x128xf32, #tpu.memory_space<vmem>> -> memref<40x128xf32, #tpu.memory_space<vmem>>
      tpu.enqueue_dma source(%dma_start3A_125 : memref<40x128xf32, #tpu.memory_space<vmem>>) target(%dma_start3A_122 : memref<40x128xf32, #tpu.memory_space<vmem_shared>>) target_semaphore(%run_scoped3A_115 : memref<!tpu.dma_semaphore, #tpu.memory_space<semaphore_mem>>)
      %dma_wait3A = arith.constant 0 : i32
      %dma_wait3A_126 = arith.constant 0 : i32
      %dma_wait3A_127 = tpu.memref_slice %arg8[%dma_wait3A, %dma_wait3A_126] : memref<50x128xf32, #tpu.memory_space<vmem>> -> memref<40x128xf32, #tpu.memory_space<vmem>>
      %dma_wait3A_128 = arith.constant 0 : i32
      %dma_wait3A_129 = tpu.memref_slice %arg5[%add3A_39, %dma_wait3A_128] : memref<10240x128xf32, #tpu.memory_space<vmem_shared>> -> memref<40x128xf32, #tpu.memory_space<vmem_shared>>
      %dma_wait3A_130 = arith.constant 0 : i32
      %dma_wait3A_131 = tpu.memref_slice %arg5[%add3A_39, %dma_wait3A_130] : memref<10240x128xf32, #tpu.memory_space<vmem_shared>> -> memref<40x128xf32, #tpu.memory_space<vmem_shared>>
      %dma_wait3A_132 = arith.constant 0 : i32
      %dma_wait3A_133 = arith.constant 0 : i32
      %dma_wait3A_134 = tpu.memref_slice %arg8[%dma_wait3A_132, %dma_wait3A_133] : memref<50x128xf32, #tpu.memory_space<vmem>> -> memref<40x128xf32, #tpu.memory_space<vmem>>
      tpu.wait_dma2 semaphore(%run_scoped3A_115 : memref<!tpu.dma_semaphore, #tpu.memory_space<semaphore_mem>>) src(%dma_wait3A_134 : memref<40x128xf32, #tpu.memory_space<vmem>>) dst(%dma_wait3A_131 : memref<40x128xf32, #tpu.memory_space<vmem_shared>>)
      tpu.yield
    }) : () -> ()
    %mul3A_40 = arith.constant 640 : i32
    %mul3A_41 = arith.muli %arg1, %mul3A_40 : i32
    %add3A_42 = arith.constant 320 : i32
    %add3A_43 = arith.addi %mul3A_41, %add3A_42 : i32
    "tpu.region"() ({
      %run_scoped3A_115 = tpu.sem_alloc : memref<!tpu.dma_semaphore, #tpu.memory_space<semaphore_mem>>
      %dma_start3A_116 = arith.constant 0 : i32
      %dma_start3A_117 = arith.constant 0 : i32
      %dma_start3A_118 = tpu.memref_slice %arg8[%dma_start3A_116, %dma_start3A_117] : memref<50x128xf32, #tpu.memory_space<vmem>> -> memref<40x128xf32, #tpu.memory_space<vmem>>
      %dma_start3A_119 = arith.constant 0 : i32
      %dma_start3A_120 = tpu.memref_slice %arg5[%add3A_43, %dma_start3A_119] : memref<10240x128xf32, #tpu.memory_space<vmem_shared>> -> memref<40x128xf32, #tpu.memory_space<vmem_shared>>
      %dma_start3A_121 = arith.constant 0 : i32
      %dma_start3A_122 = tpu.memref_slice %arg5[%add3A_43, %dma_start3A_121] : memref<10240x128xf32, #tpu.memory_space<vmem_shared>> -> memref<40x128xf32, #tpu.memory_space<vmem_shared>>
      %dma_start3A_123 = arith.constant 0 : i32
      %dma_start3A_124 = arith.constant 0 : i32
      %dma_start3A_125 = tpu.memref_slice %arg8[%dma_start3A_123, %dma_start3A_124] : memref<50x128xf32, #tpu.memory_space<vmem>> -> memref<40x128xf32, #tpu.memory_space<vmem>>
      tpu.enqueue_dma source(%dma_start3A_125 : memref<40x128xf32, #tpu.memory_space<vmem>>) target(%dma_start3A_122 : memref<40x128xf32, #tpu.memory_space<vmem_shared>>) target_semaphore(%run_scoped3A_115 : memref<!tpu.dma_semaphore, #tpu.memory_space<semaphore_mem>>)
      %dma_wait3A = arith.constant 0 : i32
      %dma_wait3A_126 = arith.constant 0 : i32
      %dma_wait3A_127 = tpu.memref_slice %arg8[%dma_wait3A, %dma_wait3A_126] : memref<50x128xf32, #tpu.memory_space<vmem>> -> memref<40x128xf32, #tpu.memory_space<vmem>>
      %dma_wait3A_128 = arith.constant 0 : i32
      %dma_wait3A_129 = tpu.memref_slice %arg5[%add3A_43, %dma_wait3A_128] : memref<10240x128xf32, #tpu.memory_space<vmem_shared>> -> memref<40x128xf32, #tpu.memory_space<vmem_shared>>
      %dma_wait3A_130 = arith.constant 0 : i32
      %dma_wait3A_131 = tpu.memref_slice %arg5[%add3A_43, %dma_wait3A_130] : memref<10240x128xf32, #tpu.memory_space<vmem_shared>> -> memref<40x128xf32, #tpu.memory_space<vmem_shared>>
      %dma_wait3A_132 = arith.constant 0 : i32
      %dma_wait3A_133 = arith.constant 0 : i32
      %dma_wait3A_134 = tpu.memref_slice %arg8[%dma_wait3A_132, %dma_wait3A_133] : memref<50x128xf32, #tpu.memory_space<vmem>> -> memref<40x128xf32, #tpu.memory_space<vmem>>
      tpu.wait_dma2 semaphore(%run_scoped3A_115 : memref<!tpu.dma_semaphore, #tpu.memory_space<semaphore_mem>>) src(%dma_wait3A_134 : memref<40x128xf32, #tpu.memory_space<vmem>>) dst(%dma_wait3A_131 : memref<40x128xf32, #tpu.memory_space<vmem_shared>>)
      tpu.yield
    }) : () -> ()
    %mul3A_44 = arith.constant 640 : i32
    %mul3A_45 = arith.muli %arg1, %mul3A_44 : i32
    %add3A_46 = arith.constant 360 : i32
    %add3A_47 = arith.addi %mul3A_45, %add3A_46 : i32
    "tpu.region"() ({
      %run_scoped3A_115 = tpu.sem_alloc : memref<!tpu.dma_semaphore, #tpu.memory_space<semaphore_mem>>
      %dma_start3A_116 = arith.constant 0 : i32
      %dma_start3A_117 = arith.constant 0 : i32
      %dma_start3A_118 = tpu.memref_slice %arg8[%dma_start3A_116, %dma_start3A_117] : memref<50x128xf32, #tpu.memory_space<vmem>> -> memref<40x128xf32, #tpu.memory_space<vmem>>
      %dma_start3A_119 = arith.constant 0 : i32
      %dma_start3A_120 = tpu.memref_slice %arg5[%add3A_47, %dma_start3A_119] : memref<10240x128xf32, #tpu.memory_space<vmem_shared>> -> memref<40x128xf32, #tpu.memory_space<vmem_shared>>
      %dma_start3A_121 = arith.constant 0 : i32
      %dma_start3A_122 = tpu.memref_slice %arg5[%add3A_47, %dma_start3A_121] : memref<10240x128xf32, #tpu.memory_space<vmem_shared>> -> memref<40x128xf32, #tpu.memory_space<vmem_shared>>
      %dma_start3A_123 = arith.constant 0 : i32
      %dma_start3A_124 = arith.constant 0 : i32
      %dma_start3A_125 = tpu.memref_slice %arg8[%dma_start3A_123, %dma_start3A_124] : memref<50x128xf32, #tpu.memory_space<vmem>> -> memref<40x128xf32, #tpu.memory_space<vmem>>
      tpu.enqueue_dma source(%dma_start3A_125 : memref<40x128xf32, #tpu.memory_space<vmem>>) target(%dma_start3A_122 : memref<40x128xf32, #tpu.memory_space<vmem_shared>>) target_semaphore(%run_scoped3A_115 : memref<!tpu.dma_semaphore, #tpu.memory_space<semaphore_mem>>)
      %dma_wait3A = arith.constant 0 : i32
      %dma_wait3A_126 = arith.constant 0 : i32
      %dma_wait3A_127 = tpu.memref_slice %arg8[%dma_wait3A, %dma_wait3A_126] : memref<50x128xf32, #tpu.memory_space<vmem>> -> memref<40x128xf32, #tpu.memory_space<vmem>>
      %dma_wait3A_128 = arith.constant 0 : i32
      %dma_wait3A_129 = tpu.memref_slice %arg5[%add3A_47, %dma_wait3A_128] : memref<10240x128xf32, #tpu.memory_space<vmem_shared>> -> memref<40x128xf32, #tpu.memory_space<vmem_shared>>
      %dma_wait3A_130 = arith.constant 0 : i32
      %dma_wait3A_131 = tpu.memref_slice %arg5[%add3A_47, %dma_wait3A_130] : memref<10240x128xf32, #tpu.memory_space<vmem_shared>> -> memref<40x128xf32, #tpu.memory_space<vmem_shared>>
      %dma_wait3A_132 = arith.constant 0 : i32
      %dma_wait3A_133 = arith.constant 0 : i32
      %dma_wait3A_134 = tpu.memref_slice %arg8[%dma_wait3A_132, %dma_wait3A_133] : memref<50x128xf32, #tpu.memory_space<vmem>> -> memref<40x128xf32, #tpu.memory_space<vmem>>
      tpu.wait_dma2 semaphore(%run_scoped3A_115 : memref<!tpu.dma_semaphore, #tpu.memory_space<semaphore_mem>>) src(%dma_wait3A_134 : memref<40x128xf32, #tpu.memory_space<vmem>>) dst(%dma_wait3A_131 : memref<40x128xf32, #tpu.memory_space<vmem_shared>>)
      tpu.yield
    }) : () -> ()
    %mul3A_48 = arith.constant 640 : i32
    %mul3A_49 = arith.muli %arg1, %mul3A_48 : i32
    %add3A_50 = arith.constant 400 : i32
    %add3A_51 = arith.addi %mul3A_49, %add3A_50 : i32
    "tpu.region"() ({
      %run_scoped3A_115 = tpu.sem_alloc : memref<!tpu.dma_semaphore, #tpu.memory_space<semaphore_mem>>
      %dma_start3A_116 = arith.constant 0 : i32
      %dma_start3A_117 = arith.constant 0 : i32
      %dma_start3A_118 = tpu.memref_slice %arg8[%dma_start3A_116, %dma_start3A_117] : memref<50x128xf32, #tpu.memory_space<vmem>> -> memref<40x128xf32, #tpu.memory_space<vmem>>
      %dma_start3A_119 = arith.constant 0 : i32
      %dma_start3A_120 = tpu.memref_slice %arg5[%add3A_51, %dma_start3A_119] : memref<10240x128xf32, #tpu.memory_space<vmem_shared>> -> memref<40x128xf32, #tpu.memory_space<vmem_shared>>
      %dma_start3A_121 = arith.constant 0 : i32
      %dma_start3A_122 = tpu.memref_slice %arg5[%add3A_51, %dma_start3A_121] : memref<10240x128xf32, #tpu.memory_space<vmem_shared>> -> memref<40x128xf32, #tpu.memory_space<vmem_shared>>
      %dma_start3A_123 = arith.constant 0 : i32
      %dma_start3A_124 = arith.constant 0 : i32
      %dma_start3A_125 = tpu.memref_slice %arg8[%dma_start3A_123, %dma_start3A_124] : memref<50x128xf32, #tpu.memory_space<vmem>> -> memref<40x128xf32, #tpu.memory_space<vmem>>
      tpu.enqueue_dma source(%dma_start3A_125 : memref<40x128xf32, #tpu.memory_space<vmem>>) target(%dma_start3A_122 : memref<40x128xf32, #tpu.memory_space<vmem_shared>>) target_semaphore(%run_scoped3A_115 : memref<!tpu.dma_semaphore, #tpu.memory_space<semaphore_mem>>)
      %dma_wait3A = arith.constant 0 : i32
      %dma_wait3A_126 = arith.constant 0 : i32
      %dma_wait3A_127 = tpu.memref_slice %arg8[%dma_wait3A, %dma_wait3A_126] : memref<50x128xf32, #tpu.memory_space<vmem>> -> memref<40x128xf32, #tpu.memory_space<vmem>>
      %dma_wait3A_128 = arith.constant 0 : i32
      %dma_wait3A_129 = tpu.memref_slice %arg5[%add3A_51, %dma_wait3A_128] : memref<10240x128xf32, #tpu.memory_space<vmem_shared>> -> memref<40x128xf32, #tpu.memory_space<vmem_shared>>
      %dma_wait3A_130 = arith.constant 0 : i32
      %dma_wait3A_131 = tpu.memref_slice %arg5[%add3A_51, %dma_wait3A_130] : memref<10240x128xf32, #tpu.memory_space<vmem_shared>> -> memref<40x128xf32, #tpu.memory_space<vmem_shared>>
      %dma_wait3A_132 = arith.constant 0 : i32
      %dma_wait3A_133 = arith.constant 0 : i32
      %dma_wait3A_134 = tpu.memref_slice %arg8[%dma_wait3A_132, %dma_wait3A_133] : memref<50x128xf32, #tpu.memory_space<vmem>> -> memref<40x128xf32, #tpu.memory_space<vmem>>
      tpu.wait_dma2 semaphore(%run_scoped3A_115 : memref<!tpu.dma_semaphore, #tpu.memory_space<semaphore_mem>>) src(%dma_wait3A_134 : memref<40x128xf32, #tpu.memory_space<vmem>>) dst(%dma_wait3A_131 : memref<40x128xf32, #tpu.memory_space<vmem_shared>>)
      tpu.yield
    }) : () -> ()
    %mul3A_52 = arith.constant 640 : i32
    %mul3A_53 = arith.muli %arg1, %mul3A_52 : i32
    %add3A_54 = arith.constant 440 : i32
    %add3A_55 = arith.addi %mul3A_53, %add3A_54 : i32
    "tpu.region"() ({
      %run_scoped3A_115 = tpu.sem_alloc : memref<!tpu.dma_semaphore, #tpu.memory_space<semaphore_mem>>
      %dma_start3A_116 = arith.constant 0 : i32
      %dma_start3A_117 = arith.constant 0 : i32
      %dma_start3A_118 = tpu.memref_slice %arg8[%dma_start3A_116, %dma_start3A_117] : memref<50x128xf32, #tpu.memory_space<vmem>> -> memref<40x128xf32, #tpu.memory_space<vmem>>
      %dma_start3A_119 = arith.constant 0 : i32
      %dma_start3A_120 = tpu.memref_slice %arg5[%add3A_55, %dma_start3A_119] : memref<10240x128xf32, #tpu.memory_space<vmem_shared>> -> memref<40x128xf32, #tpu.memory_space<vmem_shared>>
      %dma_start3A_121 = arith.constant 0 : i32
      %dma_start3A_122 = tpu.memref_slice %arg5[%add3A_55, %dma_start3A_121] : memref<10240x128xf32, #tpu.memory_space<vmem_shared>> -> memref<40x128xf32, #tpu.memory_space<vmem_shared>>
      %dma_start3A_123 = arith.constant 0 : i32
      %dma_start3A_124 = arith.constant 0 : i32
      %dma_start3A_125 = tpu.memref_slice %arg8[%dma_start3A_123, %dma_start3A_124] : memref<50x128xf32, #tpu.memory_space<vmem>> -> memref<40x128xf32, #tpu.memory_space<vmem>>
      tpu.enqueue_dma source(%dma_start3A_125 : memref<40x128xf32, #tpu.memory_space<vmem>>) target(%dma_start3A_122 : memref<40x128xf32, #tpu.memory_space<vmem_shared>>) target_semaphore(%run_scoped3A_115 : memref<!tpu.dma_semaphore, #tpu.memory_space<semaphore_mem>>)
      %dma_wait3A = arith.constant 0 : i32
      %dma_wait3A_126 = arith.constant 0 : i32
      %dma_wait3A_127 = tpu.memref_slice %arg8[%dma_wait3A, %dma_wait3A_126] : memref<50x128xf32, #tpu.memory_space<vmem>> -> memref<40x128xf32, #tpu.memory_space<vmem>>
      %dma_wait3A_128 = arith.constant 0 : i32
      %dma_wait3A_129 = tpu.memref_slice %arg5[%add3A_55, %dma_wait3A_128] : memref<10240x128xf32, #tpu.memory_space<vmem_shared>> -> memref<40x128xf32, #tpu.memory_space<vmem_shared>>
      %dma_wait3A_130 = arith.constant 0 : i32
      %dma_wait3A_131 = tpu.memref_slice %arg5[%add3A_55, %dma_wait3A_130] : memref<10240x128xf32, #tpu.memory_space<vmem_shared>> -> memref<40x128xf32, #tpu.memory_space<vmem_shared>>
      %dma_wait3A_132 = arith.constant 0 : i32
      %dma_wait3A_133 = arith.constant 0 : i32
      %dma_wait3A_134 = tpu.memref_slice %arg8[%dma_wait3A_132, %dma_wait3A_133] : memref<50x128xf32, #tpu.memory_space<vmem>> -> memref<40x128xf32, #tpu.memory_space<vmem>>
      tpu.wait_dma2 semaphore(%run_scoped3A_115 : memref<!tpu.dma_semaphore, #tpu.memory_space<semaphore_mem>>) src(%dma_wait3A_134 : memref<40x128xf32, #tpu.memory_space<vmem>>) dst(%dma_wait3A_131 : memref<40x128xf32, #tpu.memory_space<vmem_shared>>)
      tpu.yield
    }) : () -> ()
    %mul3A_56 = arith.constant 640 : i32
    %mul3A_57 = arith.muli %arg1, %mul3A_56 : i32
    %add3A_58 = arith.constant 480 : i32
    %add3A_59 = arith.addi %mul3A_57, %add3A_58 : i32
    "tpu.region"() ({
      %run_scoped3A_115 = tpu.sem_alloc : memref<!tpu.dma_semaphore, #tpu.memory_space<semaphore_mem>>
      %dma_start3A_116 = arith.constant 0 : i32
      %dma_start3A_117 = arith.constant 0 : i32
      %dma_start3A_118 = tpu.memref_slice %arg8[%dma_start3A_116, %dma_start3A_117] : memref<50x128xf32, #tpu.memory_space<vmem>> -> memref<40x128xf32, #tpu.memory_space<vmem>>
      %dma_start3A_119 = arith.constant 0 : i32
      %dma_start3A_120 = tpu.memref_slice %arg5[%add3A_59, %dma_start3A_119] : memref<10240x128xf32, #tpu.memory_space<vmem_shared>> -> memref<40x128xf32, #tpu.memory_space<vmem_shared>>
      %dma_start3A_121 = arith.constant 0 : i32
      %dma_start3A_122 = tpu.memref_slice %arg5[%add3A_59, %dma_start3A_121] : memref<10240x128xf32, #tpu.memory_space<vmem_shared>> -> memref<40x128xf32, #tpu.memory_space<vmem_shared>>
      %dma_start3A_123 = arith.constant 0 : i32
      %dma_start3A_124 = arith.constant 0 : i32
      %dma_start3A_125 = tpu.memref_slice %arg8[%dma_start3A_123, %dma_start3A_124] : memref<50x128xf32, #tpu.memory_space<vmem>> -> memref<40x128xf32, #tpu.memory_space<vmem>>
      tpu.enqueue_dma source(%dma_start3A_125 : memref<40x128xf32, #tpu.memory_space<vmem>>) target(%dma_start3A_122 : memref<40x128xf32, #tpu.memory_space<vmem_shared>>) target_semaphore(%run_scoped3A_115 : memref<!tpu.dma_semaphore, #tpu.memory_space<semaphore_mem>>)
      %dma_wait3A = arith.constant 0 : i32
      %dma_wait3A_126 = arith.constant 0 : i32
      %dma_wait3A_127 = tpu.memref_slice %arg8[%dma_wait3A, %dma_wait3A_126] : memref<50x128xf32, #tpu.memory_space<vmem>> -> memref<40x128xf32, #tpu.memory_space<vmem>>
      %dma_wait3A_128 = arith.constant 0 : i32
      %dma_wait3A_129 = tpu.memref_slice %arg5[%add3A_59, %dma_wait3A_128] : memref<10240x128xf32, #tpu.memory_space<vmem_shared>> -> memref<40x128xf32, #tpu.memory_space<vmem_shared>>
      %dma_wait3A_130 = arith.constant 0 : i32
      %dma_wait3A_131 = tpu.memref_slice %arg5[%add3A_59, %dma_wait3A_130] : memref<10240x128xf32, #tpu.memory_space<vmem_shared>> -> memref<40x128xf32, #tpu.memory_space<vmem_shared>>
      %dma_wait3A_132 = arith.constant 0 : i32
      %dma_wait3A_133 = arith.constant 0 : i32
      %dma_wait3A_134 = tpu.memref_slice %arg8[%dma_wait3A_132, %dma_wait3A_133] : memref<50x128xf32, #tpu.memory_space<vmem>> -> memref<40x128xf32, #tpu.memory_space<vmem>>
      tpu.wait_dma2 semaphore(%run_scoped3A_115 : memref<!tpu.dma_semaphore, #tpu.memory_space<semaphore_mem>>) src(%dma_wait3A_134 : memref<40x128xf32, #tpu.memory_space<vmem>>) dst(%dma_wait3A_131 : memref<40x128xf32, #tpu.memory_space<vmem_shared>>)
      tpu.yield
    }) : () -> ()
    %mul3A_60 = arith.constant 640 : i32
    %mul3A_61 = arith.muli %arg1, %mul3A_60 : i32
    %add3A_62 = arith.constant 520 : i32
    %add3A_63 = arith.addi %mul3A_61, %add3A_62 : i32
    "tpu.region"() ({
      %run_scoped3A_115 = tpu.sem_alloc : memref<!tpu.dma_semaphore, #tpu.memory_space<semaphore_mem>>
      %dma_start3A_116 = arith.constant 0 : i32
      %dma_start3A_117 = arith.constant 0 : i32
      %dma_start3A_118 = tpu.memref_slice %arg8[%dma_start3A_116, %dma_start3A_117] : memref<50x128xf32, #tpu.memory_space<vmem>> -> memref<40x128xf32, #tpu.memory_space<vmem>>
      %dma_start3A_119 = arith.constant 0 : i32
      %dma_start3A_120 = tpu.memref_slice %arg5[%add3A_63, %dma_start3A_119] : memref<10240x128xf32, #tpu.memory_space<vmem_shared>> -> memref<40x128xf32, #tpu.memory_space<vmem_shared>>
      %dma_start3A_121 = arith.constant 0 : i32
      %dma_start3A_122 = tpu.memref_slice %arg5[%add3A_63, %dma_start3A_121] : memref<10240x128xf32, #tpu.memory_space<vmem_shared>> -> memref<40x128xf32, #tpu.memory_space<vmem_shared>>
      %dma_start3A_123 = arith.constant 0 : i32
      %dma_start3A_124 = arith.constant 0 : i32
      %dma_start3A_125 = tpu.memref_slice %arg8[%dma_start3A_123, %dma_start3A_124] : memref<50x128xf32, #tpu.memory_space<vmem>> -> memref<40x128xf32, #tpu.memory_space<vmem>>
      tpu.enqueue_dma source(%dma_start3A_125 : memref<40x128xf32, #tpu.memory_space<vmem>>) target(%dma_start3A_122 : memref<40x128xf32, #tpu.memory_space<vmem_shared>>) target_semaphore(%run_scoped3A_115 : memref<!tpu.dma_semaphore, #tpu.memory_space<semaphore_mem>>)
      %dma_wait3A = arith.constant 0 : i32
      %dma_wait3A_126 = arith.constant 0 : i32
      %dma_wait3A_127 = tpu.memref_slice %arg8[%dma_wait3A, %dma_wait3A_126] : memref<50x128xf32, #tpu.memory_space<vmem>> -> memref<40x128xf32, #tpu.memory_space<vmem>>
      %dma_wait3A_128 = arith.constant 0 : i32
      %dma_wait3A_129 = tpu.memref_slice %arg5[%add3A_63, %dma_wait3A_128] : memref<10240x128xf32, #tpu.memory_space<vmem_shared>> -> memref<40x128xf32, #tpu.memory_space<vmem_shared>>
      %dma_wait3A_130 = arith.constant 0 : i32
      %dma_wait3A_131 = tpu.memref_slice %arg5[%add3A_63, %dma_wait3A_130] : memref<10240x128xf32, #tpu.memory_space<vmem_shared>> -> memref<40x128xf32, #tpu.memory_space<vmem_shared>>
      %dma_wait3A_132 = arith.constant 0 : i32
      %dma_wait3A_133 = arith.constant 0 : i32
      %dma_wait3A_134 = tpu.memref_slice %arg8[%dma_wait3A_132, %dma_wait3A_133] : memref<50x128xf32, #tpu.memory_space<vmem>> -> memref<40x128xf32, #tpu.memory_space<vmem>>
      tpu.wait_dma2 semaphore(%run_scoped3A_115 : memref<!tpu.dma_semaphore, #tpu.memory_space<semaphore_mem>>) src(%dma_wait3A_134 : memref<40x128xf32, #tpu.memory_space<vmem>>) dst(%dma_wait3A_131 : memref<40x128xf32, #tpu.memory_space<vmem_shared>>)
      tpu.yield
    }) : () -> ()
    %mul3A_64 = arith.constant 640 : i32
    %mul3A_65 = arith.muli %arg1, %mul3A_64 : i32
    %add3A_66 = arith.constant 560 : i32
    %add3A_67 = arith.addi %mul3A_65, %add3A_66 : i32
    "tpu.region"() ({
      %run_scoped3A_115 = tpu.sem_alloc : memref<!tpu.dma_semaphore, #tpu.memory_space<semaphore_mem>>
      %dma_start3A_116 = arith.constant 0 : i32
      %dma_start3A_117 = arith.constant 0 : i32
      %dma_start3A_118 = tpu.memref_slice %arg8[%dma_start3A_116, %dma_start3A_117] : memref<50x128xf32, #tpu.memory_space<vmem>> -> memref<40x128xf32, #tpu.memory_space<vmem>>
      %dma_start3A_119 = arith.constant 0 : i32
      %dma_start3A_120 = tpu.memref_slice %arg5[%add3A_67, %dma_start3A_119] : memref<10240x128xf32, #tpu.memory_space<vmem_shared>> -> memref<40x128xf32, #tpu.memory_space<vmem_shared>>
      %dma_start3A_121 = arith.constant 0 : i32
      %dma_start3A_122 = tpu.memref_slice %arg5[%add3A_67, %dma_start3A_121] : memref<10240x128xf32, #tpu.memory_space<vmem_shared>> -> memref<40x128xf32, #tpu.memory_space<vmem_shared>>
      %dma_start3A_123 = arith.constant 0 : i32
      %dma_start3A_124 = arith.constant 0 : i32
      %dma_start3A_125 = tpu.memref_slice %arg8[%dma_start3A_123, %dma_start3A_124] : memref<50x128xf32, #tpu.memory_space<vmem>> -> memref<40x128xf32, #tpu.memory_space<vmem>>
      tpu.enqueue_dma source(%dma_start3A_125 : memref<40x128xf32, #tpu.memory_space<vmem>>) target(%dma_start3A_122 : memref<40x128xf32, #tpu.memory_space<vmem_shared>>) target_semaphore(%run_scoped3A_115 : memref<!tpu.dma_semaphore, #tpu.memory_space<semaphore_mem>>)
      %dma_wait3A = arith.constant 0 : i32
      %dma_wait3A_126 = arith.constant 0 : i32
      %dma_wait3A_127 = tpu.memref_slice %arg8[%dma_wait3A, %dma_wait3A_126] : memref<50x128xf32, #tpu.memory_space<vmem>> -> memref<40x128xf32, #tpu.memory_space<vmem>>
      %dma_wait3A_128 = arith.constant 0 : i32
      %dma_wait3A_129 = tpu.memref_slice %arg5[%add3A_67, %dma_wait3A_128] : memref<10240x128xf32, #tpu.memory_space<vmem_shared>> -> memref<40x128xf32, #tpu.memory_space<vmem_shared>>
      %dma_wait3A_130 = arith.constant 0 : i32
      %dma_wait3A_131 = tpu.memref_slice %arg5[%add3A_67, %dma_wait3A_130] : memref<10240x128xf32, #tpu.memory_space<vmem_shared>> -> memref<40x128xf32, #tpu.memory_space<vmem_shared>>
      %dma_wait3A_132 = arith.constant 0 : i32
      %dma_wait3A_133 = arith.constant 0 : i32
      %dma_wait3A_134 = tpu.memref_slice %arg8[%dma_wait3A_132, %dma_wait3A_133] : memref<50x128xf32, #tpu.memory_space<vmem>> -> memref<40x128xf32, #tpu.memory_space<vmem>>
      tpu.wait_dma2 semaphore(%run_scoped3A_115 : memref<!tpu.dma_semaphore, #tpu.memory_space<semaphore_mem>>) src(%dma_wait3A_134 : memref<40x128xf32, #tpu.memory_space<vmem>>) dst(%dma_wait3A_131 : memref<40x128xf32, #tpu.memory_space<vmem_shared>>)
      tpu.yield
    }) : () -> ()
    %mul3A_68 = arith.constant 640 : i32
    %mul3A_69 = arith.muli %arg1, %mul3A_68 : i32
    %add3A_70 = arith.constant 600 : i32
    %add3A_71 = arith.addi %mul3A_69, %add3A_70 : i32
    "tpu.region"() ({
      %run_scoped3A_115 = tpu.sem_alloc : memref<!tpu.dma_semaphore, #tpu.memory_space<semaphore_mem>>
      %dma_start3A_116 = arith.constant 0 : i32
      %dma_start3A_117 = arith.constant 0 : i32
      %dma_start3A_118 = tpu.memref_slice %arg8[%dma_start3A_116, %dma_start3A_117] : memref<50x128xf32, #tpu.memory_space<vmem>> -> memref<40x128xf32, #tpu.memory_space<vmem>>
      %dma_start3A_119 = arith.constant 0 : i32
      %dma_start3A_120 = tpu.memref_slice %arg5[%add3A_71, %dma_start3A_119] : memref<10240x128xf32, #tpu.memory_space<vmem_shared>> -> memref<40x128xf32, #tpu.memory_space<vmem_shared>>
      %dma_start3A_121 = arith.constant 0 : i32
      %dma_start3A_122 = tpu.memref_slice %arg5[%add3A_71, %dma_start3A_121] : memref<10240x128xf32, #tpu.memory_space<vmem_shared>> -> memref<40x128xf32, #tpu.memory_space<vmem_shared>>
      %dma_start3A_123 = arith.constant 0 : i32
      %dma_start3A_124 = arith.constant 0 : i32
      %dma_start3A_125 = tpu.memref_slice %arg8[%dma_start3A_123, %dma_start3A_124] : memref<50x128xf32, #tpu.memory_space<vmem>> -> memref<40x128xf32, #tpu.memory_space<vmem>>
      tpu.enqueue_dma source(%dma_start3A_125 : memref<40x128xf32, #tpu.memory_space<vmem>>) target(%dma_start3A_122 : memref<40x128xf32, #tpu.memory_space<vmem_shared>>) target_semaphore(%run_scoped3A_115 : memref<!tpu.dma_semaphore, #tpu.memory_space<semaphore_mem>>)
      %dma_wait3A = arith.constant 0 : i32
      %dma_wait3A_126 = arith.constant 0 : i32
      %dma_wait3A_127 = tpu.memref_slice %arg8[%dma_wait3A, %dma_wait3A_126] : memref<50x128xf32, #tpu.memory_space<vmem>> -> memref<40x128xf32, #tpu.memory_space<vmem>>
      %dma_wait3A_128 = arith.constant 0 : i32
      %dma_wait3A_129 = tpu.memref_slice %arg5[%add3A_71, %dma_wait3A_128] : memref<10240x128xf32, #tpu.memory_space<vmem_shared>> -> memref<40x128xf32, #tpu.memory_space<vmem_shared>>
      %dma_wait3A_130 = arith.constant 0 : i32
      %dma_wait3A_131 = tpu.memref_slice %arg5[%add3A_71, %dma_wait3A_130] : memref<10240x128xf32, #tpu.memory_space<vmem_shared>> -> memref<40x128xf32, #tpu.memory_space<vmem_shared>>
      %dma_wait3A_132 = arith.constant 0 : i32
      %dma_wait3A_133 = arith.constant 0 : i32
      %dma_wait3A_134 = tpu.memref_slice %arg8[%dma_wait3A_132, %dma_wait3A_133] : memref<50x128xf32, #tpu.memory_space<vmem>> -> memref<40x128xf32, #tpu.memory_space<vmem>>
      tpu.wait_dma2 semaphore(%run_scoped3A_115 : memref<!tpu.dma_semaphore, #tpu.memory_space<semaphore_mem>>) src(%dma_wait3A_134 : memref<40x128xf32, #tpu.memory_space<vmem>>) dst(%dma_wait3A_131 : memref<40x128xf32, #tpu.memory_space<vmem_shared>>)
      tpu.yield
    }) : () -> ()
    %run_scoped3A = arith.constant 0 : i32
    "tpu.region"() ({
      %run_scoped3A_115 = tpu.sem_alloc : memref<!tpu.dma_semaphore, #tpu.memory_space<semaphore_mem>>
      %dma_start3A_116 = arith.constant 0 : i32
      %dma_start3A_117 = arith.constant 0 : i32
      %dma_start3A_118 = tpu.memref_slice %arg3[%run_scoped3A, %add3A, %dma_start3A_116, %dma_start3A_117] : memref<2x32x200x50xi32, #tpu.memory_space<hbm>> -> memref<1x1x200x50xi32, #tpu.memory_space<hbm>>
      %dma_start3A_119 = tpu.memref_squeeze %dma_start3A_118 : memref<1x1x200x50xi32, #tpu.memory_space<hbm>> -> memref<200x50xi32, #tpu.memory_space<hbm>>
      %dma_start3A_120 = arith.constant 0 : i32
      %dma_start3A_121 = arith.constant 0 : i32
      %dma_start3A_122 = tpu.memref_slice %arg3[%run_scoped3A, %add3A, %dma_start3A_120, %dma_start3A_121] : memref<2x32x200x50xi32, #tpu.memory_space<hbm>> -> memref<1x1x200x50xi32, #tpu.memory_space<hbm>>
      %dma_start3A_123 = tpu.memref_squeeze %dma_start3A_122 : memref<1x1x200x50xi32, #tpu.memory_space<hbm>> -> memref<200x50xi32, #tpu.memory_space<hbm>>
      tpu.enqueue_dma source(%dma_start3A_123 : memref<200x50xi32, #tpu.memory_space<hbm>>) target(%arg6 : memref<200x50xi32, #tpu.memory_space<vmem>>) target_semaphore(%run_scoped3A_115 : memref<!tpu.dma_semaphore, #tpu.memory_space<semaphore_mem>>)
      %dma_wait3A = arith.constant 0 : i32
      %dma_wait3A_124 = arith.constant 0 : i32
      %dma_wait3A_125 = tpu.memref_slice %arg3[%run_scoped3A, %add3A, %dma_wait3A, %dma_wait3A_124] : memref<2x32x200x50xi32, #tpu.memory_space<hbm>> -> memref<1x1x200x50xi32, #tpu.memory_space<hbm>>
      %dma_wait3A_126 = tpu.memref_squeeze %dma_wait3A_125 : memref<1x1x200x50xi32, #tpu.memory_space<hbm>> -> memref<200x50xi32, #tpu.memory_space<hbm>>
      %dma_wait3A_127 = arith.constant 0 : i32
      %dma_wait3A_128 = arith.constant 0 : i32
      %dma_wait3A_129 = tpu.memref_slice %arg3[%run_scoped3A, %add3A, %dma_wait3A_127, %dma_wait3A_128] : memref<2x32x200x50xi32, #tpu.memory_space<hbm>> -> memref<1x1x200x50xi32, #tpu.memory_space<hbm>>
      %dma_wait3A_130 = tpu.memref_squeeze %dma_wait3A_129 : memref<1x1x200x50xi32, #tpu.memory_space<hbm>> -> memref<200x50xi32, #tpu.memory_space<hbm>>
      tpu.wait_dma2 semaphore(%run_scoped3A_115 : memref<!tpu.dma_semaphore, #tpu.memory_space<semaphore_mem>>) src(%dma_wait3A_130 : memref<200x50xi32, #tpu.memory_space<hbm>>) dst(%arg6 : memref<200x50xi32, #tpu.memory_space<vmem>>)
      tpu.yield
    }) : () -> ()
    %run_scoped3A_72 = arith.constant 1 : i32
    "tpu.region"() ({
      %run_scoped3A_115 = tpu.sem_alloc : memref<!tpu.dma_semaphore, #tpu.memory_space<semaphore_mem>>
      %dma_start3A_116 = arith.constant 0 : i32
      %dma_start3A_117 = arith.constant 0 : i32
      %dma_start3A_118 = tpu.memref_slice %arg3[%run_scoped3A_72, %add3A, %dma_start3A_116, %dma_start3A_117] : memref<2x32x200x50xi32, #tpu.memory_space<hbm>> -> memref<1x1x200x50xi32, #tpu.memory_space<hbm>>
      %dma_start3A_119 = tpu.memref_squeeze %dma_start3A_118 : memref<1x1x200x50xi32, #tpu.memory_space<hbm>> -> memref<200x50xi32, #tpu.memory_space<hbm>>
      %dma_start3A_120 = arith.constant 0 : i32
      %dma_start3A_121 = arith.constant 0 : i32
      %dma_start3A_122 = tpu.memref_slice %arg3[%run_scoped3A_72, %add3A, %dma_start3A_120, %dma_start3A_121] : memref<2x32x200x50xi32, #tpu.memory_space<hbm>> -> memref<1x1x200x50xi32, #tpu.memory_space<hbm>>
      %dma_start3A_123 = tpu.memref_squeeze %dma_start3A_122 : memref<1x1x200x50xi32, #tpu.memory_space<hbm>> -> memref<200x50xi32, #tpu.memory_space<hbm>>
      tpu.enqueue_dma source(%dma_start3A_123 : memref<200x50xi32, #tpu.memory_space<hbm>>) target(%arg7 : memref<200x50xi32, #tpu.memory_space<vmem>>) target_semaphore(%run_scoped3A_115 : memref<!tpu.dma_semaphore, #tpu.memory_space<semaphore_mem>>)
      %dma_wait3A = arith.constant 0 : i32
      %dma_wait3A_124 = arith.constant 0 : i32
      %dma_wait3A_125 = tpu.memref_slice %arg3[%run_scoped3A_72, %add3A, %dma_wait3A, %dma_wait3A_124] : memref<2x32x200x50xi32, #tpu.memory_space<hbm>> -> memref<1x1x200x50xi32, #tpu.memory_space<hbm>>
      %dma_wait3A_126 = tpu.memref_squeeze %dma_wait3A_125 : memref<1x1x200x50xi32, #tpu.memory_space<hbm>> -> memref<200x50xi32, #tpu.memory_space<hbm>>
      %dma_wait3A_127 = arith.constant 0 : i32
      %dma_wait3A_128 = arith.constant 0 : i32
      %dma_wait3A_129 = tpu.memref_slice %arg3[%run_scoped3A_72, %add3A, %dma_wait3A_127, %dma_wait3A_128] : memref<2x32x200x50xi32, #tpu.memory_space<hbm>> -> memref<1x1x200x50xi32, #tpu.memory_space<hbm>>
      %dma_wait3A_130 = tpu.memref_squeeze %dma_wait3A_129 : memref<1x1x200x50xi32, #tpu.memory_space<hbm>> -> memref<200x50xi32, #tpu.memory_space<hbm>>
      tpu.wait_dma2 semaphore(%run_scoped3A_115 : memref<!tpu.dma_semaphore, #tpu.memory_space<semaphore_mem>>) src(%dma_wait3A_130 : memref<200x50xi32, #tpu.memory_space<hbm>>) dst(%arg7 : memref<200x50xi32, #tpu.memory_space<vmem>>)
      tpu.yield
    }) : () -> ()
    %barrier3A = arith.constant 0 : index
    tpu.barrier barrier_id(%barrier3A)
    %dma_start3A = arith.constant 0 : i32
    %dma_start3A_73 = arith.constant 0 : i32
    %dma_start3A_74 = tpu.memref_slice %arg6[%dma_start3A, %dma_start3A_73] : memref<200x50xi32, #tpu.memory_space<vmem>> -> memref<1x50xi32, #tpu.memory_space<vmem>>
    %dma_start3A_75 = tpu.memref_squeeze %dma_start3A_74 : memref<1x50xi32, #tpu.memory_space<vmem>> -> memref<50xi32, #tpu.memory_space<vmem>>
    %dma_start3A_76 = arith.constant 0 : i32
    %dma_start3A_77 = arith.constant 0 : i32
    %dma_start3A_78 = tpu.memref_slice %arg2[%dma_start3A_76, %dma_start3A_77] : memref<10000x128xf32, #tpu.memory_space<hbm>> -> memref<10000x128xf32, #tpu.memory_space<hbm>>
    tpu.enqueue_indirect_dma source(%dma_start3A_78 : memref<10000x128xf32, #tpu.memory_space<hbm>>) target(%arg8 : memref<50x128xf32, #tpu.memory_space<vmem>>) offsets(%dma_start3A_75 : memref<50xi32, #tpu.memory_space<vmem>>) semaphore(%arg12 : memref<!tpu.dma_semaphore, #tpu.memory_space<semaphore_mem>>)
    %dma_start3A_79 = arith.constant 1 : i32
    %dma_start3A_80 = arith.constant 0 : i32
    %dma_start3A_81 = tpu.memref_slice %arg6[%dma_start3A_79, %dma_start3A_80] : memref<200x50xi32, #tpu.memory_space<vmem>> -> memref<1x50xi32, #tpu.memory_space<vmem>>
    %dma_start3A_82 = tpu.memref_squeeze %dma_start3A_81 : memref<1x50xi32, #tpu.memory_space<vmem>> -> memref<50xi32, #tpu.memory_space<vmem>>
    %dma_start3A_83 = arith.constant 0 : i32
    %dma_start3A_84 = arith.constant 0 : i32
    %dma_start3A_85 = tpu.memref_slice %arg2[%dma_start3A_83, %dma_start3A_84] : memref<10000x128xf32, #tpu.memory_space<hbm>> -> memref<10000x128xf32, #tpu.memory_space<hbm>>
    tpu.enqueue_indirect_dma source(%dma_start3A_85 : memref<10000x128xf32, #tpu.memory_space<hbm>>) target(%arg9 : memref<50x128xf32, #tpu.memory_space<vmem>>) offsets(%dma_start3A_82 : memref<50xi32, #tpu.memory_space<vmem>>) semaphore(%arg12 : memref<!tpu.dma_semaphore, #tpu.memory_space<semaphore_mem>>)
    %dma_start3A_86 = arith.constant 2 : i32
    %dma_start3A_87 = arith.constant 0 : i32
    %dma_start3A_88 = tpu.memref_slice %arg6[%dma_start3A_86, %dma_start3A_87] : memref<200x50xi32, #tpu.memory_space<vmem>> -> memref<1x50xi32, #tpu.memory_space<vmem>>
    %dma_start3A_89 = tpu.memref_squeeze %dma_start3A_88 : memref<1x50xi32, #tpu.memory_space<vmem>> -> memref<50xi32, #tpu.memory_space<vmem>>
    %dma_start3A_90 = arith.constant 0 : i32
    %dma_start3A_91 = arith.constant 0 : i32
    %dma_start3A_92 = tpu.memref_slice %arg2[%dma_start3A_90, %dma_start3A_91] : memref<10000x128xf32, #tpu.memory_space<hbm>> -> memref<10000x128xf32, #tpu.memory_space<hbm>>
    tpu.enqueue_indirect_dma source(%dma_start3A_92 : memref<10000x128xf32, #tpu.memory_space<hbm>>) target(%arg10 : memref<50x128xf32, #tpu.memory_space<vmem>>) offsets(%dma_start3A_89 : memref<50xi32, #tpu.memory_space<vmem>>) semaphore(%arg12 : memref<!tpu.dma_semaphore, #tpu.memory_space<semaphore_mem>>)
    %dma_start3A_93 = arith.constant 3 : i32
    %dma_start3A_94 = arith.constant 0 : i32
    %dma_start3A_95 = tpu.memref_slice %arg6[%dma_start3A_93, %dma_start3A_94] : memref<200x50xi32, #tpu.memory_space<vmem>> -> memref<1x50xi32, #tpu.memory_space<vmem>>
    %dma_start3A_96 = tpu.memref_squeeze %dma_start3A_95 : memref<1x50xi32, #tpu.memory_space<vmem>> -> memref<50xi32, #tpu.memory_space<vmem>>
    %dma_start3A_97 = arith.constant 0 : i32
    %dma_start3A_98 = arith.constant 0 : i32
    %dma_start3A_99 = tpu.memref_slice %arg2[%dma_start3A_97, %dma_start3A_98] : memref<10000x128xf32, #tpu.memory_space<hbm>> -> memref<10000x128xf32, #tpu.memory_space<hbm>>
    tpu.enqueue_indirect_dma source(%dma_start3A_99 : memref<10000x128xf32, #tpu.memory_space<hbm>>) target(%arg11 : memref<50x128xf32, #tpu.memory_space<vmem>>) offsets(%dma_start3A_96 : memref<50xi32, #tpu.memory_space<vmem>>) semaphore(%arg12 : memref<!tpu.dma_semaphore, #tpu.memory_space<semaphore_mem>>)
    %scan3A_100 = arith.constant 0 : i32
    %scan3A_101 = arith.constant 0 : i32
    %scan3A_102 = arith.constant 50 : i32
    %scan3A_103 = arith.addi %scan3A_101, %scan3A_102 : i32
    %scan3A_104 = arith.constant 1 : i32
    %scan3A_105 = scf.for %scan3A_115 = %scan3A_101 to %scan3A_103 step %scan3A_104 iter_args(%scan3A_116 = %scan3A_100) -> (i32)  : i32 {
      %mul3A_117 = arith.constant 4 : i32
      %mul3A_118 = arith.muli %scan3A_115, %mul3A_117 : i32
      %add3A_119 = arith.constant 0 : i32
      %add3A_120 = arith.addi %mul3A_118, %add3A_119 : i32
      %dma_wait3A = arith.constant 0 : i32
      %dma_wait3A_121 = tpu.memref_slice %arg6[%add3A_120, %dma_wait3A] : memref<200x50xi32, #tpu.memory_space<vmem>> -> memref<1x50xi32, #tpu.memory_space<vmem>>
      %dma_wait3A_122 = tpu.memref_squeeze %dma_wait3A_121 : memref<1x50xi32, #tpu.memory_space<vmem>> -> memref<50xi32, #tpu.memory_space<vmem>>
      %dma_wait3A_123 = arith.constant 0 : i32
      %dma_wait3A_124 = arith.constant 0 : i32
      %dma_wait3A_125 = tpu.memref_slice %arg2[%dma_wait3A_123, %dma_wait3A_124] : memref<10000x128xf32, #tpu.memory_space<hbm>> -> memref<10000x128xf32, #tpu.memory_space<hbm>>
      tpu.wait_indirect_dma semaphore(%arg12 : memref<!tpu.dma_semaphore, #tpu.memory_space<semaphore_mem>>) src(%dma_wait3A_125 : memref<10000x128xf32, #tpu.memory_space<hbm>>) dst(%arg8 : memref<50x128xf32, #tpu.memory_space<vmem>>)
      "tpu.region"() ({
        %run_scoped3A_174 = tpu.sem_alloc : memref<!tpu.dma_semaphore, #tpu.memory_space<semaphore_mem>>
        %dma_start3A_175 = arith.constant 0 : i32
        %dma_start3A_176 = tpu.memref_slice %arg7[%add3A_120, %dma_start3A_175] : memref<200x50xi32, #tpu.memory_space<vmem>> -> memref<1x50xi32, #tpu.memory_space<vmem>>
        %dma_start3A_177 = tpu.memref_squeeze %dma_start3A_176 : memref<1x50xi32, #tpu.memory_space<vmem>> -> memref<50xi32, #tpu.memory_space<vmem>>
        %dma_start3A_178 = arith.constant 0 : i32
        %dma_start3A_179 = arith.constant 0 : i32
        %dma_start3A_180 = tpu.memref_slice %arg5[%dma_start3A_178, %dma_start3A_179] : memref<10240x128xf32, #tpu.memory_space<vmem_shared>> -> memref<10240x128xf32, #tpu.memory_space<vmem_shared>>
        tpu.enqueue_indirect_dma source(%arg8 : memref<50x128xf32, #tpu.memory_space<vmem>>) target(%dma_start3A_180 : memref<10240x128xf32, #tpu.memory_space<vmem_shared>>) offsets(%dma_start3A_177 : memref<50xi32, #tpu.memory_space<vmem>>) semaphore(%run_scoped3A_174 : memref<!tpu.dma_semaphore, #tpu.memory_space<semaphore_mem>>) {add = true}
        %dma_wait3A_181 = arith.constant 0 : i32
        %dma_wait3A_182 = tpu.memref_slice %arg7[%add3A_120, %dma_wait3A_181] : memref<200x50xi32, #tpu.memory_space<vmem>> -> memref<1x50xi32, #tpu.memory_space<vmem>>
        %dma_wait3A_183 = tpu.memref_squeeze %dma_wait3A_182 : memref<1x50xi32, #tpu.memory_space<vmem>> -> memref<50xi32, #tpu.memory_space<vmem>>
        %dma_wait3A_184 = arith.constant 0 : i32
        %dma_wait3A_185 = arith.constant 0 : i32
        %dma_wait3A_186 = tpu.memref_slice %arg5[%dma_wait3A_184, %dma_wait3A_185] : memref<10240x128xf32, #tpu.memory_space<vmem_shared>> -> memref<10240x128xf32, #tpu.memory_space<vmem_shared>>
        tpu.wait_indirect_dma semaphore(%run_scoped3A_174 : memref<!tpu.dma_semaphore, #tpu.memory_space<semaphore_mem>>) src(%arg8 : memref<50x128xf32, #tpu.memory_space<vmem>>) dst(%dma_wait3A_186 : memref<10240x128xf32, #tpu.memory_space<vmem_shared>>)
        tpu.yield
      }) : () -> ()
      %lt3A = arith.constant 49 : i32
      %lt3A_126 = arith.cmpi slt, %scan3A_115, %lt3A : i32
      %convert_element_type3A = arith.extui %lt3A_126 : i1 to i32
      %cond3A = arith.constant 0 : i32
      %cond3A_127 = arith.cmpi ne, %convert_element_type3A, %cond3A : i32
      scf.if %cond3A_127 {
        %add3A_174 = arith.constant 4 : i32
        %add3A_175 = arith.addi %add3A_120, %add3A_174 : i32
        %dma_start3A_176 = arith.constant 0 : i32
        %dma_start3A_177 = tpu.memref_slice %arg6[%add3A_175, %dma_start3A_176] : memref<200x50xi32, #tpu.memory_space<vmem>> -> memref<1x50xi32, #tpu.memory_space<vmem>>
        %dma_start3A_178 = tpu.memref_squeeze %dma_start3A_177 : memref<1x50xi32, #tpu.memory_space<vmem>> -> memref<50xi32, #tpu.memory_space<vmem>>
        %dma_start3A_179 = arith.constant 0 : i32
        %dma_start3A_180 = arith.constant 0 : i32
        %dma_start3A_181 = tpu.memref_slice %arg2[%dma_start3A_179, %dma_start3A_180] : memref<10000x128xf32, #tpu.memory_space<hbm>> -> memref<10000x128xf32, #tpu.memory_space<hbm>>
        tpu.enqueue_indirect_dma source(%dma_start3A_181 : memref<10000x128xf32, #tpu.memory_space<hbm>>) target(%arg8 : memref<50x128xf32, #tpu.memory_space<vmem>>) offsets(%dma_start3A_178 : memref<50xi32, #tpu.memory_space<vmem>>) semaphore(%arg12 : memref<!tpu.dma_semaphore, #tpu.memory_space<semaphore_mem>>)
      } else {
      }
      %mul3A_128 = arith.constant 4 : i32
      %mul3A_129 = arith.muli %scan3A_115, %mul3A_128 : i32
      %add3A_130 = arith.constant 1 : i32
      %add3A_131 = arith.addi %mul3A_129, %add3A_130 : i32
      %dma_wait3A_132 = arith.constant 0 : i32
      %dma_wait3A_133 = tpu.memref_slice %arg6[%add3A_131, %dma_wait3A_132] : memref<200x50xi32, #tpu.memory_space<vmem>> -> memref<1x50xi32, #tpu.memory_space<vmem>>
      %dma_wait3A_134 = tpu.memref_squeeze %dma_wait3A_133 : memref<1x50xi32, #tpu.memory_space<vmem>> -> memref<50xi32, #tpu.memory_space<vmem>>
      %dma_wait3A_135 = arith.constant 0 : i32
      %dma_wait3A_136 = arith.constant 0 : i32
      %dma_wait3A_137 = tpu.memref_slice %arg2[%dma_wait3A_135, %dma_wait3A_136] : memref<10000x128xf32, #tpu.memory_space<hbm>> -> memref<10000x128xf32, #tpu.memory_space<hbm>>
      tpu.wait_indirect_dma semaphore(%arg12 : memref<!tpu.dma_semaphore, #tpu.memory_space<semaphore_mem>>) src(%dma_wait3A_137 : memref<10000x128xf32, #tpu.memory_space<hbm>>) dst(%arg9 : memref<50x128xf32, #tpu.memory_space<vmem>>)
      "tpu.region"() ({
        %run_scoped3A_174 = tpu.sem_alloc : memref<!tpu.dma_semaphore, #tpu.memory_space<semaphore_mem>>
        %dma_start3A_175 = arith.constant 0 : i32
        %dma_start3A_176 = tpu.memref_slice %arg7[%add3A_131, %dma_start3A_175] : memref<200x50xi32, #tpu.memory_space<vmem>> -> memref<1x50xi32, #tpu.memory_space<vmem>>
        %dma_start3A_177 = tpu.memref_squeeze %dma_start3A_176 : memref<1x50xi32, #tpu.memory_space<vmem>> -> memref<50xi32, #tpu.memory_space<vmem>>
        %dma_start3A_178 = arith.constant 0 : i32
        %dma_start3A_179 = arith.constant 0 : i32
        %dma_start3A_180 = tpu.memref_slice %arg5[%dma_start3A_178, %dma_start3A_179] : memref<10240x128xf32, #tpu.memory_space<vmem_shared>> -> memref<10240x128xf32, #tpu.memory_space<vmem_shared>>
        tpu.enqueue_indirect_dma source(%arg9 : memref<50x128xf32, #tpu.memory_space<vmem>>) target(%dma_start3A_180 : memref<10240x128xf32, #tpu.memory_space<vmem_shared>>) offsets(%dma_start3A_177 : memref<50xi32, #tpu.memory_space<vmem>>) semaphore(%run_scoped3A_174 : memref<!tpu.dma_semaphore, #tpu.memory_space<semaphore_mem>>) {add = true}
        %dma_wait3A_181 = arith.constant 0 : i32
        %dma_wait3A_182 = tpu.memref_slice %arg7[%add3A_131, %dma_wait3A_181] : memref<200x50xi32, #tpu.memory_space<vmem>> -> memref<1x50xi32, #tpu.memory_space<vmem>>
        %dma_wait3A_183 = tpu.memref_squeeze %dma_wait3A_182 : memref<1x50xi32, #tpu.memory_space<vmem>> -> memref<50xi32, #tpu.memory_space<vmem>>
        %dma_wait3A_184 = arith.constant 0 : i32
        %dma_wait3A_185 = arith.constant 0 : i32
        %dma_wait3A_186 = tpu.memref_slice %arg5[%dma_wait3A_184, %dma_wait3A_185] : memref<10240x128xf32, #tpu.memory_space<vmem_shared>> -> memref<10240x128xf32, #tpu.memory_space<vmem_shared>>
        tpu.wait_indirect_dma semaphore(%run_scoped3A_174 : memref<!tpu.dma_semaphore, #tpu.memory_space<semaphore_mem>>) src(%arg9 : memref<50x128xf32, #tpu.memory_space<vmem>>) dst(%dma_wait3A_186 : memref<10240x128xf32, #tpu.memory_space<vmem_shared>>)
        tpu.yield
      }) : () -> ()
      %lt3A_138 = arith.constant 49 : i32
      %lt3A_139 = arith.cmpi slt, %scan3A_115, %lt3A_138 : i32
      %convert_element_type3A_140 = arith.extui %lt3A_139 : i1 to i32
      %cond3A_141 = arith.constant 0 : i32
      %cond3A_142 = arith.cmpi ne, %convert_element_type3A_140, %cond3A_141 : i32
      scf.if %cond3A_142 {
        %add3A_174 = arith.constant 4 : i32
        %add3A_175 = arith.addi %add3A_131, %add3A_174 : i32
        %dma_start3A_176 = arith.constant 0 : i32
        %dma_start3A_177 = tpu.memref_slice %arg6[%add3A_175, %dma_start3A_176] : memref<200x50xi32, #tpu.memory_space<vmem>> -> memref<1x50xi32, #tpu.memory_space<vmem>>
        %dma_start3A_178 = tpu.memref_squeeze %dma_start3A_177 : memref<1x50xi32, #tpu.memory_space<vmem>> -> memref<50xi32, #tpu.memory_space<vmem>>
        %dma_start3A_179 = arith.constant 0 : i32
        %dma_start3A_180 = arith.constant 0 : i32
        %dma_start3A_181 = tpu.memref_slice %arg2[%dma_start3A_179, %dma_start3A_180] : memref<10000x128xf32, #tpu.memory_space<hbm>> -> memref<10000x128xf32, #tpu.memory_space<hbm>>
        tpu.enqueue_indirect_dma source(%dma_start3A_181 : memref<10000x128xf32, #tpu.memory_space<hbm>>) target(%arg9 : memref<50x128xf32, #tpu.memory_space<vmem>>) offsets(%dma_start3A_178 : memref<50xi32, #tpu.memory_space<vmem>>) semaphore(%arg12 : memref<!tpu.dma_semaphore, #tpu.memory_space<semaphore_mem>>)
      } else {
      }
      %mul3A_143 = arith.constant 4 : i32
      %mul3A_144 = arith.muli %scan3A_115, %mul3A_143 : i32
      %add3A_145 = arith.constant 2 : i32
      %add3A_146 = arith.addi %mul3A_144, %add3A_145 : i32
      %dma_wait3A_147 = arith.constant 0 : i32
      %dma_wait3A_148 = tpu.memref_slice %arg6[%add3A_146, %dma_wait3A_147] : memref<200x50xi32, #tpu.memory_space<vmem>> -> memref<1x50xi32, #tpu.memory_space<vmem>>
      %dma_wait3A_149 = tpu.memref_squeeze %dma_wait3A_148 : memref<1x50xi32, #tpu.memory_space<vmem>> -> memref<50xi32, #tpu.memory_space<vmem>>
      %dma_wait3A_150 = arith.constant 0 : i32
      %dma_wait3A_151 = arith.constant 0 : i32
      %dma_wait3A_152 = tpu.memref_slice %arg2[%dma_wait3A_150, %dma_wait3A_151] : memref<10000x128xf32, #tpu.memory_space<hbm>> -> memref<10000x128xf32, #tpu.memory_space<hbm>>
      tpu.wait_indirect_dma semaphore(%arg12 : memref<!tpu.dma_semaphore, #tpu.memory_space<semaphore_mem>>) src(%dma_wait3A_152 : memref<10000x128xf32, #tpu.memory_space<hbm>>) dst(%arg10 : memref<50x128xf32, #tpu.memory_space<vmem>>)
      "tpu.region"() ({
        %run_scoped3A_174 = tpu.sem_alloc : memref<!tpu.dma_semaphore, #tpu.memory_space<semaphore_mem>>
        %dma_start3A_175 = arith.constant 0 : i32
        %dma_start3A_176 = tpu.memref_slice %arg7[%add3A_146, %dma_start3A_175] : memref<200x50xi32, #tpu.memory_space<vmem>> -> memref<1x50xi32, #tpu.memory_space<vmem>>
        %dma_start3A_177 = tpu.memref_squeeze %dma_start3A_176 : memref<1x50xi32, #tpu.memory_space<vmem>> -> memref<50xi32, #tpu.memory_space<vmem>>
        %dma_start3A_178 = arith.constant 0 : i32
        %dma_start3A_179 = arith.constant 0 : i32
        %dma_start3A_180 = tpu.memref_slice %arg5[%dma_start3A_178, %dma_start3A_179] : memref<10240x128xf32, #tpu.memory_space<vmem_shared>> -> memref<10240x128xf32, #tpu.memory_space<vmem_shared>>
        tpu.enqueue_indirect_dma source(%arg10 : memref<50x128xf32, #tpu.memory_space<vmem>>) target(%dma_start3A_180 : memref<10240x128xf32, #tpu.memory_space<vmem_shared>>) offsets(%dma_start3A_177 : memref<50xi32, #tpu.memory_space<vmem>>) semaphore(%run_scoped3A_174 : memref<!tpu.dma_semaphore, #tpu.memory_space<semaphore_mem>>) {add = true}
        %dma_wait3A_181 = arith.constant 0 : i32
        %dma_wait3A_182 = tpu.memref_slice %arg7[%add3A_146, %dma_wait3A_181] : memref<200x50xi32, #tpu.memory_space<vmem>> -> memref<1x50xi32, #tpu.memory_space<vmem>>
        %dma_wait3A_183 = tpu.memref_squeeze %dma_wait3A_182 : memref<1x50xi32, #tpu.memory_space<vmem>> -> memref<50xi32, #tpu.memory_space<vmem>>
        %dma_wait3A_184 = arith.constant 0 : i32
        %dma_wait3A_185 = arith.constant 0 : i32
        %dma_wait3A_186 = tpu.memref_slice %arg5[%dma_wait3A_184, %dma_wait3A_185] : memref<10240x128xf32, #tpu.memory_space<vmem_shared>> -> memref<10240x128xf32, #tpu.memory_space<vmem_shared>>
        tpu.wait_indirect_dma semaphore(%run_scoped3A_174 : memref<!tpu.dma_semaphore, #tpu.memory_space<semaphore_mem>>) src(%arg10 : memref<50x128xf32, #tpu.memory_space<vmem>>) dst(%dma_wait3A_186 : memref<10240x128xf32, #tpu.memory_space<vmem_shared>>)
        tpu.yield
      }) : () -> ()
      %lt3A_153 = arith.constant 49 : i32
      %lt3A_154 = arith.cmpi slt, %scan3A_115, %lt3A_153 : i32
      %convert_element_type3A_155 = arith.extui %lt3A_154 : i1 to i32
      %cond3A_156 = arith.constant 0 : i32
      %cond3A_157 = arith.cmpi ne, %convert_element_type3A_155, %cond3A_156 : i32
      scf.if %cond3A_157 {
        %add3A_174 = arith.constant 4 : i32
        %add3A_175 = arith.addi %add3A_146, %add3A_174 : i32
        %dma_start3A_176 = arith.constant 0 : i32
        %dma_start3A_177 = tpu.memref_slice %arg6[%add3A_175, %dma_start3A_176] : memref<200x50xi32, #tpu.memory_space<vmem>> -> memref<1x50xi32, #tpu.memory_space<vmem>>
        %dma_start3A_178 = tpu.memref_squeeze %dma_start3A_177 : memref<1x50xi32, #tpu.memory_space<vmem>> -> memref<50xi32, #tpu.memory_space<vmem>>
        %dma_start3A_179 = arith.constant 0 : i32
        %dma_start3A_180 = arith.constant 0 : i32
        %dma_start3A_181 = tpu.memref_slice %arg2[%dma_start3A_179, %dma_start3A_180] : memref<10000x128xf32, #tpu.memory_space<hbm>> -> memref<10000x128xf32, #tpu.memory_space<hbm>>
        tpu.enqueue_indirect_dma source(%dma_start3A_181 : memref<10000x128xf32, #tpu.memory_space<hbm>>) target(%arg10 : memref<50x128xf32, #tpu.memory_space<vmem>>) offsets(%dma_start3A_178 : memref<50xi32, #tpu.memory_space<vmem>>) semaphore(%arg12 : memref<!tpu.dma_semaphore, #tpu.memory_space<semaphore_mem>>)
      } else {
      }
      %mul3A_158 = arith.constant 4 : i32
      %mul3A_159 = arith.muli %scan3A_115, %mul3A_158 : i32
      %add3A_160 = arith.constant 3 : i32
      %add3A_161 = arith.addi %mul3A_159, %add3A_160 : i32
      %dma_wait3A_162 = arith.constant 0 : i32
      %dma_wait3A_163 = tpu.memref_slice %arg6[%add3A_161, %dma_wait3A_162] : memref<200x50xi32, #tpu.memory_space<vmem>> -> memref<1x50xi32, #tpu.memory_space<vmem>>
      %dma_wait3A_164 = tpu.memref_squeeze %dma_wait3A_163 : memref<1x50xi32, #tpu.memory_space<vmem>> -> memref<50xi32, #tpu.memory_space<vmem>>
      %dma_wait3A_165 = arith.constant 0 : i32
      %dma_wait3A_166 = arith.constant 0 : i32
      %dma_wait3A_167 = tpu.memref_slice %arg2[%dma_wait3A_165, %dma_wait3A_166] : memref<10000x128xf32, #tpu.memory_space<hbm>> -> memref<10000x128xf32, #tpu.memory_space<hbm>>
      tpu.wait_indirect_dma semaphore(%arg12 : memref<!tpu.dma_semaphore, #tpu.memory_space<semaphore_mem>>) src(%dma_wait3A_167 : memref<10000x128xf32, #tpu.memory_space<hbm>>) dst(%arg11 : memref<50x128xf32, #tpu.memory_space<vmem>>)
      "tpu.region"() ({
        %run_scoped3A_174 = tpu.sem_alloc : memref<!tpu.dma_semaphore, #tpu.memory_space<semaphore_mem>>
        %dma_start3A_175 = arith.constant 0 : i32
        %dma_start3A_176 = tpu.memref_slice %arg7[%add3A_161, %dma_start3A_175] : memref<200x50xi32, #tpu.memory_space<vmem>> -> memref<1x50xi32, #tpu.memory_space<vmem>>
        %dma_start3A_177 = tpu.memref_squeeze %dma_start3A_176 : memref<1x50xi32, #tpu.memory_space<vmem>> -> memref<50xi32, #tpu.memory_space<vmem>>
        %dma_start3A_178 = arith.constant 0 : i32
        %dma_start3A_179 = arith.constant 0 : i32
        %dma_start3A_180 = tpu.memref_slice %arg5[%dma_start3A_178, %dma_start3A_179] : memref<10240x128xf32, #tpu.memory_space<vmem_shared>> -> memref<10240x128xf32, #tpu.memory_space<vmem_shared>>
        tpu.enqueue_indirect_dma source(%arg11 : memref<50x128xf32, #tpu.memory_space<vmem>>) target(%dma_start3A_180 : memref<10240x128xf32, #tpu.memory_space<vmem_shared>>) offsets(%dma_start3A_177 : memref<50xi32, #tpu.memory_space<vmem>>) semaphore(%run_scoped3A_174 : memref<!tpu.dma_semaphore, #tpu.memory_space<semaphore_mem>>) {add = true}
        %dma_wait3A_181 = arith.constant 0 : i32
        %dma_wait3A_182 = tpu.memref_slice %arg7[%add3A_161, %dma_wait3A_181] : memref<200x50xi32, #tpu.memory_space<vmem>> -> memref<1x50xi32, #tpu.memory_space<vmem>>
        %dma_wait3A_183 = tpu.memref_squeeze %dma_wait3A_182 : memref<1x50xi32, #tpu.memory_space<vmem>> -> memref<50xi32, #tpu.memory_space<vmem>>
        %dma_wait3A_184 = arith.constant 0 : i32
        %dma_wait3A_185 = arith.constant 0 : i32
        %dma_wait3A_186 = tpu.memref_slice %arg5[%dma_wait3A_184, %dma_wait3A_185] : memref<10240x128xf32, #tpu.memory_space<vmem_shared>> -> memref<10240x128xf32, #tpu.memory_space<vmem_shared>>
        tpu.wait_indirect_dma semaphore(%run_scoped3A_174 : memref<!tpu.dma_semaphore, #tpu.memory_space<semaphore_mem>>) src(%arg11 : memref<50x128xf32, #tpu.memory_space<vmem>>) dst(%dma_wait3A_186 : memref<10240x128xf32, #tpu.memory_space<vmem_shared>>)
        tpu.yield
      }) : () -> ()
      %lt3A_168 = arith.constant 49 : i32
      %lt3A_169 = arith.cmpi slt, %scan3A_115, %lt3A_168 : i32
      %convert_element_type3A_170 = arith.extui %lt3A_169 : i1 to i32
      %cond3A_171 = arith.constant 0 : i32
      %cond3A_172 = arith.cmpi ne, %convert_element_type3A_170, %cond3A_171 : i32
      scf.if %cond3A_172 {
        %add3A_174 = arith.constant 4 : i32
        %add3A_175 = arith.addi %add3A_161, %add3A_174 : i32
        %dma_start3A_176 = arith.constant 0 : i32
        %dma_start3A_177 = tpu.memref_slice %arg6[%add3A_175, %dma_start3A_176] : memref<200x50xi32, #tpu.memory_space<vmem>> -> memref<1x50xi32, #tpu.memory_space<vmem>>
        %dma_start3A_178 = tpu.memref_squeeze %dma_start3A_177 : memref<1x50xi32, #tpu.memory_space<vmem>> -> memref<50xi32, #tpu.memory_space<vmem>>
        %dma_start3A_179 = arith.constant 0 : i32
        %dma_start3A_180 = arith.constant 0 : i32
        %dma_start3A_181 = tpu.memref_slice %arg2[%dma_start3A_179, %dma_start3A_180] : memref<10000x128xf32, #tpu.memory_space<hbm>> -> memref<10000x128xf32, #tpu.memory_space<hbm>>
        tpu.enqueue_indirect_dma source(%dma_start3A_181 : memref<10000x128xf32, #tpu.memory_space<hbm>>) target(%arg11 : memref<50x128xf32, #tpu.memory_space<vmem>>) offsets(%dma_start3A_178 : memref<50xi32, #tpu.memory_space<vmem>>) semaphore(%arg12 : memref<!tpu.dma_semaphore, #tpu.memory_space<semaphore_mem>>)
      } else {
      }
      %scan3A_173 = arith.constant 0 : i32
      scf.yield %scan3A_173 : i32
    }
    %scan3A_106 = arith.constant 50 : i32
    %barrier3A_107 = arith.constant 0 : index
    tpu.barrier barrier_id(%barrier3A_107)
    %mul3A_108 = arith.constant 10240 : i32
    %mul3A_109 = arith.muli %arg0, %mul3A_108 : i32
    %mul3A_110 = arith.constant 640 : i32
    %mul3A_111 = arith.muli %arg1, %mul3A_110 : i32
    %add3A_112 = arith.addi %mul3A_109, %mul3A_111 : i32
    %mul3A_113 = arith.constant 640 : i32
    %mul3A_114 = arith.muli %arg1, %mul3A_113 : i32
    "tpu.region"() ({
      %run_scoped3A_115 = tpu.sem_alloc : memref<!tpu.dma_semaphore, #tpu.memory_space<semaphore_mem>>
      %dma_start3A_116 = arith.constant 0 : i32
      %dma_start3A_117 = tpu.memref_slice %arg4[%add3A_112, %dma_start3A_116] : memref<20480x128xf32, #tpu.memory_space<hbm>> -> memref<640x128xf32, #tpu.memory_space<hbm>>
      %dma_start3A_118 = arith.constant 0 : i32
      %dma_start3A_119 = tpu.memref_slice %arg5[%mul3A_114, %dma_start3A_118] : memref<10240x128xf32, #tpu.memory_space<vmem_shared>> -> memref<640x128xf32, #tpu.memory_space<vmem_shared>>
      tpu.enqueue_dma source(%dma_start3A_119 : memref<640x128xf32, #tpu.memory_space<vmem_shared>>) target(%dma_start3A_117 : memref<640x128xf32, #tpu.memory_space<hbm>>) target_semaphore(%run_scoped3A_115 : memref<!tpu.dma_semaphore, #tpu.memory_space<semaphore_mem>>)
      %dma_wait3A = arith.constant 0 : i32
      %dma_wait3A_120 = tpu.memref_slice %arg4[%add3A_112, %dma_wait3A] : memref<20480x128xf32, #tpu.memory_space<hbm>> -> memref<640x128xf32, #tpu.memory_space<hbm>>
      %dma_wait3A_121 = arith.constant 0 : i32
      %dma_wait3A_122 = tpu.memref_slice %arg5[%mul3A_114, %dma_wait3A_121] : memref<10240x128xf32, #tpu.memory_space<vmem_shared>> -> memref<640x128xf32, #tpu.memory_space<vmem_shared>>
      tpu.wait_dma2 semaphore(%run_scoped3A_115 : memref<!tpu.dma_semaphore, #tpu.memory_space<semaphore_mem>>) src(%dma_wait3A_122 : memref<640x128xf32, #tpu.memory_space<vmem_shared>>) dst(%dma_wait3A_120 : memref<640x128xf32, #tpu.memory_space<hbm>>)
      tpu.yield
    }) : () -> ()
    return
  }
}

#map = affine_map<(d0, d1) -> (0, 0)>
#map1 = affine_map<(d0, d1) -> (0, 0, 0, 0)>
module attributes {stable_mosaic.version = 14 : i64} {
  func.func @agg(%arg0: i32, %arg1: i32, %arg2: memref<10000x48xf32, #tpu.memory_space<hbm>>, %arg3: memref<2x32x200x50xi32, #tpu.memory_space<hbm>>, %arg4: memref<20480x48xf32, #tpu.memory_space<hbm>>, %arg5: memref<10240x48xf32, #tpu.memory_space<vmem_shared>>, %arg6: memref<200x50xi32, #tpu.memory_space<vmem>>, %arg7: memref<200x50xi32, #tpu.memory_space<vmem>>, %arg8: memref<50x48xf32, #tpu.memory_space<vmem>>, %arg9: memref<50x48xf32, #tpu.memory_space<vmem>>, %arg10: memref<50x48xf32, #tpu.memory_space<vmem>>, %arg11: memref<50x48xf32, #tpu.memory_space<vmem>>, %arg12: memref<50x48xf32, #tpu.memory_space<vmem>>, %arg13: memref<50x48xf32, #tpu.memory_space<vmem>>, %arg14: memref<50x48xf32, #tpu.memory_space<vmem>>, %arg15: memref<50x48xf32, #tpu.memory_space<vmem>>, %arg16: memref<!tpu.dma_semaphore, #tpu.memory_space<semaphore_mem>>) attributes {dimension_semantics = [#tpu.dimension_semantics<core_parallel>, #tpu.dimension_semantics<subcore_parallel>], iteration_bounds = array<i64: 2, 16>, scalar_prefetch = 0 : i64, scratch_operands = 12 : i64, tpu.core_type = #tpu.core_type<sc_vector_subcore>, window_params = [{transform_indices = #map}, {transform_indices = #map1}, {transform_indices = #map}]} {
    %mul3A = arith.constant 16 : i32
    %mul3A_0 = arith.muli %arg0, %mul3A : i32
    %add3A = arith.addi %mul3A_0, %arg1 : i32
    %broadcast_in_dim3A = arith.constant 0.000000e+00 : f32
    %broadcast_in_dim3A_1 = vector.broadcast %broadcast_in_dim3A : f32 to vector<16xf32>
    %scan3A = arith.constant 0 : i32
    %scan3A_2 = arith.constant 0 : i32
    %scan3A_3 = arith.constant 40 : i32
    %scan3A_4 = arith.addi %scan3A_2, %scan3A_3 : i32
    %scan3A_5 = arith.constant 1 : i32
    %scan3A_6 = scf.for %scan3A_143 = %scan3A_2 to %scan3A_4 step %scan3A_5 iter_args(%scan3A_144 = %scan3A) -> (i32)  : i32 {
      %swap3A = arith.index_cast %scan3A_143 : i32 to index
      %swap3A_145 = arith.constant 0 : index
      %swap3A_146 = tpu.vector_load %arg8[%swap3A, %swap3A_145] {strides = array<i32>} : memref<50x48xf32, #tpu.memory_space<vmem>>, vector<1x16xf32>,
      %swap3A_147 = vector.shape_cast %swap3A_146 : vector<1x16xf32> to vector<16xf32>
      %swap3A_148 = vector.shape_cast %broadcast_in_dim3A_1 : vector<16xf32> to vector<1x16xf32>
      tpu.vector_store %arg8[%swap3A, %swap3A_145], %swap3A_148 {strides = array<i32>} : memref<50x48xf32, #tpu.memory_space<vmem>>, vector<1x16xf32>,
      %swap3A_149 = arith.index_cast %scan3A_143 : i32 to index
      %swap3A_150 = arith.constant 16 : index
      %swap3A_151 = tpu.vector_load %arg8[%swap3A_149, %swap3A_150] {strides = array<i32>} : memref<50x48xf32, #tpu.memory_space<vmem>>, vector<1x16xf32>,
      %swap3A_152 = vector.shape_cast %swap3A_151 : vector<1x16xf32> to vector<16xf32>
      %swap3A_153 = vector.shape_cast %broadcast_in_dim3A_1 : vector<16xf32> to vector<1x16xf32>
      tpu.vector_store %arg8[%swap3A_149, %swap3A_150], %swap3A_153 {strides = array<i32>} : memref<50x48xf32, #tpu.memory_space<vmem>>, vector<1x16xf32>,
      %swap3A_154 = arith.index_cast %scan3A_143 : i32 to index
      %swap3A_155 = arith.constant 32 : index
      %swap3A_156 = tpu.vector_load %arg8[%swap3A_154, %swap3A_155] {strides = array<i32>} : memref<50x48xf32, #tpu.memory_space<vmem>>, vector<1x16xf32>,
      %swap3A_157 = vector.shape_cast %swap3A_156 : vector<1x16xf32> to vector<16xf32>
      %swap3A_158 = vector.shape_cast %broadcast_in_dim3A_1 : vector<16xf32> to vector<1x16xf32>
      tpu.vector_store %arg8[%swap3A_154, %swap3A_155], %swap3A_158 {strides = array<i32>} : memref<50x48xf32, #tpu.memory_space<vmem>>, vector<1x16xf32>,
      %scan3A_159 = arith.constant 0 : i32
      scf.yield %scan3A_159 : i32
    }
    %scan3A_7 = arith.constant 40 : i32
    %mul3A_8 = arith.constant 640 : i32
    %mul3A_9 = arith.muli %arg1, %mul3A_8 : i32
    %add3A_10 = arith.constant 0 : i32
    %add3A_11 = arith.addi %mul3A_9, %add3A_10 : i32
    "tpu.region"() ({
      %run_scoped3A_143 = tpu.sem_alloc : memref<!tpu.dma_semaphore, #tpu.memory_space<semaphore_mem>>
      %dma_start3A_144 = arith.constant 0 : i32
      %dma_start3A_145 = arith.constant 0 : i32
      %dma_start3A_146 = tpu.memref_slice %arg8[%dma_start3A_144, %dma_start3A_145] : memref<50x48xf32, #tpu.memory_space<vmem>> -> memref<40x48xf32, #tpu.memory_space<vmem>>
      %dma_start3A_147 = arith.constant 0 : i32
      %dma_start3A_148 = tpu.memref_slice %arg5[%add3A_11, %dma_start3A_147] : memref<10240x48xf32, #tpu.memory_space<vmem_shared>> -> memref<40x48xf32, #tpu.memory_space<vmem_shared>>
      %dma_start3A_149 = arith.constant 0 : i32
      %dma_start3A_150 = tpu.memref_slice %arg5[%add3A_11, %dma_start3A_149] : memref<10240x48xf32, #tpu.memory_space<vmem_shared>> -> memref<40x48xf32, #tpu.memory_space<vmem_shared>>
      %dma_start3A_151 = arith.constant 0 : i32
      %dma_start3A_152 = arith.constant 0 : i32
      %dma_start3A_153 = tpu.memref_slice %arg8[%dma_start3A_151, %dma_start3A_152] : memref<50x48xf32, #tpu.memory_space<vmem>> -> memref<40x48xf32, #tpu.memory_space<vmem>>
      tpu.enqueue_dma source(%dma_start3A_153 : memref<40x48xf32, #tpu.memory_space<vmem>>) target(%dma_start3A_150 : memref<40x48xf32, #tpu.memory_space<vmem_shared>>) target_semaphore(%run_scoped3A_143 : memref<!tpu.dma_semaphore, #tpu.memory_space<semaphore_mem>>)
      %dma_wait3A = arith.constant 0 : i32
      %dma_wait3A_154 = arith.constant 0 : i32
      %dma_wait3A_155 = tpu.memref_slice %arg8[%dma_wait3A, %dma_wait3A_154] : memref<50x48xf32, #tpu.memory_space<vmem>> -> memref<40x48xf32, #tpu.memory_space<vmem>>
      %dma_wait3A_156 = arith.constant 0 : i32
      %dma_wait3A_157 = tpu.memref_slice %arg5[%add3A_11, %dma_wait3A_156] : memref<10240x48xf32, #tpu.memory_space<vmem_shared>> -> memref<40x48xf32, #tpu.memory_space<vmem_shared>>
      %dma_wait3A_158 = arith.constant 0 : i32
      %dma_wait3A_159 = tpu.memref_slice %arg5[%add3A_11, %dma_wait3A_158] : memref<10240x48xf32, #tpu.memory_space<vmem_shared>> -> memref<40x48xf32, #tpu.memory_space<vmem_shared>>
      %dma_wait3A_160 = arith.constant 0 : i32
      %dma_wait3A_161 = arith.constant 0 : i32
      %dma_wait3A_162 = tpu.memref_slice %arg8[%dma_wait3A_160, %dma_wait3A_161] : memref<50x48xf32, #tpu.memory_space<vmem>> -> memref<40x48xf32, #tpu.memory_space<vmem>>
      tpu.wait_dma2 semaphore(%run_scoped3A_143 : memref<!tpu.dma_semaphore, #tpu.memory_space<semaphore_mem>>) src(%dma_wait3A_162 : memref<40x48xf32, #tpu.memory_space<vmem>>) dst(%dma_wait3A_159 : memref<40x48xf32, #tpu.memory_space<vmem_shared>>)
      tpu.yield
    }) : () -> ()
    %mul3A_12 = arith.constant 640 : i32
    %mul3A_13 = arith.muli %arg1, %mul3A_12 : i32
    %add3A_14 = arith.constant 40 : i32
    %add3A_15 = arith.addi %mul3A_13, %add3A_14 : i32
    "tpu.region"() ({
      %run_scoped3A_143 = tpu.sem_alloc : memref<!tpu.dma_semaphore, #tpu.memory_space<semaphore_mem>>
      %dma_start3A_144 = arith.constant 0 : i32
      %dma_start3A_145 = arith.constant 0 : i32
      %dma_start3A_146 = tpu.memref_slice %arg8[%dma_start3A_144, %dma_start3A_145] : memref<50x48xf32, #tpu.memory_space<vmem>> -> memref<40x48xf32, #tpu.memory_space<vmem>>
      %dma_start3A_147 = arith.constant 0 : i32
      %dma_start3A_148 = tpu.memref_slice %arg5[%add3A_15, %dma_start3A_147] : memref<10240x48xf32, #tpu.memory_space<vmem_shared>> -> memref<40x48xf32, #tpu.memory_space<vmem_shared>>
      %dma_start3A_149 = arith.constant 0 : i32
      %dma_start3A_150 = tpu.memref_slice %arg5[%add3A_15, %dma_start3A_149] : memref<10240x48xf32, #tpu.memory_space<vmem_shared>> -> memref<40x48xf32, #tpu.memory_space<vmem_shared>>
      %dma_start3A_151 = arith.constant 0 : i32
      %dma_start3A_152 = arith.constant 0 : i32
      %dma_start3A_153 = tpu.memref_slice %arg8[%dma_start3A_151, %dma_start3A_152] : memref<50x48xf32, #tpu.memory_space<vmem>> -> memref<40x48xf32, #tpu.memory_space<vmem>>
      tpu.enqueue_dma source(%dma_start3A_153 : memref<40x48xf32, #tpu.memory_space<vmem>>) target(%dma_start3A_150 : memref<40x48xf32, #tpu.memory_space<vmem_shared>>) target_semaphore(%run_scoped3A_143 : memref<!tpu.dma_semaphore, #tpu.memory_space<semaphore_mem>>)
      %dma_wait3A = arith.constant 0 : i32
      %dma_wait3A_154 = arith.constant 0 : i32
      %dma_wait3A_155 = tpu.memref_slice %arg8[%dma_wait3A, %dma_wait3A_154] : memref<50x48xf32, #tpu.memory_space<vmem>> -> memref<40x48xf32, #tpu.memory_space<vmem>>
      %dma_wait3A_156 = arith.constant 0 : i32
      %dma_wait3A_157 = tpu.memref_slice %arg5[%add3A_15, %dma_wait3A_156] : memref<10240x48xf32, #tpu.memory_space<vmem_shared>> -> memref<40x48xf32, #tpu.memory_space<vmem_shared>>
      %dma_wait3A_158 = arith.constant 0 : i32
      %dma_wait3A_159 = tpu.memref_slice %arg5[%add3A_15, %dma_wait3A_158] : memref<10240x48xf32, #tpu.memory_space<vmem_shared>> -> memref<40x48xf32, #tpu.memory_space<vmem_shared>>
      %dma_wait3A_160 = arith.constant 0 : i32
      %dma_wait3A_161 = arith.constant 0 : i32
      %dma_wait3A_162 = tpu.memref_slice %arg8[%dma_wait3A_160, %dma_wait3A_161] : memref<50x48xf32, #tpu.memory_space<vmem>> -> memref<40x48xf32, #tpu.memory_space<vmem>>
      tpu.wait_dma2 semaphore(%run_scoped3A_143 : memref<!tpu.dma_semaphore, #tpu.memory_space<semaphore_mem>>) src(%dma_wait3A_162 : memref<40x48xf32, #tpu.memory_space<vmem>>) dst(%dma_wait3A_159 : memref<40x48xf32, #tpu.memory_space<vmem_shared>>)
      tpu.yield
    }) : () -> ()
    %mul3A_16 = arith.constant 640 : i32
    %mul3A_17 = arith.muli %arg1, %mul3A_16 : i32
    %add3A_18 = arith.constant 80 : i32
    %add3A_19 = arith.addi %mul3A_17, %add3A_18 : i32
    "tpu.region"() ({
      %run_scoped3A_143 = tpu.sem_alloc : memref<!tpu.dma_semaphore, #tpu.memory_space<semaphore_mem>>
      %dma_start3A_144 = arith.constant 0 : i32
      %dma_start3A_145 = arith.constant 0 : i32
      %dma_start3A_146 = tpu.memref_slice %arg8[%dma_start3A_144, %dma_start3A_145] : memref<50x48xf32, #tpu.memory_space<vmem>> -> memref<40x48xf32, #tpu.memory_space<vmem>>
      %dma_start3A_147 = arith.constant 0 : i32
      %dma_start3A_148 = tpu.memref_slice %arg5[%add3A_19, %dma_start3A_147] : memref<10240x48xf32, #tpu.memory_space<vmem_shared>> -> memref<40x48xf32, #tpu.memory_space<vmem_shared>>
      %dma_start3A_149 = arith.constant 0 : i32
      %dma_start3A_150 = tpu.memref_slice %arg5[%add3A_19, %dma_start3A_149] : memref<10240x48xf32, #tpu.memory_space<vmem_shared>> -> memref<40x48xf32, #tpu.memory_space<vmem_shared>>
      %dma_start3A_151 = arith.constant 0 : i32
      %dma_start3A_152 = arith.constant 0 : i32
      %dma_start3A_153 = tpu.memref_slice %arg8[%dma_start3A_151, %dma_start3A_152] : memref<50x48xf32, #tpu.memory_space<vmem>> -> memref<40x48xf32, #tpu.memory_space<vmem>>
      tpu.enqueue_dma source(%dma_start3A_153 : memref<40x48xf32, #tpu.memory_space<vmem>>) target(%dma_start3A_150 : memref<40x48xf32, #tpu.memory_space<vmem_shared>>) target_semaphore(%run_scoped3A_143 : memref<!tpu.dma_semaphore, #tpu.memory_space<semaphore_mem>>)
      %dma_wait3A = arith.constant 0 : i32
      %dma_wait3A_154 = arith.constant 0 : i32
      %dma_wait3A_155 = tpu.memref_slice %arg8[%dma_wait3A, %dma_wait3A_154] : memref<50x48xf32, #tpu.memory_space<vmem>> -> memref<40x48xf32, #tpu.memory_space<vmem>>
      %dma_wait3A_156 = arith.constant 0 : i32
      %dma_wait3A_157 = tpu.memref_slice %arg5[%add3A_19, %dma_wait3A_156] : memref<10240x48xf32, #tpu.memory_space<vmem_shared>> -> memref<40x48xf32, #tpu.memory_space<vmem_shared>>
      %dma_wait3A_158 = arith.constant 0 : i32
      %dma_wait3A_159 = tpu.memref_slice %arg5[%add3A_19, %dma_wait3A_158] : memref<10240x48xf32, #tpu.memory_space<vmem_shared>> -> memref<40x48xf32, #tpu.memory_space<vmem_shared>>
      %dma_wait3A_160 = arith.constant 0 : i32
      %dma_wait3A_161 = arith.constant 0 : i32
      %dma_wait3A_162 = tpu.memref_slice %arg8[%dma_wait3A_160, %dma_wait3A_161] : memref<50x48xf32, #tpu.memory_space<vmem>> -> memref<40x48xf32, #tpu.memory_space<vmem>>
      tpu.wait_dma2 semaphore(%run_scoped3A_143 : memref<!tpu.dma_semaphore, #tpu.memory_space<semaphore_mem>>) src(%dma_wait3A_162 : memref<40x48xf32, #tpu.memory_space<vmem>>) dst(%dma_wait3A_159 : memref<40x48xf32, #tpu.memory_space<vmem_shared>>)
      tpu.yield
    }) : () -> ()
    %mul3A_20 = arith.constant 640 : i32
    %mul3A_21 = arith.muli %arg1, %mul3A_20 : i32
    %add3A_22 = arith.constant 120 : i32
    %add3A_23 = arith.addi %mul3A_21, %add3A_22 : i32
    "tpu.region"() ({
      %run_scoped3A_143 = tpu.sem_alloc : memref<!tpu.dma_semaphore, #tpu.memory_space<semaphore_mem>>
      %dma_start3A_144 = arith.constant 0 : i32
      %dma_start3A_145 = arith.constant 0 : i32
      %dma_start3A_146 = tpu.memref_slice %arg8[%dma_start3A_144, %dma_start3A_145] : memref<50x48xf32, #tpu.memory_space<vmem>> -> memref<40x48xf32, #tpu.memory_space<vmem>>
      %dma_start3A_147 = arith.constant 0 : i32
      %dma_start3A_148 = tpu.memref_slice %arg5[%add3A_23, %dma_start3A_147] : memref<10240x48xf32, #tpu.memory_space<vmem_shared>> -> memref<40x48xf32, #tpu.memory_space<vmem_shared>>
      %dma_start3A_149 = arith.constant 0 : i32
      %dma_start3A_150 = tpu.memref_slice %arg5[%add3A_23, %dma_start3A_149] : memref<10240x48xf32, #tpu.memory_space<vmem_shared>> -> memref<40x48xf32, #tpu.memory_space<vmem_shared>>
      %dma_start3A_151 = arith.constant 0 : i32
      %dma_start3A_152 = arith.constant 0 : i32
      %dma_start3A_153 = tpu.memref_slice %arg8[%dma_start3A_151, %dma_start3A_152] : memref<50x48xf32, #tpu.memory_space<vmem>> -> memref<40x48xf32, #tpu.memory_space<vmem>>
      tpu.enqueue_dma source(%dma_start3A_153 : memref<40x48xf32, #tpu.memory_space<vmem>>) target(%dma_start3A_150 : memref<40x48xf32, #tpu.memory_space<vmem_shared>>) target_semaphore(%run_scoped3A_143 : memref<!tpu.dma_semaphore, #tpu.memory_space<semaphore_mem>>)
      %dma_wait3A = arith.constant 0 : i32
      %dma_wait3A_154 = arith.constant 0 : i32
      %dma_wait3A_155 = tpu.memref_slice %arg8[%dma_wait3A, %dma_wait3A_154] : memref<50x48xf32, #tpu.memory_space<vmem>> -> memref<40x48xf32, #tpu.memory_space<vmem>>
      %dma_wait3A_156 = arith.constant 0 : i32
      %dma_wait3A_157 = tpu.memref_slice %arg5[%add3A_23, %dma_wait3A_156] : memref<10240x48xf32, #tpu.memory_space<vmem_shared>> -> memref<40x48xf32, #tpu.memory_space<vmem_shared>>
      %dma_wait3A_158 = arith.constant 0 : i32
      %dma_wait3A_159 = tpu.memref_slice %arg5[%add3A_23, %dma_wait3A_158] : memref<10240x48xf32, #tpu.memory_space<vmem_shared>> -> memref<40x48xf32, #tpu.memory_space<vmem_shared>>
      %dma_wait3A_160 = arith.constant 0 : i32
      %dma_wait3A_161 = arith.constant 0 : i32
      %dma_wait3A_162 = tpu.memref_slice %arg8[%dma_wait3A_160, %dma_wait3A_161] : memref<50x48xf32, #tpu.memory_space<vmem>> -> memref<40x48xf32, #tpu.memory_space<vmem>>
      tpu.wait_dma2 semaphore(%run_scoped3A_143 : memref<!tpu.dma_semaphore, #tpu.memory_space<semaphore_mem>>) src(%dma_wait3A_162 : memref<40x48xf32, #tpu.memory_space<vmem>>) dst(%dma_wait3A_159 : memref<40x48xf32, #tpu.memory_space<vmem_shared>>)
      tpu.yield
    }) : () -> ()
    %mul3A_24 = arith.constant 640 : i32
    %mul3A_25 = arith.muli %arg1, %mul3A_24 : i32
    %add3A_26 = arith.constant 160 : i32
    %add3A_27 = arith.addi %mul3A_25, %add3A_26 : i32
    "tpu.region"() ({
      %run_scoped3A_143 = tpu.sem_alloc : memref<!tpu.dma_semaphore, #tpu.memory_space<semaphore_mem>>
      %dma_start3A_144 = arith.constant 0 : i32
      %dma_start3A_145 = arith.constant 0 : i32
      %dma_start3A_146 = tpu.memref_slice %arg8[%dma_start3A_144, %dma_start3A_145] : memref<50x48xf32, #tpu.memory_space<vmem>> -> memref<40x48xf32, #tpu.memory_space<vmem>>
      %dma_start3A_147 = arith.constant 0 : i32
      %dma_start3A_148 = tpu.memref_slice %arg5[%add3A_27, %dma_start3A_147] : memref<10240x48xf32, #tpu.memory_space<vmem_shared>> -> memref<40x48xf32, #tpu.memory_space<vmem_shared>>
      %dma_start3A_149 = arith.constant 0 : i32
      %dma_start3A_150 = tpu.memref_slice %arg5[%add3A_27, %dma_start3A_149] : memref<10240x48xf32, #tpu.memory_space<vmem_shared>> -> memref<40x48xf32, #tpu.memory_space<vmem_shared>>
      %dma_start3A_151 = arith.constant 0 : i32
      %dma_start3A_152 = arith.constant 0 : i32
      %dma_start3A_153 = tpu.memref_slice %arg8[%dma_start3A_151, %dma_start3A_152] : memref<50x48xf32, #tpu.memory_space<vmem>> -> memref<40x48xf32, #tpu.memory_space<vmem>>
      tpu.enqueue_dma source(%dma_start3A_153 : memref<40x48xf32, #tpu.memory_space<vmem>>) target(%dma_start3A_150 : memref<40x48xf32, #tpu.memory_space<vmem_shared>>) target_semaphore(%run_scoped3A_143 : memref<!tpu.dma_semaphore, #tpu.memory_space<semaphore_mem>>)
      %dma_wait3A = arith.constant 0 : i32
      %dma_wait3A_154 = arith.constant 0 : i32
      %dma_wait3A_155 = tpu.memref_slice %arg8[%dma_wait3A, %dma_wait3A_154] : memref<50x48xf32, #tpu.memory_space<vmem>> -> memref<40x48xf32, #tpu.memory_space<vmem>>
      %dma_wait3A_156 = arith.constant 0 : i32
      %dma_wait3A_157 = tpu.memref_slice %arg5[%add3A_27, %dma_wait3A_156] : memref<10240x48xf32, #tpu.memory_space<vmem_shared>> -> memref<40x48xf32, #tpu.memory_space<vmem_shared>>
      %dma_wait3A_158 = arith.constant 0 : i32
      %dma_wait3A_159 = tpu.memref_slice %arg5[%add3A_27, %dma_wait3A_158] : memref<10240x48xf32, #tpu.memory_space<vmem_shared>> -> memref<40x48xf32, #tpu.memory_space<vmem_shared>>
      %dma_wait3A_160 = arith.constant 0 : i32
      %dma_wait3A_161 = arith.constant 0 : i32
      %dma_wait3A_162 = tpu.memref_slice %arg8[%dma_wait3A_160, %dma_wait3A_161] : memref<50x48xf32, #tpu.memory_space<vmem>> -> memref<40x48xf32, #tpu.memory_space<vmem>>
      tpu.wait_dma2 semaphore(%run_scoped3A_143 : memref<!tpu.dma_semaphore, #tpu.memory_space<semaphore_mem>>) src(%dma_wait3A_162 : memref<40x48xf32, #tpu.memory_space<vmem>>) dst(%dma_wait3A_159 : memref<40x48xf32, #tpu.memory_space<vmem_shared>>)
      tpu.yield
    }) : () -> ()
    %mul3A_28 = arith.constant 640 : i32
    %mul3A_29 = arith.muli %arg1, %mul3A_28 : i32
    %add3A_30 = arith.constant 200 : i32
    %add3A_31 = arith.addi %mul3A_29, %add3A_30 : i32
    "tpu.region"() ({
      %run_scoped3A_143 = tpu.sem_alloc : memref<!tpu.dma_semaphore, #tpu.memory_space<semaphore_mem>>
      %dma_start3A_144 = arith.constant 0 : i32
      %dma_start3A_145 = arith.constant 0 : i32
      %dma_start3A_146 = tpu.memref_slice %arg8[%dma_start3A_144, %dma_start3A_145] : memref<50x48xf32, #tpu.memory_space<vmem>> -> memref<40x48xf32, #tpu.memory_space<vmem>>
      %dma_start3A_147 = arith.constant 0 : i32
      %dma_start3A_148 = tpu.memref_slice %arg5[%add3A_31, %dma_start3A_147] : memref<10240x48xf32, #tpu.memory_space<vmem_shared>> -> memref<40x48xf32, #tpu.memory_space<vmem_shared>>
      %dma_start3A_149 = arith.constant 0 : i32
      %dma_start3A_150 = tpu.memref_slice %arg5[%add3A_31, %dma_start3A_149] : memref<10240x48xf32, #tpu.memory_space<vmem_shared>> -> memref<40x48xf32, #tpu.memory_space<vmem_shared>>
      %dma_start3A_151 = arith.constant 0 : i32
      %dma_start3A_152 = arith.constant 0 : i32
      %dma_start3A_153 = tpu.memref_slice %arg8[%dma_start3A_151, %dma_start3A_152] : memref<50x48xf32, #tpu.memory_space<vmem>> -> memref<40x48xf32, #tpu.memory_space<vmem>>
      tpu.enqueue_dma source(%dma_start3A_153 : memref<40x48xf32, #tpu.memory_space<vmem>>) target(%dma_start3A_150 : memref<40x48xf32, #tpu.memory_space<vmem_shared>>) target_semaphore(%run_scoped3A_143 : memref<!tpu.dma_semaphore, #tpu.memory_space<semaphore_mem>>)
      %dma_wait3A = arith.constant 0 : i32
      %dma_wait3A_154 = arith.constant 0 : i32
      %dma_wait3A_155 = tpu.memref_slice %arg8[%dma_wait3A, %dma_wait3A_154] : memref<50x48xf32, #tpu.memory_space<vmem>> -> memref<40x48xf32, #tpu.memory_space<vmem>>
      %dma_wait3A_156 = arith.constant 0 : i32
      %dma_wait3A_157 = tpu.memref_slice %arg5[%add3A_31, %dma_wait3A_156] : memref<10240x48xf32, #tpu.memory_space<vmem_shared>> -> memref<40x48xf32, #tpu.memory_space<vmem_shared>>
      %dma_wait3A_158 = arith.constant 0 : i32
      %dma_wait3A_159 = tpu.memref_slice %arg5[%add3A_31, %dma_wait3A_158] : memref<10240x48xf32, #tpu.memory_space<vmem_shared>> -> memref<40x48xf32, #tpu.memory_space<vmem_shared>>
      %dma_wait3A_160 = arith.constant 0 : i32
      %dma_wait3A_161 = arith.constant 0 : i32
      %dma_wait3A_162 = tpu.memref_slice %arg8[%dma_wait3A_160, %dma_wait3A_161] : memref<50x48xf32, #tpu.memory_space<vmem>> -> memref<40x48xf32, #tpu.memory_space<vmem>>
      tpu.wait_dma2 semaphore(%run_scoped3A_143 : memref<!tpu.dma_semaphore, #tpu.memory_space<semaphore_mem>>) src(%dma_wait3A_162 : memref<40x48xf32, #tpu.memory_space<vmem>>) dst(%dma_wait3A_159 : memref<40x48xf32, #tpu.memory_space<vmem_shared>>)
      tpu.yield
    }) : () -> ()
    %mul3A_32 = arith.constant 640 : i32
    %mul3A_33 = arith.muli %arg1, %mul3A_32 : i32
    %add3A_34 = arith.constant 240 : i32
    %add3A_35 = arith.addi %mul3A_33, %add3A_34 : i32
    "tpu.region"() ({
      %run_scoped3A_143 = tpu.sem_alloc : memref<!tpu.dma_semaphore, #tpu.memory_space<semaphore_mem>>
      %dma_start3A_144 = arith.constant 0 : i32
      %dma_start3A_145 = arith.constant 0 : i32
      %dma_start3A_146 = tpu.memref_slice %arg8[%dma_start3A_144, %dma_start3A_145] : memref<50x48xf32, #tpu.memory_space<vmem>> -> memref<40x48xf32, #tpu.memory_space<vmem>>
      %dma_start3A_147 = arith.constant 0 : i32
      %dma_start3A_148 = tpu.memref_slice %arg5[%add3A_35, %dma_start3A_147] : memref<10240x48xf32, #tpu.memory_space<vmem_shared>> -> memref<40x48xf32, #tpu.memory_space<vmem_shared>>
      %dma_start3A_149 = arith.constant 0 : i32
      %dma_start3A_150 = tpu.memref_slice %arg5[%add3A_35, %dma_start3A_149] : memref<10240x48xf32, #tpu.memory_space<vmem_shared>> -> memref<40x48xf32, #tpu.memory_space<vmem_shared>>
      %dma_start3A_151 = arith.constant 0 : i32
      %dma_start3A_152 = arith.constant 0 : i32
      %dma_start3A_153 = tpu.memref_slice %arg8[%dma_start3A_151, %dma_start3A_152] : memref<50x48xf32, #tpu.memory_space<vmem>> -> memref<40x48xf32, #tpu.memory_space<vmem>>
      tpu.enqueue_dma source(%dma_start3A_153 : memref<40x48xf32, #tpu.memory_space<vmem>>) target(%dma_start3A_150 : memref<40x48xf32, #tpu.memory_space<vmem_shared>>) target_semaphore(%run_scoped3A_143 : memref<!tpu.dma_semaphore, #tpu.memory_space<semaphore_mem>>)
      %dma_wait3A = arith.constant 0 : i32
      %dma_wait3A_154 = arith.constant 0 : i32
      %dma_wait3A_155 = tpu.memref_slice %arg8[%dma_wait3A, %dma_wait3A_154] : memref<50x48xf32, #tpu.memory_space<vmem>> -> memref<40x48xf32, #tpu.memory_space<vmem>>
      %dma_wait3A_156 = arith.constant 0 : i32
      %dma_wait3A_157 = tpu.memref_slice %arg5[%add3A_35, %dma_wait3A_156] : memref<10240x48xf32, #tpu.memory_space<vmem_shared>> -> memref<40x48xf32, #tpu.memory_space<vmem_shared>>
      %dma_wait3A_158 = arith.constant 0 : i32
      %dma_wait3A_159 = tpu.memref_slice %arg5[%add3A_35, %dma_wait3A_158] : memref<10240x48xf32, #tpu.memory_space<vmem_shared>> -> memref<40x48xf32, #tpu.memory_space<vmem_shared>>
      %dma_wait3A_160 = arith.constant 0 : i32
      %dma_wait3A_161 = arith.constant 0 : i32
      %dma_wait3A_162 = tpu.memref_slice %arg8[%dma_wait3A_160, %dma_wait3A_161] : memref<50x48xf32, #tpu.memory_space<vmem>> -> memref<40x48xf32, #tpu.memory_space<vmem>>
      tpu.wait_dma2 semaphore(%run_scoped3A_143 : memref<!tpu.dma_semaphore, #tpu.memory_space<semaphore_mem>>) src(%dma_wait3A_162 : memref<40x48xf32, #tpu.memory_space<vmem>>) dst(%dma_wait3A_159 : memref<40x48xf32, #tpu.memory_space<vmem_shared>>)
      tpu.yield
    }) : () -> ()
    %mul3A_36 = arith.constant 640 : i32
    %mul3A_37 = arith.muli %arg1, %mul3A_36 : i32
    %add3A_38 = arith.constant 280 : i32
    %add3A_39 = arith.addi %mul3A_37, %add3A_38 : i32
    "tpu.region"() ({
      %run_scoped3A_143 = tpu.sem_alloc : memref<!tpu.dma_semaphore, #tpu.memory_space<semaphore_mem>>
      %dma_start3A_144 = arith.constant 0 : i32
      %dma_start3A_145 = arith.constant 0 : i32
      %dma_start3A_146 = tpu.memref_slice %arg8[%dma_start3A_144, %dma_start3A_145] : memref<50x48xf32, #tpu.memory_space<vmem>> -> memref<40x48xf32, #tpu.memory_space<vmem>>
      %dma_start3A_147 = arith.constant 0 : i32
      %dma_start3A_148 = tpu.memref_slice %arg5[%add3A_39, %dma_start3A_147] : memref<10240x48xf32, #tpu.memory_space<vmem_shared>> -> memref<40x48xf32, #tpu.memory_space<vmem_shared>>
      %dma_start3A_149 = arith.constant 0 : i32
      %dma_start3A_150 = tpu.memref_slice %arg5[%add3A_39, %dma_start3A_149] : memref<10240x48xf32, #tpu.memory_space<vmem_shared>> -> memref<40x48xf32, #tpu.memory_space<vmem_shared>>
      %dma_start3A_151 = arith.constant 0 : i32
      %dma_start3A_152 = arith.constant 0 : i32
      %dma_start3A_153 = tpu.memref_slice %arg8[%dma_start3A_151, %dma_start3A_152] : memref<50x48xf32, #tpu.memory_space<vmem>> -> memref<40x48xf32, #tpu.memory_space<vmem>>
      tpu.enqueue_dma source(%dma_start3A_153 : memref<40x48xf32, #tpu.memory_space<vmem>>) target(%dma_start3A_150 : memref<40x48xf32, #tpu.memory_space<vmem_shared>>) target_semaphore(%run_scoped3A_143 : memref<!tpu.dma_semaphore, #tpu.memory_space<semaphore_mem>>)
      %dma_wait3A = arith.constant 0 : i32
      %dma_wait3A_154 = arith.constant 0 : i32
      %dma_wait3A_155 = tpu.memref_slice %arg8[%dma_wait3A, %dma_wait3A_154] : memref<50x48xf32, #tpu.memory_space<vmem>> -> memref<40x48xf32, #tpu.memory_space<vmem>>
      %dma_wait3A_156 = arith.constant 0 : i32
      %dma_wait3A_157 = tpu.memref_slice %arg5[%add3A_39, %dma_wait3A_156] : memref<10240x48xf32, #tpu.memory_space<vmem_shared>> -> memref<40x48xf32, #tpu.memory_space<vmem_shared>>
      %dma_wait3A_158 = arith.constant 0 : i32
      %dma_wait3A_159 = tpu.memref_slice %arg5[%add3A_39, %dma_wait3A_158] : memref<10240x48xf32, #tpu.memory_space<vmem_shared>> -> memref<40x48xf32, #tpu.memory_space<vmem_shared>>
      %dma_wait3A_160 = arith.constant 0 : i32
      %dma_wait3A_161 = arith.constant 0 : i32
      %dma_wait3A_162 = tpu.memref_slice %arg8[%dma_wait3A_160, %dma_wait3A_161] : memref<50x48xf32, #tpu.memory_space<vmem>> -> memref<40x48xf32, #tpu.memory_space<vmem>>
      tpu.wait_dma2 semaphore(%run_scoped3A_143 : memref<!tpu.dma_semaphore, #tpu.memory_space<semaphore_mem>>) src(%dma_wait3A_162 : memref<40x48xf32, #tpu.memory_space<vmem>>) dst(%dma_wait3A_159 : memref<40x48xf32, #tpu.memory_space<vmem_shared>>)
      tpu.yield
    }) : () -> ()
    %mul3A_40 = arith.constant 640 : i32
    %mul3A_41 = arith.muli %arg1, %mul3A_40 : i32
    %add3A_42 = arith.constant 320 : i32
    %add3A_43 = arith.addi %mul3A_41, %add3A_42 : i32
    "tpu.region"() ({
      %run_scoped3A_143 = tpu.sem_alloc : memref<!tpu.dma_semaphore, #tpu.memory_space<semaphore_mem>>
      %dma_start3A_144 = arith.constant 0 : i32
      %dma_start3A_145 = arith.constant 0 : i32
      %dma_start3A_146 = tpu.memref_slice %arg8[%dma_start3A_144, %dma_start3A_145] : memref<50x48xf32, #tpu.memory_space<vmem>> -> memref<40x48xf32, #tpu.memory_space<vmem>>
      %dma_start3A_147 = arith.constant 0 : i32
      %dma_start3A_148 = tpu.memref_slice %arg5[%add3A_43, %dma_start3A_147] : memref<10240x48xf32, #tpu.memory_space<vmem_shared>> -> memref<40x48xf32, #tpu.memory_space<vmem_shared>>
      %dma_start3A_149 = arith.constant 0 : i32
      %dma_start3A_150 = tpu.memref_slice %arg5[%add3A_43, %dma_start3A_149] : memref<10240x48xf32, #tpu.memory_space<vmem_shared>> -> memref<40x48xf32, #tpu.memory_space<vmem_shared>>
      %dma_start3A_151 = arith.constant 0 : i32
      %dma_start3A_152 = arith.constant 0 : i32
      %dma_start3A_153 = tpu.memref_slice %arg8[%dma_start3A_151, %dma_start3A_152] : memref<50x48xf32, #tpu.memory_space<vmem>> -> memref<40x48xf32, #tpu.memory_space<vmem>>
      tpu.enqueue_dma source(%dma_start3A_153 : memref<40x48xf32, #tpu.memory_space<vmem>>) target(%dma_start3A_150 : memref<40x48xf32, #tpu.memory_space<vmem_shared>>) target_semaphore(%run_scoped3A_143 : memref<!tpu.dma_semaphore, #tpu.memory_space<semaphore_mem>>)
      %dma_wait3A = arith.constant 0 : i32
      %dma_wait3A_154 = arith.constant 0 : i32
      %dma_wait3A_155 = tpu.memref_slice %arg8[%dma_wait3A, %dma_wait3A_154] : memref<50x48xf32, #tpu.memory_space<vmem>> -> memref<40x48xf32, #tpu.memory_space<vmem>>
      %dma_wait3A_156 = arith.constant 0 : i32
      %dma_wait3A_157 = tpu.memref_slice %arg5[%add3A_43, %dma_wait3A_156] : memref<10240x48xf32, #tpu.memory_space<vmem_shared>> -> memref<40x48xf32, #tpu.memory_space<vmem_shared>>
      %dma_wait3A_158 = arith.constant 0 : i32
      %dma_wait3A_159 = tpu.memref_slice %arg5[%add3A_43, %dma_wait3A_158] : memref<10240x48xf32, #tpu.memory_space<vmem_shared>> -> memref<40x48xf32, #tpu.memory_space<vmem_shared>>
      %dma_wait3A_160 = arith.constant 0 : i32
      %dma_wait3A_161 = arith.constant 0 : i32
      %dma_wait3A_162 = tpu.memref_slice %arg8[%dma_wait3A_160, %dma_wait3A_161] : memref<50x48xf32, #tpu.memory_space<vmem>> -> memref<40x48xf32, #tpu.memory_space<vmem>>
      tpu.wait_dma2 semaphore(%run_scoped3A_143 : memref<!tpu.dma_semaphore, #tpu.memory_space<semaphore_mem>>) src(%dma_wait3A_162 : memref<40x48xf32, #tpu.memory_space<vmem>>) dst(%dma_wait3A_159 : memref<40x48xf32, #tpu.memory_space<vmem_shared>>)
      tpu.yield
    }) : () -> ()
    %mul3A_44 = arith.constant 640 : i32
    %mul3A_45 = arith.muli %arg1, %mul3A_44 : i32
    %add3A_46 = arith.constant 360 : i32
    %add3A_47 = arith.addi %mul3A_45, %add3A_46 : i32
    "tpu.region"() ({
      %run_scoped3A_143 = tpu.sem_alloc : memref<!tpu.dma_semaphore, #tpu.memory_space<semaphore_mem>>
      %dma_start3A_144 = arith.constant 0 : i32
      %dma_start3A_145 = arith.constant 0 : i32
      %dma_start3A_146 = tpu.memref_slice %arg8[%dma_start3A_144, %dma_start3A_145] : memref<50x48xf32, #tpu.memory_space<vmem>> -> memref<40x48xf32, #tpu.memory_space<vmem>>
      %dma_start3A_147 = arith.constant 0 : i32
      %dma_start3A_148 = tpu.memref_slice %arg5[%add3A_47, %dma_start3A_147] : memref<10240x48xf32, #tpu.memory_space<vmem_shared>> -> memref<40x48xf32, #tpu.memory_space<vmem_shared>>
      %dma_start3A_149 = arith.constant 0 : i32
      %dma_start3A_150 = tpu.memref_slice %arg5[%add3A_47, %dma_start3A_149] : memref<10240x48xf32, #tpu.memory_space<vmem_shared>> -> memref<40x48xf32, #tpu.memory_space<vmem_shared>>
      %dma_start3A_151 = arith.constant 0 : i32
      %dma_start3A_152 = arith.constant 0 : i32
      %dma_start3A_153 = tpu.memref_slice %arg8[%dma_start3A_151, %dma_start3A_152] : memref<50x48xf32, #tpu.memory_space<vmem>> -> memref<40x48xf32, #tpu.memory_space<vmem>>
      tpu.enqueue_dma source(%dma_start3A_153 : memref<40x48xf32, #tpu.memory_space<vmem>>) target(%dma_start3A_150 : memref<40x48xf32, #tpu.memory_space<vmem_shared>>) target_semaphore(%run_scoped3A_143 : memref<!tpu.dma_semaphore, #tpu.memory_space<semaphore_mem>>)
      %dma_wait3A = arith.constant 0 : i32
      %dma_wait3A_154 = arith.constant 0 : i32
      %dma_wait3A_155 = tpu.memref_slice %arg8[%dma_wait3A, %dma_wait3A_154] : memref<50x48xf32, #tpu.memory_space<vmem>> -> memref<40x48xf32, #tpu.memory_space<vmem>>
      %dma_wait3A_156 = arith.constant 0 : i32
      %dma_wait3A_157 = tpu.memref_slice %arg5[%add3A_47, %dma_wait3A_156] : memref<10240x48xf32, #tpu.memory_space<vmem_shared>> -> memref<40x48xf32, #tpu.memory_space<vmem_shared>>
      %dma_wait3A_158 = arith.constant 0 : i32
      %dma_wait3A_159 = tpu.memref_slice %arg5[%add3A_47, %dma_wait3A_158] : memref<10240x48xf32, #tpu.memory_space<vmem_shared>> -> memref<40x48xf32, #tpu.memory_space<vmem_shared>>
      %dma_wait3A_160 = arith.constant 0 : i32
      %dma_wait3A_161 = arith.constant 0 : i32
      %dma_wait3A_162 = tpu.memref_slice %arg8[%dma_wait3A_160, %dma_wait3A_161] : memref<50x48xf32, #tpu.memory_space<vmem>> -> memref<40x48xf32, #tpu.memory_space<vmem>>
      tpu.wait_dma2 semaphore(%run_scoped3A_143 : memref<!tpu.dma_semaphore, #tpu.memory_space<semaphore_mem>>) src(%dma_wait3A_162 : memref<40x48xf32, #tpu.memory_space<vmem>>) dst(%dma_wait3A_159 : memref<40x48xf32, #tpu.memory_space<vmem_shared>>)
      tpu.yield
    }) : () -> ()
    %mul3A_48 = arith.constant 640 : i32
    %mul3A_49 = arith.muli %arg1, %mul3A_48 : i32
    %add3A_50 = arith.constant 400 : i32
    %add3A_51 = arith.addi %mul3A_49, %add3A_50 : i32
    "tpu.region"() ({
      %run_scoped3A_143 = tpu.sem_alloc : memref<!tpu.dma_semaphore, #tpu.memory_space<semaphore_mem>>
      %dma_start3A_144 = arith.constant 0 : i32
      %dma_start3A_145 = arith.constant 0 : i32
      %dma_start3A_146 = tpu.memref_slice %arg8[%dma_start3A_144, %dma_start3A_145] : memref<50x48xf32, #tpu.memory_space<vmem>> -> memref<40x48xf32, #tpu.memory_space<vmem>>
      %dma_start3A_147 = arith.constant 0 : i32
      %dma_start3A_148 = tpu.memref_slice %arg5[%add3A_51, %dma_start3A_147] : memref<10240x48xf32, #tpu.memory_space<vmem_shared>> -> memref<40x48xf32, #tpu.memory_space<vmem_shared>>
      %dma_start3A_149 = arith.constant 0 : i32
      %dma_start3A_150 = tpu.memref_slice %arg5[%add3A_51, %dma_start3A_149] : memref<10240x48xf32, #tpu.memory_space<vmem_shared>> -> memref<40x48xf32, #tpu.memory_space<vmem_shared>>
      %dma_start3A_151 = arith.constant 0 : i32
      %dma_start3A_152 = arith.constant 0 : i32
      %dma_start3A_153 = tpu.memref_slice %arg8[%dma_start3A_151, %dma_start3A_152] : memref<50x48xf32, #tpu.memory_space<vmem>> -> memref<40x48xf32, #tpu.memory_space<vmem>>
      tpu.enqueue_dma source(%dma_start3A_153 : memref<40x48xf32, #tpu.memory_space<vmem>>) target(%dma_start3A_150 : memref<40x48xf32, #tpu.memory_space<vmem_shared>>) target_semaphore(%run_scoped3A_143 : memref<!tpu.dma_semaphore, #tpu.memory_space<semaphore_mem>>)
      %dma_wait3A = arith.constant 0 : i32
      %dma_wait3A_154 = arith.constant 0 : i32
      %dma_wait3A_155 = tpu.memref_slice %arg8[%dma_wait3A, %dma_wait3A_154] : memref<50x48xf32, #tpu.memory_space<vmem>> -> memref<40x48xf32, #tpu.memory_space<vmem>>
      %dma_wait3A_156 = arith.constant 0 : i32
      %dma_wait3A_157 = tpu.memref_slice %arg5[%add3A_51, %dma_wait3A_156] : memref<10240x48xf32, #tpu.memory_space<vmem_shared>> -> memref<40x48xf32, #tpu.memory_space<vmem_shared>>
      %dma_wait3A_158 = arith.constant 0 : i32
      %dma_wait3A_159 = tpu.memref_slice %arg5[%add3A_51, %dma_wait3A_158] : memref<10240x48xf32, #tpu.memory_space<vmem_shared>> -> memref<40x48xf32, #tpu.memory_space<vmem_shared>>
      %dma_wait3A_160 = arith.constant 0 : i32
      %dma_wait3A_161 = arith.constant 0 : i32
      %dma_wait3A_162 = tpu.memref_slice %arg8[%dma_wait3A_160, %dma_wait3A_161] : memref<50x48xf32, #tpu.memory_space<vmem>> -> memref<40x48xf32, #tpu.memory_space<vmem>>
      tpu.wait_dma2 semaphore(%run_scoped3A_143 : memref<!tpu.dma_semaphore, #tpu.memory_space<semaphore_mem>>) src(%dma_wait3A_162 : memref<40x48xf32, #tpu.memory_space<vmem>>) dst(%dma_wait3A_159 : memref<40x48xf32, #tpu.memory_space<vmem_shared>>)
      tpu.yield
    }) : () -> ()
    %mul3A_52 = arith.constant 640 : i32
    %mul3A_53 = arith.muli %arg1, %mul3A_52 : i32
    %add3A_54 = arith.constant 440 : i32
    %add3A_55 = arith.addi %mul3A_53, %add3A_54 : i32
    "tpu.region"() ({
      %run_scoped3A_143 = tpu.sem_alloc : memref<!tpu.dma_semaphore, #tpu.memory_space<semaphore_mem>>
      %dma_start3A_144 = arith.constant 0 : i32
      %dma_start3A_145 = arith.constant 0 : i32
      %dma_start3A_146 = tpu.memref_slice %arg8[%dma_start3A_144, %dma_start3A_145] : memref<50x48xf32, #tpu.memory_space<vmem>> -> memref<40x48xf32, #tpu.memory_space<vmem>>
      %dma_start3A_147 = arith.constant 0 : i32
      %dma_start3A_148 = tpu.memref_slice %arg5[%add3A_55, %dma_start3A_147] : memref<10240x48xf32, #tpu.memory_space<vmem_shared>> -> memref<40x48xf32, #tpu.memory_space<vmem_shared>>
      %dma_start3A_149 = arith.constant 0 : i32
      %dma_start3A_150 = tpu.memref_slice %arg5[%add3A_55, %dma_start3A_149] : memref<10240x48xf32, #tpu.memory_space<vmem_shared>> -> memref<40x48xf32, #tpu.memory_space<vmem_shared>>
      %dma_start3A_151 = arith.constant 0 : i32
      %dma_start3A_152 = arith.constant 0 : i32
      %dma_start3A_153 = tpu.memref_slice %arg8[%dma_start3A_151, %dma_start3A_152] : memref<50x48xf32, #tpu.memory_space<vmem>> -> memref<40x48xf32, #tpu.memory_space<vmem>>
      tpu.enqueue_dma source(%dma_start3A_153 : memref<40x48xf32, #tpu.memory_space<vmem>>) target(%dma_start3A_150 : memref<40x48xf32, #tpu.memory_space<vmem_shared>>) target_semaphore(%run_scoped3A_143 : memref<!tpu.dma_semaphore, #tpu.memory_space<semaphore_mem>>)
      %dma_wait3A = arith.constant 0 : i32
      %dma_wait3A_154 = arith.constant 0 : i32
      %dma_wait3A_155 = tpu.memref_slice %arg8[%dma_wait3A, %dma_wait3A_154] : memref<50x48xf32, #tpu.memory_space<vmem>> -> memref<40x48xf32, #tpu.memory_space<vmem>>
      %dma_wait3A_156 = arith.constant 0 : i32
      %dma_wait3A_157 = tpu.memref_slice %arg5[%add3A_55, %dma_wait3A_156] : memref<10240x48xf32, #tpu.memory_space<vmem_shared>> -> memref<40x48xf32, #tpu.memory_space<vmem_shared>>
      %dma_wait3A_158 = arith.constant 0 : i32
      %dma_wait3A_159 = tpu.memref_slice %arg5[%add3A_55, %dma_wait3A_158] : memref<10240x48xf32, #tpu.memory_space<vmem_shared>> -> memref<40x48xf32, #tpu.memory_space<vmem_shared>>
      %dma_wait3A_160 = arith.constant 0 : i32
      %dma_wait3A_161 = arith.constant 0 : i32
      %dma_wait3A_162 = tpu.memref_slice %arg8[%dma_wait3A_160, %dma_wait3A_161] : memref<50x48xf32, #tpu.memory_space<vmem>> -> memref<40x48xf32, #tpu.memory_space<vmem>>
      tpu.wait_dma2 semaphore(%run_scoped3A_143 : memref<!tpu.dma_semaphore, #tpu.memory_space<semaphore_mem>>) src(%dma_wait3A_162 : memref<40x48xf32, #tpu.memory_space<vmem>>) dst(%dma_wait3A_159 : memref<40x48xf32, #tpu.memory_space<vmem_shared>>)
      tpu.yield
    }) : () -> ()
    %mul3A_56 = arith.constant 640 : i32
    %mul3A_57 = arith.muli %arg1, %mul3A_56 : i32
    %add3A_58 = arith.constant 480 : i32
    %add3A_59 = arith.addi %mul3A_57, %add3A_58 : i32
    "tpu.region"() ({
      %run_scoped3A_143 = tpu.sem_alloc : memref<!tpu.dma_semaphore, #tpu.memory_space<semaphore_mem>>
      %dma_start3A_144 = arith.constant 0 : i32
      %dma_start3A_145 = arith.constant 0 : i32
      %dma_start3A_146 = tpu.memref_slice %arg8[%dma_start3A_144, %dma_start3A_145] : memref<50x48xf32, #tpu.memory_space<vmem>> -> memref<40x48xf32, #tpu.memory_space<vmem>>
      %dma_start3A_147 = arith.constant 0 : i32
      %dma_start3A_148 = tpu.memref_slice %arg5[%add3A_59, %dma_start3A_147] : memref<10240x48xf32, #tpu.memory_space<vmem_shared>> -> memref<40x48xf32, #tpu.memory_space<vmem_shared>>
      %dma_start3A_149 = arith.constant 0 : i32
      %dma_start3A_150 = tpu.memref_slice %arg5[%add3A_59, %dma_start3A_149] : memref<10240x48xf32, #tpu.memory_space<vmem_shared>> -> memref<40x48xf32, #tpu.memory_space<vmem_shared>>
      %dma_start3A_151 = arith.constant 0 : i32
      %dma_start3A_152 = arith.constant 0 : i32
      %dma_start3A_153 = tpu.memref_slice %arg8[%dma_start3A_151, %dma_start3A_152] : memref<50x48xf32, #tpu.memory_space<vmem>> -> memref<40x48xf32, #tpu.memory_space<vmem>>
      tpu.enqueue_dma source(%dma_start3A_153 : memref<40x48xf32, #tpu.memory_space<vmem>>) target(%dma_start3A_150 : memref<40x48xf32, #tpu.memory_space<vmem_shared>>) target_semaphore(%run_scoped3A_143 : memref<!tpu.dma_semaphore, #tpu.memory_space<semaphore_mem>>)
      %dma_wait3A = arith.constant 0 : i32
      %dma_wait3A_154 = arith.constant 0 : i32
      %dma_wait3A_155 = tpu.memref_slice %arg8[%dma_wait3A, %dma_wait3A_154] : memref<50x48xf32, #tpu.memory_space<vmem>> -> memref<40x48xf32, #tpu.memory_space<vmem>>
      %dma_wait3A_156 = arith.constant 0 : i32
      %dma_wait3A_157 = tpu.memref_slice %arg5[%add3A_59, %dma_wait3A_156] : memref<10240x48xf32, #tpu.memory_space<vmem_shared>> -> memref<40x48xf32, #tpu.memory_space<vmem_shared>>
      %dma_wait3A_158 = arith.constant 0 : i32
      %dma_wait3A_159 = tpu.memref_slice %arg5[%add3A_59, %dma_wait3A_158] : memref<10240x48xf32, #tpu.memory_space<vmem_shared>> -> memref<40x48xf32, #tpu.memory_space<vmem_shared>>
      %dma_wait3A_160 = arith.constant 0 : i32
      %dma_wait3A_161 = arith.constant 0 : i32
      %dma_wait3A_162 = tpu.memref_slice %arg8[%dma_wait3A_160, %dma_wait3A_161] : memref<50x48xf32, #tpu.memory_space<vmem>> -> memref<40x48xf32, #tpu.memory_space<vmem>>
      tpu.wait_dma2 semaphore(%run_scoped3A_143 : memref<!tpu.dma_semaphore, #tpu.memory_space<semaphore_mem>>) src(%dma_wait3A_162 : memref<40x48xf32, #tpu.memory_space<vmem>>) dst(%dma_wait3A_159 : memref<40x48xf32, #tpu.memory_space<vmem_shared>>)
      tpu.yield
    }) : () -> ()
    %mul3A_60 = arith.constant 640 : i32
    %mul3A_61 = arith.muli %arg1, %mul3A_60 : i32
    %add3A_62 = arith.constant 520 : i32
    %add3A_63 = arith.addi %mul3A_61, %add3A_62 : i32
    "tpu.region"() ({
      %run_scoped3A_143 = tpu.sem_alloc : memref<!tpu.dma_semaphore, #tpu.memory_space<semaphore_mem>>
      %dma_start3A_144 = arith.constant 0 : i32
      %dma_start3A_145 = arith.constant 0 : i32
      %dma_start3A_146 = tpu.memref_slice %arg8[%dma_start3A_144, %dma_start3A_145] : memref<50x48xf32, #tpu.memory_space<vmem>> -> memref<40x48xf32, #tpu.memory_space<vmem>>
      %dma_start3A_147 = arith.constant 0 : i32
      %dma_start3A_148 = tpu.memref_slice %arg5[%add3A_63, %dma_start3A_147] : memref<10240x48xf32, #tpu.memory_space<vmem_shared>> -> memref<40x48xf32, #tpu.memory_space<vmem_shared>>
      %dma_start3A_149 = arith.constant 0 : i32
      %dma_start3A_150 = tpu.memref_slice %arg5[%add3A_63, %dma_start3A_149] : memref<10240x48xf32, #tpu.memory_space<vmem_shared>> -> memref<40x48xf32, #tpu.memory_space<vmem_shared>>
      %dma_start3A_151 = arith.constant 0 : i32
      %dma_start3A_152 = arith.constant 0 : i32
      %dma_start3A_153 = tpu.memref_slice %arg8[%dma_start3A_151, %dma_start3A_152] : memref<50x48xf32, #tpu.memory_space<vmem>> -> memref<40x48xf32, #tpu.memory_space<vmem>>
      tpu.enqueue_dma source(%dma_start3A_153 : memref<40x48xf32, #tpu.memory_space<vmem>>) target(%dma_start3A_150 : memref<40x48xf32, #tpu.memory_space<vmem_shared>>) target_semaphore(%run_scoped3A_143 : memref<!tpu.dma_semaphore, #tpu.memory_space<semaphore_mem>>)
      %dma_wait3A = arith.constant 0 : i32
      %dma_wait3A_154 = arith.constant 0 : i32
      %dma_wait3A_155 = tpu.memref_slice %arg8[%dma_wait3A, %dma_wait3A_154] : memref<50x48xf32, #tpu.memory_space<vmem>> -> memref<40x48xf32, #tpu.memory_space<vmem>>
      %dma_wait3A_156 = arith.constant 0 : i32
      %dma_wait3A_157 = tpu.memref_slice %arg5[%add3A_63, %dma_wait3A_156] : memref<10240x48xf32, #tpu.memory_space<vmem_shared>> -> memref<40x48xf32, #tpu.memory_space<vmem_shared>>
      %dma_wait3A_158 = arith.constant 0 : i32
      %dma_wait3A_159 = tpu.memref_slice %arg5[%add3A_63, %dma_wait3A_158] : memref<10240x48xf32, #tpu.memory_space<vmem_shared>> -> memref<40x48xf32, #tpu.memory_space<vmem_shared>>
      %dma_wait3A_160 = arith.constant 0 : i32
      %dma_wait3A_161 = arith.constant 0 : i32
      %dma_wait3A_162 = tpu.memref_slice %arg8[%dma_wait3A_160, %dma_wait3A_161] : memref<50x48xf32, #tpu.memory_space<vmem>> -> memref<40x48xf32, #tpu.memory_space<vmem>>
      tpu.wait_dma2 semaphore(%run_scoped3A_143 : memref<!tpu.dma_semaphore, #tpu.memory_space<semaphore_mem>>) src(%dma_wait3A_162 : memref<40x48xf32, #tpu.memory_space<vmem>>) dst(%dma_wait3A_159 : memref<40x48xf32, #tpu.memory_space<vmem_shared>>)
      tpu.yield
    }) : () -> ()
    %mul3A_64 = arith.constant 640 : i32
    %mul3A_65 = arith.muli %arg1, %mul3A_64 : i32
    %add3A_66 = arith.constant 560 : i32
    %add3A_67 = arith.addi %mul3A_65, %add3A_66 : i32
    "tpu.region"() ({
      %run_scoped3A_143 = tpu.sem_alloc : memref<!tpu.dma_semaphore, #tpu.memory_space<semaphore_mem>>
      %dma_start3A_144 = arith.constant 0 : i32
      %dma_start3A_145 = arith.constant 0 : i32
      %dma_start3A_146 = tpu.memref_slice %arg8[%dma_start3A_144, %dma_start3A_145] : memref<50x48xf32, #tpu.memory_space<vmem>> -> memref<40x48xf32, #tpu.memory_space<vmem>>
      %dma_start3A_147 = arith.constant 0 : i32
      %dma_start3A_148 = tpu.memref_slice %arg5[%add3A_67, %dma_start3A_147] : memref<10240x48xf32, #tpu.memory_space<vmem_shared>> -> memref<40x48xf32, #tpu.memory_space<vmem_shared>>
      %dma_start3A_149 = arith.constant 0 : i32
      %dma_start3A_150 = tpu.memref_slice %arg5[%add3A_67, %dma_start3A_149] : memref<10240x48xf32, #tpu.memory_space<vmem_shared>> -> memref<40x48xf32, #tpu.memory_space<vmem_shared>>
      %dma_start3A_151 = arith.constant 0 : i32
      %dma_start3A_152 = arith.constant 0 : i32
      %dma_start3A_153 = tpu.memref_slice %arg8[%dma_start3A_151, %dma_start3A_152] : memref<50x48xf32, #tpu.memory_space<vmem>> -> memref<40x48xf32, #tpu.memory_space<vmem>>
      tpu.enqueue_dma source(%dma_start3A_153 : memref<40x48xf32, #tpu.memory_space<vmem>>) target(%dma_start3A_150 : memref<40x48xf32, #tpu.memory_space<vmem_shared>>) target_semaphore(%run_scoped3A_143 : memref<!tpu.dma_semaphore, #tpu.memory_space<semaphore_mem>>)
      %dma_wait3A = arith.constant 0 : i32
      %dma_wait3A_154 = arith.constant 0 : i32
      %dma_wait3A_155 = tpu.memref_slice %arg8[%dma_wait3A, %dma_wait3A_154] : memref<50x48xf32, #tpu.memory_space<vmem>> -> memref<40x48xf32, #tpu.memory_space<vmem>>
      %dma_wait3A_156 = arith.constant 0 : i32
      %dma_wait3A_157 = tpu.memref_slice %arg5[%add3A_67, %dma_wait3A_156] : memref<10240x48xf32, #tpu.memory_space<vmem_shared>> -> memref<40x48xf32, #tpu.memory_space<vmem_shared>>
      %dma_wait3A_158 = arith.constant 0 : i32
      %dma_wait3A_159 = tpu.memref_slice %arg5[%add3A_67, %dma_wait3A_158] : memref<10240x48xf32, #tpu.memory_space<vmem_shared>> -> memref<40x48xf32, #tpu.memory_space<vmem_shared>>
      %dma_wait3A_160 = arith.constant 0 : i32
      %dma_wait3A_161 = arith.constant 0 : i32
      %dma_wait3A_162 = tpu.memref_slice %arg8[%dma_wait3A_160, %dma_wait3A_161] : memref<50x48xf32, #tpu.memory_space<vmem>> -> memref<40x48xf32, #tpu.memory_space<vmem>>
      tpu.wait_dma2 semaphore(%run_scoped3A_143 : memref<!tpu.dma_semaphore, #tpu.memory_space<semaphore_mem>>) src(%dma_wait3A_162 : memref<40x48xf32, #tpu.memory_space<vmem>>) dst(%dma_wait3A_159 : memref<40x48xf32, #tpu.memory_space<vmem_shared>>)
      tpu.yield
    }) : () -> ()
    %mul3A_68 = arith.constant 640 : i32
    %mul3A_69 = arith.muli %arg1, %mul3A_68 : i32
    %add3A_70 = arith.constant 600 : i32
    %add3A_71 = arith.addi %mul3A_69, %add3A_70 : i32
    "tpu.region"() ({
      %run_scoped3A_143 = tpu.sem_alloc : memref<!tpu.dma_semaphore, #tpu.memory_space<semaphore_mem>>
      %dma_start3A_144 = arith.constant 0 : i32
      %dma_start3A_145 = arith.constant 0 : i32
      %dma_start3A_146 = tpu.memref_slice %arg8[%dma_start3A_144, %dma_start3A_145] : memref<50x48xf32, #tpu.memory_space<vmem>> -> memref<40x48xf32, #tpu.memory_space<vmem>>
      %dma_start3A_147 = arith.constant 0 : i32
      %dma_start3A_148 = tpu.memref_slice %arg5[%add3A_71, %dma_start3A_147] : memref<10240x48xf32, #tpu.memory_space<vmem_shared>> -> memref<40x48xf32, #tpu.memory_space<vmem_shared>>
      %dma_start3A_149 = arith.constant 0 : i32
      %dma_start3A_150 = tpu.memref_slice %arg5[%add3A_71, %dma_start3A_149] : memref<10240x48xf32, #tpu.memory_space<vmem_shared>> -> memref<40x48xf32, #tpu.memory_space<vmem_shared>>
      %dma_start3A_151 = arith.constant 0 : i32
      %dma_start3A_152 = arith.constant 0 : i32
      %dma_start3A_153 = tpu.memref_slice %arg8[%dma_start3A_151, %dma_start3A_152] : memref<50x48xf32, #tpu.memory_space<vmem>> -> memref<40x48xf32, #tpu.memory_space<vmem>>
      tpu.enqueue_dma source(%dma_start3A_153 : memref<40x48xf32, #tpu.memory_space<vmem>>) target(%dma_start3A_150 : memref<40x48xf32, #tpu.memory_space<vmem_shared>>) target_semaphore(%run_scoped3A_143 : memref<!tpu.dma_semaphore, #tpu.memory_space<semaphore_mem>>)
      %dma_wait3A = arith.constant 0 : i32
      %dma_wait3A_154 = arith.constant 0 : i32
      %dma_wait3A_155 = tpu.memref_slice %arg8[%dma_wait3A, %dma_wait3A_154] : memref<50x48xf32, #tpu.memory_space<vmem>> -> memref<40x48xf32, #tpu.memory_space<vmem>>
      %dma_wait3A_156 = arith.constant 0 : i32
      %dma_wait3A_157 = tpu.memref_slice %arg5[%add3A_71, %dma_wait3A_156] : memref<10240x48xf32, #tpu.memory_space<vmem_shared>> -> memref<40x48xf32, #tpu.memory_space<vmem_shared>>
      %dma_wait3A_158 = arith.constant 0 : i32
      %dma_wait3A_159 = tpu.memref_slice %arg5[%add3A_71, %dma_wait3A_158] : memref<10240x48xf32, #tpu.memory_space<vmem_shared>> -> memref<40x48xf32, #tpu.memory_space<vmem_shared>>
      %dma_wait3A_160 = arith.constant 0 : i32
      %dma_wait3A_161 = arith.constant 0 : i32
      %dma_wait3A_162 = tpu.memref_slice %arg8[%dma_wait3A_160, %dma_wait3A_161] : memref<50x48xf32, #tpu.memory_space<vmem>> -> memref<40x48xf32, #tpu.memory_space<vmem>>
      tpu.wait_dma2 semaphore(%run_scoped3A_143 : memref<!tpu.dma_semaphore, #tpu.memory_space<semaphore_mem>>) src(%dma_wait3A_162 : memref<40x48xf32, #tpu.memory_space<vmem>>) dst(%dma_wait3A_159 : memref<40x48xf32, #tpu.memory_space<vmem_shared>>)
      tpu.yield
    }) : () -> ()
    %run_scoped3A = arith.constant 0 : i32
    "tpu.region"() ({
      %run_scoped3A_143 = tpu.sem_alloc : memref<!tpu.dma_semaphore, #tpu.memory_space<semaphore_mem>>
      %dma_start3A_144 = arith.constant 0 : i32
      %dma_start3A_145 = arith.constant 0 : i32
      %dma_start3A_146 = tpu.memref_slice %arg3[%run_scoped3A, %add3A, %dma_start3A_144, %dma_start3A_145] : memref<2x32x200x50xi32, #tpu.memory_space<hbm>> -> memref<1x1x200x50xi32, #tpu.memory_space<hbm>>
      %dma_start3A_147 = tpu.memref_squeeze %dma_start3A_146 : memref<1x1x200x50xi32, #tpu.memory_space<hbm>> -> memref<200x50xi32, #tpu.memory_space<hbm>>
      %dma_start3A_148 = arith.constant 0 : i32
      %dma_start3A_149 = arith.constant 0 : i32
      %dma_start3A_150 = tpu.memref_slice %arg3[%run_scoped3A, %add3A, %dma_start3A_148, %dma_start3A_149] : memref<2x32x200x50xi32, #tpu.memory_space<hbm>> -> memref<1x1x200x50xi32, #tpu.memory_space<hbm>>
      %dma_start3A_151 = tpu.memref_squeeze %dma_start3A_150 : memref<1x1x200x50xi32, #tpu.memory_space<hbm>> -> memref<200x50xi32, #tpu.memory_space<hbm>>
      tpu.enqueue_dma source(%dma_start3A_151 : memref<200x50xi32, #tpu.memory_space<hbm>>) target(%arg6 : memref<200x50xi32, #tpu.memory_space<vmem>>) target_semaphore(%run_scoped3A_143 : memref<!tpu.dma_semaphore, #tpu.memory_space<semaphore_mem>>)
      %dma_wait3A = arith.constant 0 : i32
      %dma_wait3A_152 = arith.constant 0 : i32
      %dma_wait3A_153 = tpu.memref_slice %arg3[%run_scoped3A, %add3A, %dma_wait3A, %dma_wait3A_152] : memref<2x32x200x50xi32, #tpu.memory_space<hbm>> -> memref<1x1x200x50xi32, #tpu.memory_space<hbm>>
      %dma_wait3A_154 = tpu.memref_squeeze %dma_wait3A_153 : memref<1x1x200x50xi32, #tpu.memory_space<hbm>> -> memref<200x50xi32, #tpu.memory_space<hbm>>
      %dma_wait3A_155 = arith.constant 0 : i32
      %dma_wait3A_156 = arith.constant 0 : i32
      %dma_wait3A_157 = tpu.memref_slice %arg3[%run_scoped3A, %add3A, %dma_wait3A_155, %dma_wait3A_156] : memref<2x32x200x50xi32, #tpu.memory_space<hbm>> -> memref<1x1x200x50xi32, #tpu.memory_space<hbm>>
      %dma_wait3A_158 = tpu.memref_squeeze %dma_wait3A_157 : memref<1x1x200x50xi32, #tpu.memory_space<hbm>> -> memref<200x50xi32, #tpu.memory_space<hbm>>
      tpu.wait_dma2 semaphore(%run_scoped3A_143 : memref<!tpu.dma_semaphore, #tpu.memory_space<semaphore_mem>>) src(%dma_wait3A_158 : memref<200x50xi32, #tpu.memory_space<hbm>>) dst(%arg6 : memref<200x50xi32, #tpu.memory_space<vmem>>)
      tpu.yield
    }) : () -> ()
    %run_scoped3A_72 = arith.constant 1 : i32
    "tpu.region"() ({
      %run_scoped3A_143 = tpu.sem_alloc : memref<!tpu.dma_semaphore, #tpu.memory_space<semaphore_mem>>
      %dma_start3A_144 = arith.constant 0 : i32
      %dma_start3A_145 = arith.constant 0 : i32
      %dma_start3A_146 = tpu.memref_slice %arg3[%run_scoped3A_72, %add3A, %dma_start3A_144, %dma_start3A_145] : memref<2x32x200x50xi32, #tpu.memory_space<hbm>> -> memref<1x1x200x50xi32, #tpu.memory_space<hbm>>
      %dma_start3A_147 = tpu.memref_squeeze %dma_start3A_146 : memref<1x1x200x50xi32, #tpu.memory_space<hbm>> -> memref<200x50xi32, #tpu.memory_space<hbm>>
      %dma_start3A_148 = arith.constant 0 : i32
      %dma_start3A_149 = arith.constant 0 : i32
      %dma_start3A_150 = tpu.memref_slice %arg3[%run_scoped3A_72, %add3A, %dma_start3A_148, %dma_start3A_149] : memref<2x32x200x50xi32, #tpu.memory_space<hbm>> -> memref<1x1x200x50xi32, #tpu.memory_space<hbm>>
      %dma_start3A_151 = tpu.memref_squeeze %dma_start3A_150 : memref<1x1x200x50xi32, #tpu.memory_space<hbm>> -> memref<200x50xi32, #tpu.memory_space<hbm>>
      tpu.enqueue_dma source(%dma_start3A_151 : memref<200x50xi32, #tpu.memory_space<hbm>>) target(%arg7 : memref<200x50xi32, #tpu.memory_space<vmem>>) target_semaphore(%run_scoped3A_143 : memref<!tpu.dma_semaphore, #tpu.memory_space<semaphore_mem>>)
      %dma_wait3A = arith.constant 0 : i32
      %dma_wait3A_152 = arith.constant 0 : i32
      %dma_wait3A_153 = tpu.memref_slice %arg3[%run_scoped3A_72, %add3A, %dma_wait3A, %dma_wait3A_152] : memref<2x32x200x50xi32, #tpu.memory_space<hbm>> -> memref<1x1x200x50xi32, #tpu.memory_space<hbm>>
      %dma_wait3A_154 = tpu.memref_squeeze %dma_wait3A_153 : memref<1x1x200x50xi32, #tpu.memory_space<hbm>> -> memref<200x50xi32, #tpu.memory_space<hbm>>
      %dma_wait3A_155 = arith.constant 0 : i32
      %dma_wait3A_156 = arith.constant 0 : i32
      %dma_wait3A_157 = tpu.memref_slice %arg3[%run_scoped3A_72, %add3A, %dma_wait3A_155, %dma_wait3A_156] : memref<2x32x200x50xi32, #tpu.memory_space<hbm>> -> memref<1x1x200x50xi32, #tpu.memory_space<hbm>>
      %dma_wait3A_158 = tpu.memref_squeeze %dma_wait3A_157 : memref<1x1x200x50xi32, #tpu.memory_space<hbm>> -> memref<200x50xi32, #tpu.memory_space<hbm>>
      tpu.wait_dma2 semaphore(%run_scoped3A_143 : memref<!tpu.dma_semaphore, #tpu.memory_space<semaphore_mem>>) src(%dma_wait3A_158 : memref<200x50xi32, #tpu.memory_space<hbm>>) dst(%arg7 : memref<200x50xi32, #tpu.memory_space<vmem>>)
      tpu.yield
    }) : () -> ()
    %barrier3A = arith.constant 0 : index
    tpu.barrier barrier_id(%barrier3A)
    %dma_start3A = arith.constant 0 : i32
    %dma_start3A_73 = arith.constant 0 : i32
    %dma_start3A_74 = tpu.memref_slice %arg6[%dma_start3A, %dma_start3A_73] : memref<200x50xi32, #tpu.memory_space<vmem>> -> memref<1x50xi32, #tpu.memory_space<vmem>>
    %dma_start3A_75 = tpu.memref_squeeze %dma_start3A_74 : memref<1x50xi32, #tpu.memory_space<vmem>> -> memref<50xi32, #tpu.memory_space<vmem>>
    %dma_start3A_76 = arith.constant 0 : i32
    %dma_start3A_77 = arith.constant 0 : i32
    %dma_start3A_78 = tpu.memref_slice %arg2[%dma_start3A_76, %dma_start3A_77] : memref<10000x48xf32, #tpu.memory_space<hbm>> -> memref<10000x48xf32, #tpu.memory_space<hbm>>
    tpu.enqueue_indirect_dma source(%dma_start3A_78 : memref<10000x48xf32, #tpu.memory_space<hbm>>) target(%arg8 : memref<50x48xf32, #tpu.memory_space<vmem>>) offsets(%dma_start3A_75 : memref<50xi32, #tpu.memory_space<vmem>>) semaphore(%arg16 : memref<!tpu.dma_semaphore, #tpu.memory_space<semaphore_mem>>)
    %dma_start3A_79 = arith.constant 1 : i32
    %dma_start3A_80 = arith.constant 0 : i32
    %dma_start3A_81 = tpu.memref_slice %arg6[%dma_start3A_79, %dma_start3A_80] : memref<200x50xi32, #tpu.memory_space<vmem>> -> memref<1x50xi32, #tpu.memory_space<vmem>>
    %dma_start3A_82 = tpu.memref_squeeze %dma_start3A_81 : memref<1x50xi32, #tpu.memory_space<vmem>> -> memref<50xi32, #tpu.memory_space<vmem>>
    %dma_start3A_83 = arith.constant 0 : i32
    %dma_start3A_84 = arith.constant 0 : i32
    %dma_start3A_85 = tpu.memref_slice %arg2[%dma_start3A_83, %dma_start3A_84] : memref<10000x48xf32, #tpu.memory_space<hbm>> -> memref<10000x48xf32, #tpu.memory_space<hbm>>
    tpu.enqueue_indirect_dma source(%dma_start3A_85 : memref<10000x48xf32, #tpu.memory_space<hbm>>) target(%arg9 : memref<50x48xf32, #tpu.memory_space<vmem>>) offsets(%dma_start3A_82 : memref<50xi32, #tpu.memory_space<vmem>>) semaphore(%arg16 : memref<!tpu.dma_semaphore, #tpu.memory_space<semaphore_mem>>)
    %dma_start3A_86 = arith.constant 2 : i32
    %dma_start3A_87 = arith.constant 0 : i32
    %dma_start3A_88 = tpu.memref_slice %arg6[%dma_start3A_86, %dma_start3A_87] : memref<200x50xi32, #tpu.memory_space<vmem>> -> memref<1x50xi32, #tpu.memory_space<vmem>>
    %dma_start3A_89 = tpu.memref_squeeze %dma_start3A_88 : memref<1x50xi32, #tpu.memory_space<vmem>> -> memref<50xi32, #tpu.memory_space<vmem>>
    %dma_start3A_90 = arith.constant 0 : i32
    %dma_start3A_91 = arith.constant 0 : i32
    %dma_start3A_92 = tpu.memref_slice %arg2[%dma_start3A_90, %dma_start3A_91] : memref<10000x48xf32, #tpu.memory_space<hbm>> -> memref<10000x48xf32, #tpu.memory_space<hbm>>
    tpu.enqueue_indirect_dma source(%dma_start3A_92 : memref<10000x48xf32, #tpu.memory_space<hbm>>) target(%arg10 : memref<50x48xf32, #tpu.memory_space<vmem>>) offsets(%dma_start3A_89 : memref<50xi32, #tpu.memory_space<vmem>>) semaphore(%arg16 : memref<!tpu.dma_semaphore, #tpu.memory_space<semaphore_mem>>)
    %dma_start3A_93 = arith.constant 3 : i32
    %dma_start3A_94 = arith.constant 0 : i32
    %dma_start3A_95 = tpu.memref_slice %arg6[%dma_start3A_93, %dma_start3A_94] : memref<200x50xi32, #tpu.memory_space<vmem>> -> memref<1x50xi32, #tpu.memory_space<vmem>>
    %dma_start3A_96 = tpu.memref_squeeze %dma_start3A_95 : memref<1x50xi32, #tpu.memory_space<vmem>> -> memref<50xi32, #tpu.memory_space<vmem>>
    %dma_start3A_97 = arith.constant 0 : i32
    %dma_start3A_98 = arith.constant 0 : i32
    %dma_start3A_99 = tpu.memref_slice %arg2[%dma_start3A_97, %dma_start3A_98] : memref<10000x48xf32, #tpu.memory_space<hbm>> -> memref<10000x48xf32, #tpu.memory_space<hbm>>
    tpu.enqueue_indirect_dma source(%dma_start3A_99 : memref<10000x48xf32, #tpu.memory_space<hbm>>) target(%arg11 : memref<50x48xf32, #tpu.memory_space<vmem>>) offsets(%dma_start3A_96 : memref<50xi32, #tpu.memory_space<vmem>>) semaphore(%arg16 : memref<!tpu.dma_semaphore, #tpu.memory_space<semaphore_mem>>)
    %dma_start3A_100 = arith.constant 4 : i32
    %dma_start3A_101 = arith.constant 0 : i32
    %dma_start3A_102 = tpu.memref_slice %arg6[%dma_start3A_100, %dma_start3A_101] : memref<200x50xi32, #tpu.memory_space<vmem>> -> memref<1x50xi32, #tpu.memory_space<vmem>>
    %dma_start3A_103 = tpu.memref_squeeze %dma_start3A_102 : memref<1x50xi32, #tpu.memory_space<vmem>> -> memref<50xi32, #tpu.memory_space<vmem>>
    %dma_start3A_104 = arith.constant 0 : i32
    %dma_start3A_105 = arith.constant 0 : i32
    %dma_start3A_106 = tpu.memref_slice %arg2[%dma_start3A_104, %dma_start3A_105] : memref<10000x48xf32, #tpu.memory_space<hbm>> -> memref<10000x48xf32, #tpu.memory_space<hbm>>
    tpu.enqueue_indirect_dma source(%dma_start3A_106 : memref<10000x48xf32, #tpu.memory_space<hbm>>) target(%arg12 : memref<50x48xf32, #tpu.memory_space<vmem>>) offsets(%dma_start3A_103 : memref<50xi32, #tpu.memory_space<vmem>>) semaphore(%arg16 : memref<!tpu.dma_semaphore, #tpu.memory_space<semaphore_mem>>)
    %dma_start3A_107 = arith.constant 5 : i32
    %dma_start3A_108 = arith.constant 0 : i32
    %dma_start3A_109 = tpu.memref_slice %arg6[%dma_start3A_107, %dma_start3A_108] : memref<200x50xi32, #tpu.memory_space<vmem>> -> memref<1x50xi32, #tpu.memory_space<vmem>>
    %dma_start3A_110 = tpu.memref_squeeze %dma_start3A_109 : memref<1x50xi32, #tpu.memory_space<vmem>> -> memref<50xi32, #tpu.memory_space<vmem>>
    %dma_start3A_111 = arith.constant 0 : i32
    %dma_start3A_112 = arith.constant 0 : i32
    %dma_start3A_113 = tpu.memref_slice %arg2[%dma_start3A_111, %dma_start3A_112] : memref<10000x48xf32, #tpu.memory_space<hbm>> -> memref<10000x48xf32, #tpu.memory_space<hbm>>
    tpu.enqueue_indirect_dma source(%dma_start3A_113 : memref<10000x48xf32, #tpu.memory_space<hbm>>) target(%arg13 : memref<50x48xf32, #tpu.memory_space<vmem>>) offsets(%dma_start3A_110 : memref<50xi32, #tpu.memory_space<vmem>>) semaphore(%arg16 : memref<!tpu.dma_semaphore, #tpu.memory_space<semaphore_mem>>)
    %dma_start3A_114 = arith.constant 6 : i32
    %dma_start3A_115 = arith.constant 0 : i32
    %dma_start3A_116 = tpu.memref_slice %arg6[%dma_start3A_114, %dma_start3A_115] : memref<200x50xi32, #tpu.memory_space<vmem>> -> memref<1x50xi32, #tpu.memory_space<vmem>>
    %dma_start3A_117 = tpu.memref_squeeze %dma_start3A_116 : memref<1x50xi32, #tpu.memory_space<vmem>> -> memref<50xi32, #tpu.memory_space<vmem>>
    %dma_start3A_118 = arith.constant 0 : i32
    %dma_start3A_119 = arith.constant 0 : i32
    %dma_start3A_120 = tpu.memref_slice %arg2[%dma_start3A_118, %dma_start3A_119] : memref<10000x48xf32, #tpu.memory_space<hbm>> -> memref<10000x48xf32, #tpu.memory_space<hbm>>
    tpu.enqueue_indirect_dma source(%dma_start3A_120 : memref<10000x48xf32, #tpu.memory_space<hbm>>) target(%arg14 : memref<50x48xf32, #tpu.memory_space<vmem>>) offsets(%dma_start3A_117 : memref<50xi32, #tpu.memory_space<vmem>>) semaphore(%arg16 : memref<!tpu.dma_semaphore, #tpu.memory_space<semaphore_mem>>)
    %dma_start3A_121 = arith.constant 7 : i32
    %dma_start3A_122 = arith.constant 0 : i32
    %dma_start3A_123 = tpu.memref_slice %arg6[%dma_start3A_121, %dma_start3A_122] : memref<200x50xi32, #tpu.memory_space<vmem>> -> memref<1x50xi32, #tpu.memory_space<vmem>>
    %dma_start3A_124 = tpu.memref_squeeze %dma_start3A_123 : memref<1x50xi32, #tpu.memory_space<vmem>> -> memref<50xi32, #tpu.memory_space<vmem>>
    %dma_start3A_125 = arith.constant 0 : i32
    %dma_start3A_126 = arith.constant 0 : i32
    %dma_start3A_127 = tpu.memref_slice %arg2[%dma_start3A_125, %dma_start3A_126] : memref<10000x48xf32, #tpu.memory_space<hbm>> -> memref<10000x48xf32, #tpu.memory_space<hbm>>
    tpu.enqueue_indirect_dma source(%dma_start3A_127 : memref<10000x48xf32, #tpu.memory_space<hbm>>) target(%arg15 : memref<50x48xf32, #tpu.memory_space<vmem>>) offsets(%dma_start3A_124 : memref<50xi32, #tpu.memory_space<vmem>>) semaphore(%arg16 : memref<!tpu.dma_semaphore, #tpu.memory_space<semaphore_mem>>)
    %scan3A_128 = arith.constant 0 : i32
    %scan3A_129 = arith.constant 0 : i32
    %scan3A_130 = arith.constant 25 : i32
    %scan3A_131 = arith.addi %scan3A_129, %scan3A_130 : i32
    %scan3A_132 = arith.constant 1 : i32
    %scan3A_133 = scf.for %scan3A_143 = %scan3A_129 to %scan3A_131 step %scan3A_132 iter_args(%scan3A_144 = %scan3A_128) -> (i32)  : i32 {
      %mul3A_145 = arith.constant 8 : i32
      %mul3A_146 = arith.muli %scan3A_143, %mul3A_145 : i32
      %add3A_147 = arith.constant 0 : i32
      %add3A_148 = arith.addi %mul3A_146, %add3A_147 : i32
      %dma_wait3A = arith.constant 0 : i32
      %dma_wait3A_149 = tpu.memref_slice %arg6[%add3A_148, %dma_wait3A] : memref<200x50xi32, #tpu.memory_space<vmem>> -> memref<1x50xi32, #tpu.memory_space<vmem>>
      %dma_wait3A_150 = tpu.memref_squeeze %dma_wait3A_149 : memref<1x50xi32, #tpu.memory_space<vmem>> -> memref<50xi32, #tpu.memory_space<vmem>>
      %dma_wait3A_151 = arith.constant 0 : i32
      %dma_wait3A_152 = arith.constant 0 : i32
      %dma_wait3A_153 = tpu.memref_slice %arg2[%dma_wait3A_151, %dma_wait3A_152] : memref<10000x48xf32, #tpu.memory_space<hbm>> -> memref<10000x48xf32, #tpu.memory_space<hbm>>
      tpu.wait_indirect_dma semaphore(%arg16 : memref<!tpu.dma_semaphore, #tpu.memory_space<semaphore_mem>>) src(%dma_wait3A_153 : memref<10000x48xf32, #tpu.memory_space<hbm>>) dst(%arg8 : memref<50x48xf32, #tpu.memory_space<vmem>>)
      "tpu.region"() ({
        %run_scoped3A_262 = tpu.sem_alloc : memref<!tpu.dma_semaphore, #tpu.memory_space<semaphore_mem>>
        %dma_start3A_263 = arith.constant 0 : i32
        %dma_start3A_264 = tpu.memref_slice %arg7[%add3A_148, %dma_start3A_263] : memref<200x50xi32, #tpu.memory_space<vmem>> -> memref<1x50xi32, #tpu.memory_space<vmem>>
        %dma_start3A_265 = tpu.memref_squeeze %dma_start3A_264 : memref<1x50xi32, #tpu.memory_space<vmem>> -> memref<50xi32, #tpu.memory_space<vmem>>
        %dma_start3A_266 = arith.constant 0 : i32
        %dma_start3A_267 = arith.constant 0 : i32
        %dma_start3A_268 = tpu.memref_slice %arg5[%dma_start3A_266, %dma_start3A_267] : memref<10240x48xf32, #tpu.memory_space<vmem_shared>> -> memref<10240x48xf32, #tpu.memory_space<vmem_shared>>
        tpu.enqueue_indirect_dma source(%arg8 : memref<50x48xf32, #tpu.memory_space<vmem>>) target(%dma_start3A_268 : memref<10240x48xf32, #tpu.memory_space<vmem_shared>>) offsets(%dma_start3A_265 : memref<50xi32, #tpu.memory_space<vmem>>) semaphore(%run_scoped3A_262 : memref<!tpu.dma_semaphore, #tpu.memory_space<semaphore_mem>>) {add = true}
        %dma_wait3A_269 = arith.constant 0 : i32
        %dma_wait3A_270 = tpu.memref_slice %arg7[%add3A_148, %dma_wait3A_269] : memref<200x50xi32, #tpu.memory_space<vmem>> -> memref<1x50xi32, #tpu.memory_space<vmem>>
        %dma_wait3A_271 = tpu.memref_squeeze %dma_wait3A_270 : memref<1x50xi32, #tpu.memory_space<vmem>> -> memref<50xi32, #tpu.memory_space<vmem>>
        %dma_wait3A_272 = arith.constant 0 : i32
        %dma_wait3A_273 = arith.constant 0 : i32
        %dma_wait3A_274 = tpu.memref_slice %arg5[%dma_wait3A_272, %dma_wait3A_273] : memref<10240x48xf32, #tpu.memory_space<vmem_shared>> -> memref<10240x48xf32, #tpu.memory_space<vmem_shared>>
        tpu.wait_indirect_dma semaphore(%run_scoped3A_262 : memref<!tpu.dma_semaphore, #tpu.memory_space<semaphore_mem>>) src(%arg8 : memref<50x48xf32, #tpu.memory_space<vmem>>) dst(%dma_wait3A_274 : memref<10240x48xf32, #tpu.memory_space<vmem_shared>>)
        tpu.yield
      }) : () -> ()
      %lt3A = arith.constant 24 : i32
      %lt3A_154 = arith.cmpi slt, %scan3A_143, %lt3A : i32
      %convert_element_type3A = arith.extui %lt3A_154 : i1 to i32
      %cond3A = arith.constant 0 : i32
      %cond3A_155 = arith.cmpi ne, %convert_element_type3A, %cond3A : i32
      scf.if %cond3A_155 {
        %add3A_262 = arith.constant 8 : i32
        %add3A_263 = arith.addi %add3A_148, %add3A_262 : i32
        %dma_start3A_264 = arith.constant 0 : i32
        %dma_start3A_265 = tpu.memref_slice %arg6[%add3A_263, %dma_start3A_264] : memref<200x50xi32, #tpu.memory_space<vmem>> -> memref<1x50xi32, #tpu.memory_space<vmem>>
        %dma_start3A_266 = tpu.memref_squeeze %dma_start3A_265 : memref<1x50xi32, #tpu.memory_space<vmem>> -> memref<50xi32, #tpu.memory_space<vmem>>
        %dma_start3A_267 = arith.constant 0 : i32
        %dma_start3A_268 = arith.constant 0 : i32
        %dma_start3A_269 = tpu.memref_slice %arg2[%dma_start3A_267, %dma_start3A_268] : memref<10000x48xf32, #tpu.memory_space<hbm>> -> memref<10000x48xf32, #tpu.memory_space<hbm>>
        tpu.enqueue_indirect_dma source(%dma_start3A_269 : memref<10000x48xf32, #tpu.memory_space<hbm>>) target(%arg8 : memref<50x48xf32, #tpu.memory_space<vmem>>) offsets(%dma_start3A_266 : memref<50xi32, #tpu.memory_space<vmem>>) semaphore(%arg16 : memref<!tpu.dma_semaphore, #tpu.memory_space<semaphore_mem>>)
      } else {
      }
      %mul3A_156 = arith.constant 8 : i32
      %mul3A_157 = arith.muli %scan3A_143, %mul3A_156 : i32
      %add3A_158 = arith.constant 1 : i32
      %add3A_159 = arith.addi %mul3A_157, %add3A_158 : i32
      %dma_wait3A_160 = arith.constant 0 : i32
      %dma_wait3A_161 = tpu.memref_slice %arg6[%add3A_159, %dma_wait3A_160] : memref<200x50xi32, #tpu.memory_space<vmem>> -> memref<1x50xi32, #tpu.memory_space<vmem>>
      %dma_wait3A_162 = tpu.memref_squeeze %dma_wait3A_161 : memref<1x50xi32, #tpu.memory_space<vmem>> -> memref<50xi32, #tpu.memory_space<vmem>>
      %dma_wait3A_163 = arith.constant 0 : i32
      %dma_wait3A_164 = arith.constant 0 : i32
      %dma_wait3A_165 = tpu.memref_slice %arg2[%dma_wait3A_163, %dma_wait3A_164] : memref<10000x48xf32, #tpu.memory_space<hbm>> -> memref<10000x48xf32, #tpu.memory_space<hbm>>
      tpu.wait_indirect_dma semaphore(%arg16 : memref<!tpu.dma_semaphore, #tpu.memory_space<semaphore_mem>>) src(%dma_wait3A_165 : memref<10000x48xf32, #tpu.memory_space<hbm>>) dst(%arg9 : memref<50x48xf32, #tpu.memory_space<vmem>>)
      "tpu.region"() ({
        %run_scoped3A_262 = tpu.sem_alloc : memref<!tpu.dma_semaphore, #tpu.memory_space<semaphore_mem>>
        %dma_start3A_263 = arith.constant 0 : i32
        %dma_start3A_264 = tpu.memref_slice %arg7[%add3A_159, %dma_start3A_263] : memref<200x50xi32, #tpu.memory_space<vmem>> -> memref<1x50xi32, #tpu.memory_space<vmem>>
        %dma_start3A_265 = tpu.memref_squeeze %dma_start3A_264 : memref<1x50xi32, #tpu.memory_space<vmem>> -> memref<50xi32, #tpu.memory_space<vmem>>
        %dma_start3A_266 = arith.constant 0 : i32
        %dma_start3A_267 = arith.constant 0 : i32
        %dma_start3A_268 = tpu.memref_slice %arg5[%dma_start3A_266, %dma_start3A_267] : memref<10240x48xf32, #tpu.memory_space<vmem_shared>> -> memref<10240x48xf32, #tpu.memory_space<vmem_shared>>
        tpu.enqueue_indirect_dma source(%arg9 : memref<50x48xf32, #tpu.memory_space<vmem>>) target(%dma_start3A_268 : memref<10240x48xf32, #tpu.memory_space<vmem_shared>>) offsets(%dma_start3A_265 : memref<50xi32, #tpu.memory_space<vmem>>) semaphore(%run_scoped3A_262 : memref<!tpu.dma_semaphore, #tpu.memory_space<semaphore_mem>>) {add = true}
        %dma_wait3A_269 = arith.constant 0 : i32
        %dma_wait3A_270 = tpu.memref_slice %arg7[%add3A_159, %dma_wait3A_269] : memref<200x50xi32, #tpu.memory_space<vmem>> -> memref<1x50xi32, #tpu.memory_space<vmem>>
        %dma_wait3A_271 = tpu.memref_squeeze %dma_wait3A_270 : memref<1x50xi32, #tpu.memory_space<vmem>> -> memref<50xi32, #tpu.memory_space<vmem>>
        %dma_wait3A_272 = arith.constant 0 : i32
        %dma_wait3A_273 = arith.constant 0 : i32
        %dma_wait3A_274 = tpu.memref_slice %arg5[%dma_wait3A_272, %dma_wait3A_273] : memref<10240x48xf32, #tpu.memory_space<vmem_shared>> -> memref<10240x48xf32, #tpu.memory_space<vmem_shared>>
        tpu.wait_indirect_dma semaphore(%run_scoped3A_262 : memref<!tpu.dma_semaphore, #tpu.memory_space<semaphore_mem>>) src(%arg9 : memref<50x48xf32, #tpu.memory_space<vmem>>) dst(%dma_wait3A_274 : memref<10240x48xf32, #tpu.memory_space<vmem_shared>>)
        tpu.yield
      }) : () -> ()
      %lt3A_166 = arith.constant 24 : i32
      %lt3A_167 = arith.cmpi slt, %scan3A_143, %lt3A_166 : i32
      %convert_element_type3A_168 = arith.extui %lt3A_167 : i1 to i32
      %cond3A_169 = arith.constant 0 : i32
      %cond3A_170 = arith.cmpi ne, %convert_element_type3A_168, %cond3A_169 : i32
      scf.if %cond3A_170 {
        %add3A_262 = arith.constant 8 : i32
        %add3A_263 = arith.addi %add3A_159, %add3A_262 : i32
        %dma_start3A_264 = arith.constant 0 : i32
        %dma_start3A_265 = tpu.memref_slice %arg6[%add3A_263, %dma_start3A_264] : memref<200x50xi32, #tpu.memory_space<vmem>> -> memref<1x50xi32, #tpu.memory_space<vmem>>
        %dma_start3A_266 = tpu.memref_squeeze %dma_start3A_265 : memref<1x50xi32, #tpu.memory_space<vmem>> -> memref<50xi32, #tpu.memory_space<vmem>>
        %dma_start3A_267 = arith.constant 0 : i32
        %dma_start3A_268 = arith.constant 0 : i32
        %dma_start3A_269 = tpu.memref_slice %arg2[%dma_start3A_267, %dma_start3A_268] : memref<10000x48xf32, #tpu.memory_space<hbm>> -> memref<10000x48xf32, #tpu.memory_space<hbm>>
        tpu.enqueue_indirect_dma source(%dma_start3A_269 : memref<10000x48xf32, #tpu.memory_space<hbm>>) target(%arg9 : memref<50x48xf32, #tpu.memory_space<vmem>>) offsets(%dma_start3A_266 : memref<50xi32, #tpu.memory_space<vmem>>) semaphore(%arg16 : memref<!tpu.dma_semaphore, #tpu.memory_space<semaphore_mem>>)
      } else {
      }
      %mul3A_171 = arith.constant 8 : i32
      %mul3A_172 = arith.muli %scan3A_143, %mul3A_171 : i32
      %add3A_173 = arith.constant 2 : i32
      %add3A_174 = arith.addi %mul3A_172, %add3A_173 : i32
      %dma_wait3A_175 = arith.constant 0 : i32
      %dma_wait3A_176 = tpu.memref_slice %arg6[%add3A_174, %dma_wait3A_175] : memref<200x50xi32, #tpu.memory_space<vmem>> -> memref<1x50xi32, #tpu.memory_space<vmem>>
      %dma_wait3A_177 = tpu.memref_squeeze %dma_wait3A_176 : memref<1x50xi32, #tpu.memory_space<vmem>> -> memref<50xi32, #tpu.memory_space<vmem>>
      %dma_wait3A_178 = arith.constant 0 : i32
      %dma_wait3A_179 = arith.constant 0 : i32
      %dma_wait3A_180 = tpu.memref_slice %arg2[%dma_wait3A_178, %dma_wait3A_179] : memref<10000x48xf32, #tpu.memory_space<hbm>> -> memref<10000x48xf32, #tpu.memory_space<hbm>>
      tpu.wait_indirect_dma semaphore(%arg16 : memref<!tpu.dma_semaphore, #tpu.memory_space<semaphore_mem>>) src(%dma_wait3A_180 : memref<10000x48xf32, #tpu.memory_space<hbm>>) dst(%arg10 : memref<50x48xf32, #tpu.memory_space<vmem>>)
      "tpu.region"() ({
        %run_scoped3A_262 = tpu.sem_alloc : memref<!tpu.dma_semaphore, #tpu.memory_space<semaphore_mem>>
        %dma_start3A_263 = arith.constant 0 : i32
        %dma_start3A_264 = tpu.memref_slice %arg7[%add3A_174, %dma_start3A_263] : memref<200x50xi32, #tpu.memory_space<vmem>> -> memref<1x50xi32, #tpu.memory_space<vmem>>
        %dma_start3A_265 = tpu.memref_squeeze %dma_start3A_264 : memref<1x50xi32, #tpu.memory_space<vmem>> -> memref<50xi32, #tpu.memory_space<vmem>>
        %dma_start3A_266 = arith.constant 0 : i32
        %dma_start3A_267 = arith.constant 0 : i32
        %dma_start3A_268 = tpu.memref_slice %arg5[%dma_start3A_266, %dma_start3A_267] : memref<10240x48xf32, #tpu.memory_space<vmem_shared>> -> memref<10240x48xf32, #tpu.memory_space<vmem_shared>>
        tpu.enqueue_indirect_dma source(%arg10 : memref<50x48xf32, #tpu.memory_space<vmem>>) target(%dma_start3A_268 : memref<10240x48xf32, #tpu.memory_space<vmem_shared>>) offsets(%dma_start3A_265 : memref<50xi32, #tpu.memory_space<vmem>>) semaphore(%run_scoped3A_262 : memref<!tpu.dma_semaphore, #tpu.memory_space<semaphore_mem>>) {add = true}
        %dma_wait3A_269 = arith.constant 0 : i32
        %dma_wait3A_270 = tpu.memref_slice %arg7[%add3A_174, %dma_wait3A_269] : memref<200x50xi32, #tpu.memory_space<vmem>> -> memref<1x50xi32, #tpu.memory_space<vmem>>
        %dma_wait3A_271 = tpu.memref_squeeze %dma_wait3A_270 : memref<1x50xi32, #tpu.memory_space<vmem>> -> memref<50xi32, #tpu.memory_space<vmem>>
        %dma_wait3A_272 = arith.constant 0 : i32
        %dma_wait3A_273 = arith.constant 0 : i32
        %dma_wait3A_274 = tpu.memref_slice %arg5[%dma_wait3A_272, %dma_wait3A_273] : memref<10240x48xf32, #tpu.memory_space<vmem_shared>> -> memref<10240x48xf32, #tpu.memory_space<vmem_shared>>
        tpu.wait_indirect_dma semaphore(%run_scoped3A_262 : memref<!tpu.dma_semaphore, #tpu.memory_space<semaphore_mem>>) src(%arg10 : memref<50x48xf32, #tpu.memory_space<vmem>>) dst(%dma_wait3A_274 : memref<10240x48xf32, #tpu.memory_space<vmem_shared>>)
        tpu.yield
      }) : () -> ()
      %lt3A_181 = arith.constant 24 : i32
      %lt3A_182 = arith.cmpi slt, %scan3A_143, %lt3A_181 : i32
      %convert_element_type3A_183 = arith.extui %lt3A_182 : i1 to i32
      %cond3A_184 = arith.constant 0 : i32
      %cond3A_185 = arith.cmpi ne, %convert_element_type3A_183, %cond3A_184 : i32
      scf.if %cond3A_185 {
        %add3A_262 = arith.constant 8 : i32
        %add3A_263 = arith.addi %add3A_174, %add3A_262 : i32
        %dma_start3A_264 = arith.constant 0 : i32
        %dma_start3A_265 = tpu.memref_slice %arg6[%add3A_263, %dma_start3A_264] : memref<200x50xi32, #tpu.memory_space<vmem>> -> memref<1x50xi32, #tpu.memory_space<vmem>>
        %dma_start3A_266 = tpu.memref_squeeze %dma_start3A_265 : memref<1x50xi32, #tpu.memory_space<vmem>> -> memref<50xi32, #tpu.memory_space<vmem>>
        %dma_start3A_267 = arith.constant 0 : i32
        %dma_start3A_268 = arith.constant 0 : i32
        %dma_start3A_269 = tpu.memref_slice %arg2[%dma_start3A_267, %dma_start3A_268] : memref<10000x48xf32, #tpu.memory_space<hbm>> -> memref<10000x48xf32, #tpu.memory_space<hbm>>
        tpu.enqueue_indirect_dma source(%dma_start3A_269 : memref<10000x48xf32, #tpu.memory_space<hbm>>) target(%arg10 : memref<50x48xf32, #tpu.memory_space<vmem>>) offsets(%dma_start3A_266 : memref<50xi32, #tpu.memory_space<vmem>>) semaphore(%arg16 : memref<!tpu.dma_semaphore, #tpu.memory_space<semaphore_mem>>)
      } else {
      }
      %mul3A_186 = arith.constant 8 : i32
      %mul3A_187 = arith.muli %scan3A_143, %mul3A_186 : i32
      %add3A_188 = arith.constant 3 : i32
      %add3A_189 = arith.addi %mul3A_187, %add3A_188 : i32
      %dma_wait3A_190 = arith.constant 0 : i32
      %dma_wait3A_191 = tpu.memref_slice %arg6[%add3A_189, %dma_wait3A_190] : memref<200x50xi32, #tpu.memory_space<vmem>> -> memref<1x50xi32, #tpu.memory_space<vmem>>
      %dma_wait3A_192 = tpu.memref_squeeze %dma_wait3A_191 : memref<1x50xi32, #tpu.memory_space<vmem>> -> memref<50xi32, #tpu.memory_space<vmem>>
      %dma_wait3A_193 = arith.constant 0 : i32
      %dma_wait3A_194 = arith.constant 0 : i32
      %dma_wait3A_195 = tpu.memref_slice %arg2[%dma_wait3A_193, %dma_wait3A_194] : memref<10000x48xf32, #tpu.memory_space<hbm>> -> memref<10000x48xf32, #tpu.memory_space<hbm>>
      tpu.wait_indirect_dma semaphore(%arg16 : memref<!tpu.dma_semaphore, #tpu.memory_space<semaphore_mem>>) src(%dma_wait3A_195 : memref<10000x48xf32, #tpu.memory_space<hbm>>) dst(%arg11 : memref<50x48xf32, #tpu.memory_space<vmem>>)
      "tpu.region"() ({
        %run_scoped3A_262 = tpu.sem_alloc : memref<!tpu.dma_semaphore, #tpu.memory_space<semaphore_mem>>
        %dma_start3A_263 = arith.constant 0 : i32
        %dma_start3A_264 = tpu.memref_slice %arg7[%add3A_189, %dma_start3A_263] : memref<200x50xi32, #tpu.memory_space<vmem>> -> memref<1x50xi32, #tpu.memory_space<vmem>>
        %dma_start3A_265 = tpu.memref_squeeze %dma_start3A_264 : memref<1x50xi32, #tpu.memory_space<vmem>> -> memref<50xi32, #tpu.memory_space<vmem>>
        %dma_start3A_266 = arith.constant 0 : i32
        %dma_start3A_267 = arith.constant 0 : i32
        %dma_start3A_268 = tpu.memref_slice %arg5[%dma_start3A_266, %dma_start3A_267] : memref<10240x48xf32, #tpu.memory_space<vmem_shared>> -> memref<10240x48xf32, #tpu.memory_space<vmem_shared>>
        tpu.enqueue_indirect_dma source(%arg11 : memref<50x48xf32, #tpu.memory_space<vmem>>) target(%dma_start3A_268 : memref<10240x48xf32, #tpu.memory_space<vmem_shared>>) offsets(%dma_start3A_265 : memref<50xi32, #tpu.memory_space<vmem>>) semaphore(%run_scoped3A_262 : memref<!tpu.dma_semaphore, #tpu.memory_space<semaphore_mem>>) {add = true}
        %dma_wait3A_269 = arith.constant 0 : i32
        %dma_wait3A_270 = tpu.memref_slice %arg7[%add3A_189, %dma_wait3A_269] : memref<200x50xi32, #tpu.memory_space<vmem>> -> memref<1x50xi32, #tpu.memory_space<vmem>>
        %dma_wait3A_271 = tpu.memref_squeeze %dma_wait3A_270 : memref<1x50xi32, #tpu.memory_space<vmem>> -> memref<50xi32, #tpu.memory_space<vmem>>
        %dma_wait3A_272 = arith.constant 0 : i32
        %dma_wait3A_273 = arith.constant 0 : i32
        %dma_wait3A_274 = tpu.memref_slice %arg5[%dma_wait3A_272, %dma_wait3A_273] : memref<10240x48xf32, #tpu.memory_space<vmem_shared>> -> memref<10240x48xf32, #tpu.memory_space<vmem_shared>>
        tpu.wait_indirect_dma semaphore(%run_scoped3A_262 : memref<!tpu.dma_semaphore, #tpu.memory_space<semaphore_mem>>) src(%arg11 : memref<50x48xf32, #tpu.memory_space<vmem>>) dst(%dma_wait3A_274 : memref<10240x48xf32, #tpu.memory_space<vmem_shared>>)
        tpu.yield
      }) : () -> ()
      %lt3A_196 = arith.constant 24 : i32
      %lt3A_197 = arith.cmpi slt, %scan3A_143, %lt3A_196 : i32
      %convert_element_type3A_198 = arith.extui %lt3A_197 : i1 to i32
      %cond3A_199 = arith.constant 0 : i32
      %cond3A_200 = arith.cmpi ne, %convert_element_type3A_198, %cond3A_199 : i32
      scf.if %cond3A_200 {
        %add3A_262 = arith.constant 8 : i32
        %add3A_263 = arith.addi %add3A_189, %add3A_262 : i32
        %dma_start3A_264 = arith.constant 0 : i32
        %dma_start3A_265 = tpu.memref_slice %arg6[%add3A_263, %dma_start3A_264] : memref<200x50xi32, #tpu.memory_space<vmem>> -> memref<1x50xi32, #tpu.memory_space<vmem>>
        %dma_start3A_266 = tpu.memref_squeeze %dma_start3A_265 : memref<1x50xi32, #tpu.memory_space<vmem>> -> memref<50xi32, #tpu.memory_space<vmem>>
        %dma_start3A_267 = arith.constant 0 : i32
        %dma_start3A_268 = arith.constant 0 : i32
        %dma_start3A_269 = tpu.memref_slice %arg2[%dma_start3A_267, %dma_start3A_268] : memref<10000x48xf32, #tpu.memory_space<hbm>> -> memref<10000x48xf32, #tpu.memory_space<hbm>>
        tpu.enqueue_indirect_dma source(%dma_start3A_269 : memref<10000x48xf32, #tpu.memory_space<hbm>>) target(%arg11 : memref<50x48xf32, #tpu.memory_space<vmem>>) offsets(%dma_start3A_266 : memref<50xi32, #tpu.memory_space<vmem>>) semaphore(%arg16 : memref<!tpu.dma_semaphore, #tpu.memory_space<semaphore_mem>>)
      } else {
      }
      %mul3A_201 = arith.constant 8 : i32
      %mul3A_202 = arith.muli %scan3A_143, %mul3A_201 : i32
      %add3A_203 = arith.constant 4 : i32
      %add3A_204 = arith.addi %mul3A_202, %add3A_203 : i32
      %dma_wait3A_205 = arith.constant 0 : i32
      %dma_wait3A_206 = tpu.memref_slice %arg6[%add3A_204, %dma_wait3A_205] : memref<200x50xi32, #tpu.memory_space<vmem>> -> memref<1x50xi32, #tpu.memory_space<vmem>>
      %dma_wait3A_207 = tpu.memref_squeeze %dma_wait3A_206 : memref<1x50xi32, #tpu.memory_space<vmem>> -> memref<50xi32, #tpu.memory_space<vmem>>
      %dma_wait3A_208 = arith.constant 0 : i32
      %dma_wait3A_209 = arith.constant 0 : i32
      %dma_wait3A_210 = tpu.memref_slice %arg2[%dma_wait3A_208, %dma_wait3A_209] : memref<10000x48xf32, #tpu.memory_space<hbm>> -> memref<10000x48xf32, #tpu.memory_space<hbm>>
      tpu.wait_indirect_dma semaphore(%arg16 : memref<!tpu.dma_semaphore, #tpu.memory_space<semaphore_mem>>) src(%dma_wait3A_210 : memref<10000x48xf32, #tpu.memory_space<hbm>>) dst(%arg12 : memref<50x48xf32, #tpu.memory_space<vmem>>)
      "tpu.region"() ({
        %run_scoped3A_262 = tpu.sem_alloc : memref<!tpu.dma_semaphore, #tpu.memory_space<semaphore_mem>>
        %dma_start3A_263 = arith.constant 0 : i32
        %dma_start3A_264 = tpu.memref_slice %arg7[%add3A_204, %dma_start3A_263] : memref<200x50xi32, #tpu.memory_space<vmem>> -> memref<1x50xi32, #tpu.memory_space<vmem>>
        %dma_start3A_265 = tpu.memref_squeeze %dma_start3A_264 : memref<1x50xi32, #tpu.memory_space<vmem>> -> memref<50xi32, #tpu.memory_space<vmem>>
        %dma_start3A_266 = arith.constant 0 : i32
        %dma_start3A_267 = arith.constant 0 : i32
        %dma_start3A_268 = tpu.memref_slice %arg5[%dma_start3A_266, %dma_start3A_267] : memref<10240x48xf32, #tpu.memory_space<vmem_shared>> -> memref<10240x48xf32, #tpu.memory_space<vmem_shared>>
        tpu.enqueue_indirect_dma source(%arg12 : memref<50x48xf32, #tpu.memory_space<vmem>>) target(%dma_start3A_268 : memref<10240x48xf32, #tpu.memory_space<vmem_shared>>) offsets(%dma_start3A_265 : memref<50xi32, #tpu.memory_space<vmem>>) semaphore(%run_scoped3A_262 : memref<!tpu.dma_semaphore, #tpu.memory_space<semaphore_mem>>) {add = true}
        %dma_wait3A_269 = arith.constant 0 : i32
        %dma_wait3A_270 = tpu.memref_slice %arg7[%add3A_204, %dma_wait3A_269] : memref<200x50xi32, #tpu.memory_space<vmem>> -> memref<1x50xi32, #tpu.memory_space<vmem>>
        %dma_wait3A_271 = tpu.memref_squeeze %dma_wait3A_270 : memref<1x50xi32, #tpu.memory_space<vmem>> -> memref<50xi32, #tpu.memory_space<vmem>>
        %dma_wait3A_272 = arith.constant 0 : i32
        %dma_wait3A_273 = arith.constant 0 : i32
        %dma_wait3A_274 = tpu.memref_slice %arg5[%dma_wait3A_272, %dma_wait3A_273] : memref<10240x48xf32, #tpu.memory_space<vmem_shared>> -> memref<10240x48xf32, #tpu.memory_space<vmem_shared>>
        tpu.wait_indirect_dma semaphore(%run_scoped3A_262 : memref<!tpu.dma_semaphore, #tpu.memory_space<semaphore_mem>>) src(%arg12 : memref<50x48xf32, #tpu.memory_space<vmem>>) dst(%dma_wait3A_274 : memref<10240x48xf32, #tpu.memory_space<vmem_shared>>)
        tpu.yield
      }) : () -> ()
      %lt3A_211 = arith.constant 24 : i32
      %lt3A_212 = arith.cmpi slt, %scan3A_143, %lt3A_211 : i32
      %convert_element_type3A_213 = arith.extui %lt3A_212 : i1 to i32
      %cond3A_214 = arith.constant 0 : i32
      %cond3A_215 = arith.cmpi ne, %convert_element_type3A_213, %cond3A_214 : i32
      scf.if %cond3A_215 {
        %add3A_262 = arith.constant 8 : i32
        %add3A_263 = arith.addi %add3A_204, %add3A_262 : i32
        %dma_start3A_264 = arith.constant 0 : i32
        %dma_start3A_265 = tpu.memref_slice %arg6[%add3A_263, %dma_start3A_264] : memref<200x50xi32, #tpu.memory_space<vmem>> -> memref<1x50xi32, #tpu.memory_space<vmem>>
        %dma_start3A_266 = tpu.memref_squeeze %dma_start3A_265 : memref<1x50xi32, #tpu.memory_space<vmem>> -> memref<50xi32, #tpu.memory_space<vmem>>
        %dma_start3A_267 = arith.constant 0 : i32
        %dma_start3A_268 = arith.constant 0 : i32
        %dma_start3A_269 = tpu.memref_slice %arg2[%dma_start3A_267, %dma_start3A_268] : memref<10000x48xf32, #tpu.memory_space<hbm>> -> memref<10000x48xf32, #tpu.memory_space<hbm>>
        tpu.enqueue_indirect_dma source(%dma_start3A_269 : memref<10000x48xf32, #tpu.memory_space<hbm>>) target(%arg12 : memref<50x48xf32, #tpu.memory_space<vmem>>) offsets(%dma_start3A_266 : memref<50xi32, #tpu.memory_space<vmem>>) semaphore(%arg16 : memref<!tpu.dma_semaphore, #tpu.memory_space<semaphore_mem>>)
      } else {
      }
      %mul3A_216 = arith.constant 8 : i32
      %mul3A_217 = arith.muli %scan3A_143, %mul3A_216 : i32
      %add3A_218 = arith.constant 5 : i32
      %add3A_219 = arith.addi %mul3A_217, %add3A_218 : i32
      %dma_wait3A_220 = arith.constant 0 : i32
      %dma_wait3A_221 = tpu.memref_slice %arg6[%add3A_219, %dma_wait3A_220] : memref<200x50xi32, #tpu.memory_space<vmem>> -> memref<1x50xi32, #tpu.memory_space<vmem>>
      %dma_wait3A_222 = tpu.memref_squeeze %dma_wait3A_221 : memref<1x50xi32, #tpu.memory_space<vmem>> -> memref<50xi32, #tpu.memory_space<vmem>>
      %dma_wait3A_223 = arith.constant 0 : i32
      %dma_wait3A_224 = arith.constant 0 : i32
      %dma_wait3A_225 = tpu.memref_slice %arg2[%dma_wait3A_223, %dma_wait3A_224] : memref<10000x48xf32, #tpu.memory_space<hbm>> -> memref<10000x48xf32, #tpu.memory_space<hbm>>
      tpu.wait_indirect_dma semaphore(%arg16 : memref<!tpu.dma_semaphore, #tpu.memory_space<semaphore_mem>>) src(%dma_wait3A_225 : memref<10000x48xf32, #tpu.memory_space<hbm>>) dst(%arg13 : memref<50x48xf32, #tpu.memory_space<vmem>>)
      "tpu.region"() ({
        %run_scoped3A_262 = tpu.sem_alloc : memref<!tpu.dma_semaphore, #tpu.memory_space<semaphore_mem>>
        %dma_start3A_263 = arith.constant 0 : i32
        %dma_start3A_264 = tpu.memref_slice %arg7[%add3A_219, %dma_start3A_263] : memref<200x50xi32, #tpu.memory_space<vmem>> -> memref<1x50xi32, #tpu.memory_space<vmem>>
        %dma_start3A_265 = tpu.memref_squeeze %dma_start3A_264 : memref<1x50xi32, #tpu.memory_space<vmem>> -> memref<50xi32, #tpu.memory_space<vmem>>
        %dma_start3A_266 = arith.constant 0 : i32
        %dma_start3A_267 = arith.constant 0 : i32
        %dma_start3A_268 = tpu.memref_slice %arg5[%dma_start3A_266, %dma_start3A_267] : memref<10240x48xf32, #tpu.memory_space<vmem_shared>> -> memref<10240x48xf32, #tpu.memory_space<vmem_shared>>
        tpu.enqueue_indirect_dma source(%arg13 : memref<50x48xf32, #tpu.memory_space<vmem>>) target(%dma_start3A_268 : memref<10240x48xf32, #tpu.memory_space<vmem_shared>>) offsets(%dma_start3A_265 : memref<50xi32, #tpu.memory_space<vmem>>) semaphore(%run_scoped3A_262 : memref<!tpu.dma_semaphore, #tpu.memory_space<semaphore_mem>>) {add = true}
        %dma_wait3A_269 = arith.constant 0 : i32
        %dma_wait3A_270 = tpu.memref_slice %arg7[%add3A_219, %dma_wait3A_269] : memref<200x50xi32, #tpu.memory_space<vmem>> -> memref<1x50xi32, #tpu.memory_space<vmem>>
        %dma_wait3A_271 = tpu.memref_squeeze %dma_wait3A_270 : memref<1x50xi32, #tpu.memory_space<vmem>> -> memref<50xi32, #tpu.memory_space<vmem>>
        %dma_wait3A_272 = arith.constant 0 : i32
        %dma_wait3A_273 = arith.constant 0 : i32
        %dma_wait3A_274 = tpu.memref_slice %arg5[%dma_wait3A_272, %dma_wait3A_273] : memref<10240x48xf32, #tpu.memory_space<vmem_shared>> -> memref<10240x48xf32, #tpu.memory_space<vmem_shared>>
        tpu.wait_indirect_dma semaphore(%run_scoped3A_262 : memref<!tpu.dma_semaphore, #tpu.memory_space<semaphore_mem>>) src(%arg13 : memref<50x48xf32, #tpu.memory_space<vmem>>) dst(%dma_wait3A_274 : memref<10240x48xf32, #tpu.memory_space<vmem_shared>>)
        tpu.yield
      }) : () -> ()
      %lt3A_226 = arith.constant 24 : i32
      %lt3A_227 = arith.cmpi slt, %scan3A_143, %lt3A_226 : i32
      %convert_element_type3A_228 = arith.extui %lt3A_227 : i1 to i32
      %cond3A_229 = arith.constant 0 : i32
      %cond3A_230 = arith.cmpi ne, %convert_element_type3A_228, %cond3A_229 : i32
      scf.if %cond3A_230 {
        %add3A_262 = arith.constant 8 : i32
        %add3A_263 = arith.addi %add3A_219, %add3A_262 : i32
        %dma_start3A_264 = arith.constant 0 : i32
        %dma_start3A_265 = tpu.memref_slice %arg6[%add3A_263, %dma_start3A_264] : memref<200x50xi32, #tpu.memory_space<vmem>> -> memref<1x50xi32, #tpu.memory_space<vmem>>
        %dma_start3A_266 = tpu.memref_squeeze %dma_start3A_265 : memref<1x50xi32, #tpu.memory_space<vmem>> -> memref<50xi32, #tpu.memory_space<vmem>>
        %dma_start3A_267 = arith.constant 0 : i32
        %dma_start3A_268 = arith.constant 0 : i32
        %dma_start3A_269 = tpu.memref_slice %arg2[%dma_start3A_267, %dma_start3A_268] : memref<10000x48xf32, #tpu.memory_space<hbm>> -> memref<10000x48xf32, #tpu.memory_space<hbm>>
        tpu.enqueue_indirect_dma source(%dma_start3A_269 : memref<10000x48xf32, #tpu.memory_space<hbm>>) target(%arg13 : memref<50x48xf32, #tpu.memory_space<vmem>>) offsets(%dma_start3A_266 : memref<50xi32, #tpu.memory_space<vmem>>) semaphore(%arg16 : memref<!tpu.dma_semaphore, #tpu.memory_space<semaphore_mem>>)
      } else {
      }
      %mul3A_231 = arith.constant 8 : i32
      %mul3A_232 = arith.muli %scan3A_143, %mul3A_231 : i32
      %add3A_233 = arith.constant 6 : i32
      %add3A_234 = arith.addi %mul3A_232, %add3A_233 : i32
      %dma_wait3A_235 = arith.constant 0 : i32
      %dma_wait3A_236 = tpu.memref_slice %arg6[%add3A_234, %dma_wait3A_235] : memref<200x50xi32, #tpu.memory_space<vmem>> -> memref<1x50xi32, #tpu.memory_space<vmem>>
      %dma_wait3A_237 = tpu.memref_squeeze %dma_wait3A_236 : memref<1x50xi32, #tpu.memory_space<vmem>> -> memref<50xi32, #tpu.memory_space<vmem>>
      %dma_wait3A_238 = arith.constant 0 : i32
      %dma_wait3A_239 = arith.constant 0 : i32
      %dma_wait3A_240 = tpu.memref_slice %arg2[%dma_wait3A_238, %dma_wait3A_239] : memref<10000x48xf32, #tpu.memory_space<hbm>> -> memref<10000x48xf32, #tpu.memory_space<hbm>>
      tpu.wait_indirect_dma semaphore(%arg16 : memref<!tpu.dma_semaphore, #tpu.memory_space<semaphore_mem>>) src(%dma_wait3A_240 : memref<10000x48xf32, #tpu.memory_space<hbm>>) dst(%arg14 : memref<50x48xf32, #tpu.memory_space<vmem>>)
      "tpu.region"() ({
        %run_scoped3A_262 = tpu.sem_alloc : memref<!tpu.dma_semaphore, #tpu.memory_space<semaphore_mem>>
        %dma_start3A_263 = arith.constant 0 : i32
        %dma_start3A_264 = tpu.memref_slice %arg7[%add3A_234, %dma_start3A_263] : memref<200x50xi32, #tpu.memory_space<vmem>> -> memref<1x50xi32, #tpu.memory_space<vmem>>
        %dma_start3A_265 = tpu.memref_squeeze %dma_start3A_264 : memref<1x50xi32, #tpu.memory_space<vmem>> -> memref<50xi32, #tpu.memory_space<vmem>>
        %dma_start3A_266 = arith.constant 0 : i32
        %dma_start3A_267 = arith.constant 0 : i32
        %dma_start3A_268 = tpu.memref_slice %arg5[%dma_start3A_266, %dma_start3A_267] : memref<10240x48xf32, #tpu.memory_space<vmem_shared>> -> memref<10240x48xf32, #tpu.memory_space<vmem_shared>>
        tpu.enqueue_indirect_dma source(%arg14 : memref<50x48xf32, #tpu.memory_space<vmem>>) target(%dma_start3A_268 : memref<10240x48xf32, #tpu.memory_space<vmem_shared>>) offsets(%dma_start3A_265 : memref<50xi32, #tpu.memory_space<vmem>>) semaphore(%run_scoped3A_262 : memref<!tpu.dma_semaphore, #tpu.memory_space<semaphore_mem>>) {add = true}
        %dma_wait3A_269 = arith.constant 0 : i32
        %dma_wait3A_270 = tpu.memref_slice %arg7[%add3A_234, %dma_wait3A_269] : memref<200x50xi32, #tpu.memory_space<vmem>> -> memref<1x50xi32, #tpu.memory_space<vmem>>
        %dma_wait3A_271 = tpu.memref_squeeze %dma_wait3A_270 : memref<1x50xi32, #tpu.memory_space<vmem>> -> memref<50xi32, #tpu.memory_space<vmem>>
        %dma_wait3A_272 = arith.constant 0 : i32
        %dma_wait3A_273 = arith.constant 0 : i32
        %dma_wait3A_274 = tpu.memref_slice %arg5[%dma_wait3A_272, %dma_wait3A_273] : memref<10240x48xf32, #tpu.memory_space<vmem_shared>> -> memref<10240x48xf32, #tpu.memory_space<vmem_shared>>
        tpu.wait_indirect_dma semaphore(%run_scoped3A_262 : memref<!tpu.dma_semaphore, #tpu.memory_space<semaphore_mem>>) src(%arg14 : memref<50x48xf32, #tpu.memory_space<vmem>>) dst(%dma_wait3A_274 : memref<10240x48xf32, #tpu.memory_space<vmem_shared>>)
        tpu.yield
      }) : () -> ()
      %lt3A_241 = arith.constant 24 : i32
      %lt3A_242 = arith.cmpi slt, %scan3A_143, %lt3A_241 : i32
      %convert_element_type3A_243 = arith.extui %lt3A_242 : i1 to i32
      %cond3A_244 = arith.constant 0 : i32
      %cond3A_245 = arith.cmpi ne, %convert_element_type3A_243, %cond3A_244 : i32
      scf.if %cond3A_245 {
        %add3A_262 = arith.constant 8 : i32
        %add3A_263 = arith.addi %add3A_234, %add3A_262 : i32
        %dma_start3A_264 = arith.constant 0 : i32
        %dma_start3A_265 = tpu.memref_slice %arg6[%add3A_263, %dma_start3A_264] : memref<200x50xi32, #tpu.memory_space<vmem>> -> memref<1x50xi32, #tpu.memory_space<vmem>>
        %dma_start3A_266 = tpu.memref_squeeze %dma_start3A_265 : memref<1x50xi32, #tpu.memory_space<vmem>> -> memref<50xi32, #tpu.memory_space<vmem>>
        %dma_start3A_267 = arith.constant 0 : i32
        %dma_start3A_268 = arith.constant 0 : i32
        %dma_start3A_269 = tpu.memref_slice %arg2[%dma_start3A_267, %dma_start3A_268] : memref<10000x48xf32, #tpu.memory_space<hbm>> -> memref<10000x48xf32, #tpu.memory_space<hbm>>
        tpu.enqueue_indirect_dma source(%dma_start3A_269 : memref<10000x48xf32, #tpu.memory_space<hbm>>) target(%arg14 : memref<50x48xf32, #tpu.memory_space<vmem>>) offsets(%dma_start3A_266 : memref<50xi32, #tpu.memory_space<vmem>>) semaphore(%arg16 : memref<!tpu.dma_semaphore, #tpu.memory_space<semaphore_mem>>)
      } else {
      }
      %mul3A_246 = arith.constant 8 : i32
      %mul3A_247 = arith.muli %scan3A_143, %mul3A_246 : i32
      %add3A_248 = arith.constant 7 : i32
      %add3A_249 = arith.addi %mul3A_247, %add3A_248 : i32
      %dma_wait3A_250 = arith.constant 0 : i32
      %dma_wait3A_251 = tpu.memref_slice %arg6[%add3A_249, %dma_wait3A_250] : memref<200x50xi32, #tpu.memory_space<vmem>> -> memref<1x50xi32, #tpu.memory_space<vmem>>
      %dma_wait3A_252 = tpu.memref_squeeze %dma_wait3A_251 : memref<1x50xi32, #tpu.memory_space<vmem>> -> memref<50xi32, #tpu.memory_space<vmem>>
      %dma_wait3A_253 = arith.constant 0 : i32
      %dma_wait3A_254 = arith.constant 0 : i32
      %dma_wait3A_255 = tpu.memref_slice %arg2[%dma_wait3A_253, %dma_wait3A_254] : memref<10000x48xf32, #tpu.memory_space<hbm>> -> memref<10000x48xf32, #tpu.memory_space<hbm>>
      tpu.wait_indirect_dma semaphore(%arg16 : memref<!tpu.dma_semaphore, #tpu.memory_space<semaphore_mem>>) src(%dma_wait3A_255 : memref<10000x48xf32, #tpu.memory_space<hbm>>) dst(%arg15 : memref<50x48xf32, #tpu.memory_space<vmem>>)
      "tpu.region"() ({
        %run_scoped3A_262 = tpu.sem_alloc : memref<!tpu.dma_semaphore, #tpu.memory_space<semaphore_mem>>
        %dma_start3A_263 = arith.constant 0 : i32
        %dma_start3A_264 = tpu.memref_slice %arg7[%add3A_249, %dma_start3A_263] : memref<200x50xi32, #tpu.memory_space<vmem>> -> memref<1x50xi32, #tpu.memory_space<vmem>>
        %dma_start3A_265 = tpu.memref_squeeze %dma_start3A_264 : memref<1x50xi32, #tpu.memory_space<vmem>> -> memref<50xi32, #tpu.memory_space<vmem>>
        %dma_start3A_266 = arith.constant 0 : i32
        %dma_start3A_267 = arith.constant 0 : i32
        %dma_start3A_268 = tpu.memref_slice %arg5[%dma_start3A_266, %dma_start3A_267] : memref<10240x48xf32, #tpu.memory_space<vmem_shared>> -> memref<10240x48xf32, #tpu.memory_space<vmem_shared>>
        tpu.enqueue_indirect_dma source(%arg15 : memref<50x48xf32, #tpu.memory_space<vmem>>) target(%dma_start3A_268 : memref<10240x48xf32, #tpu.memory_space<vmem_shared>>) offsets(%dma_start3A_265 : memref<50xi32, #tpu.memory_space<vmem>>) semaphore(%run_scoped3A_262 : memref<!tpu.dma_semaphore, #tpu.memory_space<semaphore_mem>>) {add = true}
        %dma_wait3A_269 = arith.constant 0 : i32
        %dma_wait3A_270 = tpu.memref_slice %arg7[%add3A_249, %dma_wait3A_269] : memref<200x50xi32, #tpu.memory_space<vmem>> -> memref<1x50xi32, #tpu.memory_space<vmem>>
        %dma_wait3A_271 = tpu.memref_squeeze %dma_wait3A_270 : memref<1x50xi32, #tpu.memory_space<vmem>> -> memref<50xi32, #tpu.memory_space<vmem>>
        %dma_wait3A_272 = arith.constant 0 : i32
        %dma_wait3A_273 = arith.constant 0 : i32
        %dma_wait3A_274 = tpu.memref_slice %arg5[%dma_wait3A_272, %dma_wait3A_273] : memref<10240x48xf32, #tpu.memory_space<vmem_shared>> -> memref<10240x48xf32, #tpu.memory_space<vmem_shared>>
        tpu.wait_indirect_dma semaphore(%run_scoped3A_262 : memref<!tpu.dma_semaphore, #tpu.memory_space<semaphore_mem>>) src(%arg15 : memref<50x48xf32, #tpu.memory_space<vmem>>) dst(%dma_wait3A_274 : memref<10240x48xf32, #tpu.memory_space<vmem_shared>>)
        tpu.yield
      }) : () -> ()
      %lt3A_256 = arith.constant 24 : i32
      %lt3A_257 = arith.cmpi slt, %scan3A_143, %lt3A_256 : i32
      %convert_element_type3A_258 = arith.extui %lt3A_257 : i1 to i32
      %cond3A_259 = arith.constant 0 : i32
      %cond3A_260 = arith.cmpi ne, %convert_element_type3A_258, %cond3A_259 : i32
      scf.if %cond3A_260 {
        %add3A_262 = arith.constant 8 : i32
        %add3A_263 = arith.addi %add3A_249, %add3A_262 : i32
        %dma_start3A_264 = arith.constant 0 : i32
        %dma_start3A_265 = tpu.memref_slice %arg6[%add3A_263, %dma_start3A_264] : memref<200x50xi32, #tpu.memory_space<vmem>> -> memref<1x50xi32, #tpu.memory_space<vmem>>
        %dma_start3A_266 = tpu.memref_squeeze %dma_start3A_265 : memref<1x50xi32, #tpu.memory_space<vmem>> -> memref<50xi32, #tpu.memory_space<vmem>>
        %dma_start3A_267 = arith.constant 0 : i32
        %dma_start3A_268 = arith.constant 0 : i32
        %dma_start3A_269 = tpu.memref_slice %arg2[%dma_start3A_267, %dma_start3A_268] : memref<10000x48xf32, #tpu.memory_space<hbm>> -> memref<10000x48xf32, #tpu.memory_space<hbm>>
        tpu.enqueue_indirect_dma source(%dma_start3A_269 : memref<10000x48xf32, #tpu.memory_space<hbm>>) target(%arg15 : memref<50x48xf32, #tpu.memory_space<vmem>>) offsets(%dma_start3A_266 : memref<50xi32, #tpu.memory_space<vmem>>) semaphore(%arg16 : memref<!tpu.dma_semaphore, #tpu.memory_space<semaphore_mem>>)
      } else {
      }
      %scan3A_261 = arith.constant 0 : i32
      scf.yield %scan3A_261 : i32
    }
    %scan3A_134 = arith.constant 25 : i32
    %barrier3A_135 = arith.constant 0 : index
    tpu.barrier barrier_id(%barrier3A_135)
    %mul3A_136 = arith.constant 10240 : i32
    %mul3A_137 = arith.muli %arg0, %mul3A_136 : i32
    %mul3A_138 = arith.constant 640 : i32
    %mul3A_139 = arith.muli %arg1, %mul3A_138 : i32
    %add3A_140 = arith.addi %mul3A_137, %mul3A_139 : i32
    %mul3A_141 = arith.constant 640 : i32
    %mul3A_142 = arith.muli %arg1, %mul3A_141 : i32
    "tpu.region"() ({
      %run_scoped3A_143 = tpu.sem_alloc : memref<!tpu.dma_semaphore, #tpu.memory_space<semaphore_mem>>
      %dma_start3A_144 = arith.constant 0 : i32
      %dma_start3A_145 = tpu.memref_slice %arg4[%add3A_140, %dma_start3A_144] : memref<20480x48xf32, #tpu.memory_space<hbm>> -> memref<640x48xf32, #tpu.memory_space<hbm>>
      %dma_start3A_146 = arith.constant 0 : i32
      %dma_start3A_147 = tpu.memref_slice %arg5[%mul3A_142, %dma_start3A_146] : memref<10240x48xf32, #tpu.memory_space<vmem_shared>> -> memref<640x48xf32, #tpu.memory_space<vmem_shared>>
      tpu.enqueue_dma source(%dma_start3A_147 : memref<640x48xf32, #tpu.memory_space<vmem_shared>>) target(%dma_start3A_145 : memref<640x48xf32, #tpu.memory_space<hbm>>) target_semaphore(%run_scoped3A_143 : memref<!tpu.dma_semaphore, #tpu.memory_space<semaphore_mem>>)
      %dma_wait3A = arith.constant 0 : i32
      %dma_wait3A_148 = tpu.memref_slice %arg4[%add3A_140, %dma_wait3A] : memref<20480x48xf32, #tpu.memory_space<hbm>> -> memref<640x48xf32, #tpu.memory_space<hbm>>
      %dma_wait3A_149 = arith.constant 0 : i32
      %dma_wait3A_150 = tpu.memref_slice %arg5[%mul3A_142, %dma_wait3A_149] : memref<10240x48xf32, #tpu.memory_space<vmem_shared>> -> memref<640x48xf32, #tpu.memory_space<vmem_shared>>
      tpu.wait_dma2 semaphore(%run_scoped3A_143 : memref<!tpu.dma_semaphore, #tpu.memory_space<semaphore_mem>>) src(%dma_wait3A_150 : memref<640x48xf32, #tpu.memory_space<vmem_shared>>) dst(%dma_wait3A_148 : memref<640x48xf32, #tpu.memory_space<hbm>>)
      tpu.yield
    }) : () -> ()
    return
  }
}

module attributes {stable_mosaic.version = 14 : i64} {
  func.func @_mm1_body(%arg0: i32, %arg1: memref<2x1000x16xf32, #tpu.memory_space<vmem>>, %arg2: memref<1000x128xf32, #tpu.memory_space<vmem>>, %arg3: memref<128x128xf32, #tpu.memory_space<vmem>>, %arg4: memref<1000x128xf32, #tpu.memory_space<vmem>>) attributes {dimension_semantics = [#tpu.dimension_semantics<arbitrary>], iteration_bounds = array<i64: 10>, scalar_prefetch = 0 : i64, scratch_operands = 0 : i64, tpu.core_type = #tpu.core_type<tc>, window_params = [{transform_indices = @transform_0, window_bounds = array<i64: 2, 1000, 16>}, {transform_indices = @transform_1, window_bounds = array<i64: 1000, 128>}, {pipeline_mode = #tpu.pipeline_mode<synchronous>, transform_indices = @transform_2, window_bounds = array<i64: 128, 128>}, {transform_indices = @transform_3, window_bounds = array<i64: 1000, 128>}]} {
    %get3A = arith.constant 0 : index
    %get3A_0 = arith.constant 0 : index
    %get3A_1 = vector.load %arg2[%get3A, %get3A_0] : memref<1000x128xf32, #tpu.memory_space<vmem>>, vector<1000x128xf32>
    %get3A_2 = arith.constant 0 : index
    %get3A_3 = arith.constant 0 : index
    %get3A_4 = arith.constant 0 : index
    %get3A_5 = vector.load %arg1[%get3A_2, %get3A_3, %get3A_4] : memref<2x1000x16xf32, #tpu.memory_space<vmem>>, vector<1x1000x1xf32>
    %get3A_6 = vector.shape_cast %get3A_5 : vector<1x1000x1xf32> to vector<1000x1xf32>
    %get3A_7 = arith.constant 1 : index
    %get3A_8 = arith.constant 0 : index
    %get3A_9 = arith.constant 0 : index
    %get3A_10 = vector.load %arg1[%get3A_7, %get3A_8, %get3A_9] : memref<2x1000x16xf32, #tpu.memory_space<vmem>>, vector<1x1000x1xf32>
    %get3A_11 = vector.shape_cast %get3A_10 : vector<1x1000x1xf32> to vector<1000x1xf32>
    %add3A = arith.addf %get3A_6, %get3A_11 : vector<1000x1xf32>
    %max3A = arith.constant 1.000000e+00 : f32
    %max3A_12 = vector.broadcast %max3A : f32 to vector<1000x1xf32>
    %max3A_13 = arith.maximumf %add3A, %max3A_12 : vector<1000x1xf32>
    %sqrt3A = math.sqrt %max3A_13 : vector<1000x1xf32>
    %div3A = arith.constant 1.000000e+00 : f32
    %div3A_14 = vector.broadcast %div3A : f32 to vector<1000x1xf32>
    %div3A_15 = arith.divf %div3A_14, %sqrt3A : vector<1000x1xf32>
    %mul3A = vector.broadcast %div3A_15 : vector<1000x1xf32> to vector<1000x128xf32>
    %mul3A_16 = arith.mulf %get3A_1, %mul3A : vector<1000x128xf32>
    %get3A_17 = arith.constant 0 : index
    %get3A_18 = arith.constant 0 : index
    %get3A_19 = vector.load %arg3[%get3A_17, %get3A_18] : memref<128x128xf32, #tpu.memory_space<vmem>>, vector<128x128xf32>
    %dot_general3A = arith.constant dense<0.000000e+00> : vector<1000x128xf32>
    %dot_general3A_20 = tpu.matmul %mul3A_16, %get3A_19, %dot_general3A {dimension_numbers = #tpu.dot_dimension_numbers<[1], [0], [0], [1], [0, 0, 1, 1], [], []>, transpose_lhs_hint = false} : vector<1000x128xf32>, vector<128x128xf32>, vector<1000x128xf32> -> vector<1000x128xf32>
    %swap3A = arith.constant 0 : index
    %swap3A_21 = arith.constant 0 : index
    %swap3A_22 = vector.load %arg4[%swap3A, %swap3A_21] : memref<1000x128xf32, #tpu.memory_space<vmem>>, vector<1000x128xf32>
    tpu.vector_store %arg4[%swap3A, %swap3A_21], %dot_general3A_20 {strides = array<i32>} : memref<1000x128xf32, #tpu.memory_space<vmem>>, vector<1000x128xf32>,
    return
  }
  func.func @transform_0(%arg0: i32) -> (i32, i32, i32) {
    %c0_i32 = arith.constant 0 : i32
    %c0_i32_0 = arith.constant 0 : i32
    %c0_i32_1 = arith.constant 0 : i32
    return %c0_i32, %arg0, %c0_i32_0 : i32, i32, i32
  }
  func.func @transform_1(%arg0: i32) -> (i32, i32) {
    %c0_i32 = arith.constant 0 : i32
    %c0_i32_0 = arith.constant 0 : i32
    return %arg0, %c0_i32 : i32, i32
  }
  func.func @transform_2(%arg0: i32) -> (i32, i32) {
    %c0_i32 = arith.constant 0 : i32
    %c0_i32_0 = arith.constant 0 : i32
    %c0_i32_1 = arith.constant 0 : i32
    return %c0_i32, %c0_i32_0 : i32, i32
  }
  func.func @transform_3(%arg0: i32) -> (i32, i32) {
    %c0_i32 = arith.constant 0 : i32
    %c0_i32_0 = arith.constant 0 : i32
    return %arg0, %c0_i32 : i32, i32
  }
}

module attributes {stable_mosaic.version = 14 : i64} {
  func.func @_mm2_body(%arg0: i32, %arg1: memref<2x1000x128xf32, #tpu.memory_space<vmem>>, %arg2: memref<2x1000x16xf32, #tpu.memory_space<vmem>>, %arg3: memref<2x1000x16xf32, #tpu.memory_space<vmem>>, %arg4: memref<1x128xf32, #tpu.memory_space<vmem>>, %arg5: memref<128x48xf32, #tpu.memory_space<vmem>>, %arg6: memref<1000x48xf32, #tpu.memory_space<vmem>>) attributes {dimension_semantics = [#tpu.dimension_semantics<arbitrary>], iteration_bounds = array<i64: 10>, scalar_prefetch = 0 : i64, scratch_operands = 0 : i64, tpu.core_type = #tpu.core_type<tc>, window_params = [{transform_indices = @transform_0, window_bounds = array<i64: 2, 1000, 128>}, {transform_indices = @transform_1, window_bounds = array<i64: 2, 1000, 16>}, {transform_indices = @transform_2, window_bounds = array<i64: 2, 1000, 16>}, {pipeline_mode = #tpu.pipeline_mode<synchronous>, transform_indices = @transform_3, window_bounds = array<i64: 1, 128>}, {pipeline_mode = #tpu.pipeline_mode<synchronous>, transform_indices = @transform_4, window_bounds = array<i64: 128, 48>}, {transform_indices = @transform_5, window_bounds = array<i64: 1000, 48>}]} {
    %get3A = arith.constant 0 : index
    %get3A_0 = arith.constant 0 : index
    %get3A_1 = arith.constant 0 : index
    %get3A_2 = vector.load %arg1[%get3A, %get3A_0, %get3A_1] : memref<2x1000x128xf32, #tpu.memory_space<vmem>>, vector<1x1000x128xf32>
    %get3A_3 = vector.shape_cast %get3A_2 : vector<1x1000x128xf32> to vector<1000x128xf32>
    %get3A_4 = arith.constant 1 : index
    %get3A_5 = arith.constant 0 : index
    %get3A_6 = arith.constant 0 : index
    %get3A_7 = vector.load %arg1[%get3A_4, %get3A_5, %get3A_6] : memref<2x1000x128xf32, #tpu.memory_space<vmem>>, vector<1x1000x128xf32>
    %get3A_8 = vector.shape_cast %get3A_7 : vector<1x1000x128xf32> to vector<1000x128xf32>
    %add3A = arith.addf %get3A_3, %get3A_8 : vector<1000x128xf32>
    %get3A_9 = arith.constant 0 : index
    %get3A_10 = arith.constant 0 : index
    %get3A_11 = arith.constant 0 : index
    %get3A_12 = vector.load %arg2[%get3A_9, %get3A_10, %get3A_11] : memref<2x1000x16xf32, #tpu.memory_space<vmem>>, vector<1x1000x1xf32>
    %get3A_13 = vector.shape_cast %get3A_12 : vector<1x1000x1xf32> to vector<1000x1xf32>
    %get3A_14 = arith.constant 1 : index
    %get3A_15 = arith.constant 0 : index
    %get3A_16 = arith.constant 0 : index
    %get3A_17 = vector.load %arg2[%get3A_14, %get3A_15, %get3A_16] : memref<2x1000x16xf32, #tpu.memory_space<vmem>>, vector<1x1000x1xf32>
    %get3A_18 = vector.shape_cast %get3A_17 : vector<1x1000x1xf32> to vector<1000x1xf32>
    %add3A_19 = arith.addf %get3A_13, %get3A_18 : vector<1000x1xf32>
    %max3A = arith.constant 1.000000e+00 : f32
    %max3A_20 = vector.broadcast %max3A : f32 to vector<1000x1xf32>
    %max3A_21 = arith.maximumf %add3A_19, %max3A_20 : vector<1000x1xf32>
    %sqrt3A = math.sqrt %max3A_21 : vector<1000x1xf32>
    %div3A = arith.constant 1.000000e+00 : f32
    %div3A_22 = vector.broadcast %div3A : f32 to vector<1000x1xf32>
    %div3A_23 = arith.divf %div3A_22, %sqrt3A : vector<1000x1xf32>
    %mul3A = vector.broadcast %div3A_23 : vector<1000x1xf32> to vector<1000x128xf32>
    %mul3A_24 = arith.mulf %add3A, %mul3A : vector<1000x128xf32>
    %get3A_25 = arith.constant 0 : index
    %get3A_26 = arith.constant 0 : index
    %get3A_27 = vector.load %arg4[%get3A_25, %get3A_26] : memref<1x128xf32, #tpu.memory_space<vmem>>, vector<1x128xf32>
    %add3A_28 = vector.broadcast %get3A_27 : vector<1x128xf32> to vector<1000x128xf32>
    %add3A_29 = arith.addf %mul3A_24, %add3A_28 : vector<1000x128xf32>
    %max3A_30 = arith.constant 0.000000e+00 : f32
    %max3A_31 = vector.broadcast %max3A_30 : f32 to vector<1000x128xf32>
    %max3A_32 = arith.maximumf %add3A_29, %max3A_31 : vector<1000x128xf32>
    %get3A_33 = arith.constant 0 : index
    %get3A_34 = arith.constant 0 : index
    %get3A_35 = arith.constant 0 : index
    %get3A_36 = vector.load %arg3[%get3A_33, %get3A_34, %get3A_35] : memref<2x1000x16xf32, #tpu.memory_space<vmem>>, vector<1x1000x1xf32>
    %get3A_37 = vector.shape_cast %get3A_36 : vector<1x1000x1xf32> to vector<1000x1xf32>
    %get3A_38 = arith.constant 1 : index
    %get3A_39 = arith.constant 0 : index
    %get3A_40 = arith.constant 0 : index
    %get3A_41 = vector.load %arg3[%get3A_38, %get3A_39, %get3A_40] : memref<2x1000x16xf32, #tpu.memory_space<vmem>>, vector<1x1000x1xf32>
    %get3A_42 = vector.shape_cast %get3A_41 : vector<1x1000x1xf32> to vector<1000x1xf32>
    %add3A_43 = arith.addf %get3A_37, %get3A_42 : vector<1000x1xf32>
    %max3A_44 = arith.constant 1.000000e+00 : f32
    %max3A_45 = vector.broadcast %max3A_44 : f32 to vector<1000x1xf32>
    %max3A_46 = arith.maximumf %add3A_43, %max3A_45 : vector<1000x1xf32>
    %sqrt3A_47 = math.sqrt %max3A_46 : vector<1000x1xf32>
    %div3A_48 = arith.constant 1.000000e+00 : f32
    %div3A_49 = vector.broadcast %div3A_48 : f32 to vector<1000x1xf32>
    %div3A_50 = arith.divf %div3A_49, %sqrt3A_47 : vector<1000x1xf32>
    %mul3A_51 = vector.broadcast %div3A_50 : vector<1000x1xf32> to vector<1000x128xf32>
    %mul3A_52 = arith.mulf %max3A_32, %mul3A_51 : vector<1000x128xf32>
    %get3A_53 = arith.constant 0 : index
    %get3A_54 = arith.constant 0 : index
    %get3A_55 = vector.load %arg5[%get3A_53, %get3A_54] : memref<128x48xf32, #tpu.memory_space<vmem>>, vector<128x48xf32>
    %dot_general3A = arith.constant dense<0.000000e+00> : vector<1000x48xf32>
    %dot_general3A_56 = tpu.matmul %mul3A_52, %get3A_55, %dot_general3A {dimension_numbers = #tpu.dot_dimension_numbers<[1], [0], [0], [1], [0, 0, 1, 1], [], []>, transpose_lhs_hint = false} : vector<1000x128xf32>, vector<128x48xf32>, vector<1000x48xf32> -> vector<1000x48xf32>
    %swap3A = arith.constant 0 : index
    %swap3A_57 = arith.constant 0 : index
    %swap3A_58 = vector.load %arg6[%swap3A, %swap3A_57] : memref<1000x48xf32, #tpu.memory_space<vmem>>, vector<1000x48xf32>
    tpu.vector_store %arg6[%swap3A, %swap3A_57], %dot_general3A_56 {strides = array<i32>} : memref<1000x48xf32, #tpu.memory_space<vmem>>, vector<1000x48xf32>,
    return
  }
  func.func @transform_0(%arg0: i32) -> (i32, i32, i32) {
    %c0_i32 = arith.constant 0 : i32
    %c0_i32_0 = arith.constant 0 : i32
    %c0_i32_1 = arith.constant 0 : i32
    return %c0_i32, %arg0, %c0_i32_0 : i32, i32, i32
  }
  func.func @transform_1(%arg0: i32) -> (i32, i32, i32) {
    %c0_i32 = arith.constant 0 : i32
    %c0_i32_0 = arith.constant 0 : i32
    %c0_i32_1 = arith.constant 0 : i32
    return %c0_i32, %arg0, %c0_i32_0 : i32, i32, i32
  }
  func.func @transform_2(%arg0: i32) -> (i32, i32, i32) {
    %c0_i32 = arith.constant 0 : i32
    %c0_i32_0 = arith.constant 0 : i32
    %c0_i32_1 = arith.constant 0 : i32
    return %c0_i32, %arg0, %c0_i32_0 : i32, i32, i32
  }
  func.func @transform_3(%arg0: i32) -> (i32, i32) {
    %c0_i32 = arith.constant 0 : i32
    %c0_i32_0 = arith.constant 0 : i32
    %c0_i32_1 = arith.constant 0 : i32
    return %c0_i32, %c0_i32_0 : i32, i32
  }
  func.func @transform_4(%arg0: i32) -> (i32, i32) {
    %c0_i32 = arith.constant 0 : i32
    %c0_i32_0 = arith.constant 0 : i32
    %c0_i32_1 = arith.constant 0 : i32
    return %c0_i32, %c0_i32_0 : i32, i32
  }
  func.func @transform_5(%arg0: i32) -> (i32, i32) {
    %c0_i32 = arith.constant 0 : i32
    %c0_i32_0 = arith.constant 0 : i32
    return %arg0, %c0_i32 : i32, i32
  }
}

module attributes {stable_mosaic.version = 14 : i64} {
  func.func @_fin_body(%arg0: i32, %arg1: memref<2x1000x48xf32, #tpu.memory_space<vmem>>, %arg2: memref<2x1000x16xf32, #tpu.memory_space<vmem>>, %arg3: memref<1x40xf32, #tpu.memory_space<vmem>>, %arg4: memref<1000x40xf32, #tpu.memory_space<vmem>>) attributes {dimension_semantics = [#tpu.dimension_semantics<arbitrary>], iteration_bounds = array<i64: 10>, scalar_prefetch = 0 : i64, scratch_operands = 0 : i64, tpu.core_type = #tpu.core_type<tc>, window_params = [{transform_indices = @transform_0, window_bounds = array<i64: 2, 1000, 48>}, {transform_indices = @transform_1, window_bounds = array<i64: 2, 1000, 16>}, {pipeline_mode = #tpu.pipeline_mode<synchronous>, transform_indices = @transform_2, window_bounds = array<i64: 1, 40>}, {transform_indices = @transform_3, window_bounds = array<i64: 1000, 40>}]} {
    %get3A = arith.constant 0 : index
    %get3A_0 = arith.constant 0 : index
    %get3A_1 = arith.constant 0 : index
    %get3A_2 = vector.load %arg1[%get3A, %get3A_0, %get3A_1] : memref<2x1000x48xf32, #tpu.memory_space<vmem>>, vector<1x1000x40xf32>
    %get3A_3 = vector.shape_cast %get3A_2 : vector<1x1000x40xf32> to vector<1000x40xf32>
    %get3A_4 = arith.constant 1 : index
    %get3A_5 = arith.constant 0 : index
    %get3A_6 = arith.constant 0 : index
    %get3A_7 = vector.load %arg1[%get3A_4, %get3A_5, %get3A_6] : memref<2x1000x48xf32, #tpu.memory_space<vmem>>, vector<1x1000x40xf32>
    %get3A_8 = vector.shape_cast %get3A_7 : vector<1x1000x40xf32> to vector<1000x40xf32>
    %add3A = arith.addf %get3A_3, %get3A_8 : vector<1000x40xf32>
    %get3A_9 = arith.constant 0 : index
    %get3A_10 = arith.constant 0 : index
    %get3A_11 = arith.constant 0 : index
    %get3A_12 = vector.load %arg2[%get3A_9, %get3A_10, %get3A_11] : memref<2x1000x16xf32, #tpu.memory_space<vmem>>, vector<1x1000x1xf32>
    %get3A_13 = vector.shape_cast %get3A_12 : vector<1x1000x1xf32> to vector<1000x1xf32>
    %get3A_14 = arith.constant 1 : index
    %get3A_15 = arith.constant 0 : index
    %get3A_16 = arith.constant 0 : index
    %get3A_17 = vector.load %arg2[%get3A_14, %get3A_15, %get3A_16] : memref<2x1000x16xf32, #tpu.memory_space<vmem>>, vector<1x1000x1xf32>
    %get3A_18 = vector.shape_cast %get3A_17 : vector<1x1000x1xf32> to vector<1000x1xf32>
    %add3A_19 = arith.addf %get3A_13, %get3A_18 : vector<1000x1xf32>
    %max3A = arith.constant 1.000000e+00 : f32
    %max3A_20 = vector.broadcast %max3A : f32 to vector<1000x1xf32>
    %max3A_21 = arith.maximumf %add3A_19, %max3A_20 : vector<1000x1xf32>
    %sqrt3A = math.sqrt %max3A_21 : vector<1000x1xf32>
    %div3A = arith.constant 1.000000e+00 : f32
    %div3A_22 = vector.broadcast %div3A : f32 to vector<1000x1xf32>
    %div3A_23 = arith.divf %div3A_22, %sqrt3A : vector<1000x1xf32>
    %mul3A = vector.broadcast %div3A_23 : vector<1000x1xf32> to vector<1000x40xf32>
    %mul3A_24 = arith.mulf %add3A, %mul3A : vector<1000x40xf32>
    %get3A_25 = arith.constant 0 : index
    %get3A_26 = arith.constant 0 : index
    %get3A_27 = vector.load %arg3[%get3A_25, %get3A_26] : memref<1x40xf32, #tpu.memory_space<vmem>>, vector<1x40xf32>
    %add3A_28 = vector.broadcast %get3A_27 : vector<1x40xf32> to vector<1000x40xf32>
    %add3A_29 = arith.addf %mul3A_24, %add3A_28 : vector<1000x40xf32>
    %swap3A = arith.constant 0 : index
    %swap3A_30 = arith.constant 0 : index
    %swap3A_31 = vector.load %arg4[%swap3A, %swap3A_30] : memref<1000x40xf32, #tpu.memory_space<vmem>>, vector<1000x40xf32>
    tpu.vector_store %arg4[%swap3A, %swap3A_30], %add3A_29 {strides = array<i32>} : memref<1000x40xf32, #tpu.memory_space<vmem>>, vector<1000x40xf32>,
    return
  }
  func.func @transform_0(%arg0: i32) -> (i32, i32, i32) {
    %c0_i32 = arith.constant 0 : i32
    %c0_i32_0 = arith.constant 0 : i32
    %c0_i32_1 = arith.constant 0 : i32
    return %c0_i32, %arg0, %c0_i32_0 : i32, i32, i32
  }
  func.func @transform_1(%arg0: i32) -> (i32, i32, i32) {
    %c0_i32 = arith.constant 0 : i32
    %c0_i32_0 = arith.constant 0 : i32
    %c0_i32_1 = arith.constant 0 : i32
    return %c0_i32, %arg0, %c0_i32_0 : i32, i32, i32
  }
  func.func @transform_2(%arg0: i32) -> (i32, i32) {
    %c0_i32 = arith.constant 0 : i32
    %c0_i32_0 = arith.constant 0 : i32
    %c0_i32_1 = arith.constant 0 : i32
    return %c0_i32, %c0_i32_0 : i32, i32
  }
  func.func @transform_3(%arg0: i32) -> (i32, i32) {
    %c0_i32 = arith.constant 0 : i32
    %c0_i32_0 = arith.constant 0 : i32
    return %arg0, %c0_i32 : i32, i32
  }
}

</mosaic_0001>

<sc_bundles>
// kernel: kernel.11.cloned.1.call-start
scs
__scs_entry_jumppad:
0x0: {  	(pc) =	sbr.rel $0x88, $3  }
0x1: {  	(tag) =	ssettag $0x0;
	lr =	simm.s32 $0x1  }
0x2: {  	[smem:$0x3F9B] =	sst lr;
	_ =	strace $0xD0000000  }
0x3: {  	_ = 	snop  }
0x4: {  	_ = 	snop  }
0x5: {  	_ = 	snop  }
0x6: {  	_ = 	snop  }
0x7: {  	_ = 	snop  }
__scs_overlays_trampoline_lowered:
0x8: {  	[smem:$0x3FAA] =	sst s0  }
0x9: {  	[smem:$0x3FAB] =	sst s1  }
0xa: {  	[smem:$0x3FAC] =	sst s2  }
0xb: {  	[smem:$0x3FAD] =	sst s3  }
0xc: {  	[smem:$0x3FAE] =	sst s4  }
0xd: {  	[smem:$0x3FAF] =	sst s5  }
0xe: {  	[smem:$0x3FB0] =	sst s6  }
0xf: {  	[smem:$0x3FB1] =	sst s7  }
0x10: {  	[smem:$0x3FB2] =	sst s8  }
0x11: {  	[smem:$0x3FB3] =	sst s9;
	s0 =	simm.s32 @!p0 $0x0  }
0x12: {  	s1 =	sld [smem:$0x3F99];
	s0 =	simm.s32 @p0 $0x1  }
0x13: {  	[smem:$0x3FB4] =	sst s0;
	s0 =	simm.s32 @!p1 $0x0  }
0x14: {  	s2 =	sld [smem:$0x3F98];
	s0 =	simm.s32 @p1 $0x1  }
0x15: {  	[smem:$0x3FB5] =	sst s0;
	s0 =	simm.s32 @!p2 $0x0  }
0x16: {  	s3 =	sld [smem:$0x3FDB];
	s0 =	simm.s32 @p2 $0x1  }
0x17: {  	s4 =	simm.s32 $0x1BF5;
	[smem:$0x3FB7] =	sst s0  }
0x18: {  	s0 =	sld [smem:$0x3F9A];
	_ =	swait.ge [sflag:s4], $0x0  }
0x19: {  	s7 =	sld [smem:$0x3F9B]  }
0x1a: {  	s8 =	sadd.s32 $0xFFFFE003, lr  }
0x1b: {  	s9 =	sadd.s32 $0xFFFFFEF7, lr;
	s5 =	simm.s32 $0xFFFFFFFF;
	p2 =	slt.u32 s8, $0xFFFFF086  }
0x1c: {  	p1 =	slt.u32 s9, $0xF7A;
	s5 =	simm.s32 @!p2 $0x0  }
0x1d: {  	s5 =	simm.s32 @p1 $0x1;
	p0 =	seq.s32 s7, s2  }
0x1e: {  	s7 =	smul.u32 @!p0 $0xF7A, s2;
	p2 =	seq.s32 @!p0 s5, $0x0  }
0x1f: {  	s9 =	smul.u32 $0xF7A, s1;
	s8 =	simm.s32 @!p0 $0x1BF5;
	p2 =	por !p2, p0  }
0x20: {  	[sflag:s8] =	ssyncset.s32 @!p0 $0xFFFFF086;
	s6 =	sadd.s32 @!p0 s3, s7;
	s7 =	simm.s32 @!p0 $0x108  }
0x21: {  	s3 =	sadd.s32 s3, s9;
	s6 =	sadd.s32 @!p0 $0x88, s6;
	s7 =	simm.s32 @p2 $0x1082  }
0x22: {  	[simem:s7], [sflag:s8] =	dma.local @!p0 [hbm:s6], $0xF7A  }
0x23: {  	s9 =	sor.u32 $0xD0000000, s2;
	s6 =	simm.s32 $0x108;
	_ =	swait.ge @!p0 [sflag:s8], $0x0  }
0x24: {  	s3 =	sadd.s32 $0x88, s3;
	s6 =	simm.s32 @!p1 $0x1082;
	[sflag:s4] =	ssyncset.s32 $0xFFFFF086  }
0x25: {  	[simem:s6], [sflag:s4] =	dma.local [hbm:s3], $0xF7A  }
0x26: {  	[smem:$0x3F9B] =	sst s1;
	(tag) =	ssettag s2;
	_ =	strace s9  }
0x27: {  	s1 =	sld [smem:$0x3FAB]  }
0x28: {  	s2 =	sld [smem:$0x3FAC]  }
0x29: {  	s4 =	sld [smem:$0x3FAE]  }
0x2a: {  	p0 =	seq.s32 s5, $0x0;
	s5 =	sld [smem:$0x3FAF]  }
0x2b: {  	s6 =	sld [smem:$0x3FB0]  }
0x2c: {  	s7 =	sld [smem:$0x3FB1]  }
0x2d: {  	s3 =	simm.s32 $0x108;
	s8 =	sld [smem:$0x3FB2]  }
0x2e: {  	s3 =	simm.s32 @!p0 $0x1082;
	s9 =	sld [smem:$0x3FB3]  }
0x2f: {  	lr =	sadd.s32 s0, s3;
	s0 =	sld [smem:$0x3FAA]  }
0x30: {  	s3 =	sld [smem:$0x3FAD]  }
0x31: {  	[smem:$0x3FB6] =	sst s10  }
0x32: {  	s10 =	sld [smem:$0x3FB4];
	_ =	sdelay $0x3  }
0x33: {  	p0 =	seq.s32 s10, $0x1;
	s10 =	sld [smem:$0x3FB6];
	_ =	sdelay $0x3  }
0x34: {  	[smem:$0x3FB6] =	sst s10  }
0x35: {  	s10 =	sld [smem:$0x3FB5];
	_ =	sdelay $0x3  }
0x36: {  	p1 =	seq.s32 s10, $0x1;
	s10 =	sld [smem:$0x3FB6];
	_ =	sdelay $0x3  }
0x37: {  	[smem:$0x3FB6] =	sst s10  }
0x38: {  	s10 =	sld [smem:$0x3FB7]  }
0x39: {  	_ = 	snop;
	(pc) =	sbr.ind lr, $3  }
0x3a: {  	_ = 	snop  }
0x3b: {  	_ = 	snop  }
0x3c: {  	p2 =	seq.s32 s10, $0x1;
	s10 =	sld [smem:$0x3FB6]  }
0x3d: {  	_ =	shalt  }
0x3e: {  	_ =	shalt  }
0x3f: {  	_ =	shalt  }
0x40: {  	_ =	shalt  }
0x41: {  	_ =	shalt  }
0x42: {  	_ =	shalt  }
0x43: {  	_ =	shalt  }
0x44: {  	_ =	shalt  }
0x45: {  	_ =	shalt  }
0x46: {  	_ =	shalt  }
0x47: {  	_ =	shalt  }
0x48: {  	_ =	shalt  }
0x49: {  	_ =	shalt  }
0x4a: {  	_ =	shalt  }
0x4b: {  	_ =	shalt  }
0x4c: {  	_ =	shalt  }
0x4d: {  	_ =	shalt  }
0x4e: {  	_ =	shalt  }
0x4f: {  	_ =	shalt  }
0x50: {  	_ =	shalt  }
0x51: {  	_ =	shalt  }
0x52: {  	_ =	shalt  }
0x53: {  	_ =	shalt  }
0x54: {  	_ =	shalt  }
0x55: {  	_ =	shalt  }
0x56: {  	_ =	shalt  }
0x57: {  	_ =	shalt  }
0x58: {  	_ =	shalt  }
0x59: {  	_ =	shalt  }
0x5a: {  	_ =	shalt  }
0x5b: {  	_ =	shalt  }
0x5c: {  	_ =	shalt  }
0x5d: {  	_ =	shalt  }
0x5e: {  	_ =	shalt  }
0x5f: {  	_ =	shalt  }
0x60: {  	_ =	shalt  }
0x61: {  	_ =	shalt  }
0x62: {  	_ =	shalt  }
0x63: {  	_ =	shalt  }
0x64: {  	_ =	shalt  }
0x65: {  	_ =	shalt  }
0x66: {  	_ =	shalt  }
0x67: {  	_ =	shalt  }
0x68: {  	_ =	shalt  }
0x69: {  	_ =	shalt  }
0x6a: {  	_ =	shalt  }
0x6b: {  	_ =	shalt  }
0x6c: {  	_ =	shalt  }
0x6d: {  	_ =	shalt  }
0x6e: {  	_ =	shalt  }
0x6f: {  	_ =	shalt  }
0x70: {  	_ =	shalt  }
0x71: {  	_ =	shalt  }
0x72: {  	_ =	shalt  }
0x73: {  	_ =	shalt  }
0x74: {  	_ =	shalt  }
0x75: {  	_ =	shalt  }
0x76: {  	_ =	shalt  }
0x77: {  	_ =	shalt  }
0x78: {  	_ =	shalt  }
0x79: {  	_ =	shalt  }
0x7a: {  	_ =	shalt  }
0x7b: {  	_ =	shalt  }
0x7c: {  	_ =	shalt  }
0x7d: {  	_ =	shalt  }
0x7e: {  	_ =	shalt  }
0x7f: {  	_ =	shalt  }
0x80: {  	_ =	shalt  }
0x81: {  	_ =	shalt  }
0x82: {  	_ =	shalt  }
0x83: {  	_ =	shalt  }
0x84: {  	_ =	shalt  }
0x85: {  	_ =	shalt  }
0x86: {  	_ =	shalt  }
0x87: {  	_ =	shalt  }
.Lfunc_end0:
.L_simem_size_0:
called_computation.1_lowered:
.L_overlay_start_0:
0x88: {  	s2 =	sld [smem:$0x3FD9]  }
0x89: {  	s3 =	sld [smem:$0x3FFE];
	_ =	sdelay $0x1  }
0x8a: {  	s1 =	srdreg.scid  }
0x8b: {  	s0 =	sand.u32 $0x1, s1  }
0x8c: {  	s16 =	sshll.u32 s0, $0xA;
	s2 =	sadd.s32 s3, s2  }
0x8d: {  	s2 =	sadd.s32 s2, s16  }
0x8e: {  	[smem:$0x3FC2] =	sst s2  }
0x8f: {  	_ = 	snop  }
0x90: {  	(tm) =	ssettm $0x1  }
0x91: {  	s17 =	sld [smem:$0x3FFB];
	_ =	sdelay $0x3  }
0x92: {  	_ =	strace s17  }
0x93: {  	s2 =	sld [smem:$0x3FFC];
	_ =	sdelay $0x3  }
0x94: {  	_ =	strace s2  }
0x95: {  	s2 =	sld [smem:$0x3FFD];
	_ =	sdelay $0x3  }
0x96: {  	_ =	strace s2  }
0x97: {  	_ =	strace $0x8FFFFFFF  }
0x98: {  	s18 =	sld [smem:$0x3FDB];
	_ =	sdelay $0x1  }
0x99: {  	s19 =	simm.s32 $_scs_section_size  }
0x9a: {  	s4 =	simm.s32 $_size__tile_overlayer_lowered;
	s5 =	simm.s32 $_tile_overlayer_lowered  }
0x9b: {  	s22 =	simm.s32 $0x1BFF;
	s21 =	sshll.u32 s5, $0x1;
	s2 =	sadd.s32 s19, s18  }
0x9c: {  	s6 =	simm.s32 $0x0;
	s20 =	sshll.u32 s4, $0x1;
	s4 =	sadd.s32 s21, s2  }
0x9d: {  	[timem:s6], [sflag:s22] =	dma.local [hbm:s4], s20  }
0x9e: {  	_ =	swait.ge [sflag:s22], s20  }
0x9f: {  	s3 =	ssub.s32 $0x0, s20;
	[sflag:s22] =	ssyncset.done $0x0  }
0xa0: {  	[sflag:s22] =	ssyncadd.s32 s3;
	_ =	sdelay $0x1  }
0xa1: {  	s23 =	simm.s32 $0x1B8B  }
0xa2: {  	_ =	swait.ge [sflag:s23], $0x1  }
0xa3: {  	[sflag:s23] =	ssyncset.done $0x0  }
0xa4: {  	s25 =	simm.s32 $0x1B8E;
	s24 =	sld [smem:$0x3FFE];
	[sflag:s23] =	ssyncadd.s32 $0xFFFFFFFF  }
0xa5: {  	s26 =	simm.s32 $execute0_lowered;
	[smem:$0x3FD2] =	sst s25  }
0xa6: {  	s4 =	sshll.u32 s26, $0x1;
	_ =	strace $0x80000049;
	[dreg:$0x1] =	wrdreg $0xFFFFFFFF  }
0xa7: {  	s28 =	simm.s32 $_size_execute0_lowered;
	s2 =	sadd.s32 s2, s4;
	[dreg:$0x0] =	wrdreg $0x0  }
0xa8: {  	s4 =	sshll.u32 s28, $0x1;
	[dreg:$0x2] =	wrdreg s2  }
0xa9: {  	[dreg:$0x3] =	wrdreg s4  }
0xaa: {  	[dreg:$0x4] =	wrdreg $0xC0  }
0xab: {  	_ =	task [dreg:s6], $0x5FFFF  }
0xac: {  	[dreg:$0x1] =	wrdreg $0xFFFFFFFF  }
0xad: {  	[dreg:$0x0] =	wrdreg $0x60  }
0xae: {  	[dreg:$0x2] =	wrdreg s24  }
0xaf: {  	[dreg:$0x3] =	wrdreg $0x0  }
0xb0: {  	[dreg:$0x4] =	wrdreg $0x9  }
0xb1: {  	_ =	task.clear_ibuf [dreg:s6], $0x5FFFF;
	_ =	strace $0x90000049  }
0xb2: {  	s29 =	simm.s32 $0x9;
	_ =	strace $0x8000004B  }
0xb3: {  	_ =	swait.ge [sflag:s29], $0x1  }
0xb4: {  	[sflag:s29] =	ssyncadd.s32 $0xFFFFFFFF  }
0xb5: {  	_ =	strace $0x9000004B  }
0xb6: {  	_ =	sfence  }
0xb7: {  	s30 =	sld [smem:$0x0];
	_ =	sdelay $0x2  }
0xb8: {  	s31 =	sshll.u32 s1, $0xD;
	s1 =	sshrl.u32 s1, $0x2  }
0xb9: {  	s3 =	sand.u32 $0x4000, s31;
	s1 =	sadd.s32 s1, s30  }
0xba: {  	s0 =	sor.u32 s3, s0;
	s1 =	sshll.u32 s1, $0x11  }
0xbb: {  	s0 =	sor.u32 s1, s0  }
0xbc: {  	s0 =	sadd.s32 $0x8F2B, s0  }
0xbd: {  	[sflag:s0] =	ssyncadd.remote.s32 $0x1  }
0xbe: {  	_ =	sfence.sel $0xFFFF  }
0xbf: {  	[dreg:$0x0] =	wrdreg $0xFFFFFFFF;
	(pc) =	sbr.abs _section_cstart, $3  }
0xc0: {  	[dreg:$0x1] =	wrdreg $0xFFFFFFFF  }
0xc1: {  	_ =	task.clear_ibuf [dreg:s6], $0x2FFFF;
	_ =	strace $0x9FFFFFFF  }
0xc2: {  	(tm) =	ssettm $0x7FFFFFFF  }
0xc3: {  	_ =	shalt  }
tec
execute0_lowered:
.L_overlay_start_1:
0x0: {  	(tag) =	ssettag $0x1  }
0x1: {  	s0 =	srdreg.scid  }
0x2: {  	s4 =	stileid.u32;
	s5 =	rddreg [dreg:$0x0]  }
0x3: {  	s2 =	rddreg [dreg:$0x1];
	s3 =	simm.s32 $0x0;
	s28 =	simm.s32 $0x14000  }
0x4: {  	s30 =	simm.s32 $0x32;
	s29 =	simm.s32 $0x1C980;
	s6 =	smul.u32 $0x2800, s4  }
0x5: {  	s31 =	simm.s32 $0x1;
	s0 =	sand.u32 $0x1, s0;
	s8 =	smul.u32 $0x50000, s4  }
0x6: {  	[smem:$0x7FF] =	sst s3;
	s1 =	sshll.u32 s0, $0x4;
	s7 =	smul.u32 $0x28000, s0  }
0x7: {  	_ =	strace $0x8000004A;
	s0 =	ssub.s32 $0x2, s0;
	s1 =	sor.u32 s4, s1  }
0x8: {  	s4 =	sadd.s32 $0x72600, s5;
	s24 =	sshrl.u32 s0, $0x1;
	s1 =	smul.u32 $0x2BC0, s1  }
0x9: {  	s23 =	sshrl.u32 s8, $0x2;
	s6 =	sadd.s32 s6, s7;
	s0 =	ssub.s32 s0, s24  }
0xa: {  	s6 =	sadd.s32 s6, s5;
	s24 =	smax.u32 s0, $0x1;
	s1 =	sshrl.u32 s1, $0x3  }
0xb: {  	s0 =	simm.s32 $0x1E280;
	s1 =	sadd.s32 s1, s5;
	s5 =	sadd.s32 s23, s2  }
0xc: {  	s23 =	sadd.s32 $0x99800, s6;
	s7 =	sadd.s32 $0x1400, s5;
	s25 =	sadd.s32 $0x2800, s5  }
0xd: {  	s26 =	sadd.s32 $0x3C00, s5;
	s9 =	sadd.s32 $0x5000, s5;
	s10 =	sadd.s32 $0x6400, s5  }
0xe: {  	s11 =	sadd.s32 $0x7800, s5;
	s12 =	sadd.s32 $0x8C00, s5;
	s13 =	sadd.s32 $0xA000, s5  }
0xf: {  	s14 =	sadd.s32 $0xB400, s5;
	s15 =	sadd.s32 $0xC800, s5;
	s16 =	sadd.s32 $0xDC00, s5  }
0x10: {  	s17 =	sadd.s32 $0xF000, s5;
	s18 =	sadd.s32 $0x10400, s5;
	s19 =	sadd.s32 $0x11800, s5  }
0x11: {  	s20 =	sadd.s32 $0x12C00, s5;
	s21 =	sadd.s32 $0x2800, s1;
	[dreg:$0x3] =	wrdreg s7  }
0x12: {  	s22 =	sadd.s32 $0xD700, s1;
	s1 =	simm.s32 $0x1B080;
	[dreg:$0x4] =	wrdreg s25  }
0x13: {  	v0 =	vimm.f32 $0.0e+00;
	[dreg:$0x5] =	wrdreg s26;
	s25 =	simm.s32 $0x19780;
	s26 =	simm.s32 $0x2  }
.LBB2_1:
0x14: {  	s6 =	simm.s32 $0x0;
	s7 =	simm.s32 $0x200  }
.LBB2_2:
0x15: {  	p0 =	sne.s32 s7, $0x4E00;
	[tilespmem:s6+$0x197F0] =	vst v0  }
0x16: {  	[tilespmem:s6+$0x19780] =	vst v0  }
0x17: {  	[tilespmem:s6+$0x19790] =	vst v0  }
.Ltmp0:
0x18: {  	[tilespmem:s6+$0x197A0] =	vst v0;
	(pc) =	sbr.rel @p0 .LBB2_2-.Ltmp0, $4  }
0x19: {  	[tilespmem:s6+$0x197B0] =	vst v0  }
0x1a: {  	[tilespmem:s6+$0x197C0] =	vst v0  }
0x1b: {  	[tilespmem:s6+$0x197D0] =	vst v0  }
0x1c: {  	[tilespmem:s6+$0x197E0] =	vst v0;
	s6 =	sshra.s32 s7, $0x2;
	s7 =	sadd.s32 $0x200, s7  }
0x1d: {  	[tilespmem:s6+$0x197F0] =	vst v0  }
0x1e: {  	[tilespmem:s6+$0x19780] =	vst v0  }
0x1f: {  	[tilespmem:s6+$0x19790] =	vst v0  }
0x20: {  	[tilespmem:s6+$0x197A0] =	vst v0  }
0x21: {  	[tilespmem:s6+$0x197B0] =	vst v0  }
0x22: {  	[tilespmem:s6+$0x197C0] =	vst v0  }
0x23: {  	[tilespmem:s6+$0x197D0] =	vst v0  }
0x24: {  	[tilespmem:s6+$0x197E0] =	vst v0  }
0x25: {  	[spmem:s5] =	stream.linear.scatter [tilespmem:s25], [sflag:$0x2], $0x1400, $0x38;
	[tilespmem:$0x1FB80] =	vst v63  }
0x26: {  	_ =	swait.ge [sflag:s26], $0x1400  }
0x27: {  	[sflag:s26] =	ssyncset.done $0x0  }
0x28: {  	s7 =	rddreg [dreg:$0x3];
	[sflag:s26] =	ssyncadd.s32 $0xFFFFEC00  }
0x29: {  	[spmem:s7] =	stream.linear.scatter [tilespmem:s25], [sflag:$0x2], $0x1400, $0x38;
	[tilespmem:$0x1FB80] =	vst v63  }
0x2a: {  	_ =	swait.ge [sflag:s26], $0x1400  }
0x2b: {  	[sflag:s26] =	ssyncset.done $0x0  }
0x2c: {  	s8 =	rddreg [dreg:$0x4];
	[sflag:s26] =	ssyncadd.s32 $0xFFFFEC00  }
0x2d: {  	[spmem:s8] =	stream.linear.scatter [tilespmem:s25], [sflag:$0x2], $0x1400, $0x38;
	[tilespmem:$0x1FB80] =	vst v63  }
0x2e: {  	_ =	swait.ge [sflag:s26], $0x1400  }
0x2f: {  	[sflag:s26] =	ssyncset.done $0x0  }
0x30: {  	s7 =	rddreg [dreg:$0x5];
	[sflag:s26] =	ssyncadd.s32 $0xFFFFEC00  }
0x31: {  	[spmem:s7] =	stream.linear.scatter [tilespmem:s25], [sflag:$0x2], $0x1400, $0x38;
	[tilespmem:$0x1FB80] =	vst v63  }
0x32: {  	_ =	swait.ge [sflag:s26], $0x1400  }
0x33: {  	[sflag:s26] =	ssyncset.done $0x0  }
0x34: {  	[sflag:s26] =	ssyncadd.s32 $0xFFFFEC00  }
0x35: {  	[spmem:s9] =	stream.linear.scatter [tilespmem:s25], [sflag:$0x2], $0x1400, $0x38;
	[tilespmem:$0x1FB80] =	vst v63  }
0x36: {  	_ =	swait.ge [sflag:s26], $0x1400  }
0x37: {  	[sflag:s26] =	ssyncset.done $0x0  }
0x38: {  	[sflag:s26] =	ssyncadd.s32 $0xFFFFEC00  }
0x39: {  	[spmem:s10] =	stream.linear.scatter [tilespmem:s25], [sflag:$0x2], $0x1400, $0x38;
	[tilespmem:$0x1FB80] =	vst v63  }
0x3a: {  	_ =	swait.ge [sflag:s26], $0x1400  }
0x3b: {  	[sflag:s26] =	ssyncset.done $0x0  }
0x3c: {  	[sflag:s26] =	ssyncadd.s32 $0xFFFFEC00  }
0x3d: {  	[spmem:s11] =	stream.linear.scatter [tilespmem:s25], [sflag:$0x2], $0x1400, $0x38;
	[tilespmem:$0x1FB80] =	vst v63  }
0x3e: {  	_ =	swait.ge [sflag:s26], $0x1400  }
0x3f: {  	[sflag:s26] =	ssyncset.done $0x0  }
0x40: {  	[sflag:s26] =	ssyncadd.s32 $0xFFFFEC00  }
0x41: {  	[spmem:s12] =	stream.linear.scatter [tilespmem:s25], [sflag:$0x2], $0x1400, $0x38;
	[tilespmem:$0x1FB80] =	vst v63  }
0x42: {  	_ =	swait.ge [sflag:s26], $0x1400  }
0x43: {  	[sflag:s26] =	ssyncset.done $0x0  }
0x44: {  	[sflag:s26] =	ssyncadd.s32 $0xFFFFEC00  }
0x45: {  	[spmem:s13] =	stream.linear.scatter [tilespmem:s25], [sflag:$0x2], $0x1400, $0x38;
	[tilespmem:$0x1FB80] =	vst v63  }
0x46: {  	_ =	swait.ge [sflag:s26], $0x1400  }
0x47: {  	[sflag:s26] =	ssyncset.done $0x0  }
0x48: {  	[sflag:s26] =	ssyncadd.s32 $0xFFFFEC00  }
0x49: {  	[spmem:s14] =	stream.linear.scatter [tilespmem:s25], [sflag:$0x2], $0x1400, $0x38;
	[tilespmem:$0x1FB80] =	vst v63  }
0x4a: {  	_ =	swait.ge [sflag:s26], $0x1400  }
0x4b: {  	[sflag:s26] =	ssyncset.done $0x0  }
0x4c: {  	[sflag:s26] =	ssyncadd.s32 $0xFFFFEC00  }
0x4d: {  	[spmem:s15] =	stream.linear.scatter [tilespmem:s25], [sflag:$0x2], $0x1400, $0x38;
	[tilespmem:$0x1FB80] =	vst v63  }
0x4e: {  	_ =	swait.ge [sflag:s26], $0x1400  }
0x4f: {  	[sflag:s26] =	ssyncset.done $0x0  }
0x50: {  	[sflag:s26] =	ssyncadd.s32 $0xFFFFEC00  }
0x51: {  	[spmem:s16] =	stream.linear.scatter [tilespmem:s25], [sflag:$0x2], $0x1400, $0x38;
	[tilespmem:$0x1FB80] =	vst v63  }
0x52: {  	_ =	swait.ge [sflag:s26], $0x1400  }
0x53: {  	[sflag:s26] =	ssyncset.done $0x0  }
0x54: {  	[sflag:s26] =	ssyncadd.s32 $0xFFFFEC00  }
0x55: {  	[spmem:s17] =	stream.linear.scatter [tilespmem:s25], [sflag:$0x2], $0x1400, $0x38;
	[tilespmem:$0x1FB80] =	vst v63  }
0x56: {  	_ =	swait.ge [sflag:s26], $0x1400  }
0x57: {  	[sflag:s26] =	ssyncset.done $0x0  }
0x58: {  	[sflag:s26] =	ssyncadd.s32 $0xFFFFEC00  }
0x59: {  	[spmem:s18] =	stream.linear.scatter [tilespmem:s25], [sflag:$0x2], $0x1400, $0x38;
	[tilespmem:$0x1FB80] =	vst v63  }
0x5a: {  	_ =	swait.ge [sflag:s26], $0x1400  }
0x5b: {  	[sflag:s26] =	ssyncset.done $0x0  }
0x5c: {  	[sflag:s26] =	ssyncadd.s32 $0xFFFFEC00  }
0x5d: {  	[spmem:s19] =	stream.linear.scatter [tilespmem:s25], [sflag:$0x2], $0x1400, $0x38;
	[tilespmem:$0x1FB80] =	vst v63  }
0x5e: {  	_ =	swait.ge [sflag:s26], $0x1400  }
0x5f: {  	[sflag:s26] =	ssyncset.done $0x0  }
0x60: {  	[sflag:s26] =	ssyncadd.s32 $0xFFFFEC00  }
0x61: {  	[spmem:s20] =	stream.linear.scatter [tilespmem:s25], [sflag:$0x2], $0x1400, $0x38;
	[tilespmem:$0x1FB80] =	vst v63  }
0x62: {  	_ =	swait.ge [sflag:s26], $0x1400  }
0x63: {  	[sflag:s26] =	ssyncset.done $0x0  }
0x64: {  	s8 =	simm.s32 $0x0;
	[sflag:s26] =	ssyncadd.s32 $0xFFFFEC00  }
0x65: {  	[tilespmem:s28], [sflag:$0x2] =	stream.linear.gather [hbm4b:s21+s8], $0x2BC0, $0x38;
	[tilespmem:$0x1FB80] =	vst v63  }
0x66: {  	_ =	swait.ge [sflag:s26], $0x2BC0  }
0x67: {  	[sflag:s26] =	ssyncset.done $0x0  }
0x68: {  	s7 =	simm.s32 $0x16BC0;
	[sflag:s26] =	ssyncadd.s32 $0xFFFFD440  }
0x69: {  	[tilespmem:s7], [sflag:$0x2] =	stream.linear.gather [hbm4b:s22+s8], $0x2BC0, $0x38;
	[tilespmem:$0x1FB80] =	vst v63  }
0x6a: {  	_ =	swait.ge [sflag:s26], $0x2BC0  }
0x6b: {  	[sflag:s26] =	ssyncset.done $0x0  }
0x6c: {  	[sflag:s26] =	ssyncadd.s32 $0xFFFFD440  }
0x6d: {  	[bflag:$0x0] =	sbarrier.arrive $0xFFFF  }
0x6e: {  	[tilespmem:s25], [sflag:$0x1] =	stream.indirect.gather [hbm4b:s4+s30], $0x80, s28, s30, $0xb8;
	[tilespmem:$0x1FB80] =	vst v63  }
0x6f: {  	s7 =	simm.s32 $0x14038  }
0x70: {  	[tilespmem:s1], [sflag:$0x1] =	stream.indirect.gather [hbm4b:s4+s30], $0x80, s7, s30, $0xb8;
	[tilespmem:$0x1FB80] =	vst v63  }
0x71: {  	s8 =	simm.s32 $0x14070  }
0x72: {  	[tilespmem:s29], [sflag:$0x1] =	stream.indirect.gather [hbm4b:s4+s30], $0x80, s8, s30, $0xb8;
	[tilespmem:$0x1FB80] =	vst v63  }
0x73: {  	s7 =	simm.s32 $0x140A8  }
0x74: {  	[tilespmem:s0], [sflag:$0x1] =	stream.indirect.gather [hbm4b:s4+s30], $0x80, s7, s30, $0xb8;
	[tilespmem:$0x1FB80] =	vst v63  }
0x75: {  	_ =	swait.ge [sflag:s31], $0x1900  }
0x76: {  	[sflag:s31] =	ssyncset.done $0x0  }
0x77: {  	s8 =	simm.s32 $0x16BC0;
	[sflag:s31] =	ssyncadd.s32 $0xFFFFE700  }
0x78: {  	[spmem:s2] =	stream.indirect.scatter.add.f32 [tilespmem:s25], [sflag:$0x2], $0x80, s8, s30, $0xb8;
	[tilespmem:$0x1FB80] =	vst v63  }
0x79: {  	_ =	swait.ge [sflag:s26], $0x1900  }
0x7a: {  	[sflag:s26] =	ssyncset.done $0x0  }
0x7b: {  	s7 =	simm.s32 $0x140E0;
	[sflag:s26] =	ssyncadd.s32 $0xFFFFE700  }
0x7c: {  	[tilespmem:s25], [sflag:$0x1] =	stream.indirect.gather [hbm4b:s4+s30], $0x80, s7, s30, $0xb8;
	[tilespmem:$0x1FB80] =	vst v63  }
0x7d: {  	_ =	swait.ge [sflag:s31], $0x1900  }
0x7e: {  	[sflag:s31] =	ssyncset.done $0x0  }
0x7f: {  	s8 =	simm.s32 $0x16BF8;
	[sflag:s31] =	ssyncadd.s32 $0xFFFFE700  }
0x80: {  	[spmem:s2] =	stream.indirect.scatter.add.f32 [tilespmem:s1], [sflag:$0x2], $0x80, s8, s30, $0xb8;
	[tilespmem:$0x1FB80] =	vst v63  }
0x81: {  	_ =	swait.ge [sflag:s26], $0x1900  }
0x82: {  	[sflag:s26] =	ssyncset.done $0x0  }
0x83: {  	s7 =	simm.s32 $0x14118;
	[sflag:s26] =	ssyncadd.s32 $0xFFFFE700  }
0x84: {  	[tilespmem:s1], [sflag:$0x1] =	stream.indirect.gather [hbm4b:s4+s30], $0x80, s7, s30, $0xb8;
	[tilespmem:$0x1FB80] =	vst v63  }
0x85: {  	_ =	swait.ge [sflag:s31], $0x1900  }
0x86: {  	[sflag:s31] =	ssyncset.done $0x0  }
0x87: {  	s8 =	simm.s32 $0x16C30;
	[sflag:s31] =	ssyncadd.s32 $0xFFFFE700  }
0x88: {  	[spmem:s2] =	stream.indirect.scatter.add.f32 [tilespmem:s29], [sflag:$0x2], $0x80, s8, s30, $0xb8;
	[tilespmem:$0x1FB80] =	vst v63  }
0x89: {  	_ =	swait.ge [sflag:s26], $0x1900  }
0x8a: {  	[sflag:s26] =	ssyncset.done $0x0  }
0x8b: {  	s7 =	simm.s32 $0x14150;
	[sflag:s26] =	ssyncadd.s32 $0xFFFFE700  }
0x8c: {  	[tilespmem:s29], [sflag:$0x1] =	stream.indirect.gather [hbm4b:s4+s30], $0x80, s7, s30, $0xb8;
	[tilespmem:$0x1FB80] =	vst v63  }
0x8d: {  	_ =	swait.ge [sflag:s31], $0x1900  }
0x8e: {  	[sflag:s31] =	ssyncset.done $0x0  }
0x8f: {  	s8 =	simm.s32 $0x16C68;
	[sflag:s31] =	ssyncadd.s32 $0xFFFFE700  }
0x90: {  	[spmem:s2] =	stream.indirect.scatter.add.f32 [tilespmem:s0], [sflag:$0x2], $0x80, s8, s30, $0xb8;
	[tilespmem:$0x1FB80] =	vst v63  }
0x91: {  	_ =	swait.ge [sflag:s26], $0x1900  }
0x92: {  	[sflag:s26] =	ssyncset.done $0x0  }
0x93: {  	s6 =	simm.s32 $0x380;
	s7 =	simm.s32 $0x14188;
	[sflag:s26] =	ssyncadd.s32 $0xFFFFE700  }
.LBB2_4:
0x94: {  	[tilespmem:s0], [sflag:$0x1] =	stream.indirect.gather [hbm4b:s4+s30], $0x80, s7, s30, $0xb8;
	[tilespmem:$0x1FB80] =	vst v63  }
0x95: {  	s7 =	smov.u32 s6  }
0x96: {  	p0 =	sne.s32 s6, $0xA800;
	s6 =	sadd.s32 $0x380, s6;
	_ =	swait.ge [sflag:s31], $0x1900  }
0x97: {  	s7 =	sshra.s32 s7, $0x2;
	[sflag:s31] =	ssyncset.done $0x0  }
0x98: {  	s8 =	sadd.s32 $0x16BC0, s7;
	[sflag:s31] =	ssyncadd.s32 $0xFFFFE700  }
0x99: {  	[spmem:s2] =	stream.indirect.scatter.add.f32 [tilespmem:s25], [sflag:$0x2], $0x80, s8, s30, $0xb8;
	[tilespmem:$0x1FB80] =	vst v63  }
0x9a: {  	_ =	swait.ge [sflag:s26], $0x1900  }
0x9b: {  	[sflag:s26] =	ssyncset.done $0x0  }
0x9c: {  	s8 =	sadd.s32 $0x140E0, s7;
	[sflag:s26] =	ssyncadd.s32 $0xFFFFE700  }
0x9d: {  	[tilespmem:s25], [sflag:$0x1] =	stream.indirect.gather [hbm4b:s4+s30], $0x80, s8, s30, $0xb8;
	[tilespmem:$0x1FB80] =	vst v63  }
0x9e: {  	_ =	swait.ge [sflag:s31], $0x1900  }
0x9f: {  	[sflag:s31] =	ssyncset.done $0x0  }
0xa0: {  	s8 =	sadd.s32 $0x16BF8, s7;
	[sflag:s31] =	ssyncadd.s32 $0xFFFFE700  }
0xa1: {  	[spmem:s2] =	stream.indirect.scatter.add.f32 [tilespmem:s1], [sflag:$0x2], $0x80, s8, s30, $0xb8;
	[tilespmem:$0x1FB80] =	vst v63  }
0xa2: {  	_ =	swait.ge [sflag:s26], $0x1900  }
0xa3: {  	[sflag:s26] =	ssyncset.done $0x0  }
0xa4: {  	s8 =	sadd.s32 $0x14118, s7;
	[sflag:s26] =	ssyncadd.s32 $0xFFFFE700  }
0xa5: {  	[tilespmem:s1], [sflag:$0x1] =	stream.indirect.gather [hbm4b:s4+s30], $0x80, s8, s30, $0xb8;
	[tilespmem:$0x1FB80] =	vst v63  }
0xa6: {  	_ =	swait.ge [sflag:s31], $0x1900  }
0xa7: {  	[sflag:s31] =	ssyncset.done $0x0  }
0xa8: {  	s8 =	sadd.s32 $0x16C30, s7;
	[sflag:s31] =	ssyncadd.s32 $0xFFFFE700  }
0xa9: {  	[spmem:s2] =	stream.indirect.scatter.add.f32 [tilespmem:s29], [sflag:$0x2], $0x80, s8, s30, $0xb8;
	[tilespmem:$0x1FB80] =	vst v63  }
0xaa: {  	_ =	swait.ge [sflag:s26], $0x1900  }
0xab: {  	[sflag:s26] =	ssyncset.done $0x0  }
0xac: {  	s8 =	sadd.s32 $0x14150, s7;
	[sflag:s26] =	ssyncadd.s32 $0xFFFFE700  }
0xad: {  	[tilespmem:s29], [sflag:$0x1] =	stream.indirect.gather [hbm4b:s4+s30], $0x80, s8, s30, $0xb8;
	[tilespmem:$0x1FB80] =	vst v63  }
0xae: {  	_ =	swait.ge [sflag:s31], $0x1900  }
0xaf: {  	[sflag:s31] =	ssyncset.done $0x0  }
.Ltmp1:
0xb0: {  	s8 =	sadd.s32 $0x16C68, s7;
	[sflag:s31] =	ssyncadd.s32 $0xFFFFE700;
	(pc) =	sbr.rel @p0 .LBB2_4-.Ltmp1, $4  }
0xb1: {  	[spmem:s2] =	stream.indirect.scatter.add.f32 [tilespmem:s0], [sflag:$0x2], $0x80, s8, s30, $0xb8;
	[tilespmem:$0x1FB80] =	vst v63  }
0xb2: {  	_ =	swait.ge [sflag:s26], $0x1900  }
0xb3: {  	[sflag:s26] =	ssyncset.done $0x0  }
0xb4: {  	s7 =	sadd.s32 $0x14188, s7;
	[sflag:s26] =	ssyncadd.s32 $0xFFFFE700  }
0xb5: {  	[tilespmem:s0], [sflag:$0x1] =	stream.indirect.gather [hbm4b:s4+s30], $0x80, s7, s30, $0xb8;
	[tilespmem:$0x1FB80] =	vst v63  }
0xb6: {  	_ =	swait.ge [sflag:s31], $0x1900  }
0xb7: {  	[sflag:s31] =	ssyncset.done $0x0  }
0xb8: {  	s6 =	simm.s32 $0x196A0;
	[sflag:s31] =	ssyncadd.s32 $0xFFFFE700  }
0xb9: {  	[spmem:s2] =	stream.indirect.scatter.add.f32 [tilespmem:s25], [sflag:$0x2], $0x80, s6, s30, $0xb8;
	[tilespmem:$0x1FB80] =	vst v63  }
0xba: {  	_ =	swait.ge [sflag:s26], $0x1900  }
0xbb: {  	[sflag:s26] =	ssyncset.done $0x0  }
0xbc: {  	[sflag:s26] =	ssyncadd.s32 $0xFFFFE700  }
0xbd: {  	_ =	swait.ge [sflag:s31], $0x1900  }
0xbe: {  	[sflag:s31] =	ssyncset.done $0x0  }
0xbf: {  	s8 =	simm.s32 $0x196D8;
	[sflag:s31] =	ssyncadd.s32 $0xFFFFE700  }
0xc0: {  	[spmem:s2] =	stream.indirect.scatter.add.f32 [tilespmem:s1], [sflag:$0x2], $0x80, s8, s30, $0xb8;
	[tilespmem:$0x1FB80] =	vst v63  }
0xc1: {  	_ =	swait.ge [sflag:s26], $0x1900  }
0xc2: {  	[sflag:s26] =	ssyncset.done $0x0  }
0xc3: {  	[sflag:s26] =	ssyncadd.s32 $0xFFFFE700  }
0xc4: {  	_ =	swait.ge [sflag:s31], $0x1900  }
0xc5: {  	[sflag:s31] =	ssyncset.done $0x0  }
0xc6: {  	s7 =	simm.s32 $0x19710;
	[sflag:s31] =	ssyncadd.s32 $0xFFFFE700  }
0xc7: {  	[spmem:s2] =	stream.indirect.scatter.add.f32 [tilespmem:s29], [sflag:$0x2], $0x80, s7, s30, $0xb8;
	[tilespmem:$0x1FB80] =	vst v63  }
0xc8: {  	_ =	swait.ge [sflag:s26], $0x1900  }
0xc9: {  	[sflag:s26] =	ssyncset.done $0x0  }
0xca: {  	[sflag:s26] =	ssyncadd.s32 $0xFFFFE700  }
0xcb: {  	_ =	swait.ge [sflag:s31], $0x1900  }
0xcc: {  	[sflag:s31] =	ssyncset.done $0x0  }
0xcd: {  	s8 =	simm.s32 $0x19748;
	[sflag:s31] =	ssyncadd.s32 $0xFFFFE700  }
0xce: {  	[spmem:s2] =	stream.indirect.scatter.add.f32 [tilespmem:s0], [sflag:$0x2], $0x80, s8, s30, $0xb8;
	[tilespmem:$0x1FB80] =	vst v63  }
0xcf: {  	s7 =	stileid.u32;
	_ =	swait.ge [sflag:s26], $0x1900  }
0xd0: {  	s3 =	sadd.s32 $0x1, s3;
	s6 =	sshll.u32 s7, $0x6;
	[sflag:s26] =	ssyncset.done $0x0  }
0xd1: {  	p0 =	sne.s32 s3, s24;
	s6 =	sor.u32 $0x1C02, s6;
	[sflag:s26] =	ssyncadd.s32 $0xFFFFE700  }
.Ltmp2:
0xd2: {  	s8 =	sshrl.u32 s5, $0x3;
	[bflag:$0x0] =	sbarrier.arrive $0xFFFF;
	(pc) =	sbr.rel @p0 .LBB2_1-.Ltmp2, $4  }
0xd3: {  	[hbm:s23], [sflag:s6] =	dma.local [spmem:s8], $0x2800  }
0xd4: {  	_ =	swait.ge [sflag:s26], $0x2800  }
0xd5: {  	[sflag:s26] =	ssyncset.done $0x0  }
0xd6: {  	[sflag:s26] =	ssyncadd.s32 $0xFFFFD800  }
0xd7: {  	_ =	sfence.sel $0x180000  }
0xd8: {  	[bflag:$0x0] =	sbarrier.arrive $0xFFFF  }
0xd9: {  	_ =	strace $0x9000004A  }
0xda: {  	s0 =	stileid.u32;
	[bflag:$0x2] =	sbarrier.arrive $0xFFFF  }
0xdb: {  	p0 =	sne.s32 s0, $0x0;
	s0 =	rddreg [dreg:$0x2]  }
0xdc: {  	s0 =	sadd.s32 @!p0 $0x100000, s0  }
0xdd: {  	[sflag:s0] =	ssyncadd.tile.s32 @!p0 $0x1;
	_ =	shalt  }
.Lfunc_end2:
_tile_overlayer_lowered:
.L_overlay_start_2:
0xde: {  	(tag) =	ssettag $0x2  }
0xdf: {  	s0 =	rddreg [dreg:$0x0];
	s2 =	stileid.u32  }
0xe0: {  	s1 =	rddreg [dreg:$0x1];
	p0 =	sne.s32 s2, $0x0  }
0xe1: {  	s3 =	rddreg [dreg:$0x2];
	[bflag:$0x3] =	sbarrier.arrive $0xFFFF;
	s2 =	simm.s32 @!p0 $0x1C02  }
0xe2: {  	[timem:s3], [sflag:s2] =	dma.local @!p0 [hbm:s0], s1  }
0xe3: {  	s0 =	simm.s32 @!p0 $0x2  }
0xe4: {  	_ =	swait.ge @!p0 [sflag:s0], s1  }
0xe5: {  	s1 =	ssub.s32 @!p0 $0x0, s1;
	[sflag:s0] =	ssyncset.done @!p0 $0x0  }
0xe6: {  	[sflag:s0] =	ssyncadd.s32 @!p0 s1  }
0xe7: {  	[bflag:$0x3] =	sbarrier.arrive $0xFFFF  }
0xe8: {  	_ =	shalt  }

// kernel: kernel.14.cloned.1.call-start
scs
__scs_entry_jumppad:
0x0: {  	(pc) =	sbr.rel $0x88, $3  }
0x1: {  	(tag) =	ssettag $0x0;
	lr =	simm.s32 $0x1  }
0x2: {  	[smem:$0x3F9B] =	sst lr;
	_ =	strace $0xD0000000  }
0x3: {  	_ = 	snop  }
0x4: {  	_ = 	snop  }
0x5: {  	_ = 	snop  }
0x6: {  	_ = 	snop  }
0x7: {  	_ = 	snop  }
__scs_overlays_trampoline_lowered:
0x8: {  	[smem:$0x3FAA] =	sst s0  }
0x9: {  	[smem:$0x3FAB] =	sst s1  }
0xa: {  	[smem:$0x3FAC] =	sst s2  }
0xb: {  	[smem:$0x3FAD] =	sst s3  }
0xc: {  	[smem:$0x3FAE] =	sst s4  }
0xd: {  	[smem:$0x3FAF] =	sst s5  }
0xe: {  	[smem:$0x3FB0] =	sst s6  }
0xf: {  	[smem:$0x3FB1] =	sst s7  }
0x10: {  	[smem:$0x3FB2] =	sst s8  }
0x11: {  	[smem:$0x3FB3] =	sst s9;
	s0 =	simm.s32 @!p0 $0x0  }
0x12: {  	s1 =	sld [smem:$0x3F99];
	s0 =	simm.s32 @p0 $0x1  }
0x13: {  	[smem:$0x3FB4] =	sst s0;
	s0 =	simm.s32 @!p1 $0x0  }
0x14: {  	s2 =	sld [smem:$0x3F98];
	s0 =	simm.s32 @p1 $0x1  }
0x15: {  	[smem:$0x3FB5] =	sst s0;
	s0 =	simm.s32 @!p2 $0x0  }
0x16: {  	s3 =	sld [smem:$0x3FDB];
	s0 =	simm.s32 @p2 $0x1  }
0x17: {  	s4 =	simm.s32 $0x1BF5;
	[smem:$0x3FB7] =	sst s0  }
0x18: {  	s0 =	sld [smem:$0x3F9A];
	_ =	swait.ge [sflag:s4], $0x0  }
0x19: {  	s7 =	sld [smem:$0x3F9B]  }
0x1a: {  	s8 =	sadd.s32 $0xFFFFE003, lr  }
0x1b: {  	s9 =	sadd.s32 $0xFFFFFEF7, lr;
	s5 =	simm.s32 $0xFFFFFFFF;
	p2 =	slt.u32 s8, $0xFFFFF086  }
0x1c: {  	p1 =	slt.u32 s9, $0xF7A;
	s5 =	simm.s32 @!p2 $0x0  }
0x1d: {  	s5 =	simm.s32 @p1 $0x1;
	p0 =	seq.s32 s7, s2  }
0x1e: {  	s7 =	smul.u32 @!p0 $0xF7A, s2;
	p2 =	seq.s32 @!p0 s5, $0x0  }
0x1f: {  	s9 =	smul.u32 $0xF7A, s1;
	s8 =	simm.s32 @!p0 $0x1BF5;
	p2 =	por !p2, p0  }
0x20: {  	[sflag:s8] =	ssyncset.s32 @!p0 $0xFFFFF086;
	s6 =	sadd.s32 @!p0 s3, s7;
	s7 =	simm.s32 @!p0 $0x108  }
0x21: {  	s3 =	sadd.s32 s3, s9;
	s6 =	sadd.s32 @!p0 $0x88, s6;
	s7 =	simm.s32 @p2 $0x1082  }
0x22: {  	[simem:s7], [sflag:s8] =	dma.local @!p0 [hbm:s6], $0xF7A  }
0x23: {  	s9 =	sor.u32 $0xD0000000, s2;
	s6 =	simm.s32 $0x108;
	_ =	swait.ge @!p0 [sflag:s8], $0x0  }
0x24: {  	s3 =	sadd.s32 $0x88, s3;
	s6 =	simm.s32 @!p1 $0x1082;
	[sflag:s4] =	ssyncset.s32 $0xFFFFF086  }
0x25: {  	[simem:s6], [sflag:s4] =	dma.local [hbm:s3], $0xF7A  }
0x26: {  	[smem:$0x3F9B] =	sst s1;
	(tag) =	ssettag s2;
	_ =	strace s9  }
0x27: {  	s1 =	sld [smem:$0x3FAB]  }
0x28: {  	s2 =	sld [smem:$0x3FAC]  }
0x29: {  	s4 =	sld [smem:$0x3FAE]  }
0x2a: {  	p0 =	seq.s32 s5, $0x0;
	s5 =	sld [smem:$0x3FAF]  }
0x2b: {  	s6 =	sld [smem:$0x3FB0]  }
0x2c: {  	s7 =	sld [smem:$0x3FB1]  }
0x2d: {  	s3 =	simm.s32 $0x108;
	s8 =	sld [smem:$0x3FB2]  }
0x2e: {  	s3 =	simm.s32 @!p0 $0x1082;
	s9 =	sld [smem:$0x3FB3]  }
0x2f: {  	lr =	sadd.s32 s0, s3;
	s0 =	sld [smem:$0x3FAA]  }
0x30: {  	s3 =	sld [smem:$0x3FAD]  }
0x31: {  	[smem:$0x3FB6] =	sst s10  }
0x32: {  	s10 =	sld [smem:$0x3FB4];
	_ =	sdelay $0x3  }
0x33: {  	p0 =	seq.s32 s10, $0x1;
	s10 =	sld [smem:$0x3FB6];
	_ =	sdelay $0x3  }
0x34: {  	[smem:$0x3FB6] =	sst s10  }
0x35: {  	s10 =	sld [smem:$0x3FB5];
	_ =	sdelay $0x3  }
0x36: {  	p1 =	seq.s32 s10, $0x1;
	s10 =	sld [smem:$0x3FB6];
	_ =	sdelay $0x3  }
0x37: {  	[smem:$0x3FB6] =	sst s10  }
0x38: {  	s10 =	sld [smem:$0x3FB7]  }
0x39: {  	_ = 	snop;
	(pc) =	sbr.ind lr, $3  }
0x3a: {  	_ = 	snop  }
0x3b: {  	_ = 	snop  }
0x3c: {  	p2 =	seq.s32 s10, $0x1;
	s10 =	sld [smem:$0x3FB6]  }
0x3d: {  	_ =	shalt  }
0x3e: {  	_ =	shalt  }
0x3f: {  	_ =	shalt  }
0x40: {  	_ =	shalt  }
0x41: {  	_ =	shalt  }
0x42: {  	_ =	shalt  }
0x43: {  	_ =	shalt  }
0x44: {  	_ =	shalt  }
0x45: {  	_ =	shalt  }
0x46: {  	_ =	shalt  }
0x47: {  	_ =	shalt  }
0x48: {  	_ =	shalt  }
0x49: {  	_ =	shalt  }
0x4a: {  	_ =	shalt  }
0x4b: {  	_ =	shalt  }
0x4c: {  	_ =	shalt  }
0x4d: {  	_ =	shalt  }
0x4e: {  	_ =	shalt  }
0x4f: {  	_ =	shalt  }
0x50: {  	_ =	shalt  }
0x51: {  	_ =	shalt  }
0x52: {  	_ =	shalt  }
0x53: {  	_ =	shalt  }
0x54: {  	_ =	shalt  }
0x55: {  	_ =	shalt  }
0x56: {  	_ =	shalt  }
0x57: {  	_ =	shalt  }
0x58: {  	_ =	shalt  }
0x59: {  	_ =	shalt  }
0x5a: {  	_ =	shalt  }
0x5b: {  	_ =	shalt  }
0x5c: {  	_ =	shalt  }
0x5d: {  	_ =	shalt  }
0x5e: {  	_ =	shalt  }
0x5f: {  	_ =	shalt  }
0x60: {  	_ =	shalt  }
0x61: {  	_ =	shalt  }
0x62: {  	_ =	shalt  }
0x63: {  	_ =	shalt  }
0x64: {  	_ =	shalt  }
0x65: {  	_ =	shalt  }
0x66: {  	_ =	shalt  }
0x67: {  	_ =	shalt  }
0x68: {  	_ =	shalt  }
0x69: {  	_ =	shalt  }
0x6a: {  	_ =	shalt  }
0x6b: {  	_ =	shalt  }
0x6c: {  	_ =	shalt  }
0x6d: {  	_ =	shalt  }
0x6e: {  	_ =	shalt  }
0x6f: {  	_ =	shalt  }
0x70: {  	_ =	shalt  }
0x71: {  	_ =	shalt  }
0x72: {  	_ =	shalt  }
0x73: {  	_ =	shalt  }
0x74: {  	_ =	shalt  }
0x75: {  	_ =	shalt  }
0x76: {  	_ =	shalt  }
0x77: {  	_ =	shalt  }
0x78: {  	_ =	shalt  }
0x79: {  	_ =	shalt  }
0x7a: {  	_ =	shalt  }
0x7b: {  	_ =	shalt  }
0x7c: {  	_ =	shalt  }
0x7d: {  	_ =	shalt  }
0x7e: {  	_ =	shalt  }
0x7f: {  	_ =	shalt  }
0x80: {  	_ =	shalt  }
0x81: {  	_ =	shalt  }
0x82: {  	_ =	shalt  }
0x83: {  	_ =	shalt  }
0x84: {  	_ =	shalt  }
0x85: {  	_ =	shalt  }
0x86: {  	_ =	shalt  }
0x87: {  	_ =	shalt  }
.Lfunc_end0:
.L_simem_size_0:
called_computation.2_lowered:
.L_overlay_start_0:
0x88: {  	s2 =	sld [smem:$0x3FD9]  }
0x89: {  	s3 =	sld [smem:$0x3FFE];
	_ =	sdelay $0x1  }
0x8a: {  	s1 =	srdreg.scid  }
0x8b: {  	s0 =	sand.u32 $0x1, s1  }
0x8c: {  	s16 =	sshll.u32 s0, $0xA;
	s2 =	sadd.s32 s3, s2  }
0x8d: {  	s2 =	sadd.s32 s2, s16  }
0x8e: {  	[smem:$0x3FC2] =	sst s2  }
0x8f: {  	_ = 	snop  }
0x90: {  	(tm) =	ssettm $0x1  }
0x91: {  	s17 =	sld [smem:$0x3FFB];
	_ =	sdelay $0x3  }
0x92: {  	_ =	strace s17  }
0x93: {  	s2 =	sld [smem:$0x3FFC];
	_ =	sdelay $0x3  }
0x94: {  	_ =	strace s2  }
0x95: {  	s2 =	sld [smem:$0x3FFD];
	_ =	sdelay $0x3  }
0x96: {  	_ =	strace s2  }
0x97: {  	_ =	strace $0x8FFFFFFF  }
0x98: {  	s18 =	sld [smem:$0x3FDB];
	_ =	sdelay $0x1  }
0x99: {  	s19 =	simm.s32 $_scs_section_size  }
0x9a: {  	s4 =	simm.s32 $_size__tile_overlayer_lowered;
	s5 =	simm.s32 $_tile_overlayer_lowered  }
0x9b: {  	s22 =	simm.s32 $0x1BFF;
	s21 =	sshll.u32 s5, $0x1;
	s2 =	sadd.s32 s19, s18  }
0x9c: {  	s6 =	simm.s32 $0x0;
	s20 =	sshll.u32 s4, $0x1;
	s4 =	sadd.s32 s21, s2  }
0x9d: {  	[timem:s6], [sflag:s22] =	dma.local [hbm:s4], s20  }
0x9e: {  	_ =	swait.ge [sflag:s22], s20  }
0x9f: {  	s3 =	ssub.s32 $0x0, s20;
	[sflag:s22] =	ssyncset.done $0x0  }
0xa0: {  	[sflag:s22] =	ssyncadd.s32 s3;
	_ =	sdelay $0x1  }
0xa1: {  	s23 =	simm.s32 $0x1B8B  }
0xa2: {  	_ =	swait.ge [sflag:s23], $0x1  }
0xa3: {  	[sflag:s23] =	ssyncset.done $0x0  }
0xa4: {  	s25 =	simm.s32 $0x1B8E;
	s24 =	sld [smem:$0x3FFE];
	[sflag:s23] =	ssyncadd.s32 $0xFFFFFFFF  }
0xa5: {  	s26 =	simm.s32 $execute0_lowered;
	[smem:$0x3FD2] =	sst s25  }
0xa6: {  	s4 =	sshll.u32 s26, $0x1;
	_ =	strace $0x8000004C;
	[dreg:$0x1] =	wrdreg $0xFFFFFFFF  }
0xa7: {  	s28 =	simm.s32 $_size_execute0_lowered;
	s2 =	sadd.s32 s2, s4;
	[dreg:$0x0] =	wrdreg $0x0  }
0xa8: {  	s4 =	sshll.u32 s28, $0x1;
	[dreg:$0x2] =	wrdreg s2  }
0xa9: {  	[dreg:$0x3] =	wrdreg s4  }
0xaa: {  	[dreg:$0x4] =	wrdreg $0xC0  }
0xab: {  	_ =	task [dreg:s6], $0x5FFFF  }
0xac: {  	[dreg:$0x1] =	wrdreg $0xFFFFFFFF  }
0xad: {  	[dreg:$0x0] =	wrdreg $0x60  }
0xae: {  	[dreg:$0x2] =	wrdreg s24  }
0xaf: {  	[dreg:$0x3] =	wrdreg $0x0  }
0xb0: {  	[dreg:$0x4] =	wrdreg $0x9  }
0xb1: {  	_ =	task.clear_ibuf [dreg:s6], $0x5FFFF;
	_ =	strace $0x9000004C  }
0xb2: {  	s29 =	simm.s32 $0x9;
	_ =	strace $0x8000004E  }
0xb3: {  	_ =	swait.ge [sflag:s29], $0x1  }
0xb4: {  	[sflag:s29] =	ssyncadd.s32 $0xFFFFFFFF  }
0xb5: {  	_ =	strace $0x9000004E  }
0xb6: {  	_ =	sfence  }
0xb7: {  	s30 =	sld [smem:$0x0];
	_ =	sdelay $0x2  }
0xb8: {  	s31 =	sshll.u32 s1, $0xD;
	s1 =	sshrl.u32 s1, $0x2  }
0xb9: {  	s3 =	sand.u32 $0x4000, s31;
	s1 =	sadd.s32 s1, s30  }
0xba: {  	s0 =	sor.u32 s3, s0;
	s1 =	sshll.u32 s1, $0x11  }
0xbb: {  	s0 =	sor.u32 s1, s0  }
0xbc: {  	s0 =	sadd.s32 $0x8F2B, s0  }
0xbd: {  	[sflag:s0] =	ssyncadd.remote.s32 $0x1  }
0xbe: {  	_ =	sfence.sel $0xFFFF  }
0xbf: {  	[dreg:$0x0] =	wrdreg $0xFFFFFFFF;
	(pc) =	sbr.abs _section_cstart, $3  }
0xc0: {  	[dreg:$0x1] =	wrdreg $0xFFFFFFFF  }
0xc1: {  	_ =	task.clear_ibuf [dreg:s6], $0x2FFFF;
	_ =	strace $0x9FFFFFFF  }
0xc2: {  	(tm) =	ssettm $0x7FFFFFFF  }
0xc3: {  	_ =	shalt  }
tec
execute0_lowered:
.L_overlay_start_1:
0x0: {  	(tag) =	ssettag $0x1  }
0x1: {  	s0 =	srdreg.scid;
	s4 =	stileid.u32  }
0x2: {  	s0 =	sand.u32 $0x1, s0;
	s6 =	smul.u32 $0xF00, s4  }
0x3: {  	s8 =	smul.u32 $0x1E000, s4;
	s1 =	sshll.u32 s0, $0x4  }
0x4: {  	s7 =	smul.u32 $0xF000, s0;
	s1 =	sor.u32 s4, s1  }
0x5: {  	s5 =	rddreg [dreg:$0x0];
	s1 =	smul.u32 $0x2BC0, s1  }
0x6: {  	s2 =	rddreg [dreg:$0x1];
	s3 =	simm.s32 $0x0;
	s4 =	sadd.s32 $0x18600, s5  }
0x7: {  	s8 =	sshrl.u32 s8, $0x2;
	s6 =	sadd.s32 s6, s7;
	s1 =	sshrl.u32 s1, $0x3  }
0x8: {  	s6 =	sadd.s32 s6, s5;
	s1 =	sadd.s32 s1, s5;
	s5 =	sadd.s32 s8, s2  }
0x9: {  	[smem:$0x7FF] =	sst s3;
	s14 =	sadd.s32 $0x780, s5  }
0xa: {  	_ =	strace $0x8000004D;
	s15 =	sadd.s32 $0xF00, s5;
	[dreg:$0x3] =	wrdreg s14  }
0xb: {  	s16 =	sadd.s32 $0x1680, s5;
	[dreg:$0x4] =	wrdreg s15  }
0xc: {  	s17 =	sadd.s32 $0x1E00, s5;
	[dreg:$0x5] =	wrdreg s16  }
0xd: {  	s18 =	sadd.s32 $0x2580, s5;
	[dreg:$0x6] =	wrdreg s17  }
0xe: {  	s28 =	simm.s32 $0x7800;
	s19 =	sadd.s32 $0x2D00, s5;
	[dreg:$0x7] =	wrdreg s18  }
0xf: {  	s30 =	simm.s32 $0x32;
	s20 =	sadd.s32 $0x3480, s5;
	[dreg:$0x8] =	wrdreg s19  }
0x10: {  	s29 =	simm.s32 $0xE240;
	s21 =	sadd.s32 $0x3C00, s5;
	[dreg:$0x9] =	wrdreg s20  }
0x11: {  	s31 =	simm.s32 $0xF500;
	s22 =	sadd.s32 $0x4380, s5;
	[dreg:$0xa] =	wrdreg s21  }
0x12: {  	s0 =	ssub.s32 $0x2, s0;
	s23 =	sadd.s32 $0x4B00, s5;
	[dreg:$0xb] =	wrdreg s22  }
0x13: {  	s13 =	sshrl.u32 s0, $0x1;
	s24 =	sadd.s32 $0x5280, s5;
	[dreg:$0xc] =	wrdreg s23  }
0x14: {  	s0 =	ssub.s32 s0, s13;
	s25 =	sadd.s32 $0x5A00, s5;
	[dreg:$0xd] =	wrdreg s24  }
.Ltmp0:
0x15: {  	s26 =	sadd.s32 $0x6180, s5;
	[dreg:$0xe] =	wrdreg s25;
	(pc) =	sbr.rel .LBB2_1-.Ltmp0, $4  }
0x16: {  	[dreg:$0xf] =	wrdreg s26;
	s19 =	sadd.s32 $0x6900, s5;
	s20 =	sadd.s32 $0x7080, s5  }
0x17: {  	s21 =	sadd.s32 $0x2800, s1;
	s22 =	sadd.s32 $0xD700, s1;
	s23 =	sadd.s32 $0x27200, s6  }
0x18: {  	s24 =	smax.u32 s0, $0x1;
	s25 =	simm.s32 $0xCF80;
	s26 =	simm.s32 $0x2  }
0x19: {  	v0 =	vimm.f32 $0.0e+00;
	s0 =	simm.s32 $0x107C0;
	s1 =	simm.s32 $0x11120;
	s6 =	simm.s32 $0x1  }
.LBB2_6:
0x1a: {  	_ =	swait.ge [sflag:s6], $0x960  }
0x1b: {  	[sflag:s6] =	ssyncset.done $0x0  }
0x1c: {  	[sflag:s6] =	ssyncadd.s32 $0xFFFFF6A0  }
0x1d: {  	[spmem:s2] =	stream.indirect.scatter.add.f32 [tilespmem:s1], [sflag:$0x2], $0x30, s9, s30, $0xb8;
	[tilespmem:$0x11A80] =	vst v63  }
0x1e: {  	s7 =	stileid.u32;
	_ =	swait.ge [sflag:s26], $0x960  }
0x1f: {  	s8 =	sshrl.u32 s5, $0x3;
	s3 =	sadd.s32 $0x1, s3;
	[sflag:s26] =	ssyncset.done $0x0  }
0x20: {  	s7 =	sshll.u32 s7, $0x6;
	p0 =	sne.s32 s3, s24;
	[sflag:s26] =	ssyncadd.s32 $0xFFFFF6A0  }
.Ltmp1:
0x21: {  	s7 =	sor.u32 $0x1C02, s7;
	[bflag:$0x0] =	sbarrier.arrive $0xFFFF;
	(pc) =	sbr.rel @!p0 .LBB2_7-.Ltmp1, $4  }
0x22: {  	[hbm:s23], [sflag:s7] =	dma.local [spmem:s8], $0xF00  }
0x23: {  	_ =	swait.ge [sflag:s26], $0xF00  }
0x24: {  	[sflag:s26] =	ssyncset.done $0x0  }
0x25: {  	[sflag:s26] =	ssyncadd.s32 $0xFFFFF100  }
.LBB2_1:
0x26: {  	s7 =	simm.s32 $0xC0;
	s8 =	simm.s32 $0x0  }
.LBB2_2:
0x27: {  	p0 =	sne.s32 s7, $0x1D40;
	[tilespmem:s8+$0xCFA0] =	vst v0;
	s9 =	smov.u32 s7;
	s7 =	sadd.s32 $0xC0, s7  }
.Ltmp2:
0x28: {  	[tilespmem:s8+$0xCF80] =	vst v0;
	(pc) =	sbr.rel @p0 .LBB2_2-.Ltmp2, $2  }
0x29: {  	[tilespmem:s8+$0xCF90] =	vst v0;
	_ =	sdelay $0x2  }
0x2a: {  	s8 =	sshra.s32 s9, $0x2  }
0x2b: {  	[tilespmem:s8+$0xCFA0] =	vst v0  }
0x2c: {  	[tilespmem:s8+$0xCF80] =	vst v0  }
0x2d: {  	[tilespmem:s8+$0xCF90] =	vst v0  }
0x2e: {  	[spmem:s5] =	stream.linear.scatter [tilespmem:s25], [sflag:$0x2], $0x780, $0x38;
	[tilespmem:$0x11A80] =	vst v63  }
0x2f: {  	_ =	swait.ge [sflag:s26], $0x780  }
0x30: {  	[sflag:s26] =	ssyncset.done $0x0  }
0x31: {  	s7 =	rddreg [dreg:$0x3];
	[sflag:s26] =	ssyncadd.s32 $0xFFFFF880  }
0x32: {  	[spmem:s7] =	stream.linear.scatter [tilespmem:s25], [sflag:$0x2], $0x780, $0x38;
	[tilespmem:$0x11A80] =	vst v63  }
0x33: {  	_ =	swait.ge [sflag:s26], $0x780  }
0x34: {  	[sflag:s26] =	ssyncset.done $0x0  }
0x35: {  	s8 =	rddreg [dreg:$0x4];
	[sflag:s26] =	ssyncadd.s32 $0xFFFFF880  }
0x36: {  	[spmem:s8] =	stream.linear.scatter [tilespmem:s25], [sflag:$0x2], $0x780, $0x38;
	[tilespmem:$0x11A80] =	vst v63  }
0x37: {  	_ =	swait.ge [sflag:s26], $0x780  }
0x38: {  	[sflag:s26] =	ssyncset.done $0x0  }
0x39: {  	s9 =	rddreg [dreg:$0x5];
	[sflag:s26] =	ssyncadd.s32 $0xFFFFF880  }
0x3a: {  	[spmem:s9] =	stream.linear.scatter [tilespmem:s25], [sflag:$0x2], $0x780, $0x38;
	[tilespmem:$0x11A80] =	vst v63  }
0x3b: {  	_ =	swait.ge [sflag:s26], $0x780  }
0x3c: {  	[sflag:s26] =	ssyncset.done $0x0  }
0x3d: {  	s10 =	rddreg [dreg:$0x6];
	[sflag:s26] =	ssyncadd.s32 $0xFFFFF880  }
0x3e: {  	[spmem:s10] =	stream.linear.scatter [tilespmem:s25], [sflag:$0x2], $0x780, $0x38;
	[tilespmem:$0x11A80] =	vst v63  }
0x3f: {  	_ =	swait.ge [sflag:s26], $0x780  }
0x40: {  	[sflag:s26] =	ssyncset.done $0x0  }
0x41: {  	s11 =	rddreg [dreg:$0x7];
	[sflag:s26] =	ssyncadd.s32 $0xFFFFF880  }
0x42: {  	[spmem:s11] =	stream.linear.scatter [tilespmem:s25], [sflag:$0x2], $0x780, $0x38;
	[tilespmem:$0x11A80] =	vst v63  }
0x43: {  	_ =	swait.ge [sflag:s26], $0x780  }
0x44: {  	[sflag:s26] =	ssyncset.done $0x0  }
0x45: {  	s12 =	rddreg [dreg:$0x8];
	[sflag:s26] =	ssyncadd.s32 $0xFFFFF880  }
0x46: {  	[spmem:s12] =	stream.linear.scatter [tilespmem:s25], [sflag:$0x2], $0x780, $0x38;
	[tilespmem:$0x11A80] =	vst v63  }
0x47: {  	_ =	swait.ge [sflag:s26], $0x780  }
0x48: {  	[sflag:s26] =	ssyncset.done $0x0  }
0x49: {  	s13 =	rddreg [dreg:$0x9];
	[sflag:s26] =	ssyncadd.s32 $0xFFFFF880  }
0x4a: {  	[spmem:s13] =	stream.linear.scatter [tilespmem:s25], [sflag:$0x2], $0x780, $0x38;
	[tilespmem:$0x11A80] =	vst v63  }
0x4b: {  	_ =	swait.ge [sflag:s26], $0x780  }
0x4c: {  	[sflag:s26] =	ssyncset.done $0x0  }
0x4d: {  	s14 =	rddreg [dreg:$0xa];
	[sflag:s26] =	ssyncadd.s32 $0xFFFFF880  }
0x4e: {  	[spmem:s14] =	stream.linear.scatter [tilespmem:s25], [sflag:$0x2], $0x780, $0x38;
	[tilespmem:$0x11A80] =	vst v63  }
0x4f: {  	_ =	swait.ge [sflag:s26], $0x780  }
0x50: {  	[sflag:s26] =	ssyncset.done $0x0  }
0x51: {  	s15 =	rddreg [dreg:$0xb];
	[sflag:s26] =	ssyncadd.s32 $0xFFFFF880  }
0x52: {  	[spmem:s15] =	stream.linear.scatter [tilespmem:s25], [sflag:$0x2], $0x780, $0x38;
	[tilespmem:$0x11A80] =	vst v63  }
0x53: {  	_ =	swait.ge [sflag:s26], $0x780  }
0x54: {  	[sflag:s26] =	ssyncset.done $0x0  }
0x55: {  	s16 =	rddreg [dreg:$0xc];
	[sflag:s26] =	ssyncadd.s32 $0xFFFFF880  }
0x56: {  	[spmem:s16] =	stream.linear.scatter [tilespmem:s25], [sflag:$0x2], $0x780, $0x38;
	[tilespmem:$0x11A80] =	vst v63  }
0x57: {  	_ =	swait.ge [sflag:s26], $0x780  }
0x58: {  	[sflag:s26] =	ssyncset.done $0x0  }
0x59: {  	s17 =	rddreg [dreg:$0xd];
	[sflag:s26] =	ssyncadd.s32 $0xFFFFF880  }
0x5a: {  	[spmem:s17] =	stream.linear.scatter [tilespmem:s25], [sflag:$0x2], $0x780, $0x38;
	[tilespmem:$0x11A80] =	vst v63  }
0x5b: {  	_ =	swait.ge [sflag:s26], $0x780  }
0x5c: {  	[sflag:s26] =	ssyncset.done $0x0  }
0x5d: {  	s18 =	rddreg [dreg:$0xe];
	[sflag:s26] =	ssyncadd.s32 $0xFFFFF880  }
0x5e: {  	[spmem:s18] =	stream.linear.scatter [tilespmem:s25], [sflag:$0x2], $0x780, $0x38;
	[tilespmem:$0x11A80] =	vst v63  }
0x5f: {  	_ =	swait.ge [sflag:s26], $0x780  }
0x60: {  	[sflag:s26] =	ssyncset.done $0x0  }
0x61: {  	s8 =	rddreg [dreg:$0xf];
	[sflag:s26] =	ssyncadd.s32 $0xFFFFF880  }
0x62: {  	[spmem:s8] =	stream.linear.scatter [tilespmem:s25], [sflag:$0x2], $0x780, $0x38;
	[tilespmem:$0x11A80] =	vst v63  }
0x63: {  	_ =	swait.ge [sflag:s26], $0x780  }
0x64: {  	[sflag:s26] =	ssyncset.done $0x0  }
0x65: {  	[sflag:s26] =	ssyncadd.s32 $0xFFFFF880  }
0x66: {  	[spmem:s19] =	stream.linear.scatter [tilespmem:s25], [sflag:$0x2], $0x780, $0x38;
	[tilespmem:$0x11A80] =	vst v63  }
0x67: {  	_ =	swait.ge [sflag:s26], $0x780  }
0x68: {  	[sflag:s26] =	ssyncset.done $0x0  }
0x69: {  	[sflag:s26] =	ssyncadd.s32 $0xFFFFF880  }
0x6a: {  	[spmem:s20] =	stream.linear.scatter [tilespmem:s25], [sflag:$0x2], $0x780, $0x38;
	[tilespmem:$0x11A80] =	vst v63  }
0x6b: {  	_ =	swait.ge [sflag:s26], $0x780  }
0x6c: {  	[sflag:s26] =	ssyncset.done $0x0  }
0x6d: {  	s7 =	simm.s32 $0x0;
	[sflag:s26] =	ssyncadd.s32 $0xFFFFF880  }
0x6e: {  	[tilespmem:s28], [sflag:$0x2] =	stream.linear.gather [hbm4b:s21+s7], $0x2BC0, $0x38;
	[tilespmem:$0x11A80] =	vst v63  }
0x6f: {  	_ =	swait.ge [sflag:s26], $0x2BC0  }
0x70: {  	[sflag:s26] =	ssyncset.done $0x0  }
0x71: {  	s9 =	simm.s32 $0xA3C0;
	[sflag:s26] =	ssyncadd.s32 $0xFFFFD440  }
0x72: {  	[tilespmem:s9], [sflag:$0x2] =	stream.linear.gather [hbm4b:s22+s7], $0x2BC0, $0x38;
	[tilespmem:$0x11A80] =	vst v63  }
0x73: {  	_ =	swait.ge [sflag:s26], $0x2BC0  }
0x74: {  	[sflag:s26] =	ssyncset.done $0x0  }
0x75: {  	[sflag:s26] =	ssyncadd.s32 $0xFFFFD440  }
0x76: {  	[bflag:$0x0] =	sbarrier.arrive $0xFFFF  }
0x77: {  	[tilespmem:s25], [sflag:$0x1] =	stream.indirect.gather [hbm4b:s4+s30], $0x30, s28, s30, $0xb8;
	[tilespmem:$0x11A80] =	vst v63  }
0x78: {  	s10 =	simm.s32 $0x7838;
	s9 =	simm.s32 $0xD8E0  }
0x79: {  	[tilespmem:s9], [sflag:$0x1] =	stream.indirect.gather [hbm4b:s4+s30], $0x30, s10, s30, $0xb8;
	[tilespmem:$0x11A80] =	vst v63  }
0x7a: {  	s11 =	simm.s32 $0x7870  }
0x7b: {  	[tilespmem:s29], [sflag:$0x1] =	stream.indirect.gather [hbm4b:s4+s30], $0x30, s11, s30, $0xb8;
	[tilespmem:$0x11A80] =	vst v63  }
0x7c: {  	s12 =	simm.s32 $0x78A8;
	s13 =	simm.s32 $0xEBA0  }
0x7d: {  	[tilespmem:s13], [sflag:$0x1] =	stream.indirect.gather [hbm4b:s4+s30], $0x30, s12, s30, $0xb8;
	[tilespmem:$0x11A80] =	vst v63  }
0x7e: {  	s14 =	simm.s32 $0x78E0  }
0x7f: {  	[tilespmem:s31], [sflag:$0x1] =	stream.indirect.gather [hbm4b:s4+s30], $0x30, s14, s30, $0xb8;
	[tilespmem:$0x11A80] =	vst v63  }
0x80: {  	s15 =	simm.s32 $0x7918;
	s16 =	simm.s32 $0xFE60  }
0x81: {  	[tilespmem:s16], [sflag:$0x1] =	stream.indirect.gather [hbm4b:s4+s30], $0x30, s15, s30, $0xb8;
	[tilespmem:$0x11A80] =	vst v63  }
0x82: {  	s17 =	simm.s32 $0x7950  }
0x83: {  	[tilespmem:s0], [sflag:$0x1] =	stream.indirect.gather [hbm4b:s4+s30], $0x30, s17, s30, $0xb8;
	[tilespmem:$0x11A80] =	vst v63  }
0x84: {  	s18 =	simm.s32 $0x7988  }
0x85: {  	[tilespmem:s1], [sflag:$0x1] =	stream.indirect.gather [hbm4b:s4+s30], $0x30, s18, s30, $0xb8;
	[tilespmem:$0x11A80] =	vst v63  }
.LBB2_4:
0x86: {  	_ =	swait.ge [sflag:s6], $0x960  }
0x87: {  	s8 =	sshra.s32 s7, $0x2;
	[sflag:s6] =	ssyncset.done $0x0  }
0x88: {  	s9 =	sadd.s32 $0xA3C0, s8;
	[sflag:s6] =	ssyncadd.s32 $0xFFFFF6A0  }
0x89: {  	[spmem:s2] =	stream.indirect.scatter.add.f32 [tilespmem:s25], [sflag:$0x2], $0x30, s9, s30, $0xb8;
	[tilespmem:$0x11A80] =	vst v63  }
0x8a: {  	_ =	swait.ge [sflag:s26], $0x960  }
0x8b: {  	p0 =	seq.s32 s7, $0xA800;
	[sflag:s26] =	ssyncset.done $0x0  }
0x8c: {  	s11 =	simm.s32 @p0 $0x1;
	[sflag:s26] =	ssyncadd.s32 $0xFFFFF6A0  }
0x8d: {  	s12 =	sshra.s32 @p0 s7, $0x2;
	_ =	swait.ge @p0 [sflag:s11], $0x960  }
0x8e: {  	s13 =	simm.s32 @p0 $0x32;
	s10 =	simm.s32 @p0 $0xD8E0;
	[sflag:s11] =	ssyncset.done @p0 $0x0  }
0x8f: {  	s14 =	simm.s32 @p0 $0x2;
	s9 =	sadd.s32 @p0 $0xA3F8, s12;
	[sflag:s11] =	ssyncadd.s32 @p0 $0xFFFFF6A0  }
0x90: {  	[spmem:s2] =	stream.indirect.scatter.add.f32 @p0 [tilespmem:s10], [sflag:$0x2], $0x30, s9, s13, $0xb8;
	[tilespmem:$0x11A80] =	vst v63  }
0x91: {  	_ =	swait.ge @p0 [sflag:s14], $0x960  }
0x92: {  	s16 =	simm.s32 @!p0 $0xCF80;
	s9 =	sshra.s32 @!p0 s7, $0x2;
	[sflag:s14] =	ssyncset.done @p0 $0x0  }
0x93: {  	s10 =	simm.s32 @!p0 $0x32;
	s15 =	sadd.s32 @!p0 $0x79C0, s9;
	[sflag:s14] =	ssyncadd.s32 @p0 $0xFFFFF6A0  }
0x94: {  	[tilespmem:s16], [sflag:$0x1] =	stream.indirect.gather @!p0 [hbm4b:s4+s10], $0x30, s15, s10, $0xb8;
	[tilespmem:$0x11A80] =	vst v63  }
0x95: {  	s15 =	simm.s32 @!p0 $0x1  }
0x96: {  	_ =	swait.ge @!p0 [sflag:s15], $0x960  }
0x97: {  	[sflag:s15] =	ssyncset.done @!p0 $0x0  }
0x98: {  	s17 =	simm.s32 @!p0 $0xD8E0;
	s16 =	sadd.s32 @!p0 $0xA3F8, s9;
	[sflag:s15] =	ssyncadd.s32 @!p0 $0xFFFFF6A0  }
0x99: {  	[spmem:s2] =	stream.indirect.scatter.add.f32 @!p0 [tilespmem:s17], [sflag:$0x2], $0x30, s16, s10, $0xb8;
	[tilespmem:$0x11A80] =	vst v63  }
0x9a: {  	s16 =	simm.s32 @!p0 $0x2  }
0x9b: {  	_ =	swait.ge @!p0 [sflag:s16], $0x960  }
0x9c: {  	[sflag:s16] =	ssyncset.done @!p0 $0x0  }
0x9d: {  	s18 =	sadd.s32 @!p0 $0x79F8, s9;
	[sflag:s16] =	ssyncadd.s32 @!p0 $0xFFFFF6A0  }
0x9e: {  	[tilespmem:s17], [sflag:$0x1] =	stream.indirect.gather @!p0 [hbm4b:s4+s10], $0x30, s18, s10, $0xb8;
	[tilespmem:$0x11A80] =	vst v63  }
0x9f: {  	_ =	swait.ge [sflag:s6], $0x960  }
0xa0: {  	[sflag:s6] =	ssyncset.done $0x0  }
0xa1: {  	s18 =	sadd.s32 $0xA430, s8;
	[sflag:s6] =	ssyncadd.s32 $0xFFFFF6A0  }
0xa2: {  	[spmem:s2] =	stream.indirect.scatter.add.f32 [tilespmem:s29], [sflag:$0x2], $0x30, s18, s30, $0xb8;
	[tilespmem:$0x11A80] =	vst v63  }
0xa3: {  	_ =	swait.ge [sflag:s26], $0x960  }
0xa4: {  	[sflag:s26] =	ssyncset.done $0x0  }
0xa5: {  	[sflag:s26] =	ssyncadd.s32 $0xFFFFF6A0  }
0xa6: {  	_ =	swait.ge @p0 [sflag:s11], $0x960  }
0xa7: {  	[sflag:s11] =	ssyncset.done @p0 $0x0  }
0xa8: {  	s17 =	sadd.s32 @p0 $0xA468, s12;
	s18 =	simm.s32 @p0 $0xEBA0;
	[sflag:s11] =	ssyncadd.s32 @p0 $0xFFFFF6A0  }
0xa9: {  	[spmem:s2] =	stream.indirect.scatter.add.f32 @p0 [tilespmem:s18], [sflag:$0x2], $0x30, s17, s13, $0xb8;
	[tilespmem:$0x11A80] =	vst v63  }
0xaa: {  	_ =	swait.ge @p0 [sflag:s14], $0x960  }
0xab: {  	[sflag:s14] =	ssyncset.done @p0 $0x0  }
0xac: {  	s17 =	sadd.s32 @!p0 $0x7A30, s9;
	s18 =	simm.s32 @!p0 $0xE240;
	[sflag:s14] =	ssyncadd.s32 @p0 $0xFFFFF6A0  }
0xad: {  	[tilespmem:s18], [sflag:$0x1] =	stream.indirect.gather @!p0 [hbm4b:s4+s10], $0x30, s17, s10, $0xb8;
	[tilespmem:$0x11A80] =	vst v63  }
0xae: {  	_ =	swait.ge @!p0 [sflag:s15], $0x960  }
0xaf: {  	[sflag:s15] =	ssyncset.done @!p0 $0x0  }
0xb0: {  	s17 =	sadd.s32 @!p0 $0xA468, s9;
	s18 =	simm.s32 @!p0 $0xEBA0;
	[sflag:s15] =	ssyncadd.s32 @!p0 $0xFFFFF6A0  }
0xb1: {  	[spmem:s2] =	stream.indirect.scatter.add.f32 @!p0 [tilespmem:s18], [sflag:$0x2], $0x30, s17, s10, $0xb8;
	[tilespmem:$0x11A80] =	vst v63  }
0xb2: {  	_ =	swait.ge @!p0 [sflag:s16], $0x960  }
0xb3: {  	[sflag:s16] =	ssyncset.done @!p0 $0x0  }
0xb4: {  	s17 =	sadd.s32 @!p0 $0x7A68, s9;
	[sflag:s16] =	ssyncadd.s32 @!p0 $0xFFFFF6A0  }
0xb5: {  	[tilespmem:s18], [sflag:$0x1] =	stream.indirect.gather @!p0 [hbm4b:s4+s10], $0x30, s17, s10, $0xb8;
	[tilespmem:$0x11A80] =	vst v63  }
0xb6: {  	_ =	swait.ge [sflag:s6], $0x960  }
0xb7: {  	[sflag:s6] =	ssyncset.done $0x0  }
0xb8: {  	s18 =	sadd.s32 $0xA4A0, s8;
	[sflag:s6] =	ssyncadd.s32 $0xFFFFF6A0  }
0xb9: {  	[spmem:s2] =	stream.indirect.scatter.add.f32 [tilespmem:s31], [sflag:$0x2], $0x30, s18, s30, $0xb8;
	[tilespmem:$0x11A80] =	vst v63  }
0xba: {  	_ =	swait.ge [sflag:s26], $0x960  }
0xbb: {  	[sflag:s26] =	ssyncset.done $0x0  }
0xbc: {  	[sflag:s26] =	ssyncadd.s32 $0xFFFFF6A0  }
0xbd: {  	_ =	swait.ge @p0 [sflag:s11], $0x960  }
0xbe: {  	[sflag:s11] =	ssyncset.done @p0 $0x0  }
0xbf: {  	[sflag:s11] =	ssyncadd.s32 @p0 $0xFFFFF6A0;
	s11 =	sadd.s32 @p0 $0xA4D8, s12;
	s12 =	simm.s32 @p0 $0xFE60  }
0xc0: {  	[spmem:s2] =	stream.indirect.scatter.add.f32 @p0 [tilespmem:s12], [sflag:$0x2], $0x30, s11, s13, $0xb8;
	[tilespmem:$0x11A80] =	vst v63  }
0xc1: {  	_ =	swait.ge @p0 [sflag:s14], $0x960  }
0xc2: {  	[sflag:s14] =	ssyncset.done @p0 $0x0  }
0xc3: {  	s11 =	sadd.s32 @!p0 $0x7AA0, s9;
	s12 =	simm.s32 @!p0 $0xF500;
	[sflag:s14] =	ssyncadd.s32 @p0 $0xFFFFF6A0  }
0xc4: {  	[tilespmem:s12], [sflag:$0x1] =	stream.indirect.gather @!p0 [hbm4b:s4+s10], $0x30, s11, s10, $0xb8;
	[tilespmem:$0x11A80] =	vst v63  }
0xc5: {  	_ =	swait.ge @!p0 [sflag:s15], $0x960  }
0xc6: {  	[sflag:s15] =	ssyncset.done @!p0 $0x0  }
0xc7: {  	s11 =	sadd.s32 @!p0 $0xA4D8, s9;
	s12 =	simm.s32 @!p0 $0xFE60;
	[sflag:s15] =	ssyncadd.s32 @!p0 $0xFFFFF6A0  }
0xc8: {  	[spmem:s2] =	stream.indirect.scatter.add.f32 @!p0 [tilespmem:s12], [sflag:$0x2], $0x30, s11, s10, $0xb8;
	[tilespmem:$0x11A80] =	vst v63  }
0xc9: {  	_ =	swait.ge @!p0 [sflag:s16], $0x960  }
0xca: {  	[sflag:s16] =	ssyncset.done @!p0 $0x0  }
0xcb: {  	s9 =	sadd.s32 @!p0 $0x7AD8, s9;
	[sflag:s16] =	ssyncadd.s32 @!p0 $0xFFFFF6A0  }
0xcc: {  	[tilespmem:s12], [sflag:$0x1] =	stream.indirect.gather @!p0 [hbm4b:s4+s10], $0x30, s9, s10, $0xb8;
	[tilespmem:$0x11A80] =	vst v63  }
0xcd: {  	_ =	swait.ge [sflag:s6], $0x960  }
0xce: {  	[sflag:s6] =	ssyncset.done $0x0  }
.Ltmp3:
0xcf: {  	s18 =	sadd.s32 $0xA510, s8;
	[sflag:s6] =	ssyncadd.s32 $0xFFFFF6A0;
	(pc) =	sbr.rel @p0 .LBB2_6-.Ltmp3, $4  }
0xd0: {  	[spmem:s2] =	stream.indirect.scatter.add.f32 [tilespmem:s0], [sflag:$0x2], $0x30, s18, s30, $0xb8;
	[tilespmem:$0x11A80] =	vst v63  }
0xd1: {  	_ =	swait.ge [sflag:s26], $0x960  }
0xd2: {  	[sflag:s26] =	ssyncset.done $0x0  }
0xd3: {  	s9 =	sadd.s32 $0xA548, s8;
	[sflag:s26] =	ssyncadd.s32 $0xFFFFF6A0  }
0xd4: {  	s10 =	sadd.s32 $0x7B10, s8  }
0xd5: {  	[tilespmem:s0], [sflag:$0x1] =	stream.indirect.gather [hbm4b:s4+s30], $0x30, s10, s30, $0xb8;
	[tilespmem:$0x11A80] =	vst v63  }
0xd6: {  	_ =	swait.ge [sflag:s6], $0x960  }
0xd7: {  	[sflag:s6] =	ssyncset.done $0x0  }
0xd8: {  	[sflag:s6] =	ssyncadd.s32 $0xFFFFF6A0  }
0xd9: {  	[spmem:s2] =	stream.indirect.scatter.add.f32 [tilespmem:s1], [sflag:$0x2], $0x30, s9, s30, $0xb8;
	[tilespmem:$0x11A80] =	vst v63  }
.Ltmp4:
0xda: {  	_ = 	snop;
	(pc) =	sbr.rel .LBB2_4-.Ltmp4, $4  }
0xdb: {  	_ =	swait.ge [sflag:s26], $0x960  }
0xdc: {  	[sflag:s26] =	ssyncset.done $0x0  }
0xdd: {  	s18 =	sadd.s32 $0x7B48, s8;
	s7 =	sadd.s32 $0x700, s7;
	[sflag:s26] =	ssyncadd.s32 $0xFFFFF6A0  }
0xde: {  	[tilespmem:s1], [sflag:$0x1] =	stream.indirect.gather [hbm4b:s4+s30], $0x30, s18, s30, $0xb8;
	[tilespmem:$0x11A80] =	vst v63  }
.LBB2_7:
0xdf: {  	_ =	sfence.sel $0x180000  }
0xe0: {  	[bflag:$0x0] =	sbarrier.arrive $0xFFFF  }
0xe1: {  	_ =	strace $0x9000004D  }
0xe2: {  	s0 =	stileid.u32;
	[bflag:$0x2] =	sbarrier.arrive $0xFFFF  }
0xe3: {  	p0 =	sne.s32 s0, $0x0;
	s0 =	rddreg [dreg:$0x2]  }
0xe4: {  	s0 =	sadd.s32 @!p0 $0x100000, s0  }
0xe5: {  	[sflag:s0] =	ssyncadd.tile.s32 @!p0 $0x1;
	_ =	shalt  }
.Lfunc_end2:
_tile_overlayer_lowered:
.L_overlay_start_2:
0xe6: {  	(tag) =	ssettag $0x2  }
0xe7: {  	s0 =	rddreg [dreg:$0x0];
	s2 =	stileid.u32  }
0xe8: {  	s1 =	rddreg [dreg:$0x1];
	p0 =	sne.s32 s2, $0x0  }
0xe9: {  	s3 =	rddreg [dreg:$0x2];
	[bflag:$0x3] =	sbarrier.arrive $0xFFFF;
	s2 =	simm.s32 @!p0 $0x1C02  }
0xea: {  	[timem:s3], [sflag:s2] =	dma.local @!p0 [hbm:s0], s1  }
0xeb: {  	s0 =	simm.s32 @!p0 $0x2  }
0xec: {  	_ =	swait.ge @!p0 [sflag:s0], s1  }
0xed: {  	s1 =	ssub.s32 @!p0 $0x0, s1;
	[sflag:s0] =	ssyncset.done @!p0 $0x0  }
0xee: {  	[sflag:s0] =	ssyncadd.s32 @!p0 s1  }
0xef: {  	[bflag:$0x3] =	sbarrier.arrive $0xFFFF  }
0xf0: {  	_ =	shalt  }

// kernel: kernel.8.cloned.1.call-start
scs
__scs_entry_jumppad:
0x0: {  	(pc) =	sbr.rel $0x88, $3  }
0x1: {  	(tag) =	ssettag $0x0;
	lr =	simm.s32 $0x1  }
0x2: {  	[smem:$0x3F9B] =	sst lr;
	_ =	strace $0xD0000000  }
0x3: {  	_ = 	snop  }
0x4: {  	_ = 	snop  }
0x5: {  	_ = 	snop  }
0x6: {  	_ = 	snop  }
0x7: {  	_ = 	snop  }
__scs_overlays_trampoline_lowered:
0x8: {  	[smem:$0x3FAA] =	sst s0  }
0x9: {  	[smem:$0x3FAB] =	sst s1  }
0xa: {  	[smem:$0x3FAC] =	sst s2  }
0xb: {  	[smem:$0x3FAD] =	sst s3  }
0xc: {  	[smem:$0x3FAE] =	sst s4  }
0xd: {  	[smem:$0x3FAF] =	sst s5  }
0xe: {  	[smem:$0x3FB0] =	sst s6  }
0xf: {  	[smem:$0x3FB1] =	sst s7  }
0x10: {  	[smem:$0x3FB2] =	sst s8  }
0x11: {  	[smem:$0x3FB3] =	sst s9;
	s0 =	simm.s32 @!p0 $0x0  }
0x12: {  	s1 =	sld [smem:$0x3F99];
	s0 =	simm.s32 @p0 $0x1  }
0x13: {  	[smem:$0x3FB4] =	sst s0;
	s0 =	simm.s32 @!p1 $0x0  }
0x14: {  	s2 =	sld [smem:$0x3F98];
	s0 =	simm.s32 @p1 $0x1  }
0x15: {  	[smem:$0x3FB5] =	sst s0;
	s0 =	simm.s32 @!p2 $0x0  }
0x16: {  	s3 =	sld [smem:$0x3FDB];
	s0 =	simm.s32 @p2 $0x1  }
0x17: {  	s4 =	simm.s32 $0x1BF5;
	[smem:$0x3FB7] =	sst s0  }
0x18: {  	s0 =	sld [smem:$0x3F9A];
	_ =	swait.ge [sflag:s4], $0x0  }
0x19: {  	s7 =	sld [smem:$0x3F9B]  }
0x1a: {  	s8 =	sadd.s32 $0xFFFFE003, lr  }
0x1b: {  	s9 =	sadd.s32 $0xFFFFFEF7, lr;
	s5 =	simm.s32 $0xFFFFFFFF;
	p2 =	slt.u32 s8, $0xFFFFF086  }
0x1c: {  	p1 =	slt.u32 s9, $0xF7A;
	s5 =	simm.s32 @!p2 $0x0  }
0x1d: {  	s5 =	simm.s32 @p1 $0x1;
	p0 =	seq.s32 s7, s2  }
0x1e: {  	s7 =	smul.u32 @!p0 $0xF7A, s2;
	p2 =	seq.s32 @!p0 s5, $0x0  }
0x1f: {  	s9 =	smul.u32 $0xF7A, s1;
	s8 =	simm.s32 @!p0 $0x1BF5;
	p2 =	por !p2, p0  }
0x20: {  	[sflag:s8] =	ssyncset.s32 @!p0 $0xFFFFF086;
	s6 =	sadd.s32 @!p0 s3, s7;
	s7 =	simm.s32 @!p0 $0x108  }
0x21: {  	s3 =	sadd.s32 s3, s9;
	s6 =	sadd.s32 @!p0 $0x88, s6;
	s7 =	simm.s32 @p2 $0x1082  }
0x22: {  	[simem:s7], [sflag:s8] =	dma.local @!p0 [hbm:s6], $0xF7A  }
0x23: {  	s9 =	sor.u32 $0xD0000000, s2;
	s6 =	simm.s32 $0x108;
	_ =	swait.ge @!p0 [sflag:s8], $0x0  }
0x24: {  	s3 =	sadd.s32 $0x88, s3;
	s6 =	simm.s32 @!p1 $0x1082;
	[sflag:s4] =	ssyncset.s32 $0xFFFFF086  }
0x25: {  	[simem:s6], [sflag:s4] =	dma.local [hbm:s3], $0xF7A  }
0x26: {  	[smem:$0x3F9B] =	sst s1;
	(tag) =	ssettag s2;
	_ =	strace s9  }
0x27: {  	s1 =	sld [smem:$0x3FAB]  }
0x28: {  	s2 =	sld [smem:$0x3FAC]  }
0x29: {  	s4 =	sld [smem:$0x3FAE]  }
0x2a: {  	p0 =	seq.s32 s5, $0x0;
	s5 =	sld [smem:$0x3FAF]  }
0x2b: {  	s6 =	sld [smem:$0x3FB0]  }
0x2c: {  	s7 =	sld [smem:$0x3FB1]  }
0x2d: {  	s3 =	simm.s32 $0x108;
	s8 =	sld [smem:$0x3FB2]  }
0x2e: {  	s3 =	simm.s32 @!p0 $0x1082;
	s9 =	sld [smem:$0x3FB3]  }
0x2f: {  	lr =	sadd.s32 s0, s3;
	s0 =	sld [smem:$0x3FAA]  }
0x30: {  	s3 =	sld [smem:$0x3FAD]  }
0x31: {  	[smem:$0x3FB6] =	sst s10  }
0x32: {  	s10 =	sld [smem:$0x3FB4];
	_ =	sdelay $0x3  }
0x33: {  	p0 =	seq.s32 s10, $0x1;
	s10 =	sld [smem:$0x3FB6];
	_ =	sdelay $0x3  }
0x34: {  	[smem:$0x3FB6] =	sst s10  }
0x35: {  	s10 =	sld [smem:$0x3FB5];
	_ =	sdelay $0x3  }
0x36: {  	p1 =	seq.s32 s10, $0x1;
	s10 =	sld [smem:$0x3FB6];
	_ =	sdelay $0x3  }
0x37: {  	[smem:$0x3FB6] =	sst s10  }
0x38: {  	s10 =	sld [smem:$0x3FB7]  }
0x39: {  	_ = 	snop;
	(pc) =	sbr.ind lr, $3  }
0x3a: {  	_ = 	snop  }
0x3b: {  	_ = 	snop  }
0x3c: {  	p2 =	seq.s32 s10, $0x1;
	s10 =	sld [smem:$0x3FB6]  }
0x3d: {  	_ =	shalt  }
0x3e: {  	_ =	shalt  }
0x3f: {  	_ =	shalt  }
0x40: {  	_ =	shalt  }
0x41: {  	_ =	shalt  }
0x42: {  	_ =	shalt  }
0x43: {  	_ =	shalt  }
0x44: {  	_ =	shalt  }
0x45: {  	_ =	shalt  }
0x46: {  	_ =	shalt  }
0x47: {  	_ =	shalt  }
0x48: {  	_ =	shalt  }
0x49: {  	_ =	shalt  }
0x4a: {  	_ =	shalt  }
0x4b: {  	_ =	shalt  }
0x4c: {  	_ =	shalt  }
0x4d: {  	_ =	shalt  }
0x4e: {  	_ =	shalt  }
0x4f: {  	_ =	shalt  }
0x50: {  	_ =	shalt  }
0x51: {  	_ =	shalt  }
0x52: {  	_ =	shalt  }
0x53: {  	_ =	shalt  }
0x54: {  	_ =	shalt  }
0x55: {  	_ =	shalt  }
0x56: {  	_ =	shalt  }
0x57: {  	_ =	shalt  }
0x58: {  	_ =	shalt  }
0x59: {  	_ =	shalt  }
0x5a: {  	_ =	shalt  }
0x5b: {  	_ =	shalt  }
0x5c: {  	_ =	shalt  }
0x5d: {  	_ =	shalt  }
0x5e: {  	_ =	shalt  }
0x5f: {  	_ =	shalt  }
0x60: {  	_ =	shalt  }
0x61: {  	_ =	shalt  }
0x62: {  	_ =	shalt  }
0x63: {  	_ =	shalt  }
0x64: {  	_ =	shalt  }
0x65: {  	_ =	shalt  }
0x66: {  	_ =	shalt  }
0x67: {  	_ =	shalt  }
0x68: {  	_ =	shalt  }
0x69: {  	_ =	shalt  }
0x6a: {  	_ =	shalt  }
0x6b: {  	_ =	shalt  }
0x6c: {  	_ =	shalt  }
0x6d: {  	_ =	shalt  }
0x6e: {  	_ =	shalt  }
0x6f: {  	_ =	shalt  }
0x70: {  	_ =	shalt  }
0x71: {  	_ =	shalt  }
0x72: {  	_ =	shalt  }
0x73: {  	_ =	shalt  }
0x74: {  	_ =	shalt  }
0x75: {  	_ =	shalt  }
0x76: {  	_ =	shalt  }
0x77: {  	_ =	shalt  }
0x78: {  	_ =	shalt  }
0x79: {  	_ =	shalt  }
0x7a: {  	_ =	shalt  }
0x7b: {  	_ =	shalt  }
0x7c: {  	_ =	shalt  }
0x7d: {  	_ =	shalt  }
0x7e: {  	_ =	shalt  }
0x7f: {  	_ =	shalt  }
0x80: {  	_ =	shalt  }
0x81: {  	_ =	shalt  }
0x82: {  	_ =	shalt  }
0x83: {  	_ =	shalt  }
0x84: {  	_ =	shalt  }
0x85: {  	_ =	shalt  }
0x86: {  	_ =	shalt  }
0x87: {  	_ =	shalt  }
.Lfunc_end0:
.L_simem_size_0:
called_computation_lowered:
.L_overlay_start_0:
0x88: {  	s2 =	sld [smem:$0x3FD9]  }
0x89: {  	s3 =	sld [smem:$0x3FFE];
	_ =	sdelay $0x1  }
0x8a: {  	s1 =	srdreg.scid  }
0x8b: {  	s0 =	sand.u32 $0x1, s1  }
0x8c: {  	s17 =	sshll.u32 s0, $0xA;
	s2 =	sadd.s32 s3, s2  }
0x8d: {  	s2 =	sadd.s32 s2, s17  }
0x8e: {  	[smem:$0x3FC2] =	sst s2  }
0x8f: {  	_ = 	snop  }
0x90: {  	s2 =	sld [smem:$0x3FD0];
	(tm) =	ssettm $0x1  }
0x91: {  	s18 =	sld [smem:$0x3FFB];
	_ =	sdelay $0x3  }
0x92: {  	_ =	strace s18  }
0x93: {  	s3 =	sld [smem:$0x3FFC];
	_ =	sdelay $0x3  }
0x94: {  	_ =	strace s3  }
0x95: {  	s3 =	sld [smem:$0x3FFD];
	_ =	sdelay $0x3  }
0x96: {  	_ =	strace s3  }
0x97: {  	_ =	strace $0x8FFFFFFF  }
0x98: {  	s19 =	sld [smem:$0x3FDB];
	_ =	sdelay $0x1  }
0x99: {  	s4 =	simm.s32 $_scs_section_size  }
0x9a: {  	s5 =	simm.s32 $_size__tile_overlayer_lowered;
	s6 =	simm.s32 $_tile_overlayer_lowered  }
0x9b: {  	s22 =	simm.s32 $0x1BFF;
	s21 =	sshll.u32 s6, $0x1;
	s3 =	sadd.s32 s4, s19  }
0x9c: {  	s7 =	simm.s32 $0x0;
	s20 =	sshll.u32 s5, $0x1;
	s5 =	sadd.s32 s21, s3  }
0x9d: {  	[timem:s7], [sflag:s22] =	dma.local [hbm:s5], s20  }
0x9e: {  	_ =	swait.ge [sflag:s22], s20  }
0x9f: {  	s4 =	ssub.s32 $0x0, s20;
	[sflag:s22] =	ssyncset.done $0x0  }
0xa0: {  	[sflag:s22] =	ssyncadd.s32 s4;
	_ =	sdelay $0x1  }
0xa1: {  	s23 =	simm.s32 $0x1B8B  }
0xa2: {  	_ =	swait.ge [sflag:s23], $0x1  }
0xa3: {  	[sflag:s23] =	ssyncset.done $0x0  }
0xa4: {  	s25 =	simm.s32 $0x1B8E;
	s24 =	sld [smem:$0x3FFE];
	[sflag:s23] =	ssyncadd.s32 $0xFFFFFFFF  }
0xa5: {  	s26 =	simm.s32 $execute0_lowered;
	[smem:$0x3FD2] =	sst s25  }
0xa6: {  	s5 =	sshll.u32 s26, $0x1;
	_ =	strace $0x80000046;
	[dreg:$0x1] =	wrdreg $0xFFFFFFFF  }
0xa7: {  	s28 =	simm.s32 $_size_execute0_lowered;
	s3 =	sadd.s32 s3, s5;
	[dreg:$0x0] =	wrdreg $0x0  }
0xa8: {  	s5 =	sshll.u32 s28, $0x1;
	[dreg:$0x2] =	wrdreg s3  }
0xa9: {  	[dreg:$0x3] =	wrdreg s5  }
0xaa: {  	[dreg:$0x4] =	wrdreg $0xC0  }
0xab: {  	_ =	task [dreg:s7], $0x5FFFF  }
0xac: {  	[dreg:$0x1] =	wrdreg $0xFFFFFFFF  }
0xad: {  	[dreg:$0x0] =	wrdreg $0x60  }
0xae: {  	[dreg:$0x2] =	wrdreg s24  }
0xaf: {  	[dreg:$0x3] =	wrdreg s2  }
0xb0: {  	[dreg:$0x4] =	wrdreg $0x0  }
0xb1: {  	[dreg:$0x5] =	wrdreg $0x28000  }
0xb2: {  	[dreg:$0x6] =	wrdreg $0x9  }
0xb3: {  	_ =	task.clear_ibuf [dreg:s7], $0x7FFFF;
	_ =	strace $0x90000046  }
0xb4: {  	s29 =	simm.s32 $0x9;
	_ =	strace $0x80000048  }
0xb5: {  	_ =	swait.ge [sflag:s29], $0x1  }
0xb6: {  	[sflag:s29] =	ssyncadd.s32 $0xFFFFFFFF  }
0xb7: {  	_ =	strace $0x90000048  }
0xb8: {  	_ =	sfence  }
0xb9: {  	s30 =	sld [smem:$0x0];
	_ =	sdelay $0x2  }
0xba: {  	s31 =	sshll.u32 s1, $0xD;
	s1 =	sshrl.u32 s1, $0x2  }
0xbb: {  	s3 =	sand.u32 $0x4000, s31;
	s1 =	sadd.s32 s1, s30  }
0xbc: {  	s0 =	sor.u32 s3, s0;
	s1 =	sshll.u32 s1, $0x11  }
0xbd: {  	s0 =	sor.u32 s1, s0  }
0xbe: {  	s0 =	sadd.s32 $0x8F2B, s0  }
0xbf: {  	[sflag:s0] =	ssyncadd.remote.s32 $0x1  }
0xc0: {  	_ =	sfence.sel $0xFFFF  }
0xc1: {  	[dreg:$0x0] =	wrdreg $0xFFFFFFFF;
	(pc) =	sbr.abs _section_cstart, $3  }
0xc2: {  	[dreg:$0x1] =	wrdreg $0xFFFFFFFF  }
0xc3: {  	_ =	task.clear_ibuf [dreg:s7], $0x2FFFF;
	_ =	strace $0x9FFFFFFF  }
0xc4: {  	(tm) =	ssettm $0x7FFFFFFF  }
0xc5: {  	_ =	shalt  }
tec
execute0_lowered:
.L_overlay_start_1:
0x0: {  	(tag) =	ssettag $0x1  }
0x1: {  	s5 =	rddreg [dreg:$0x0]  }
0x2: {  	s9 =	rddreg [dreg:$0x1]  }
0x3: {  	s0 =	srdreg.scid;
	s2 =	rddreg [dreg:$0x2]  }
0x4: {  	s3 =	rddreg [dreg:$0x3];
	s4 =	simm.s32 $0x0;
	s15 =	simm.s32 $0x7BC0  }
0x5: {  	s16 =	simm.s32 $0x32;
	s17 =	simm.s32 $0xA780;
	s18 =	simm.s32 $0x5038  }
0x6: {  	s19 =	simm.s32 $0x7BF8;
	s20 =	simm.s32 $0x5070;
	s21 =	simm.s32 $0x7C30  }
0x7: {  	s22 =	simm.s32 $0x50A8;
	s23 =	simm.s32 $0x7C68;
	s24 =	simm.s32 $0x50E0  }
0x8: {  	s25 =	simm.s32 $0x7CA0;
	s6 =	sand.u32 $0x1, s0;
	s0 =	stileid.u32  }
0x9: {  	s26 =	simm.s32 $0x1;
	[smem:$0x7FF] =	sst s4;
	s8 =	smul.u32 $0x280, s0  }
0xa: {  	s1 =	sshll.u32 s6, $0x4;
	s10 =	smul.u32 $0x2800, s6;
	_ =	strace $0x80000047  }
0xb: {  	s6 =	ssub.s32 $0x2, s6;
	s30 =	smul.u32 $0x2800, s0;
	s1 =	sor.u32 s0, s1  }
0xc: {  	s31 =	sshrl.u32 s6, $0x1;
	s7 =	smul.u32 $0x2BC0, s1;
	s8 =	sadd.s32 s8, s10  }
0xd: {  	s14 =	ssub.s32 s6, s31;
	s6 =	sadd.s32 s30, s3;
	s12 =	sshll.u32 s8, $0x1  }
0xe: {  	s7 =	sshrl.u32 s7, $0x3;
	s13 =	sadd.s32 s12, s5;
	s9 =	sadd.s32 s9, s12  }
0xf: {  	s12 =	simm.s32 $0xAAA0;
	s11 =	sadd.s32 s7, s5;
	s5 =	sadd.s32 s30, s2  }
0x10: {  	s10 =	sadd.s32 $0x18600, s13;
	s13 =	simm.s32 $0x2;
	s7 =	sadd.s32 $0x2800, s11  }
0x11: {  	v0 =	vimm.f32 $1.000000000e+00;
	v1 =	vimm.f32 $0.0e+00;
	s8 =	sadd.s32 $0xD700, s11;
	s11 =	smax.u32 s14, $0x1;
	s14 =	simm.s32 $0x5000  }
.LBB2_1:
0x12: {  	s28 =	simm.s32 $0x0  }
.LBB2_2:
0x13: {  	p0 =	sne.s32 s28, $0xC40  }
.Ltmp0:
0x14: {  	_ = 	snop;
	(pc) =	sbr.rel @p0 .LBB2_2-.Ltmp0, $3  }
0x15: {  	_ =	sdelay $0x1  }
0x16: {  	s29 =	sshra.s32 s28, $0x2  }
0x17: {  	s28 =	sadd.s32 $0x40, s28;
	[tilespmem:s29+$0xA780] =	vst v0  }
0x18: {  	s28 =	simm.s32 $0x40;
	s29 =	simm.s32 $0x0  }
.LBB2_4:
0x19: {  	p0 =	sne.s32 s28, $0x9FC0;
	[tilespmem:s29+$0xAAA0] =	vst v1;
	s29 =	smov.u32 s28;
	s28 =	sadd.s32 $0x40, s28  }
.Ltmp1:
0x1a: {  	(pc) =	sbr.rel @p0 .LBB2_4-.Ltmp1, $2  }
0x1b: {  	_ =	sdelay $0x2  }
0x1c: {  	s29 =	sshra.s32 s29, $0x2  }
0x1d: {  	[tilespmem:s29+$0xAAA0] =	vst v1  }
0x1e: {  	[spmem:s5] =	stream.linear.scatter [tilespmem:s12], [sflag:$0x2], $0x2800, $0x38;
	[tilespmem:$0xD2A0] =	vst v63  }
0x1f: {  	_ =	swait.ge [sflag:s13], $0x2800  }
0x20: {  	[sflag:s13] =	ssyncset.done $0x0  }
0x21: {  	[sflag:s13] =	ssyncadd.s32 $0xFFFFD800  }
0x22: {  	[spmem:s6] =	stream.linear.scatter [tilespmem:s12], [sflag:$0x2], $0x2800, $0x38;
	[tilespmem:$0xD2A0] =	vst v63  }
0x23: {  	_ =	swait.ge [sflag:s13], $0x2800  }
0x24: {  	[sflag:s13] =	ssyncset.done $0x0  }
0x25: {  	s28 =	simm.s32 $0x0;
	[sflag:s13] =	ssyncadd.s32 $0xFFFFD800  }
0x26: {  	[tilespmem:s14], [sflag:$0x2] =	stream.linear.gather [hbm4b:s7+s28], $0x2BC0, $0x38;
	[tilespmem:$0xD2A0] =	vst v63  }
0x27: {  	_ =	swait.ge [sflag:s13], $0x2BC0  }
0x28: {  	[sflag:s13] =	ssyncset.done $0x0  }
0x29: {  	[sflag:s13] =	ssyncadd.s32 $0xFFFFD440  }
0x2a: {  	[tilespmem:s15], [sflag:$0x2] =	stream.linear.gather [hbm4b:s8+s28], $0x2BC0, $0x38;
	[tilespmem:$0xD2A0] =	vst v63  }
0x2b: {  	_ =	swait.ge [sflag:s13], $0x2BC0  }
0x2c: {  	[sflag:s13] =	ssyncset.done $0x0  }
0x2d: {  	[sflag:s13] =	ssyncadd.s32 $0xFFFFD440  }
0x2e: {  	[bflag:$0x0] =	sbarrier.arrive $0xFFFF  }
0x2f: {  	[spmem:s2] =	stream.indirect.scatter.add.f32 [tilespmem:s17], [sflag:$0x1], $0x10, s14, s16, $0xb8;
	[tilespmem:$0xD2A0] =	vst v63  }
0x30: {  	_ = 	snop  }
0x31: {  	[spmem:s3] =	stream.indirect.scatter.add.f32 [tilespmem:s17], [sflag:$0x1], $0x10, s15, s16, $0xb8;
	[tilespmem:$0xD2A0] =	vst v63  }
0x32: {  	_ = 	snop  }
0x33: {  	[spmem:s2] =	stream.indirect.scatter.add.f32 [tilespmem:s17], [sflag:$0x1], $0x10, s18, s16, $0xb8;
	[tilespmem:$0xD2A0] =	vst v63  }
0x34: {  	_ = 	snop  }
0x35: {  	[spmem:s3] =	stream.indirect.scatter.add.f32 [tilespmem:s17], [sflag:$0x1], $0x10, s19, s16, $0xb8;
	[tilespmem:$0xD2A0] =	vst v63  }
0x36: {  	_ = 	snop  }
0x37: {  	[spmem:s2] =	stream.indirect.scatter.add.f32 [tilespmem:s17], [sflag:$0x1], $0x10, s20, s16, $0xb8;
	[tilespmem:$0xD2A0] =	vst v63  }
0x38: {  	_ = 	snop  }
0x39: {  	[spmem:s3] =	stream.indirect.scatter.add.f32 [tilespmem:s17], [sflag:$0x1], $0x10, s21, s16, $0xb8;
	[tilespmem:$0xD2A0] =	vst v63  }
0x3a: {  	_ = 	snop  }
0x3b: {  	[spmem:s2] =	stream.indirect.scatter.add.f32 [tilespmem:s17], [sflag:$0x1], $0x10, s22, s16, $0xb8;
	[tilespmem:$0xD2A0] =	vst v63  }
0x3c: {  	_ = 	snop  }
0x3d: {  	[spmem:s3] =	stream.indirect.scatter.add.f32 [tilespmem:s17], [sflag:$0x1], $0x10, s23, s16, $0xb8;
	[tilespmem:$0xD2A0] =	vst v63  }
0x3e: {  	_ = 	snop  }
0x3f: {  	[spmem:s2] =	stream.indirect.scatter.add.f32 [tilespmem:s17], [sflag:$0x1], $0x10, s24, s16, $0xb8;
	[tilespmem:$0xD2A0] =	vst v63  }
0x40: {  	_ = 	snop  }
0x41: {  	[spmem:s3] =	stream.indirect.scatter.add.f32 [tilespmem:s17], [sflag:$0x1], $0x10, s25, s16, $0xb8;
	[tilespmem:$0xD2A0] =	vst v63  }
0x42: {  	s1 =	simm.s32 $0x5118  }
0x43: {  	[spmem:s2] =	stream.indirect.scatter.add.f32 [tilespmem:s17], [sflag:$0x1], $0x10, s1, s16, $0xb8;
	[tilespmem:$0xD2A0] =	vst v63  }
0x44: {  	s29 =	simm.s32 $0x7CD8  }
0x45: {  	[spmem:s3] =	stream.indirect.scatter.add.f32 [tilespmem:s17], [sflag:$0x1], $0x10, s29, s16, $0xb8;
	[tilespmem:$0xD2A0] =	vst v63  }
0x46: {  	s1 =	simm.s32 $0x5150  }
0x47: {  	[spmem:s2] =	stream.indirect.scatter.add.f32 [tilespmem:s17], [sflag:$0x1], $0x10, s1, s16, $0xb8;
	[tilespmem:$0xD2A0] =	vst v63  }
0x48: {  	s29 =	simm.s32 $0x7D10  }
0x49: {  	[spmem:s3] =	stream.indirect.scatter.add.f32 [tilespmem:s17], [sflag:$0x1], $0x10, s29, s16, $0xb8;
	[tilespmem:$0xD2A0] =	vst v63  }
0x4a: {  	s1 =	simm.s32 $0x5188  }
0x4b: {  	[spmem:s2] =	stream.indirect.scatter.add.f32 [tilespmem:s17], [sflag:$0x1], $0x10, s1, s16, $0xb8;
	[tilespmem:$0xD2A0] =	vst v63  }
0x4c: {  	s29 =	simm.s32 $0x7D48  }
0x4d: {  	[spmem:s3] =	stream.indirect.scatter.add.f32 [tilespmem:s17], [sflag:$0x1], $0x10, s29, s16, $0xb8;
	[tilespmem:$0xD2A0] =	vst v63  }
0x4e: {  	s1 =	simm.s32 $0x51C0  }
0x4f: {  	[spmem:s2] =	stream.indirect.scatter.add.f32 [tilespmem:s17], [sflag:$0x1], $0x10, s1, s16, $0xb8;
	[tilespmem:$0xD2A0] =	vst v63  }
0x50: {  	s29 =	simm.s32 $0x7D80  }
0x51: {  	[spmem:s3] =	stream.indirect.scatter.add.f32 [tilespmem:s17], [sflag:$0x1], $0x10, s29, s16, $0xb8;
	[tilespmem:$0xD2A0] =	vst v63  }
0x52: {  	s1 =	simm.s32 $0x51F8  }
0x53: {  	[spmem:s2] =	stream.indirect.scatter.add.f32 [tilespmem:s17], [sflag:$0x1], $0x10, s1, s16, $0xb8;
	[tilespmem:$0xD2A0] =	vst v63  }
0x54: {  	s29 =	simm.s32 $0x7DB8  }
0x55: {  	[spmem:s3] =	stream.indirect.scatter.add.f32 [tilespmem:s17], [sflag:$0x1], $0x10, s29, s16, $0xb8;
	[tilespmem:$0xD2A0] =	vst v63  }
0x56: {  	_ =	swait.ge [sflag:s26], $0x320  }
0x57: {  	[sflag:s26] =	ssyncset.done $0x0  }
0x58: {  	[sflag:s26] =	ssyncadd.s32 $0xFFFFFCE0  }
0x59: {  	_ =	swait.ge [sflag:s26], $0x320  }
0x5a: {  	[sflag:s26] =	ssyncset.done $0x0  }
0x5b: {  	[sflag:s26] =	ssyncadd.s32 $0xFFFFFCE0  }
0x5c: {  	_ =	swait.ge [sflag:s26], $0x320  }
0x5d: {  	[sflag:s26] =	ssyncset.done $0x0  }
0x5e: {  	[sflag:s26] =	ssyncadd.s32 $0xFFFFFCE0  }
0x5f: {  	_ =	swait.ge [sflag:s26], $0x320  }
0x60: {  	[sflag:s26] =	ssyncset.done $0x0  }
0x61: {  	[sflag:s26] =	ssyncadd.s32 $0xFFFFFCE0  }
0x62: {  	_ =	swait.ge [sflag:s26], $0x320  }
0x63: {  	[sflag:s26] =	ssyncset.done $0x0  }
0x64: {  	[sflag:s26] =	ssyncadd.s32 $0xFFFFFCE0  }
0x65: {  	_ =	swait.ge [sflag:s26], $0x320  }
0x66: {  	[sflag:s26] =	ssyncset.done $0x0  }
0x67: {  	[sflag:s26] =	ssyncadd.s32 $0xFFFFFCE0  }
0x68: {  	_ =	swait.ge [sflag:s26], $0x320  }
0x69: {  	[sflag:s26] =	ssyncset.done $0x0  }
0x6a: {  	[sflag:s26] =	ssyncadd.s32 $0xFFFFFCE0  }
0x6b: {  	_ =	swait.ge [sflag:s26], $0x320  }
0x6c: {  	[sflag:s26] =	ssyncset.done $0x0  }
0x6d: {  	[sflag:s26] =	ssyncadd.s32 $0xFFFFFCE0  }
0x6e: {  	_ =	swait.ge [sflag:s26], $0x320  }
0x6f: {  	[sflag:s26] =	ssyncset.done $0x0  }
0x70: {  	[sflag:s26] =	ssyncadd.s32 $0xFFFFFCE0  }
0x71: {  	_ =	swait.ge [sflag:s26], $0x320  }
0x72: {  	s31 =	simm.s32 $0x8C0;
	s30 =	simm.s32 $0x118;
	[sflag:s26] =	ssyncset.done $0x0  }
.LBB2_6:
0x73: {  	s1 =	sadd.s32 $0x5118, s30  }
0x74: {  	[sflag:s26] =	ssyncadd.s32 $0xFFFFFCE0;
	s29 =	smov.u32 s31;
	s28 =	sadd.s32 $0x460, s31  }
0x75: {  	[spmem:s2] =	stream.indirect.scatter.add.f32 [tilespmem:s17], [sflag:$0x1], $0x10, s1, s16, $0xb8;
	[tilespmem:$0xD2A0] =	vst v63  }
0x76: {  	p0 =	sne.s32 s31, $0xA640;
	s1 =	sadd.s32 $0x7CD8, s30  }
0x77: {  	[spmem:s3] =	stream.indirect.scatter.add.f32 [tilespmem:s17], [sflag:$0x1], $0x10, s1, s16, $0xb8;
	[tilespmem:$0xD2A0] =	vst v63  }
0x78: {  	s1 =	sadd.s32 $0x5150, s30  }
0x79: {  	[spmem:s2] =	stream.indirect.scatter.add.f32 [tilespmem:s17], [sflag:$0x1], $0x10, s1, s16, $0xb8;
	[tilespmem:$0xD2A0] =	vst v63  }
0x7a: {  	s1 =	sadd.s32 $0x7D10, s30  }
0x7b: {  	[spmem:s3] =	stream.indirect.scatter.add.f32 [tilespmem:s17], [sflag:$0x1], $0x10, s1, s16, $0xb8;
	[tilespmem:$0xD2A0] =	vst v63  }
0x7c: {  	s1 =	sadd.s32 $0x5188, s30  }
0x7d: {  	[spmem:s2] =	stream.indirect.scatter.add.f32 [tilespmem:s17], [sflag:$0x1], $0x10, s1, s16, $0xb8;
	[tilespmem:$0xD2A0] =	vst v63  }
0x7e: {  	s1 =	sadd.s32 $0x7D48, s30  }
0x7f: {  	[spmem:s3] =	stream.indirect.scatter.add.f32 [tilespmem:s17], [sflag:$0x1], $0x10, s1, s16, $0xb8;
	[tilespmem:$0xD2A0] =	vst v63  }
0x80: {  	s1 =	sadd.s32 $0x51C0, s30  }
0x81: {  	[spmem:s2] =	stream.indirect.scatter.add.f32 [tilespmem:s17], [sflag:$0x1], $0x10, s1, s16, $0xb8;
	[tilespmem:$0xD2A0] =	vst v63  }
0x82: {  	s1 =	sadd.s32 $0x7D80, s30  }
0x83: {  	[spmem:s3] =	stream.indirect.scatter.add.f32 [tilespmem:s17], [sflag:$0x1], $0x10, s1, s16, $0xb8;
	[tilespmem:$0xD2A0] =	vst v63  }
0x84: {  	s1 =	sadd.s32 $0x51F8, s30  }
0x85: {  	[spmem:s2] =	stream.indirect.scatter.add.f32 [tilespmem:s17], [sflag:$0x1], $0x10, s1, s16, $0xb8;
	[tilespmem:$0xD2A0] =	vst v63  }
0x86: {  	s1 =	sadd.s32 $0x7DB8, s30  }
0x87: {  	[spmem:s3] =	stream.indirect.scatter.add.f32 [tilespmem:s17], [sflag:$0x1], $0x10, s1, s16, $0xb8;
	[tilespmem:$0xD2A0] =	vst v63  }
0x88: {  	_ =	swait.ge [sflag:s26], $0x320  }
0x89: {  	[sflag:s26] =	ssyncset.done $0x0  }
0x8a: {  	[sflag:s26] =	ssyncadd.s32 $0xFFFFFCE0  }
0x8b: {  	_ =	swait.ge [sflag:s26], $0x320  }
0x8c: {  	[sflag:s26] =	ssyncset.done $0x0  }
0x8d: {  	[sflag:s26] =	ssyncadd.s32 $0xFFFFFCE0  }
0x8e: {  	_ =	swait.ge [sflag:s26], $0x320  }
0x8f: {  	[sflag:s26] =	ssyncset.done $0x0  }
0x90: {  	[sflag:s26] =	ssyncadd.s32 $0xFFFFFCE0  }
0x91: {  	_ =	swait.ge [sflag:s26], $0x320  }
0x92: {  	[sflag:s26] =	ssyncset.done $0x0  }
0x93: {  	[sflag:s26] =	ssyncadd.s32 $0xFFFFFCE0  }
0x94: {  	_ =	swait.ge [sflag:s26], $0x320  }
0x95: {  	[sflag:s26] =	ssyncset.done $0x0  }
0x96: {  	[sflag:s26] =	ssyncadd.s32 $0xFFFFFCE0  }
0x97: {  	_ =	swait.ge [sflag:s26], $0x320  }
0x98: {  	[sflag:s26] =	ssyncset.done $0x0  }
0x99: {  	[sflag:s26] =	ssyncadd.s32 $0xFFFFFCE0  }
0x9a: {  	_ =	swait.ge [sflag:s26], $0x320  }
0x9b: {  	[sflag:s26] =	ssyncset.done $0x0  }
0x9c: {  	[sflag:s26] =	ssyncadd.s32 $0xFFFFFCE0  }
0x9d: {  	_ =	swait.ge [sflag:s26], $0x320  }
0x9e: {  	[sflag:s26] =	ssyncset.done $0x0  }
0x9f: {  	[sflag:s26] =	ssyncadd.s32 $0xFFFFFCE0  }
.Ltmp2:
0xa0: {  	_ =	swait.ge [sflag:s26], $0x320;
	(pc) =	sbr.rel @p0 .LBB2_6-.Ltmp2, $4  }
0xa1: {  	[sflag:s26] =	ssyncset.done $0x0  }
0xa2: {  	[sflag:s26] =	ssyncadd.s32 $0xFFFFFCE0  }
0xa3: {  	_ =	swait.ge [sflag:s26], $0x320  }
0xa4: {  	s31 =	smov.u32 s28;
	s30 =	sshra.s32 s29, $0x2;
	[sflag:s26] =	ssyncset.done $0x0  }
0xa5: {  	s1 =	sadd.s32 $0x5118, s30;
	[sflag:s26] =	ssyncadd.s32 $0xFFFFFCE0  }
0xa6: {  	[spmem:s2] =	stream.indirect.scatter.add.f32 [tilespmem:s17], [sflag:$0x1], $0x10, s1, s16, $0xb8;
	[tilespmem:$0xD2A0] =	vst v63  }
0xa7: {  	s31 =	sadd.s32 $0x7CD8, s30  }
0xa8: {  	[spmem:s3] =	stream.indirect.scatter.add.f32 [tilespmem:s17], [sflag:$0x1], $0x10, s31, s16, $0xb8;
	[tilespmem:$0xD2A0] =	vst v63  }
0xa9: {  	s28 =	sadd.s32 $0x5150, s30  }
0xaa: {  	[spmem:s2] =	stream.indirect.scatter.add.f32 [tilespmem:s17], [sflag:$0x1], $0x10, s28, s16, $0xb8;
	[tilespmem:$0xD2A0] =	vst v63  }
0xab: {  	s29 =	sadd.s32 $0x7D10, s30  }
0xac: {  	[spmem:s3] =	stream.indirect.scatter.add.f32 [tilespmem:s17], [sflag:$0x1], $0x10, s29, s16, $0xb8;
	[tilespmem:$0xD2A0] =	vst v63  }
0xad: {  	s31 =	sadd.s32 $0x5188, s30  }
0xae: {  	[spmem:s2] =	stream.indirect.scatter.add.f32 [tilespmem:s17], [sflag:$0x1], $0x10, s31, s16, $0xb8;
	[tilespmem:$0xD2A0] =	vst v63  }
0xaf: {  	s28 =	sadd.s32 $0x7D48, s30  }
0xb0: {  	[spmem:s3] =	stream.indirect.scatter.add.f32 [tilespmem:s17], [sflag:$0x1], $0x10, s28, s16, $0xb8;
	[tilespmem:$0xD2A0] =	vst v63  }
0xb1: {  	s29 =	sadd.s32 $0x51C0, s30  }
0xb2: {  	[spmem:s2] =	stream.indirect.scatter.add.f32 [tilespmem:s17], [sflag:$0x1], $0x10, s29, s16, $0xb8;
	[tilespmem:$0xD2A0] =	vst v63  }
0xb3: {  	s31 =	sadd.s32 $0x7D80, s30  }
0xb4: {  	[spmem:s3] =	stream.indirect.scatter.add.f32 [tilespmem:s17], [sflag:$0x1], $0x10, s31, s16, $0xb8;
	[tilespmem:$0xD2A0] =	vst v63  }
0xb5: {  	s28 =	sadd.s32 $0x51F8, s30  }
0xb6: {  	[spmem:s2] =	stream.indirect.scatter.add.f32 [tilespmem:s17], [sflag:$0x1], $0x10, s28, s16, $0xb8;
	[tilespmem:$0xD2A0] =	vst v63  }
0xb7: {  	s29 =	sadd.s32 $0x7DB8, s30  }
0xb8: {  	[spmem:s3] =	stream.indirect.scatter.add.f32 [tilespmem:s17], [sflag:$0x1], $0x10, s29, s16, $0xb8;
	[tilespmem:$0xD2A0] =	vst v63  }
0xb9: {  	_ =	swait.ge [sflag:s26], $0x320  }
0xba: {  	[sflag:s26] =	ssyncset.done $0x0  }
0xbb: {  	[sflag:s26] =	ssyncadd.s32 $0xFFFFFCE0  }
0xbc: {  	_ =	swait.ge [sflag:s26], $0x320  }
0xbd: {  	[sflag:s26] =	ssyncset.done $0x0  }
0xbe: {  	[sflag:s26] =	ssyncadd.s32 $0xFFFFFCE0  }
0xbf: {  	_ =	swait.ge [sflag:s26], $0x320  }
0xc0: {  	[sflag:s26] =	ssyncset.done $0x0  }
0xc1: {  	[sflag:s26] =	ssyncadd.s32 $0xFFFFFCE0  }
0xc2: {  	_ =	swait.ge [sflag:s26], $0x320  }
0xc3: {  	[sflag:s26] =	ssyncset.done $0x0  }
0xc4: {  	[sflag:s26] =	ssyncadd.s32 $0xFFFFFCE0  }
0xc5: {  	_ =	swait.ge [sflag:s26], $0x320  }
0xc6: {  	[sflag:s26] =	ssyncset.done $0x0  }
0xc7: {  	[sflag:s26] =	ssyncadd.s32 $0xFFFFFCE0  }
0xc8: {  	_ =	swait.ge [sflag:s26], $0x320  }
0xc9: {  	[sflag:s26] =	ssyncset.done $0x0  }
0xca: {  	[sflag:s26] =	ssyncadd.s32 $0xFFFFFCE0  }
0xcb: {  	_ =	swait.ge [sflag:s26], $0x320  }
0xcc: {  	[sflag:s26] =	ssyncset.done $0x0  }
0xcd: {  	[sflag:s26] =	ssyncadd.s32 $0xFFFFFCE0  }
0xce: {  	_ =	swait.ge [sflag:s26], $0x320  }
0xcf: {  	[sflag:s26] =	ssyncset.done $0x0  }
0xd0: {  	[sflag:s26] =	ssyncadd.s32 $0xFFFFFCE0  }
0xd1: {  	_ =	swait.ge [sflag:s26], $0x320  }
0xd2: {  	[sflag:s26] =	ssyncset.done $0x0  }
0xd3: {  	[sflag:s26] =	ssyncadd.s32 $0xFFFFFCE0  }
0xd4: {  	_ =	swait.ge [sflag:s26], $0x320  }
0xd5: {  	[sflag:s26] =	ssyncset.done $0x0  }
0xd6: {  	[sflag:s26] =	ssyncadd.s32 $0xFFFFFCE0  }
0xd7: {  	_ =	swait.ge [sflag:s26], $0x320  }
0xd8: {  	[sflag:s26] =	ssyncset.done $0x0  }
0xd9: {  	[sflag:s26] =	ssyncadd.s32 $0xFFFFFCE0  }
0xda: {  	_ =	swait.ge [sflag:s26], $0x320  }
0xdb: {  	[sflag:s26] =	ssyncset.done $0x0  }
0xdc: {  	[sflag:s26] =	ssyncadd.s32 $0xFFFFFCE0  }
0xdd: {  	_ =	swait.ge [sflag:s26], $0x320  }
0xde: {  	[sflag:s26] =	ssyncset.done $0x0  }
0xdf: {  	[sflag:s26] =	ssyncadd.s32 $0xFFFFFCE0  }
0xe0: {  	_ =	swait.ge [sflag:s26], $0x320  }
0xe1: {  	[sflag:s26] =	ssyncset.done $0x0  }
0xe2: {  	[sflag:s26] =	ssyncadd.s32 $0xFFFFFCE0  }
0xe3: {  	_ =	swait.ge [sflag:s26], $0x320  }
0xe4: {  	[sflag:s26] =	ssyncset.done $0x0  }
0xe5: {  	[sflag:s26] =	ssyncadd.s32 $0xFFFFFCE0  }
0xe6: {  	_ =	swait.ge [sflag:s26], $0x320  }
0xe7: {  	[sflag:s26] =	ssyncset.done $0x0  }
0xe8: {  	[sflag:s26] =	ssyncadd.s32 $0xFFFFFCE0  }
0xe9: {  	_ =	swait.ge [sflag:s26], $0x320  }
0xea: {  	[sflag:s26] =	ssyncset.done $0x0  }
0xeb: {  	[sflag:s26] =	ssyncadd.s32 $0xFFFFFCE0  }
0xec: {  	_ =	swait.ge [sflag:s26], $0x320  }
0xed: {  	[sflag:s26] =	ssyncset.done $0x0  }
0xee: {  	[sflag:s26] =	ssyncadd.s32 $0xFFFFFCE0  }
0xef: {  	_ =	swait.ge [sflag:s26], $0x320  }
0xf0: {  	[sflag:s26] =	ssyncset.done $0x0  }
0xf1: {  	[sflag:s26] =	ssyncadd.s32 $0xFFFFFCE0  }
0xf2: {  	_ =	swait.ge [sflag:s26], $0x320  }
0xf3: {  	[sflag:s26] =	ssyncset.done $0x0  }
0xf4: {  	s30 =	sshll.u32 s0, $0x6;
	[sflag:s26] =	ssyncadd.s32 $0xFFFFFCE0  }
0xf5: {  	s1 =	sor.u32 $0x1C02, s30;
	s28 =	sshrl.u32 s5, $0x3;
	[bflag:$0x0] =	sbarrier.arrive $0xFFFF  }
0xf6: {  	[hbm:s9], [sflag:s1] =	dma.local [spmem:s28], $0x500  }
0xf7: {  	s4 =	sadd.s32 $0x1, s4;
	_ =	swait.ge [sflag:s13], $0x500  }
0xf8: {  	p0 =	sne.s32 s4, s11;
	[sflag:s13] =	ssyncset.done $0x0  }
.Ltmp3:
0xf9: {  	s31 =	sshrl.u32 s6, $0x3;
	[sflag:s13] =	ssyncadd.s32 $0xFFFFFB00;
	(pc) =	sbr.rel @p0 .LBB2_1-.Ltmp3, $4  }
0xfa: {  	[hbm:s10], [sflag:s1] =	dma.local [spmem:s31], $0x500  }
0xfb: {  	_ =	swait.ge [sflag:s13], $0x500  }
0xfc: {  	[sflag:s13] =	ssyncset.done $0x0  }
0xfd: {  	[sflag:s13] =	ssyncadd.s32 $0xFFFFFB00  }
0xfe: {  	_ =	sfence.sel $0x180000  }
0xff: {  	[bflag:$0x0] =	sbarrier.arrive $0xFFFF  }
0x100: {  	_ =	strace $0x90000047  }
0x101: {  	[bflag:$0x2] =	sbarrier.arrive $0xFFFF  }
0x102: {  	p0 =	sne.s32 s0, $0x0;
	s0 =	rddreg [dreg:$0x4]  }
0x103: {  	s0 =	sadd.s32 @!p0 $0x100000, s0  }
0x104: {  	[sflag:s0] =	ssyncadd.tile.s32 @!p0 $0x1;
	_ =	shalt  }
.Lfunc_end2:
_tile_overlayer_lowered:
.L_overlay_start_2:
0x105: {  	(tag) =	ssettag $0x2  }
0x106: {  	s0 =	rddreg [dreg:$0x0];
	s2 =	stileid.u32  }
0x107: {  	s1 =	rddreg [dreg:$0x1];
	p0 =	sne.s32 s2, $0x0  }
0x108: {  	s3 =	rddreg [dreg:$0x2];
	[bflag:$0x3] =	sbarrier.arrive $0xFFFF;
	s2 =	simm.s32 @!p0 $0x1C02  }
0x109: {  	[timem:s3], [sflag:s2] =	dma.local @!p0 [hbm:s0], s1  }
0x10a: {  	s0 =	simm.s32 @!p0 $0x2  }
0x10b: {  	_ =	swait.ge @!p0 [sflag:s0], s1  }
0x10c: {  	s1 =	ssub.s32 @!p0 $0x0, s1;
	[sflag:s0] =	ssyncset.done @!p0 $0x0  }
0x10d: {  	[sflag:s0] =	ssyncadd.s32 @!p0 s1  }
0x10e: {  	[bflag:$0x3] =	sbarrier.arrive $0xFFFF  }
0x10f: {  	_ =	shalt  }

</sc_bundles>
